<compile_context>
chip_gen: v7x
topology: tpu7x:2x2x1
jax: 0.10.2.dev20260603
libtpu: 0.0.44.dev20260713+nightly
codegen_flags: <defaults>
</compile_context>

<pallas_src>
import functools

import jax
import jax.numpy as jnp
from jax import lax
from jax.experimental import pallas as pl
from jax.experimental.pallas import tpu as pltpu
from jax.experimental.pallas import tpu_sc as plsc

N = 10000
E = 320000
D = 128

NC = 2
NS = 16
NW = NC * NS

CHUNK = 128
BLK = 8
NB = 20
CH = NB * BLK
EPT = CH * CHUNK
EP = NS * EPT
RPT = 632
NP = NS * RPT
DUMMY = N

BN = 2000
GRID = N // BN

f32 = jnp.float32
_PREC = lax.Precision.HIGHEST

_mesh = plsc.VectorSubcoreMesh(
    core_axis_name="c", subcore_axis_name="s", num_cores=NC, num_subcores=NS)



@functools.partial(
    pl.kernel,
    out_type=jax.ShapeDtypeStruct((NC * NP, D), f32),
    mesh=_mesh,
    scratch_types=[
        pltpu.VMEM((BLK, CHUNK), jnp.int32),
        pltpu.VMEM((BLK, CHUNK), jnp.int32),
        pltpu.VMEM((CHUNK, D), f32),
        pltpu.VMEM((CHUNK, D), f32),
        pltpu.VMEM_SHARED((NP, D), f32),
        pltpu.SemaphoreType.DMA,
        pltpu.SemaphoreType.DMA,
        pltpu.SemaphoreType.DMA,
        pltpu.SemaphoreType.DMA,
    ],
)
def _scatter2(table, gidx, sidx, out, gv, sv, rb0, rb1, acc,
              sg0, sg1, ss0, ss1):
    c = lax.axis_index("c")
    s = lax.axis_index("s")
    w = c * NS + s

    def _zrow(i, carry):
        for k in range(D // 16):
            rb0[i, pl.ds(k * 16, 16)] = jnp.zeros((16,), f32)
        return carry
    lax.fori_loop(0, CHUNK, _zrow, 0)

    base = s * RPT
    for k in range(RPT // CHUNK):
        pltpu.sync_copy(rb0, acc.at[pl.ds(base + k * CHUNK, CHUNK)])
    rem = RPT % CHUNK
    pltpu.sync_copy(rb0.at[pl.ds(0, rem)],
                    acc.at[pl.ds(base + (RPT // CHUNK) * CHUNK, rem)])

    plsc.subcore_barrier()

    rbs = (rb0, rb1)
    sgs = (sg0, sg1)
    sss = (ss0, ss1)

    def _blk(b, carry):
        st = (w * NB + b) * BLK
        pltpu.sync_copy(gidx.at[pl.ds(st, BLK)], gv)
        pltpu.sync_copy(sidx.at[pl.ds(st, BLK)], sv)
        dg = [None, None]
        dsc = [None, None]
        for k in range(BLK + 1):
            p = k & 1
            if k < BLK:
                if dsc[p] is not None:
                    dsc[p].wait()
                dg[p] = pltpu.async_copy(table.at[gv.at[k]], rbs[p], sgs[p])
            if k >= 1:
                q = (k - 1) & 1
                dg[q].wait()
                dsc[q] = pltpu.async_copy(
                    rbs[q], acc.at[sv.at[k - 1]], sss[q], add=True)
        for p in range(2):
            if dsc[p] is not None:
                dsc[p].wait()
        return carry
    lax.fori_loop(0, NB, _blk, 0)

    plsc.subcore_barrier()
    pltpu.sync_copy(acc.at[pl.ds(base, RPT)],
                    out.at[pl.ds(c * NP + base, RPT)])


@functools.partial(
    pl.kernel,
    out_type=jax.ShapeDtypeStruct((NC * NP, D), f32),
    mesh=_mesh,
    scratch_types=[
        pltpu.VMEM((BLK, CHUNK), jnp.int32),
        pltpu.VMEM((CHUNK, D), f32),
        pltpu.VMEM_SHARED((NP, D), f32),
    ],
)
def _counts(sidx, out, sv, obuf, acc):
    c = lax.axis_index("c")
    s = lax.axis_index("s")
    w = c * NS + s

    def _fill(val):
        def _row(i, carry):
            for k in range(D // 16):
                obuf[i, pl.ds(k * 16, 16)] = jnp.full((16,), val, f32)
            return carry
        lax.fori_loop(0, CHUNK, _row, 0)

    _fill(0.0)
    base = s * RPT
    for k in range(RPT // CHUNK):
        pltpu.sync_copy(obuf, acc.at[pl.ds(base + k * CHUNK, CHUNK)])
    rem = RPT % CHUNK
    pltpu.sync_copy(obuf.at[pl.ds(0, rem)],
                    acc.at[pl.ds(base + (RPT // CHUNK) * CHUNK, rem)])
    _fill(1.0)

    plsc.subcore_barrier()

    def _blk(b, carry):
        pltpu.sync_copy(sidx.at[pl.ds((w * NB + b) * BLK, BLK)], sv)

        def _body(j, carry2):
            pltpu.sync_copy(obuf, acc.at[sv.at[j]], add=True)
            return carry2
        return lax.fori_loop(0, BLK, _body, carry)
    lax.fori_loop(0, NB, _blk, 0)

    plsc.subcore_barrier()
    pltpu.sync_copy(acc.at[pl.ds(base, RPT)],
                    out.at[pl.ds(c * NP + base, RPT)])



def _pre_body(h_ref, w12_ref, wr_ref, br_ref, a12_ref, hr_ref):
    h = h_ref[...]
    a12_ref[0] = jnp.dot(h, w12_ref[0], preferred_element_type=f32,
                         precision=_PREC)
    a12_ref[1] = jnp.dot(h, w12_ref[1], preferred_element_type=f32,
                         precision=_PREC)
    hr_ref[...] = jnp.dot(h, wr_ref[...], preferred_element_type=f32,
                          precision=_PREC) + br_ref[...]


_pre = pl.pallas_call(
    _pre_body,
    grid=(GRID,),
    in_specs=[
        pl.BlockSpec((BN, D), lambda i: (i, 0)),
        pl.BlockSpec((2, D, D), lambda i: (0, 0, 0)),
        pl.BlockSpec((D, D), lambda i: (0, 0)),
        pl.BlockSpec((1, D), lambda i: (0, 0)),
    ],
    out_specs=[
        pl.BlockSpec((2, BN, D), lambda i: (0, i, 0)),
        pl.BlockSpec((BN, D), lambda i: (i, 0)),
    ],
    out_shape=[
        jax.ShapeDtypeStruct((2, N, D), f32),
        jax.ShapeDtypeStruct((N, D), f32),
    ],
)


def _comb_body(hr_ref, accs_ref, cd_ref, cs_ref, o_ref):
    rd = 1.0 / jnp.maximum(cd_ref[...], 1.0)
    rs = 1.0 / jnp.maximum(cs_ref[...], 1.0)
    v = hr_ref[...] + accs_ref[0] * rd + accs_ref[1] * rs
    o_ref[...] = jnp.maximum(v, 0.0)


_comb = pl.pallas_call(
    _comb_body,
    grid=(GRID,),
    in_specs=[
        pl.BlockSpec((BN, D), lambda i: (i, 0)),
        pl.BlockSpec((2, BN, D), lambda i: (0, i, 0)),
        pl.BlockSpec((BN, 1), lambda i: (i, 0)),
        pl.BlockSpec((BN, 1), lambda i: (i, 0)),
    ],
    out_specs=pl.BlockSpec((BN, D), lambda i: (i, 0)),
    out_shape=jax.ShapeDtypeStruct((N, D), f32),
)


def _fin_body(x_ref, h1_ref, h2_ref, h3_ref, wf_ref, bf_ref, o_ref):
    acc = jnp.dot(x_ref[...], wf_ref[0:D], preferred_element_type=f32,
                  precision=_PREC)
    acc += jnp.dot(h1_ref[...], wf_ref[D:2 * D], preferred_element_type=f32,
                   precision=_PREC)
    acc += jnp.dot(h2_ref[...], wf_ref[2 * D:3 * D], preferred_element_type=f32,
                   precision=_PREC)
    acc += jnp.dot(h3_ref[...], wf_ref[3 * D:4 * D], preferred_element_type=f32,
                   precision=_PREC)
    o_ref[...] = acc + bf_ref[...]


_fin = pl.pallas_call(
    _fin_body,
    grid=(GRID,),
    in_specs=[
        pl.BlockSpec((BN, D), lambda i: (i, 0)),
        pl.BlockSpec((BN, D), lambda i: (i, 0)),
        pl.BlockSpec((BN, D), lambda i: (i, 0)),
        pl.BlockSpec((BN, D), lambda i: (i, 0)),
        pl.BlockSpec((4 * D, D), lambda i: (0, 0)),
        pl.BlockSpec((1, D), lambda i: (0, 0)),
    ],
    out_specs=pl.BlockSpec((BN, D), lambda i: (i, 0)),
    out_shape=jax.ShapeDtypeStruct((N, D), f32),
)



def kernel(x, edge_index, W1_0, W2_0, Wr_0, br_0, W1_1, W2_1, Wr_1, br_1,
           W1_2, W2_2, Wr_2, br_2, Wf, bf):
    src = edge_index[0]
    dst = edge_index[1]
    pad = EP - E
    padz = (jnp.arange(pad, dtype=jnp.int32) * 37) % N
    padd = DUMMY + (jnp.arange(pad, dtype=jnp.int32) % (NP - N))

    gidx = jnp.stack([
        jnp.concatenate([src, padz]),
        jnp.concatenate([dst + N, padz]),
    ]).reshape(NW * CH, CHUNK)
    sidx = jnp.stack([
        jnp.concatenate([dst, padd]),
        jnp.concatenate([src, padd]),
    ]).reshape(NW * CH, CHUNK)

    cnt = _counts(sidx)
    cd = cnt[0:N, 0:1]
    cs = cnt[NP:NP + N, 0:1]

    params = [(W1_0, W2_0, Wr_0, br_0), (W1_1, W2_1, Wr_1, br_1),
              (W1_2, W2_2, Wr_2, br_2)]
    hs = [x]
    h = x
    for (W1, W2, Wr, br) in params:
        a12, hr = _pre(h, jnp.stack([W1, W2]), Wr, br.reshape(1, D))
        accs = _scatter2(a12.reshape(2 * N, D), gidx, sidx)
        h = _comb(hr, accs.reshape(NC, NP, D), cd, cs)
        hs.append(h)

    return _fin(hs[0], hs[1], hs[2], hs[3], Wf, bf.reshape(1, D))

# --- scband reference (transcript-rebuilt; emitter-appended) ---
"""Pipeline reference for scband-rel-cnn-18588618457437 (READ-ONLY COPY).

The authoritative reference and input builder live on the scoring server;
editing this copy changes nothing except your own understanding.
"""

import jax, jax.numpy as jnp
import numpy as np

N = 10000
E = 320000
D_IN = 128
D_OUT = 128
L = 3


def segment_mean(data, seg, num_segments):
    s = jax.ops.segment_sum(data, seg, num_segments=num_segments)
    c = jax.ops.segment_sum(jnp.ones((data.shape[0],), dtype=data.dtype), seg, num_segments=num_segments)
    return s / jnp.clip(c, 1.0, None)[:, None]


def setup_inputs(seed: int = 0):
    key = jax.random.key(seed)
    inp = {}
    kx, ke, kw = jax.random.split(key, 3)
    inp["x"] = jax.random.normal(kx, (N, D_IN), dtype=jnp.float32)
    inp["edge_index"] = jax.random.randint(ke, (2, E), 0, N, dtype=jnp.int32)
    d_in = D_IN
    wk = kw
    for l in range(L):
        for name in ["W1", "W2", "Wr"]:
            wk, sub = jax.random.split(wk)
            inp["%s_%d" % (name, l)] = jax.random.normal(sub, (d_in, D_OUT), dtype=jnp.float32) / np.sqrt(d_in)
        inp["br_%d" % l] = jnp.zeros((D_OUT,), dtype=jnp.float32)
        d_in = D_OUT
    cat_dim = D_IN + L * D_OUT
    wk, sub = jax.random.split(wk)
    inp["Wf"] = jax.random.normal(sub, (cat_dim, D_OUT), dtype=jnp.float32) / np.sqrt(cat_dim)
    inp["bf"] = jnp.zeros((D_OUT,), dtype=jnp.float32)
    return inp


def _rel_conv(h, src, dst, W1, W2, Wr, br):
    # flow source_to_target: message x_j = lin1(x)[src], mean-aggregated at dst
    out1 = segment_mean((h @ W1)[src], dst, N)
    # flow target_to_source: message x_j = lin2(x)[dst], mean-aggregated at src
    out2 = segment_mean((h @ W2)[dst], src, N)
    return h @ Wr + br + out1 + out2


def reference(x, edge_index, W1_0, W2_0, Wr_0, br_0, W1_1, W2_1, Wr_1, br_1, W1_2, W2_2, Wr_2, br_2, Wf, bf):
    src = edge_index[0]
    dst = edge_index[1]
    params = [(W1_0, W2_0, Wr_0, br_0), (W1_1, W2_1, Wr_1, br_1), (W1_2, W2_2, Wr_2, br_2)]
    xs = [x]
    h = x
    for (W1, W2, Wr, br) in params:
        h = jax.nn.relu(_rel_conv(h, src, dst, W1, W2, Wr, br))
        xs.append(h)
    hcat = jnp.concatenate(xs, axis=-1)
    return hcat @ Wf + bf

if __name__ == "__main__":
    import jax
    _d = setup_inputs()
    print(jax.jit(kernel)(*tuple(_d.values())))

</pallas_src>

<mosaic_0001>
#map = affine_map<(d0, d1) -> (0, 0)>
module attributes {stable_mosaic.version = 14 : i64} {
  func.func @_counts(%arg0: i32, %arg1: i32, %arg2: memref<5120x128xi32, #tpu.memory_space<hbm>>, %arg3: memref<20224x128xf32, #tpu.memory_space<hbm>>, %arg4: memref<8x128xi32, #tpu.memory_space<vmem>>, %arg5: memref<128x128xf32, #tpu.memory_space<vmem>>, %arg6: memref<10112x128xf32, #tpu.memory_space<vmem_shared>>) attributes {dimension_semantics = [#tpu.dimension_semantics<core_parallel>, #tpu.dimension_semantics<subcore_parallel>], iteration_bounds = array<i64: 2, 16>, scalar_prefetch = 0 : i64, scratch_operands = 3 : i64, tpu.core_type = #tpu.core_type<sc_vector_subcore>, window_params = [{transform_indices = #map}, {transform_indices = #map}]} {
    %mul3A = arith.constant 16 : i32
    %mul3A_0 = arith.muli %arg0, %mul3A : i32
    %add3A = arith.addi %mul3A_0, %arg1 : i32
    %scan3A = arith.constant 0 : i32
    %scan3A_1 = arith.constant 0 : i32
    %scan3A_2 = arith.constant 128 : i32
    %scan3A_3 = arith.addi %scan3A_1, %scan3A_2 : i32
    %scan3A_4 = arith.constant 1 : i32
    scf.for %scan3A_34 = %scan3A_1 to %scan3A_3 step %scan3A_4  : i32 {
      %broadcast_in_dim3A = arith.constant 0.000000e+00 : f32
      %broadcast_in_dim3A_35 = vector.broadcast %broadcast_in_dim3A : f32 to vector<16xf32>
      %swap3A = arith.index_cast %scan3A_34 : i32 to index
      %swap3A_36 = arith.constant 0 : index
      %swap3A_37 = tpu.vector_load %arg5[%swap3A, %swap3A_36] {strides = array<i32>} : memref<128x128xf32, #tpu.memory_space<vmem>>, vector<1x16xf32>,
      %swap3A_38 = vector.shape_cast %swap3A_37 : vector<1x16xf32> to vector<16xf32>
      %swap3A_39 = vector.shape_cast %broadcast_in_dim3A_35 : vector<16xf32> to vector<1x16xf32>
      tpu.vector_store %arg5[%swap3A, %swap3A_36], %swap3A_39 {strides = array<i32>} : memref<128x128xf32, #tpu.memory_space<vmem>>, vector<1x16xf32>,
      %broadcast_in_dim3A_40 = arith.constant 0.000000e+00 : f32
      %broadcast_in_dim3A_41 = vector.broadcast %broadcast_in_dim3A_40 : f32 to vector<16xf32>
      %swap3A_42 = arith.index_cast %scan3A_34 : i32 to index
      %swap3A_43 = arith.constant 16 : index
      %swap3A_44 = tpu.vector_load %arg5[%swap3A_42, %swap3A_43] {strides = array<i32>} : memref<128x128xf32, #tpu.memory_space<vmem>>, vector<1x16xf32>,
      %swap3A_45 = vector.shape_cast %swap3A_44 : vector<1x16xf32> to vector<16xf32>
      %swap3A_46 = vector.shape_cast %broadcast_in_dim3A_41 : vector<16xf32> to vector<1x16xf32>
      tpu.vector_store %arg5[%swap3A_42, %swap3A_43], %swap3A_46 {strides = array<i32>} : memref<128x128xf32, #tpu.memory_space<vmem>>, vector<1x16xf32>,
      %broadcast_in_dim3A_47 = arith.constant 0.000000e+00 : f32
      %broadcast_in_dim3A_48 = vector.broadcast %broadcast_in_dim3A_47 : f32 to vector<16xf32>
      %swap3A_49 = arith.index_cast %scan3A_34 : i32 to index
      %swap3A_50 = arith.constant 32 : index
      %swap3A_51 = tpu.vector_load %arg5[%swap3A_49, %swap3A_50] {strides = array<i32>} : memref<128x128xf32, #tpu.memory_space<vmem>>, vector<1x16xf32>,
      %swap3A_52 = vector.shape_cast %swap3A_51 : vector<1x16xf32> to vector<16xf32>
      %swap3A_53 = vector.shape_cast %broadcast_in_dim3A_48 : vector<16xf32> to vector<1x16xf32>
      tpu.vector_store %arg5[%swap3A_49, %swap3A_50], %swap3A_53 {strides = array<i32>} : memref<128x128xf32, #tpu.memory_space<vmem>>, vector<1x16xf32>,
      %broadcast_in_dim3A_54 = arith.constant 0.000000e+00 : f32
      %broadcast_in_dim3A_55 = vector.broadcast %broadcast_in_dim3A_54 : f32 to vector<16xf32>
      %swap3A_56 = arith.index_cast %scan3A_34 : i32 to index
      %swap3A_57 = arith.constant 48 : index
      %swap3A_58 = tpu.vector_load %arg5[%swap3A_56, %swap3A_57] {strides = array<i32>} : memref<128x128xf32, #tpu.memory_space<vmem>>, vector<1x16xf32>,
      %swap3A_59 = vector.shape_cast %swap3A_58 : vector<1x16xf32> to vector<16xf32>
      %swap3A_60 = vector.shape_cast %broadcast_in_dim3A_55 : vector<16xf32> to vector<1x16xf32>
      tpu.vector_store %arg5[%swap3A_56, %swap3A_57], %swap3A_60 {strides = array<i32>} : memref<128x128xf32, #tpu.memory_space<vmem>>, vector<1x16xf32>,
      %broadcast_in_dim3A_61 = arith.constant 0.000000e+00 : f32
      %broadcast_in_dim3A_62 = vector.broadcast %broadcast_in_dim3A_61 : f32 to vector<16xf32>
      %swap3A_63 = arith.index_cast %scan3A_34 : i32 to index
      %swap3A_64 = arith.constant 64 : index
      %swap3A_65 = tpu.vector_load %arg5[%swap3A_63, %swap3A_64] {strides = array<i32>} : memref<128x128xf32, #tpu.memory_space<vmem>>, vector<1x16xf32>,
      %swap3A_66 = vector.shape_cast %swap3A_65 : vector<1x16xf32> to vector<16xf32>
      %swap3A_67 = vector.shape_cast %broadcast_in_dim3A_62 : vector<16xf32> to vector<1x16xf32>
      tpu.vector_store %arg5[%swap3A_63, %swap3A_64], %swap3A_67 {strides = array<i32>} : memref<128x128xf32, #tpu.memory_space<vmem>>, vector<1x16xf32>,
      %broadcast_in_dim3A_68 = arith.constant 0.000000e+00 : f32
      %broadcast_in_dim3A_69 = vector.broadcast %broadcast_in_dim3A_68 : f32 to vector<16xf32>
      %swap3A_70 = arith.index_cast %scan3A_34 : i32 to index
      %swap3A_71 = arith.constant 80 : index
      %swap3A_72 = tpu.vector_load %arg5[%swap3A_70, %swap3A_71] {strides = array<i32>} : memref<128x128xf32, #tpu.memory_space<vmem>>, vector<1x16xf32>,
      %swap3A_73 = vector.shape_cast %swap3A_72 : vector<1x16xf32> to vector<16xf32>
      %swap3A_74 = vector.shape_cast %broadcast_in_dim3A_69 : vector<16xf32> to vector<1x16xf32>
      tpu.vector_store %arg5[%swap3A_70, %swap3A_71], %swap3A_74 {strides = array<i32>} : memref<128x128xf32, #tpu.memory_space<vmem>>, vector<1x16xf32>,
      %broadcast_in_dim3A_75 = arith.constant 0.000000e+00 : f32
      %broadcast_in_dim3A_76 = vector.broadcast %broadcast_in_dim3A_75 : f32 to vector<16xf32>
      %swap3A_77 = arith.index_cast %scan3A_34 : i32 to index
      %swap3A_78 = arith.constant 96 : index
      %swap3A_79 = tpu.vector_load %arg5[%swap3A_77, %swap3A_78] {strides = array<i32>} : memref<128x128xf32, #tpu.memory_space<vmem>>, vector<1x16xf32>,
      %swap3A_80 = vector.shape_cast %swap3A_79 : vector<1x16xf32> to vector<16xf32>
      %swap3A_81 = vector.shape_cast %broadcast_in_dim3A_76 : vector<16xf32> to vector<1x16xf32>
      tpu.vector_store %arg5[%swap3A_77, %swap3A_78], %swap3A_81 {strides = array<i32>} : memref<128x128xf32, #tpu.memory_space<vmem>>, vector<1x16xf32>,
      %broadcast_in_dim3A_82 = arith.constant 0.000000e+00 : f32
      %broadcast_in_dim3A_83 = vector.broadcast %broadcast_in_dim3A_82 : f32 to vector<16xf32>
      %swap3A_84 = arith.index_cast %scan3A_34 : i32 to index
      %swap3A_85 = arith.constant 112 : index
      %swap3A_86 = tpu.vector_load %arg5[%swap3A_84, %swap3A_85] {strides = array<i32>} : memref<128x128xf32, #tpu.memory_space<vmem>>, vector<1x16xf32>,
      %swap3A_87 = vector.shape_cast %swap3A_86 : vector<1x16xf32> to vector<16xf32>
      %swap3A_88 = vector.shape_cast %broadcast_in_dim3A_83 : vector<16xf32> to vector<1x16xf32>
      tpu.vector_store %arg5[%swap3A_84, %swap3A_85], %swap3A_88 {strides = array<i32>} : memref<128x128xf32, #tpu.memory_space<vmem>>, vector<1x16xf32>,
    }
    %scan3A_5 = arith.constant 128 : i32
    %mul3A_6 = arith.constant 632 : i32
    %mul3A_7 = arith.muli %arg1, %mul3A_6 : i32
    %add3A_8 = arith.constant 0 : i32
    %add3A_9 = arith.addi %mul3A_7, %add3A_8 : i32
    "tpu.region"() ({
      %run_scoped3A = tpu.sem_alloc : memref<!tpu.dma_semaphore, #tpu.memory_space<semaphore_mem>>
      %dma_start3A = arith.constant 0 : i32
      %dma_start3A_34 = tpu.memref_slice %arg6[%add3A_9, %dma_start3A] : memref<10112x128xf32, #tpu.memory_space<vmem_shared>> -> memref<128x128xf32, #tpu.memory_space<vmem_shared>>
      %dma_start3A_35 = arith.constant 0 : i32
      %dma_start3A_36 = tpu.memref_slice %arg6[%add3A_9, %dma_start3A_35] : memref<10112x128xf32, #tpu.memory_space<vmem_shared>> -> memref<128x128xf32, #tpu.memory_space<vmem_shared>>
      tpu.enqueue_dma source(%arg5 : memref<128x128xf32, #tpu.memory_space<vmem>>) target(%dma_start3A_36 : memref<128x128xf32, #tpu.memory_space<vmem_shared>>) target_semaphore(%run_scoped3A : memref<!tpu.dma_semaphore, #tpu.memory_space<semaphore_mem>>)
      %dma_wait3A = arith.constant 0 : i32
      %dma_wait3A_37 = tpu.memref_slice %arg6[%add3A_9, %dma_wait3A] : memref<10112x128xf32, #tpu.memory_space<vmem_shared>> -> memref<128x128xf32, #tpu.memory_space<vmem_shared>>
      %dma_wait3A_38 = arith.constant 0 : i32
      %dma_wait3A_39 = tpu.memref_slice %arg6[%add3A_9, %dma_wait3A_38] : memref<10112x128xf32, #tpu.memory_space<vmem_shared>> -> memref<128x128xf32, #tpu.memory_space<vmem_shared>>
      tpu.wait_dma2 semaphore(%run_scoped3A : memref<!tpu.dma_semaphore, #tpu.memory_space<semaphore_mem>>) src(%arg5 : memref<128x128xf32, #tpu.memory_space<vmem>>) dst(%dma_wait3A_39 : memref<128x128xf32, #tpu.memory_space<vmem_shared>>)
      tpu.yield
    }) : () -> ()
    %add3A_10 = arith.constant 128 : i32
    %add3A_11 = arith.addi %mul3A_7, %add3A_10 : i32
    "tpu.region"() ({
      %run_scoped3A = tpu.sem_alloc : memref<!tpu.dma_semaphore, #tpu.memory_space<semaphore_mem>>
      %dma_start3A = arith.constant 0 : i32
      %dma_start3A_34 = tpu.memref_slice %arg6[%add3A_11, %dma_start3A] : memref<10112x128xf32, #tpu.memory_space<vmem_shared>> -> memref<128x128xf32, #tpu.memory_space<vmem_shared>>
      %dma_start3A_35 = arith.constant 0 : i32
      %dma_start3A_36 = tpu.memref_slice %arg6[%add3A_11, %dma_start3A_35] : memref<10112x128xf32, #tpu.memory_space<vmem_shared>> -> memref<128x128xf32, #tpu.memory_space<vmem_shared>>
      tpu.enqueue_dma source(%arg5 : memref<128x128xf32, #tpu.memory_space<vmem>>) target(%dma_start3A_36 : memref<128x128xf32, #tpu.memory_space<vmem_shared>>) target_semaphore(%run_scoped3A : memref<!tpu.dma_semaphore, #tpu.memory_space<semaphore_mem>>)
      %dma_wait3A = arith.constant 0 : i32
      %dma_wait3A_37 = tpu.memref_slice %arg6[%add3A_11, %dma_wait3A] : memref<10112x128xf32, #tpu.memory_space<vmem_shared>> -> memref<128x128xf32, #tpu.memory_space<vmem_shared>>
      %dma_wait3A_38 = arith.constant 0 : i32
      %dma_wait3A_39 = tpu.memref_slice %arg6[%add3A_11, %dma_wait3A_38] : memref<10112x128xf32, #tpu.memory_space<vmem_shared>> -> memref<128x128xf32, #tpu.memory_space<vmem_shared>>
      tpu.wait_dma2 semaphore(%run_scoped3A : memref<!tpu.dma_semaphore, #tpu.memory_space<semaphore_mem>>) src(%arg5 : memref<128x128xf32, #tpu.memory_space<vmem>>) dst(%dma_wait3A_39 : memref<128x128xf32, #tpu.memory_space<vmem_shared>>)
      tpu.yield
    }) : () -> ()
    %add3A_12 = arith.constant 256 : i32
    %add3A_13 = arith.addi %mul3A_7, %add3A_12 : i32
    "tpu.region"() ({
      %run_scoped3A = tpu.sem_alloc : memref<!tpu.dma_semaphore, #tpu.memory_space<semaphore_mem>>
      %dma_start3A = arith.constant 0 : i32
      %dma_start3A_34 = tpu.memref_slice %arg6[%add3A_13, %dma_start3A] : memref<10112x128xf32, #tpu.memory_space<vmem_shared>> -> memref<128x128xf32, #tpu.memory_space<vmem_shared>>
      %dma_start3A_35 = arith.constant 0 : i32
      %dma_start3A_36 = tpu.memref_slice %arg6[%add3A_13, %dma_start3A_35] : memref<10112x128xf32, #tpu.memory_space<vmem_shared>> -> memref<128x128xf32, #tpu.memory_space<vmem_shared>>
      tpu.enqueue_dma source(%arg5 : memref<128x128xf32, #tpu.memory_space<vmem>>) target(%dma_start3A_36 : memref<128x128xf32, #tpu.memory_space<vmem_shared>>) target_semaphore(%run_scoped3A : memref<!tpu.dma_semaphore, #tpu.memory_space<semaphore_mem>>)
      %dma_wait3A = arith.constant 0 : i32
      %dma_wait3A_37 = tpu.memref_slice %arg6[%add3A_13, %dma_wait3A] : memref<10112x128xf32, #tpu.memory_space<vmem_shared>> -> memref<128x128xf32, #tpu.memory_space<vmem_shared>>
      %dma_wait3A_38 = arith.constant 0 : i32
      %dma_wait3A_39 = tpu.memref_slice %arg6[%add3A_13, %dma_wait3A_38] : memref<10112x128xf32, #tpu.memory_space<vmem_shared>> -> memref<128x128xf32, #tpu.memory_space<vmem_shared>>
      tpu.wait_dma2 semaphore(%run_scoped3A : memref<!tpu.dma_semaphore, #tpu.memory_space<semaphore_mem>>) src(%arg5 : memref<128x128xf32, #tpu.memory_space<vmem>>) dst(%dma_wait3A_39 : memref<128x128xf32, #tpu.memory_space<vmem_shared>>)
      tpu.yield
    }) : () -> ()
    %add3A_14 = arith.constant 384 : i32
    %add3A_15 = arith.addi %mul3A_7, %add3A_14 : i32
    "tpu.region"() ({
      %run_scoped3A = tpu.sem_alloc : memref<!tpu.dma_semaphore, #tpu.memory_space<semaphore_mem>>
      %dma_start3A = arith.constant 0 : i32
      %dma_start3A_34 = tpu.memref_slice %arg6[%add3A_15, %dma_start3A] : memref<10112x128xf32, #tpu.memory_space<vmem_shared>> -> memref<128x128xf32, #tpu.memory_space<vmem_shared>>
      %dma_start3A_35 = arith.constant 0 : i32
      %dma_start3A_36 = tpu.memref_slice %arg6[%add3A_15, %dma_start3A_35] : memref<10112x128xf32, #tpu.memory_space<vmem_shared>> -> memref<128x128xf32, #tpu.memory_space<vmem_shared>>
      tpu.enqueue_dma source(%arg5 : memref<128x128xf32, #tpu.memory_space<vmem>>) target(%dma_start3A_36 : memref<128x128xf32, #tpu.memory_space<vmem_shared>>) target_semaphore(%run_scoped3A : memref<!tpu.dma_semaphore, #tpu.memory_space<semaphore_mem>>)
      %dma_wait3A = arith.constant 0 : i32
      %dma_wait3A_37 = tpu.memref_slice %arg6[%add3A_15, %dma_wait3A] : memref<10112x128xf32, #tpu.memory_space<vmem_shared>> -> memref<128x128xf32, #tpu.memory_space<vmem_shared>>
      %dma_wait3A_38 = arith.constant 0 : i32
      %dma_wait3A_39 = tpu.memref_slice %arg6[%add3A_15, %dma_wait3A_38] : memref<10112x128xf32, #tpu.memory_space<vmem_shared>> -> memref<128x128xf32, #tpu.memory_space<vmem_shared>>
      tpu.wait_dma2 semaphore(%run_scoped3A : memref<!tpu.dma_semaphore, #tpu.memory_space<semaphore_mem>>) src(%arg5 : memref<128x128xf32, #tpu.memory_space<vmem>>) dst(%dma_wait3A_39 : memref<128x128xf32, #tpu.memory_space<vmem_shared>>)
      tpu.yield
    }) : () -> ()
    %add3A_16 = arith.constant 512 : i32
    %add3A_17 = arith.addi %mul3A_7, %add3A_16 : i32
    "tpu.region"() ({
      %run_scoped3A = tpu.sem_alloc : memref<!tpu.dma_semaphore, #tpu.memory_space<semaphore_mem>>
      %dma_start3A = arith.constant 0 : i32
      %dma_start3A_34 = arith.constant 0 : i32
      %dma_start3A_35 = tpu.memref_slice %arg5[%dma_start3A, %dma_start3A_34] : memref<128x128xf32, #tpu.memory_space<vmem>> -> memref<120x128xf32, #tpu.memory_space<vmem>>
      %dma_start3A_36 = arith.constant 0 : i32
      %dma_start3A_37 = tpu.memref_slice %arg6[%add3A_17, %dma_start3A_36] : memref<10112x128xf32, #tpu.memory_space<vmem_shared>> -> memref<120x128xf32, #tpu.memory_space<vmem_shared>>
      %dma_start3A_38 = arith.constant 0 : i32
      %dma_start3A_39 = tpu.memref_slice %arg6[%add3A_17, %dma_start3A_38] : memref<10112x128xf32, #tpu.memory_space<vmem_shared>> -> memref<120x128xf32, #tpu.memory_space<vmem_shared>>
      %dma_start3A_40 = arith.constant 0 : i32
      %dma_start3A_41 = arith.constant 0 : i32
      %dma_start3A_42 = tpu.memref_slice %arg5[%dma_start3A_40, %dma_start3A_41] : memref<128x128xf32, #tpu.memory_space<vmem>> -> memref<120x128xf32, #tpu.memory_space<vmem>>
      tpu.enqueue_dma source(%dma_start3A_42 : memref<120x128xf32, #tpu.memory_space<vmem>>) target(%dma_start3A_39 : memref<120x128xf32, #tpu.memory_space<vmem_shared>>) target_semaphore(%run_scoped3A : memref<!tpu.dma_semaphore, #tpu.memory_space<semaphore_mem>>)
      %dma_wait3A = arith.constant 0 : i32
      %dma_wait3A_43 = arith.constant 0 : i32
      %dma_wait3A_44 = tpu.memref_slice %arg5[%dma_wait3A, %dma_wait3A_43] : memref<128x128xf32, #tpu.memory_space<vmem>> -> memref<120x128xf32, #tpu.memory_space<vmem>>
      %dma_wait3A_45 = arith.constant 0 : i32
      %dma_wait3A_46 = tpu.memref_slice %arg6[%add3A_17, %dma_wait3A_45] : memref<10112x128xf32, #tpu.memory_space<vmem_shared>> -> memref<120x128xf32, #tpu.memory_space<vmem_shared>>
      %dma_wait3A_47 = arith.constant 0 : i32
      %dma_wait3A_48 = tpu.memref_slice %arg6[%add3A_17, %dma_wait3A_47] : memref<10112x128xf32, #tpu.memory_space<vmem_shared>> -> memref<120x128xf32, #tpu.memory_space<vmem_shared>>
      %dma_wait3A_49 = arith.constant 0 : i32
      %dma_wait3A_50 = arith.constant 0 : i32
      %dma_wait3A_51 = tpu.memref_slice %arg5[%dma_wait3A_49, %dma_wait3A_50] : memref<128x128xf32, #tpu.memory_space<vmem>> -> memref<120x128xf32, #tpu.memory_space<vmem>>
      tpu.wait_dma2 semaphore(%run_scoped3A : memref<!tpu.dma_semaphore, #tpu.memory_space<semaphore_mem>>) src(%dma_wait3A_51 : memref<120x128xf32, #tpu.memory_space<vmem>>) dst(%dma_wait3A_48 : memref<120x128xf32, #tpu.memory_space<vmem_shared>>)
      tpu.yield
    }) : () -> ()
    %scan3A_18 = arith.constant 0 : i32
    %scan3A_19 = arith.constant 0 : i32
    %scan3A_20 = arith.constant 128 : i32
    %scan3A_21 = arith.addi %scan3A_19, %scan3A_20 : i32
    %scan3A_22 = arith.constant 1 : i32
    scf.for %scan3A_34 = %scan3A_19 to %scan3A_21 step %scan3A_22  : i32 {
      %broadcast_in_dim3A = arith.constant 1.000000e+00 : f32
      %broadcast_in_dim3A_35 = vector.broadcast %broadcast_in_dim3A : f32 to vector<16xf32>
      %swap3A = arith.index_cast %scan3A_34 : i32 to index
      %swap3A_36 = arith.constant 0 : index
      %swap3A_37 = tpu.vector_load %arg5[%swap3A, %swap3A_36] {strides = array<i32>} : memref<128x128xf32, #tpu.memory_space<vmem>>, vector<1x16xf32>,
      %swap3A_38 = vector.shape_cast %swap3A_37 : vector<1x16xf32> to vector<16xf32>
      %swap3A_39 = vector.shape_cast %broadcast_in_dim3A_35 : vector<16xf32> to vector<1x16xf32>
      tpu.vector_store %arg5[%swap3A, %swap3A_36], %swap3A_39 {strides = array<i32>} : memref<128x128xf32, #tpu.memory_space<vmem>>, vector<1x16xf32>,
      %broadcast_in_dim3A_40 = arith.constant 1.000000e+00 : f32
      %broadcast_in_dim3A_41 = vector.broadcast %broadcast_in_dim3A_40 : f32 to vector<16xf32>
      %swap3A_42 = arith.index_cast %scan3A_34 : i32 to index
      %swap3A_43 = arith.constant 16 : index
      %swap3A_44 = tpu.vector_load %arg5[%swap3A_42, %swap3A_43] {strides = array<i32>} : memref<128x128xf32, #tpu.memory_space<vmem>>, vector<1x16xf32>,
      %swap3A_45 = vector.shape_cast %swap3A_44 : vector<1x16xf32> to vector<16xf32>
      %swap3A_46 = vector.shape_cast %broadcast_in_dim3A_41 : vector<16xf32> to vector<1x16xf32>
      tpu.vector_store %arg5[%swap3A_42, %swap3A_43], %swap3A_46 {strides = array<i32>} : memref<128x128xf32, #tpu.memory_space<vmem>>, vector<1x16xf32>,
      %broadcast_in_dim3A_47 = arith.constant 1.000000e+00 : f32
      %broadcast_in_dim3A_48 = vector.broadcast %broadcast_in_dim3A_47 : f32 to vector<16xf32>
      %swap3A_49 = arith.index_cast %scan3A_34 : i32 to index
      %swap3A_50 = arith.constant 32 : index
      %swap3A_51 = tpu.vector_load %arg5[%swap3A_49, %swap3A_50] {strides = array<i32>} : memref<128x128xf32, #tpu.memory_space<vmem>>, vector<1x16xf32>,
      %swap3A_52 = vector.shape_cast %swap3A_51 : vector<1x16xf32> to vector<16xf32>
      %swap3A_53 = vector.shape_cast %broadcast_in_dim3A_48 : vector<16xf32> to vector<1x16xf32>
      tpu.vector_store %arg5[%swap3A_49, %swap3A_50], %swap3A_53 {strides = array<i32>} : memref<128x128xf32, #tpu.memory_space<vmem>>, vector<1x16xf32>,
      %broadcast_in_dim3A_54 = arith.constant 1.000000e+00 : f32
      %broadcast_in_dim3A_55 = vector.broadcast %broadcast_in_dim3A_54 : f32 to vector<16xf32>
      %swap3A_56 = arith.index_cast %scan3A_34 : i32 to index
      %swap3A_57 = arith.constant 48 : index
      %swap3A_58 = tpu.vector_load %arg5[%swap3A_56, %swap3A_57] {strides = array<i32>} : memref<128x128xf32, #tpu.memory_space<vmem>>, vector<1x16xf32>,
      %swap3A_59 = vector.shape_cast %swap3A_58 : vector<1x16xf32> to vector<16xf32>
      %swap3A_60 = vector.shape_cast %broadcast_in_dim3A_55 : vector<16xf32> to vector<1x16xf32>
      tpu.vector_store %arg5[%swap3A_56, %swap3A_57], %swap3A_60 {strides = array<i32>} : memref<128x128xf32, #tpu.memory_space<vmem>>, vector<1x16xf32>,
      %broadcast_in_dim3A_61 = arith.constant 1.000000e+00 : f32
      %broadcast_in_dim3A_62 = vector.broadcast %broadcast_in_dim3A_61 : f32 to vector<16xf32>
      %swap3A_63 = arith.index_cast %scan3A_34 : i32 to index
      %swap3A_64 = arith.constant 64 : index
      %swap3A_65 = tpu.vector_load %arg5[%swap3A_63, %swap3A_64] {strides = array<i32>} : memref<128x128xf32, #tpu.memory_space<vmem>>, vector<1x16xf32>,
      %swap3A_66 = vector.shape_cast %swap3A_65 : vector<1x16xf32> to vector<16xf32>
      %swap3A_67 = vector.shape_cast %broadcast_in_dim3A_62 : vector<16xf32> to vector<1x16xf32>
      tpu.vector_store %arg5[%swap3A_63, %swap3A_64], %swap3A_67 {strides = array<i32>} : memref<128x128xf32, #tpu.memory_space<vmem>>, vector<1x16xf32>,
      %broadcast_in_dim3A_68 = arith.constant 1.000000e+00 : f32
      %broadcast_in_dim3A_69 = vector.broadcast %broadcast_in_dim3A_68 : f32 to vector<16xf32>
      %swap3A_70 = arith.index_cast %scan3A_34 : i32 to index
      %swap3A_71 = arith.constant 80 : index
      %swap3A_72 = tpu.vector_load %arg5[%swap3A_70, %swap3A_71] {strides = array<i32>} : memref<128x128xf32, #tpu.memory_space<vmem>>, vector<1x16xf32>,
      %swap3A_73 = vector.shape_cast %swap3A_72 : vector<1x16xf32> to vector<16xf32>
      %swap3A_74 = vector.shape_cast %broadcast_in_dim3A_69 : vector<16xf32> to vector<1x16xf32>
      tpu.vector_store %arg5[%swap3A_70, %swap3A_71], %swap3A_74 {strides = array<i32>} : memref<128x128xf32, #tpu.memory_space<vmem>>, vector<1x16xf32>,
      %broadcast_in_dim3A_75 = arith.constant 1.000000e+00 : f32
      %broadcast_in_dim3A_76 = vector.broadcast %broadcast_in_dim3A_75 : f32 to vector<16xf32>
      %swap3A_77 = arith.index_cast %scan3A_34 : i32 to index
      %swap3A_78 = arith.constant 96 : index
      %swap3A_79 = tpu.vector_load %arg5[%swap3A_77, %swap3A_78] {strides = array<i32>} : memref<128x128xf32, #tpu.memory_space<vmem>>, vector<1x16xf32>,
      %swap3A_80 = vector.shape_cast %swap3A_79 : vector<1x16xf32> to vector<16xf32>
      %swap3A_81 = vector.shape_cast %broadcast_in_dim3A_76 : vector<16xf32> to vector<1x16xf32>
      tpu.vector_store %arg5[%swap3A_77, %swap3A_78], %swap3A_81 {strides = array<i32>} : memref<128x128xf32, #tpu.memory_space<vmem>>, vector<1x16xf32>,
      %broadcast_in_dim3A_82 = arith.constant 1.000000e+00 : f32
      %broadcast_in_dim3A_83 = vector.broadcast %broadcast_in_dim3A_82 : f32 to vector<16xf32>
      %swap3A_84 = arith.index_cast %scan3A_34 : i32 to index
      %swap3A_85 = arith.constant 112 : index
      %swap3A_86 = tpu.vector_load %arg5[%swap3A_84, %swap3A_85] {strides = array<i32>} : memref<128x128xf32, #tpu.memory_space<vmem>>, vector<1x16xf32>,
      %swap3A_87 = vector.shape_cast %swap3A_86 : vector<1x16xf32> to vector<16xf32>
      %swap3A_88 = vector.shape_cast %broadcast_in_dim3A_83 : vector<16xf32> to vector<1x16xf32>
      tpu.vector_store %arg5[%swap3A_84, %swap3A_85], %swap3A_88 {strides = array<i32>} : memref<128x128xf32, #tpu.memory_space<vmem>>, vector<1x16xf32>,
    }
    %scan3A_23 = arith.constant 128 : i32
    %barrier3A = arith.constant 0 : index
    tpu.barrier barrier_id(%barrier3A)
    %scan3A_24 = arith.constant 0 : i32
    %scan3A_25 = arith.constant 0 : i32
    %scan3A_26 = arith.constant 20 : i32
    %scan3A_27 = arith.addi %scan3A_25, %scan3A_26 : i32
    %scan3A_28 = arith.constant 1 : i32
    scf.for %scan3A_34 = %scan3A_25 to %scan3A_27 step %scan3A_28  : i32 {
      %mul3A_35 = arith.constant 20 : i32
      %mul3A_36 = arith.muli %add3A, %mul3A_35 : i32
      %add3A_37 = arith.addi %mul3A_36, %scan3A_34 : i32
      %mul3A_38 = arith.constant 8 : i32
      %mul3A_39 = arith.muli %add3A_37, %mul3A_38 : i32
      "tpu.region"() ({
        %run_scoped3A = tpu.sem_alloc : memref<!tpu.dma_semaphore, #tpu.memory_space<semaphore_mem>>
        %dma_start3A = arith.constant 0 : i32
        %dma_start3A_45 = tpu.memref_slice %arg2[%mul3A_39, %dma_start3A] : memref<5120x128xi32, #tpu.memory_space<hbm>> -> memref<8x128xi32, #tpu.memory_space<hbm>>
        %dma_start3A_46 = arith.constant 0 : i32
        %dma_start3A_47 = tpu.memref_slice %arg2[%mul3A_39, %dma_start3A_46] : memref<5120x128xi32, #tpu.memory_space<hbm>> -> memref<8x128xi32, #tpu.memory_space<hbm>>
        tpu.enqueue_dma source(%dma_start3A_47 : memref<8x128xi32, #tpu.memory_space<hbm>>) target(%arg4 : memref<8x128xi32, #tpu.memory_space<vmem>>) target_semaphore(%run_scoped3A : memref<!tpu.dma_semaphore, #tpu.memory_space<semaphore_mem>>)
        %dma_wait3A = arith.constant 0 : i32
        %dma_wait3A_48 = tpu.memref_slice %arg2[%mul3A_39, %dma_wait3A] : memref<5120x128xi32, #tpu.memory_space<hbm>> -> memref<8x128xi32, #tpu.memory_space<hbm>>
        %dma_wait3A_49 = arith.constant 0 : i32
        %dma_wait3A_50 = tpu.memref_slice %arg2[%mul3A_39, %dma_wait3A_49] : memref<5120x128xi32, #tpu.memory_space<hbm>> -> memref<8x128xi32, #tpu.memory_space<hbm>>
        tpu.wait_dma2 semaphore(%run_scoped3A : memref<!tpu.dma_semaphore, #tpu.memory_space<semaphore_mem>>) src(%dma_wait3A_50 : memref<8x128xi32, #tpu.memory_space<hbm>>) dst(%arg4 : memref<8x128xi32, #tpu.memory_space<vmem>>)
        tpu.yield
      }) : () -> ()
      %scan3A_40 = arith.constant 0 : i32
      %scan3A_41 = arith.constant 8 : i32
      %scan3A_42 = arith.addi %scan3A_40, %scan3A_41 : i32
      %scan3A_43 = arith.constant 1 : i32
      scf.for %scan3A_45 = %scan3A_40 to %scan3A_42 step %scan3A_43  : i32 {
        "tpu.region"() ({
          %run_scoped3A = tpu.sem_alloc : memref<!tpu.dma_semaphore, #tpu.memory_space<semaphore_mem>>
          %dma_start3A = arith.constant 0 : i32
          %dma_start3A_46 = tpu.memref_slice %arg4[%scan3A_45, %dma_start3A] : memref<8x128xi32, #tpu.memory_space<vmem>> -> memref<1x128xi32, #tpu.memory_space<vmem>>
          %dma_start3A_47 = tpu.memref_squeeze %dma_start3A_46 : memref<1x128xi32, #tpu.memory_space<vmem>> -> memref<128xi32, #tpu.memory_space<vmem>>
          %dma_start3A_48 = arith.constant 0 : i32
          %dma_start3A_49 = arith.constant 0 : i32
          %dma_start3A_50 = tpu.memref_slice %arg6[%dma_start3A_48, %dma_start3A_49] : memref<10112x128xf32, #tpu.memory_space<vmem_shared>> -> memref<10112x128xf32, #tpu.memory_space<vmem_shared>>
          tpu.enqueue_indirect_dma source(%arg5 : memref<128x128xf32, #tpu.memory_space<vmem>>) target(%dma_start3A_50 : memref<10112x128xf32, #tpu.memory_space<vmem_shared>>) offsets(%dma_start3A_47 : memref<128xi32, #tpu.memory_space<vmem>>) semaphore(%run_scoped3A : memref<!tpu.dma_semaphore, #tpu.memory_space<semaphore_mem>>) {add = true}
          %dma_wait3A = arith.constant 0 : i32
          %dma_wait3A_51 = tpu.memref_slice %arg4[%scan3A_45, %dma_wait3A] : memref<8x128xi32, #tpu.memory_space<vmem>> -> memref<1x128xi32, #tpu.memory_space<vmem>>
          %dma_wait3A_52 = tpu.memref_squeeze %dma_wait3A_51 : memref<1x128xi32, #tpu.memory_space<vmem>> -> memref<128xi32, #tpu.memory_space<vmem>>
          %dma_wait3A_53 = arith.constant 0 : i32
          %dma_wait3A_54 = arith.constant 0 : i32
          %dma_wait3A_55 = tpu.memref_slice %arg6[%dma_wait3A_53, %dma_wait3A_54] : memref<10112x128xf32, #tpu.memory_space<vmem_shared>> -> memref<10112x128xf32, #tpu.memory_space<vmem_shared>>
          tpu.wait_indirect_dma semaphore(%run_scoped3A : memref<!tpu.dma_semaphore, #tpu.memory_space<semaphore_mem>>) src(%arg5 : memref<128x128xf32, #tpu.memory_space<vmem>>) dst(%dma_wait3A_55 : memref<10112x128xf32, #tpu.memory_space<vmem_shared>>)
          tpu.yield
        }) : () -> ()
      }
      %scan3A_44 = arith.constant 8 : i32
    }
    %scan3A_29 = arith.constant 20 : i32
    %barrier3A_30 = arith.constant 0 : index
    tpu.barrier barrier_id(%barrier3A_30)
    %mul3A_31 = arith.constant 10112 : i32
    %mul3A_32 = arith.muli %arg0, %mul3A_31 : i32
    %add3A_33 = arith.addi %mul3A_32, %mul3A_7 : i32
    "tpu.region"() ({
      %run_scoped3A = tpu.sem_alloc : memref<!tpu.dma_semaphore, #tpu.memory_space<semaphore_mem>>
      %dma_start3A = arith.constant 0 : i32
      %dma_start3A_34 = tpu.memref_slice %arg3[%add3A_33, %dma_start3A] : memref<20224x128xf32, #tpu.memory_space<hbm>> -> memref<632x128xf32, #tpu.memory_space<hbm>>
      %dma_start3A_35 = arith.constant 0 : i32
      %dma_start3A_36 = tpu.memref_slice %arg6[%mul3A_7, %dma_start3A_35] : memref<10112x128xf32, #tpu.memory_space<vmem_shared>> -> memref<632x128xf32, #tpu.memory_space<vmem_shared>>
      tpu.enqueue_dma source(%dma_start3A_36 : memref<632x128xf32, #tpu.memory_space<vmem_shared>>) target(%dma_start3A_34 : memref<632x128xf32, #tpu.memory_space<hbm>>) target_semaphore(%run_scoped3A : memref<!tpu.dma_semaphore, #tpu.memory_space<semaphore_mem>>)
      %dma_wait3A = arith.constant 0 : i32
      %dma_wait3A_37 = tpu.memref_slice %arg3[%add3A_33, %dma_wait3A] : memref<20224x128xf32, #tpu.memory_space<hbm>> -> memref<632x128xf32, #tpu.memory_space<hbm>>
      %dma_wait3A_38 = arith.constant 0 : i32
      %dma_wait3A_39 = tpu.memref_slice %arg6[%mul3A_7, %dma_wait3A_38] : memref<10112x128xf32, #tpu.memory_space<vmem_shared>> -> memref<632x128xf32, #tpu.memory_space<vmem_shared>>
      tpu.wait_dma2 semaphore(%run_scoped3A : memref<!tpu.dma_semaphore, #tpu.memory_space<semaphore_mem>>) src(%dma_wait3A_39 : memref<632x128xf32, #tpu.memory_space<vmem_shared>>) dst(%dma_wait3A_37 : memref<632x128xf32, #tpu.memory_space<hbm>>)
      tpu.yield
    }) : () -> ()
    return
  }
}

#map = affine_map<(d0, d1) -> (0, 0)>
module attributes {stable_mosaic.version = 14 : i64} {
  func.func @_scatter2(%arg0: i32, %arg1: i32, %arg2: memref<20000x128xf32, #tpu.memory_space<hbm>>, %arg3: memref<5120x128xi32, #tpu.memory_space<hbm>>, %arg4: memref<5120x128xi32, #tpu.memory_space<hbm>>, %arg5: memref<20224x128xf32, #tpu.memory_space<hbm>>, %arg6: memref<8x128xi32, #tpu.memory_space<vmem>>, %arg7: memref<8x128xi32, #tpu.memory_space<vmem>>, %arg8: memref<128x128xf32, #tpu.memory_space<vmem>>, %arg9: memref<128x128xf32, #tpu.memory_space<vmem>>, %arg10: memref<10112x128xf32, #tpu.memory_space<vmem_shared>>, %arg11: memref<!tpu.dma_semaphore, #tpu.memory_space<semaphore_mem>>, %arg12: memref<!tpu.dma_semaphore, #tpu.memory_space<semaphore_mem>>, %arg13: memref<!tpu.dma_semaphore, #tpu.memory_space<semaphore_mem>>, %arg14: memref<!tpu.dma_semaphore, #tpu.memory_space<semaphore_mem>>) attributes {dimension_semantics = [#tpu.dimension_semantics<core_parallel>, #tpu.dimension_semantics<subcore_parallel>], iteration_bounds = array<i64: 2, 16>, scalar_prefetch = 0 : i64, scratch_operands = 9 : i64, tpu.core_type = #tpu.core_type<sc_vector_subcore>, window_params = [{transform_indices = #map}, {transform_indices = #map}, {transform_indices = #map}, {transform_indices = #map}]} {
    %mul3A = arith.constant 16 : i32
    %mul3A_0 = arith.muli %arg0, %mul3A : i32
    %add3A = arith.addi %mul3A_0, %arg1 : i32
    %scan3A = arith.constant 0 : i32
    %scan3A_1 = arith.constant 0 : i32
    %scan3A_2 = arith.constant 128 : i32
    %scan3A_3 = arith.addi %scan3A_1, %scan3A_2 : i32
    %scan3A_4 = arith.constant 1 : i32
    scf.for %scan3A_28 = %scan3A_1 to %scan3A_3 step %scan3A_4  : i32 {
      %broadcast_in_dim3A = arith.constant 0.000000e+00 : f32
      %broadcast_in_dim3A_29 = vector.broadcast %broadcast_in_dim3A : f32 to vector<16xf32>
      %swap3A = arith.index_cast %scan3A_28 : i32 to index
      %swap3A_30 = arith.constant 0 : index
      %swap3A_31 = tpu.vector_load %arg8[%swap3A, %swap3A_30] {strides = array<i32>} : memref<128x128xf32, #tpu.memory_space<vmem>>, vector<1x16xf32>,
      %swap3A_32 = vector.shape_cast %swap3A_31 : vector<1x16xf32> to vector<16xf32>
      %swap3A_33 = vector.shape_cast %broadcast_in_dim3A_29 : vector<16xf32> to vector<1x16xf32>
      tpu.vector_store %arg8[%swap3A, %swap3A_30], %swap3A_33 {strides = array<i32>} : memref<128x128xf32, #tpu.memory_space<vmem>>, vector<1x16xf32>,
      %broadcast_in_dim3A_34 = arith.constant 0.000000e+00 : f32
      %broadcast_in_dim3A_35 = vector.broadcast %broadcast_in_dim3A_34 : f32 to vector<16xf32>
      %swap3A_36 = arith.index_cast %scan3A_28 : i32 to index
      %swap3A_37 = arith.constant 16 : index
      %swap3A_38 = tpu.vector_load %arg8[%swap3A_36, %swap3A_37] {strides = array<i32>} : memref<128x128xf32, #tpu.memory_space<vmem>>, vector<1x16xf32>,
      %swap3A_39 = vector.shape_cast %swap3A_38 : vector<1x16xf32> to vector<16xf32>
      %swap3A_40 = vector.shape_cast %broadcast_in_dim3A_35 : vector<16xf32> to vector<1x16xf32>
      tpu.vector_store %arg8[%swap3A_36, %swap3A_37], %swap3A_40 {strides = array<i32>} : memref<128x128xf32, #tpu.memory_space<vmem>>, vector<1x16xf32>,
      %broadcast_in_dim3A_41 = arith.constant 0.000000e+00 : f32
      %broadcast_in_dim3A_42 = vector.broadcast %broadcast_in_dim3A_41 : f32 to vector<16xf32>
      %swap3A_43 = arith.index_cast %scan3A_28 : i32 to index
      %swap3A_44 = arith.constant 32 : index
      %swap3A_45 = tpu.vector_load %arg8[%swap3A_43, %swap3A_44] {strides = array<i32>} : memref<128x128xf32, #tpu.memory_space<vmem>>, vector<1x16xf32>,
      %swap3A_46 = vector.shape_cast %swap3A_45 : vector<1x16xf32> to vector<16xf32>
      %swap3A_47 = vector.shape_cast %broadcast_in_dim3A_42 : vector<16xf32> to vector<1x16xf32>
      tpu.vector_store %arg8[%swap3A_43, %swap3A_44], %swap3A_47 {strides = array<i32>} : memref<128x128xf32, #tpu.memory_space<vmem>>, vector<1x16xf32>,
      %broadcast_in_dim3A_48 = arith.constant 0.000000e+00 : f32
      %broadcast_in_dim3A_49 = vector.broadcast %broadcast_in_dim3A_48 : f32 to vector<16xf32>
      %swap3A_50 = arith.index_cast %scan3A_28 : i32 to index
      %swap3A_51 = arith.constant 48 : index
      %swap3A_52 = tpu.vector_load %arg8[%swap3A_50, %swap3A_51] {strides = array<i32>} : memref<128x128xf32, #tpu.memory_space<vmem>>, vector<1x16xf32>,
      %swap3A_53 = vector.shape_cast %swap3A_52 : vector<1x16xf32> to vector<16xf32>
      %swap3A_54 = vector.shape_cast %broadcast_in_dim3A_49 : vector<16xf32> to vector<1x16xf32>
      tpu.vector_store %arg8[%swap3A_50, %swap3A_51], %swap3A_54 {strides = array<i32>} : memref<128x128xf32, #tpu.memory_space<vmem>>, vector<1x16xf32>,
      %broadcast_in_dim3A_55 = arith.constant 0.000000e+00 : f32
      %broadcast_in_dim3A_56 = vector.broadcast %broadcast_in_dim3A_55 : f32 to vector<16xf32>
      %swap3A_57 = arith.index_cast %scan3A_28 : i32 to index
      %swap3A_58 = arith.constant 64 : index
      %swap3A_59 = tpu.vector_load %arg8[%swap3A_57, %swap3A_58] {strides = array<i32>} : memref<128x128xf32, #tpu.memory_space<vmem>>, vector<1x16xf32>,
      %swap3A_60 = vector.shape_cast %swap3A_59 : vector<1x16xf32> to vector<16xf32>
      %swap3A_61 = vector.shape_cast %broadcast_in_dim3A_56 : vector<16xf32> to vector<1x16xf32>
      tpu.vector_store %arg8[%swap3A_57, %swap3A_58], %swap3A_61 {strides = array<i32>} : memref<128x128xf32, #tpu.memory_space<vmem>>, vector<1x16xf32>,
      %broadcast_in_dim3A_62 = arith.constant 0.000000e+00 : f32
      %broadcast_in_dim3A_63 = vector.broadcast %broadcast_in_dim3A_62 : f32 to vector<16xf32>
      %swap3A_64 = arith.index_cast %scan3A_28 : i32 to index
      %swap3A_65 = arith.constant 80 : index
      %swap3A_66 = tpu.vector_load %arg8[%swap3A_64, %swap3A_65] {strides = array<i32>} : memref<128x128xf32, #tpu.memory_space<vmem>>, vector<1x16xf32>,
      %swap3A_67 = vector.shape_cast %swap3A_66 : vector<1x16xf32> to vector<16xf32>
      %swap3A_68 = vector.shape_cast %broadcast_in_dim3A_63 : vector<16xf32> to vector<1x16xf32>
      tpu.vector_store %arg8[%swap3A_64, %swap3A_65], %swap3A_68 {strides = array<i32>} : memref<128x128xf32, #tpu.memory_space<vmem>>, vector<1x16xf32>,
      %broadcast_in_dim3A_69 = arith.constant 0.000000e+00 : f32
      %broadcast_in_dim3A_70 = vector.broadcast %broadcast_in_dim3A_69 : f32 to vector<16xf32>
      %swap3A_71 = arith.index_cast %scan3A_28 : i32 to index
      %swap3A_72 = arith.constant 96 : index
      %swap3A_73 = tpu.vector_load %arg8[%swap3A_71, %swap3A_72] {strides = array<i32>} : memref<128x128xf32, #tpu.memory_space<vmem>>, vector<1x16xf32>,
      %swap3A_74 = vector.shape_cast %swap3A_73 : vector<1x16xf32> to vector<16xf32>
      %swap3A_75 = vector.shape_cast %broadcast_in_dim3A_70 : vector<16xf32> to vector<1x16xf32>
      tpu.vector_store %arg8[%swap3A_71, %swap3A_72], %swap3A_75 {strides = array<i32>} : memref<128x128xf32, #tpu.memory_space<vmem>>, vector<1x16xf32>,
      %broadcast_in_dim3A_76 = arith.constant 0.000000e+00 : f32
      %broadcast_in_dim3A_77 = vector.broadcast %broadcast_in_dim3A_76 : f32 to vector<16xf32>
      %swap3A_78 = arith.index_cast %scan3A_28 : i32 to index
      %swap3A_79 = arith.constant 112 : index
      %swap3A_80 = tpu.vector_load %arg8[%swap3A_78, %swap3A_79] {strides = array<i32>} : memref<128x128xf32, #tpu.memory_space<vmem>>, vector<1x16xf32>,
      %swap3A_81 = vector.shape_cast %swap3A_80 : vector<1x16xf32> to vector<16xf32>
      %swap3A_82 = vector.shape_cast %broadcast_in_dim3A_77 : vector<16xf32> to vector<1x16xf32>
      tpu.vector_store %arg8[%swap3A_78, %swap3A_79], %swap3A_82 {strides = array<i32>} : memref<128x128xf32, #tpu.memory_space<vmem>>, vector<1x16xf32>,
    }
    %scan3A_5 = arith.constant 128 : i32
    %mul3A_6 = arith.constant 632 : i32
    %mul3A_7 = arith.muli %arg1, %mul3A_6 : i32
    %add3A_8 = arith.constant 0 : i32
    %add3A_9 = arith.addi %mul3A_7, %add3A_8 : i32
    "tpu.region"() ({
      %run_scoped3A = tpu.sem_alloc : memref<!tpu.dma_semaphore, #tpu.memory_space<semaphore_mem>>
      %dma_start3A = arith.constant 0 : i32
      %dma_start3A_28 = tpu.memref_slice %arg10[%add3A_9, %dma_start3A] : memref<10112x128xf32, #tpu.memory_space<vmem_shared>> -> memref<128x128xf32, #tpu.memory_space<vmem_shared>>
      %dma_start3A_29 = arith.constant 0 : i32
      %dma_start3A_30 = tpu.memref_slice %arg10[%add3A_9, %dma_start3A_29] : memref<10112x128xf32, #tpu.memory_space<vmem_shared>> -> memref<128x128xf32, #tpu.memory_space<vmem_shared>>
      tpu.enqueue_dma source(%arg8 : memref<128x128xf32, #tpu.memory_space<vmem>>) target(%dma_start3A_30 : memref<128x128xf32, #tpu.memory_space<vmem_shared>>) target_semaphore(%run_scoped3A : memref<!tpu.dma_semaphore, #tpu.memory_space<semaphore_mem>>)
      %dma_wait3A = arith.constant 0 : i32
      %dma_wait3A_31 = tpu.memref_slice %arg10[%add3A_9, %dma_wait3A] : memref<10112x128xf32, #tpu.memory_space<vmem_shared>> -> memref<128x128xf32, #tpu.memory_space<vmem_shared>>
      %dma_wait3A_32 = arith.constant 0 : i32
      %dma_wait3A_33 = tpu.memref_slice %arg10[%add3A_9, %dma_wait3A_32] : memref<10112x128xf32, #tpu.memory_space<vmem_shared>> -> memref<128x128xf32, #tpu.memory_space<vmem_shared>>
      tpu.wait_dma2 semaphore(%run_scoped3A : memref<!tpu.dma_semaphore, #tpu.memory_space<semaphore_mem>>) src(%arg8 : memref<128x128xf32, #tpu.memory_space<vmem>>) dst(%dma_wait3A_33 : memref<128x128xf32, #tpu.memory_space<vmem_shared>>)
      tpu.yield
    }) : () -> ()
    %add3A_10 = arith.constant 128 : i32
    %add3A_11 = arith.addi %mul3A_7, %add3A_10 : i32
    "tpu.region"() ({
      %run_scoped3A = tpu.sem_alloc : memref<!tpu.dma_semaphore, #tpu.memory_space<semaphore_mem>>
      %dma_start3A = arith.constant 0 : i32
      %dma_start3A_28 = tpu.memref_slice %arg10[%add3A_11, %dma_start3A] : memref<10112x128xf32, #tpu.memory_space<vmem_shared>> -> memref<128x128xf32, #tpu.memory_space<vmem_shared>>
      %dma_start3A_29 = arith.constant 0 : i32
      %dma_start3A_30 = tpu.memref_slice %arg10[%add3A_11, %dma_start3A_29] : memref<10112x128xf32, #tpu.memory_space<vmem_shared>> -> memref<128x128xf32, #tpu.memory_space<vmem_shared>>
      tpu.enqueue_dma source(%arg8 : memref<128x128xf32, #tpu.memory_space<vmem>>) target(%dma_start3A_30 : memref<128x128xf32, #tpu.memory_space<vmem_shared>>) target_semaphore(%run_scoped3A : memref<!tpu.dma_semaphore, #tpu.memory_space<semaphore_mem>>)
      %dma_wait3A = arith.constant 0 : i32
      %dma_wait3A_31 = tpu.memref_slice %arg10[%add3A_11, %dma_wait3A] : memref<10112x128xf32, #tpu.memory_space<vmem_shared>> -> memref<128x128xf32, #tpu.memory_space<vmem_shared>>
      %dma_wait3A_32 = arith.constant 0 : i32
      %dma_wait3A_33 = tpu.memref_slice %arg10[%add3A_11, %dma_wait3A_32] : memref<10112x128xf32, #tpu.memory_space<vmem_shared>> -> memref<128x128xf32, #tpu.memory_space<vmem_shared>>
      tpu.wait_dma2 semaphore(%run_scoped3A : memref<!tpu.dma_semaphore, #tpu.memory_space<semaphore_mem>>) src(%arg8 : memref<128x128xf32, #tpu.memory_space<vmem>>) dst(%dma_wait3A_33 : memref<128x128xf32, #tpu.memory_space<vmem_shared>>)
      tpu.yield
    }) : () -> ()
    %add3A_12 = arith.constant 256 : i32
    %add3A_13 = arith.addi %mul3A_7, %add3A_12 : i32
    "tpu.region"() ({
      %run_scoped3A = tpu.sem_alloc : memref<!tpu.dma_semaphore, #tpu.memory_space<semaphore_mem>>
      %dma_start3A = arith.constant 0 : i32
      %dma_start3A_28 = tpu.memref_slice %arg10[%add3A_13, %dma_start3A] : memref<10112x128xf32, #tpu.memory_space<vmem_shared>> -> memref<128x128xf32, #tpu.memory_space<vmem_shared>>
      %dma_start3A_29 = arith.constant 0 : i32
      %dma_start3A_30 = tpu.memref_slice %arg10[%add3A_13, %dma_start3A_29] : memref<10112x128xf32, #tpu.memory_space<vmem_shared>> -> memref<128x128xf32, #tpu.memory_space<vmem_shared>>
      tpu.enqueue_dma source(%arg8 : memref<128x128xf32, #tpu.memory_space<vmem>>) target(%dma_start3A_30 : memref<128x128xf32, #tpu.memory_space<vmem_shared>>) target_semaphore(%run_scoped3A : memref<!tpu.dma_semaphore, #tpu.memory_space<semaphore_mem>>)
      %dma_wait3A = arith.constant 0 : i32
      %dma_wait3A_31 = tpu.memref_slice %arg10[%add3A_13, %dma_wait3A] : memref<10112x128xf32, #tpu.memory_space<vmem_shared>> -> memref<128x128xf32, #tpu.memory_space<vmem_shared>>
      %dma_wait3A_32 = arith.constant 0 : i32
      %dma_wait3A_33 = tpu.memref_slice %arg10[%add3A_13, %dma_wait3A_32] : memref<10112x128xf32, #tpu.memory_space<vmem_shared>> -> memref<128x128xf32, #tpu.memory_space<vmem_shared>>
      tpu.wait_dma2 semaphore(%run_scoped3A : memref<!tpu.dma_semaphore, #tpu.memory_space<semaphore_mem>>) src(%arg8 : memref<128x128xf32, #tpu.memory_space<vmem>>) dst(%dma_wait3A_33 : memref<128x128xf32, #tpu.memory_space<vmem_shared>>)
      tpu.yield
    }) : () -> ()
    %add3A_14 = arith.constant 384 : i32
    %add3A_15 = arith.addi %mul3A_7, %add3A_14 : i32
    "tpu.region"() ({
      %run_scoped3A = tpu.sem_alloc : memref<!tpu.dma_semaphore, #tpu.memory_space<semaphore_mem>>
      %dma_start3A = arith.constant 0 : i32
      %dma_start3A_28 = tpu.memref_slice %arg10[%add3A_15, %dma_start3A] : memref<10112x128xf32, #tpu.memory_space<vmem_shared>> -> memref<128x128xf32, #tpu.memory_space<vmem_shared>>
      %dma_start3A_29 = arith.constant 0 : i32
      %dma_start3A_30 = tpu.memref_slice %arg10[%add3A_15, %dma_start3A_29] : memref<10112x128xf32, #tpu.memory_space<vmem_shared>> -> memref<128x128xf32, #tpu.memory_space<vmem_shared>>
      tpu.enqueue_dma source(%arg8 : memref<128x128xf32, #tpu.memory_space<vmem>>) target(%dma_start3A_30 : memref<128x128xf32, #tpu.memory_space<vmem_shared>>) target_semaphore(%run_scoped3A : memref<!tpu.dma_semaphore, #tpu.memory_space<semaphore_mem>>)
      %dma_wait3A = arith.constant 0 : i32
      %dma_wait3A_31 = tpu.memref_slice %arg10[%add3A_15, %dma_wait3A] : memref<10112x128xf32, #tpu.memory_space<vmem_shared>> -> memref<128x128xf32, #tpu.memory_space<vmem_shared>>
      %dma_wait3A_32 = arith.constant 0 : i32
      %dma_wait3A_33 = tpu.memref_slice %arg10[%add3A_15, %dma_wait3A_32] : memref<10112x128xf32, #tpu.memory_space<vmem_shared>> -> memref<128x128xf32, #tpu.memory_space<vmem_shared>>
      tpu.wait_dma2 semaphore(%run_scoped3A : memref<!tpu.dma_semaphore, #tpu.memory_space<semaphore_mem>>) src(%arg8 : memref<128x128xf32, #tpu.memory_space<vmem>>) dst(%dma_wait3A_33 : memref<128x128xf32, #tpu.memory_space<vmem_shared>>)
      tpu.yield
    }) : () -> ()
    %add3A_16 = arith.constant 512 : i32
    %add3A_17 = arith.addi %mul3A_7, %add3A_16 : i32
    "tpu.region"() ({
      %run_scoped3A = tpu.sem_alloc : memref<!tpu.dma_semaphore, #tpu.memory_space<semaphore_mem>>
      %dma_start3A = arith.constant 0 : i32
      %dma_start3A_28 = arith.constant 0 : i32
      %dma_start3A_29 = tpu.memref_slice %arg8[%dma_start3A, %dma_start3A_28] : memref<128x128xf32, #tpu.memory_space<vmem>> -> memref<120x128xf32, #tpu.memory_space<vmem>>
      %dma_start3A_30 = arith.constant 0 : i32
      %dma_start3A_31 = tpu.memref_slice %arg10[%add3A_17, %dma_start3A_30] : memref<10112x128xf32, #tpu.memory_space<vmem_shared>> -> memref<120x128xf32, #tpu.memory_space<vmem_shared>>
      %dma_start3A_32 = arith.constant 0 : i32
      %dma_start3A_33 = tpu.memref_slice %arg10[%add3A_17, %dma_start3A_32] : memref<10112x128xf32, #tpu.memory_space<vmem_shared>> -> memref<120x128xf32, #tpu.memory_space<vmem_shared>>
      %dma_start3A_34 = arith.constant 0 : i32
      %dma_start3A_35 = arith.constant 0 : i32
      %dma_start3A_36 = tpu.memref_slice %arg8[%dma_start3A_34, %dma_start3A_35] : memref<128x128xf32, #tpu.memory_space<vmem>> -> memref<120x128xf32, #tpu.memory_space<vmem>>
      tpu.enqueue_dma source(%dma_start3A_36 : memref<120x128xf32, #tpu.memory_space<vmem>>) target(%dma_start3A_33 : memref<120x128xf32, #tpu.memory_space<vmem_shared>>) target_semaphore(%run_scoped3A : memref<!tpu.dma_semaphore, #tpu.memory_space<semaphore_mem>>)
      %dma_wait3A = arith.constant 0 : i32
      %dma_wait3A_37 = arith.constant 0 : i32
      %dma_wait3A_38 = tpu.memref_slice %arg8[%dma_wait3A, %dma_wait3A_37] : memref<128x128xf32, #tpu.memory_space<vmem>> -> memref<120x128xf32, #tpu.memory_space<vmem>>
      %dma_wait3A_39 = arith.constant 0 : i32
      %dma_wait3A_40 = tpu.memref_slice %arg10[%add3A_17, %dma_wait3A_39] : memref<10112x128xf32, #tpu.memory_space<vmem_shared>> -> memref<120x128xf32, #tpu.memory_space<vmem_shared>>
      %dma_wait3A_41 = arith.constant 0 : i32
      %dma_wait3A_42 = tpu.memref_slice %arg10[%add3A_17, %dma_wait3A_41] : memref<10112x128xf32, #tpu.memory_space<vmem_shared>> -> memref<120x128xf32, #tpu.memory_space<vmem_shared>>
      %dma_wait3A_43 = arith.constant 0 : i32
      %dma_wait3A_44 = arith.constant 0 : i32
      %dma_wait3A_45 = tpu.memref_slice %arg8[%dma_wait3A_43, %dma_wait3A_44] : memref<128x128xf32, #tpu.memory_space<vmem>> -> memref<120x128xf32, #tpu.memory_space<vmem>>
      tpu.wait_dma2 semaphore(%run_scoped3A : memref<!tpu.dma_semaphore, #tpu.memory_space<semaphore_mem>>) src(%dma_wait3A_45 : memref<120x128xf32, #tpu.memory_space<vmem>>) dst(%dma_wait3A_42 : memref<120x128xf32, #tpu.memory_space<vmem_shared>>)
      tpu.yield
    }) : () -> ()
    %barrier3A = arith.constant 0 : index
    tpu.barrier barrier_id(%barrier3A)
    %scan3A_18 = arith.constant 0 : i32
    %scan3A_19 = arith.constant 0 : i32
    %scan3A_20 = arith.constant 20 : i32
    %scan3A_21 = arith.addi %scan3A_19, %scan3A_20 : i32
    %scan3A_22 = arith.constant 1 : i32
    scf.for %scan3A_28 = %scan3A_19 to %scan3A_21 step %scan3A_22  : i32 {
      %mul3A_29 = arith.constant 20 : i32
      %mul3A_30 = arith.muli %add3A, %mul3A_29 : i32
      %add3A_31 = arith.addi %mul3A_30, %scan3A_28 : i32
      %mul3A_32 = arith.constant 8 : i32
      %mul3A_33 = arith.muli %add3A_31, %mul3A_32 : i32
      "tpu.region"() ({
        %run_scoped3A = tpu.sem_alloc : memref<!tpu.dma_semaphore, #tpu.memory_space<semaphore_mem>>
        %dma_start3A_256 = arith.constant 0 : i32
        %dma_start3A_257 = tpu.memref_slice %arg3[%mul3A_33, %dma_start3A_256] : memref<5120x128xi32, #tpu.memory_space<hbm>> -> memref<8x128xi32, #tpu.memory_space<hbm>>
        %dma_start3A_258 = arith.constant 0 : i32
        %dma_start3A_259 = tpu.memref_slice %arg3[%mul3A_33, %dma_start3A_258] : memref<5120x128xi32, #tpu.memory_space<hbm>> -> memref<8x128xi32, #tpu.memory_space<hbm>>
        tpu.enqueue_dma source(%dma_start3A_259 : memref<8x128xi32, #tpu.memory_space<hbm>>) target(%arg6 : memref<8x128xi32, #tpu.memory_space<vmem>>) target_semaphore(%run_scoped3A : memref<!tpu.dma_semaphore, #tpu.memory_space<semaphore_mem>>)
        %dma_wait3A_260 = arith.constant 0 : i32
        %dma_wait3A_261 = tpu.memref_slice %arg3[%mul3A_33, %dma_wait3A_260] : memref<5120x128xi32, #tpu.memory_space<hbm>> -> memref<8x128xi32, #tpu.memory_space<hbm>>
        %dma_wait3A_262 = arith.constant 0 : i32
        %dma_wait3A_263 = tpu.memref_slice %arg3[%mul3A_33, %dma_wait3A_262] : memref<5120x128xi32, #tpu.memory_space<hbm>> -> memref<8x128xi32, #tpu.memory_space<hbm>>
        tpu.wait_dma2 semaphore(%run_scoped3A : memref<!tpu.dma_semaphore, #tpu.memory_space<semaphore_mem>>) src(%dma_wait3A_263 : memref<8x128xi32, #tpu.memory_space<hbm>>) dst(%arg6 : memref<8x128xi32, #tpu.memory_space<vmem>>)
        tpu.yield
      }) : () -> ()
      "tpu.region"() ({
        %run_scoped3A = tpu.sem_alloc : memref<!tpu.dma_semaphore, #tpu.memory_space<semaphore_mem>>
        %dma_start3A_256 = arith.constant 0 : i32
        %dma_start3A_257 = tpu.memref_slice %arg4[%mul3A_33, %dma_start3A_256] : memref<5120x128xi32, #tpu.memory_space<hbm>> -> memref<8x128xi32, #tpu.memory_space<hbm>>
        %dma_start3A_258 = arith.constant 0 : i32
        %dma_start3A_259 = tpu.memref_slice %arg4[%mul3A_33, %dma_start3A_258] : memref<5120x128xi32, #tpu.memory_space<hbm>> -> memref<8x128xi32, #tpu.memory_space<hbm>>
        tpu.enqueue_dma source(%dma_start3A_259 : memref<8x128xi32, #tpu.memory_space<hbm>>) target(%arg7 : memref<8x128xi32, #tpu.memory_space<vmem>>) target_semaphore(%run_scoped3A : memref<!tpu.dma_semaphore, #tpu.memory_space<semaphore_mem>>)
        %dma_wait3A_260 = arith.constant 0 : i32
        %dma_wait3A_261 = tpu.memref_slice %arg4[%mul3A_33, %dma_wait3A_260] : memref<5120x128xi32, #tpu.memory_space<hbm>> -> memref<8x128xi32, #tpu.memory_space<hbm>>
        %dma_wait3A_262 = arith.constant 0 : i32
        %dma_wait3A_263 = tpu.memref_slice %arg4[%mul3A_33, %dma_wait3A_262] : memref<5120x128xi32, #tpu.memory_space<hbm>> -> memref<8x128xi32, #tpu.memory_space<hbm>>
        tpu.wait_dma2 semaphore(%run_scoped3A : memref<!tpu.dma_semaphore, #tpu.memory_space<semaphore_mem>>) src(%dma_wait3A_263 : memref<8x128xi32, #tpu.memory_space<hbm>>) dst(%arg7 : memref<8x128xi32, #tpu.memory_space<vmem>>)
        tpu.yield
      }) : () -> ()
      %dma_start3A = arith.constant 0 : i32
      %dma_start3A_34 = arith.constant 0 : i32
      %dma_start3A_35 = tpu.memref_slice %arg6[%dma_start3A, %dma_start3A_34] : memref<8x128xi32, #tpu.memory_space<vmem>> -> memref<1x128xi32, #tpu.memory_space<vmem>>
      %dma_start3A_36 = tpu.memref_squeeze %dma_start3A_35 : memref<1x128xi32, #tpu.memory_space<vmem>> -> memref<128xi32, #tpu.memory_space<vmem>>
      %dma_start3A_37 = arith.constant 0 : i32
      %dma_start3A_38 = arith.constant 0 : i32
      %dma_start3A_39 = tpu.memref_slice %arg2[%dma_start3A_37, %dma_start3A_38] : memref<20000x128xf32, #tpu.memory_space<hbm>> -> memref<20000x128xf32, #tpu.memory_space<hbm>>
      tpu.enqueue_indirect_dma source(%dma_start3A_39 : memref<20000x128xf32, #tpu.memory_space<hbm>>) target(%arg8 : memref<128x128xf32, #tpu.memory_space<vmem>>) offsets(%dma_start3A_36 : memref<128xi32, #tpu.memory_space<vmem>>) semaphore(%arg11 : memref<!tpu.dma_semaphore, #tpu.memory_space<semaphore_mem>>)
      %dma_start3A_40 = arith.constant 1 : i32
      %dma_start3A_41 = arith.constant 0 : i32
      %dma_start3A_42 = tpu.memref_slice %arg6[%dma_start3A_40, %dma_start3A_41] : memref<8x128xi32, #tpu.memory_space<vmem>> -> memref<1x128xi32, #tpu.memory_space<vmem>>
      %dma_start3A_43 = tpu.memref_squeeze %dma_start3A_42 : memref<1x128xi32, #tpu.memory_space<vmem>> -> memref<128xi32, #tpu.memory_space<vmem>>
      %dma_start3A_44 = arith.constant 0 : i32
      %dma_start3A_45 = arith.constant 0 : i32
      %dma_start3A_46 = tpu.memref_slice %arg2[%dma_start3A_44, %dma_start3A_45] : memref<20000x128xf32, #tpu.memory_space<hbm>> -> memref<20000x128xf32, #tpu.memory_space<hbm>>
      tpu.enqueue_indirect_dma source(%dma_start3A_46 : memref<20000x128xf32, #tpu.memory_space<hbm>>) target(%arg9 : memref<128x128xf32, #tpu.memory_space<vmem>>) offsets(%dma_start3A_43 : memref<128xi32, #tpu.memory_space<vmem>>) semaphore(%arg12 : memref<!tpu.dma_semaphore, #tpu.memory_space<semaphore_mem>>)
      %dma_wait3A = arith.constant 0 : i32
      %dma_wait3A_47 = arith.constant 0 : i32
      %dma_wait3A_48 = tpu.memref_slice %arg6[%dma_wait3A, %dma_wait3A_47] : memref<8x128xi32, #tpu.memory_space<vmem>> -> memref<1x128xi32, #tpu.memory_space<vmem>>
      %dma_wait3A_49 = tpu.memref_squeeze %dma_wait3A_48 : memref<1x128xi32, #tpu.memory_space<vmem>> -> memref<128xi32, #tpu.memory_space<vmem>>
      %dma_wait3A_50 = arith.constant 0 : i32
      %dma_wait3A_51 = arith.constant 0 : i32
      %dma_wait3A_52 = tpu.memref_slice %arg2[%dma_wait3A_50, %dma_wait3A_51] : memref<20000x128xf32, #tpu.memory_space<hbm>> -> memref<20000x128xf32, #tpu.memory_space<hbm>>
      tpu.wait_indirect_dma semaphore(%arg11 : memref<!tpu.dma_semaphore, #tpu.memory_space<semaphore_mem>>) src(%dma_wait3A_52 : memref<20000x128xf32, #tpu.memory_space<hbm>>) dst(%arg8 : memref<128x128xf32, #tpu.memory_space<vmem>>)
      %dma_start3A_53 = arith.constant 0 : i32
      %dma_start3A_54 = arith.constant 0 : i32
      %dma_start3A_55 = tpu.memref_slice %arg7[%dma_start3A_53, %dma_start3A_54] : memref<8x128xi32, #tpu.memory_space<vmem>> -> memref<1x128xi32, #tpu.memory_space<vmem>>
      %dma_start3A_56 = tpu.memref_squeeze %dma_start3A_55 : memref<1x128xi32, #tpu.memory_space<vmem>> -> memref<128xi32, #tpu.memory_space<vmem>>
      %dma_start3A_57 = arith.constant 0 : i32
      %dma_start3A_58 = arith.constant 0 : i32
      %dma_start3A_59 = tpu.memref_slice %arg10[%dma_start3A_57, %dma_start3A_58] : memref<10112x128xf32, #tpu.memory_space<vmem_shared>> -> memref<10112x128xf32, #tpu.memory_space<vmem_shared>>
      tpu.enqueue_indirect_dma source(%arg8 : memref<128x128xf32, #tpu.memory_space<vmem>>) target(%dma_start3A_59 : memref<10112x128xf32, #tpu.memory_space<vmem_shared>>) offsets(%dma_start3A_56 : memref<128xi32, #tpu.memory_space<vmem>>) semaphore(%arg13 : memref<!tpu.dma_semaphore, #tpu.memory_space<semaphore_mem>>) {add = true}
      %dma_wait3A_60 = arith.constant 0 : i32
      %dma_wait3A_61 = arith.constant 0 : i32
      %dma_wait3A_62 = tpu.memref_slice %arg7[%dma_wait3A_60, %dma_wait3A_61] : memref<8x128xi32, #tpu.memory_space<vmem>> -> memref<1x128xi32, #tpu.memory_space<vmem>>
      %dma_wait3A_63 = tpu.memref_squeeze %dma_wait3A_62 : memref<1x128xi32, #tpu.memory_space<vmem>> -> memref<128xi32, #tpu.memory_space<vmem>>
      %dma_wait3A_64 = arith.constant 0 : i32
      %dma_wait3A_65 = arith.constant 0 : i32
      %dma_wait3A_66 = tpu.memref_slice %arg10[%dma_wait3A_64, %dma_wait3A_65] : memref<10112x128xf32, #tpu.memory_space<vmem_shared>> -> memref<10112x128xf32, #tpu.memory_space<vmem_shared>>
      tpu.wait_indirect_dma semaphore(%arg13 : memref<!tpu.dma_semaphore, #tpu.memory_space<semaphore_mem>>) src(%arg8 : memref<128x128xf32, #tpu.memory_space<vmem>>) dst(%dma_wait3A_66 : memref<10112x128xf32, #tpu.memory_space<vmem_shared>>)
      %dma_start3A_67 = arith.constant 2 : i32
      %dma_start3A_68 = arith.constant 0 : i32
      %dma_start3A_69 = tpu.memref_slice %arg6[%dma_start3A_67, %dma_start3A_68] : memref<8x128xi32, #tpu.memory_space<vmem>> -> memref<1x128xi32, #tpu.memory_space<vmem>>
      %dma_start3A_70 = tpu.memref_squeeze %dma_start3A_69 : memref<1x128xi32, #tpu.memory_space<vmem>> -> memref<128xi32, #tpu.memory_space<vmem>>
      %dma_start3A_71 = arith.constant 0 : i32
      %dma_start3A_72 = arith.constant 0 : i32
      %dma_start3A_73 = tpu.memref_slice %arg2[%dma_start3A_71, %dma_start3A_72] : memref<20000x128xf32, #tpu.memory_space<hbm>> -> memref<20000x128xf32, #tpu.memory_space<hbm>>
      tpu.enqueue_indirect_dma source(%dma_start3A_73 : memref<20000x128xf32, #tpu.memory_space<hbm>>) target(%arg8 : memref<128x128xf32, #tpu.memory_space<vmem>>) offsets(%dma_start3A_70 : memref<128xi32, #tpu.memory_space<vmem>>) semaphore(%arg11 : memref<!tpu.dma_semaphore, #tpu.memory_space<semaphore_mem>>)
      %dma_wait3A_74 = arith.constant 1 : i32
      %dma_wait3A_75 = arith.constant 0 : i32
      %dma_wait3A_76 = tpu.memref_slice %arg6[%dma_wait3A_74, %dma_wait3A_75] : memref<8x128xi32, #tpu.memory_space<vmem>> -> memref<1x128xi32, #tpu.memory_space<vmem>>
      %dma_wait3A_77 = tpu.memref_squeeze %dma_wait3A_76 : memref<1x128xi32, #tpu.memory_space<vmem>> -> memref<128xi32, #tpu.memory_space<vmem>>
      %dma_wait3A_78 = arith.constant 0 : i32
      %dma_wait3A_79 = arith.constant 0 : i32
      %dma_wait3A_80 = tpu.memref_slice %arg2[%dma_wait3A_78, %dma_wait3A_79] : memref<20000x128xf32, #tpu.memory_space<hbm>> -> memref<20000x128xf32, #tpu.memory_space<hbm>>
      tpu.wait_indirect_dma semaphore(%arg12 : memref<!tpu.dma_semaphore, #tpu.memory_space<semaphore_mem>>) src(%dma_wait3A_80 : memref<20000x128xf32, #tpu.memory_space<hbm>>) dst(%arg9 : memref<128x128xf32, #tpu.memory_space<vmem>>)
      %dma_start3A_81 = arith.constant 1 : i32
      %dma_start3A_82 = arith.constant 0 : i32
      %dma_start3A_83 = tpu.memref_slice %arg7[%dma_start3A_81, %dma_start3A_82] : memref<8x128xi32, #tpu.memory_space<vmem>> -> memref<1x128xi32, #tpu.memory_space<vmem>>
      %dma_start3A_84 = tpu.memref_squeeze %dma_start3A_83 : memref<1x128xi32, #tpu.memory_space<vmem>> -> memref<128xi32, #tpu.memory_space<vmem>>
      %dma_start3A_85 = arith.constant 0 : i32
      %dma_start3A_86 = arith.constant 0 : i32
      %dma_start3A_87 = tpu.memref_slice %arg10[%dma_start3A_85, %dma_start3A_86] : memref<10112x128xf32, #tpu.memory_space<vmem_shared>> -> memref<10112x128xf32, #tpu.memory_space<vmem_shared>>
      tpu.enqueue_indirect_dma source(%arg9 : memref<128x128xf32, #tpu.memory_space<vmem>>) target(%dma_start3A_87 : memref<10112x128xf32, #tpu.memory_space<vmem_shared>>) offsets(%dma_start3A_84 : memref<128xi32, #tpu.memory_space<vmem>>) semaphore(%arg14 : memref<!tpu.dma_semaphore, #tpu.memory_space<semaphore_mem>>) {add = true}
      %dma_wait3A_88 = arith.constant 1 : i32
      %dma_wait3A_89 = arith.constant 0 : i32
      %dma_wait3A_90 = tpu.memref_slice %arg7[%dma_wait3A_88, %dma_wait3A_89] : memref<8x128xi32, #tpu.memory_space<vmem>> -> memref<1x128xi32, #tpu.memory_space<vmem>>
      %dma_wait3A_91 = tpu.memref_squeeze %dma_wait3A_90 : memref<1x128xi32, #tpu.memory_space<vmem>> -> memref<128xi32, #tpu.memory_space<vmem>>
      %dma_wait3A_92 = arith.constant 0 : i32
      %dma_wait3A_93 = arith.constant 0 : i32
      %dma_wait3A_94 = tpu.memref_slice %arg10[%dma_wait3A_92, %dma_wait3A_93] : memref<10112x128xf32, #tpu.memory_space<vmem_shared>> -> memref<10112x128xf32, #tpu.memory_space<vmem_shared>>
      tpu.wait_indirect_dma semaphore(%arg14 : memref<!tpu.dma_semaphore, #tpu.memory_space<semaphore_mem>>) src(%arg9 : memref<128x128xf32, #tpu.memory_space<vmem>>) dst(%dma_wait3A_94 : memref<10112x128xf32, #tpu.memory_space<vmem_shared>>)
      %dma_start3A_95 = arith.constant 3 : i32
      %dma_start3A_96 = arith.constant 0 : i32
      %dma_start3A_97 = tpu.memref_slice %arg6[%dma_start3A_95, %dma_start3A_96] : memref<8x128xi32, #tpu.memory_space<vmem>> -> memref<1x128xi32, #tpu.memory_space<vmem>>
      %dma_start3A_98 = tpu.memref_squeeze %dma_start3A_97 : memref<1x128xi32, #tpu.memory_space<vmem>> -> memref<128xi32, #tpu.memory_space<vmem>>
      %dma_start3A_99 = arith.constant 0 : i32
      %dma_start3A_100 = arith.constant 0 : i32
      %dma_start3A_101 = tpu.memref_slice %arg2[%dma_start3A_99, %dma_start3A_100] : memref<20000x128xf32, #tpu.memory_space<hbm>> -> memref<20000x128xf32, #tpu.memory_space<hbm>>
      tpu.enqueue_indirect_dma source(%dma_start3A_101 : memref<20000x128xf32, #tpu.memory_space<hbm>>) target(%arg9 : memref<128x128xf32, #tpu.memory_space<vmem>>) offsets(%dma_start3A_98 : memref<128xi32, #tpu.memory_space<vmem>>) semaphore(%arg12 : memref<!tpu.dma_semaphore, #tpu.memory_space<semaphore_mem>>)
      %dma_wait3A_102 = arith.constant 2 : i32
      %dma_wait3A_103 = arith.constant 0 : i32
      %dma_wait3A_104 = tpu.memref_slice %arg6[%dma_wait3A_102, %dma_wait3A_103] : memref<8x128xi32, #tpu.memory_space<vmem>> -> memref<1x128xi32, #tpu.memory_space<vmem>>
      %dma_wait3A_105 = tpu.memref_squeeze %dma_wait3A_104 : memref<1x128xi32, #tpu.memory_space<vmem>> -> memref<128xi32, #tpu.memory_space<vmem>>
      %dma_wait3A_106 = arith.constant 0 : i32
      %dma_wait3A_107 = arith.constant 0 : i32
      %dma_wait3A_108 = tpu.memref_slice %arg2[%dma_wait3A_106, %dma_wait3A_107] : memref<20000x128xf32, #tpu.memory_space<hbm>> -> memref<20000x128xf32, #tpu.memory_space<hbm>>
      tpu.wait_indirect_dma semaphore(%arg11 : memref<!tpu.dma_semaphore, #tpu.memory_space<semaphore_mem>>) src(%dma_wait3A_108 : memref<20000x128xf32, #tpu.memory_space<hbm>>) dst(%arg8 : memref<128x128xf32, #tpu.memory_space<vmem>>)
      %dma_start3A_109 = arith.constant 2 : i32
      %dma_start3A_110 = arith.constant 0 : i32
      %dma_start3A_111 = tpu.memref_slice %arg7[%dma_start3A_109, %dma_start3A_110] : memref<8x128xi32, #tpu.memory_space<vmem>> -> memref<1x128xi32, #tpu.memory_space<vmem>>
      %dma_start3A_112 = tpu.memref_squeeze %dma_start3A_111 : memref<1x128xi32, #tpu.memory_space<vmem>> -> memref<128xi32, #tpu.memory_space<vmem>>
      %dma_start3A_113 = arith.constant 0 : i32
      %dma_start3A_114 = arith.constant 0 : i32
      %dma_start3A_115 = tpu.memref_slice %arg10[%dma_start3A_113, %dma_start3A_114] : memref<10112x128xf32, #tpu.memory_space<vmem_shared>> -> memref<10112x128xf32, #tpu.memory_space<vmem_shared>>
      tpu.enqueue_indirect_dma source(%arg8 : memref<128x128xf32, #tpu.memory_space<vmem>>) target(%dma_start3A_115 : memref<10112x128xf32, #tpu.memory_space<vmem_shared>>) offsets(%dma_start3A_112 : memref<128xi32, #tpu.memory_space<vmem>>) semaphore(%arg13 : memref<!tpu.dma_semaphore, #tpu.memory_space<semaphore_mem>>) {add = true}
      %dma_wait3A_116 = arith.constant 2 : i32
      %dma_wait3A_117 = arith.constant 0 : i32
      %dma_wait3A_118 = tpu.memref_slice %arg7[%dma_wait3A_116, %dma_wait3A_117] : memref<8x128xi32, #tpu.memory_space<vmem>> -> memref<1x128xi32, #tpu.memory_space<vmem>>
      %dma_wait3A_119 = tpu.memref_squeeze %dma_wait3A_118 : memref<1x128xi32, #tpu.memory_space<vmem>> -> memref<128xi32, #tpu.memory_space<vmem>>
      %dma_wait3A_120 = arith.constant 0 : i32
      %dma_wait3A_121 = arith.constant 0 : i32
      %dma_wait3A_122 = tpu.memref_slice %arg10[%dma_wait3A_120, %dma_wait3A_121] : memref<10112x128xf32, #tpu.memory_space<vmem_shared>> -> memref<10112x128xf32, #tpu.memory_space<vmem_shared>>
      tpu.wait_indirect_dma semaphore(%arg13 : memref<!tpu.dma_semaphore, #tpu.memory_space<semaphore_mem>>) src(%arg8 : memref<128x128xf32, #tpu.memory_space<vmem>>) dst(%dma_wait3A_122 : memref<10112x128xf32, #tpu.memory_space<vmem_shared>>)
      %dma_start3A_123 = arith.constant 4 : i32
      %dma_start3A_124 = arith.constant 0 : i32
      %dma_start3A_125 = tpu.memref_slice %arg6[%dma_start3A_123, %dma_start3A_124] : memref<8x128xi32, #tpu.memory_space<vmem>> -> memref<1x128xi32, #tpu.memory_space<vmem>>
      %dma_start3A_126 = tpu.memref_squeeze %dma_start3A_125 : memref<1x128xi32, #tpu.memory_space<vmem>> -> memref<128xi32, #tpu.memory_space<vmem>>
      %dma_start3A_127 = arith.constant 0 : i32
      %dma_start3A_128 = arith.constant 0 : i32
      %dma_start3A_129 = tpu.memref_slice %arg2[%dma_start3A_127, %dma_start3A_128] : memref<20000x128xf32, #tpu.memory_space<hbm>> -> memref<20000x128xf32, #tpu.memory_space<hbm>>
      tpu.enqueue_indirect_dma source(%dma_start3A_129 : memref<20000x128xf32, #tpu.memory_space<hbm>>) target(%arg8 : memref<128x128xf32, #tpu.memory_space<vmem>>) offsets(%dma_start3A_126 : memref<128xi32, #tpu.memory_space<vmem>>) semaphore(%arg11 : memref<!tpu.dma_semaphore, #tpu.memory_space<semaphore_mem>>)
      %dma_wait3A_130 = arith.constant 3 : i32
      %dma_wait3A_131 = arith.constant 0 : i32
      %dma_wait3A_132 = tpu.memref_slice %arg6[%dma_wait3A_130, %dma_wait3A_131] : memref<8x128xi32, #tpu.memory_space<vmem>> -> memref<1x128xi32, #tpu.memory_space<vmem>>
      %dma_wait3A_133 = tpu.memref_squeeze %dma_wait3A_132 : memref<1x128xi32, #tpu.memory_space<vmem>> -> memref<128xi32, #tpu.memory_space<vmem>>
      %dma_wait3A_134 = arith.constant 0 : i32
      %dma_wait3A_135 = arith.constant 0 : i32
      %dma_wait3A_136 = tpu.memref_slice %arg2[%dma_wait3A_134, %dma_wait3A_135] : memref<20000x128xf32, #tpu.memory_space<hbm>> -> memref<20000x128xf32, #tpu.memory_space<hbm>>
      tpu.wait_indirect_dma semaphore(%arg12 : memref<!tpu.dma_semaphore, #tpu.memory_space<semaphore_mem>>) src(%dma_wait3A_136 : memref<20000x128xf32, #tpu.memory_space<hbm>>) dst(%arg9 : memref<128x128xf32, #tpu.memory_space<vmem>>)
      %dma_start3A_137 = arith.constant 3 : i32
      %dma_start3A_138 = arith.constant 0 : i32
      %dma_start3A_139 = tpu.memref_slice %arg7[%dma_start3A_137, %dma_start3A_138] : memref<8x128xi32, #tpu.memory_space<vmem>> -> memref<1x128xi32, #tpu.memory_space<vmem>>
      %dma_start3A_140 = tpu.memref_squeeze %dma_start3A_139 : memref<1x128xi32, #tpu.memory_space<vmem>> -> memref<128xi32, #tpu.memory_space<vmem>>
      %dma_start3A_141 = arith.constant 0 : i32
      %dma_start3A_142 = arith.constant 0 : i32
      %dma_start3A_143 = tpu.memref_slice %arg10[%dma_start3A_141, %dma_start3A_142] : memref<10112x128xf32, #tpu.memory_space<vmem_shared>> -> memref<10112x128xf32, #tpu.memory_space<vmem_shared>>
      tpu.enqueue_indirect_dma source(%arg9 : memref<128x128xf32, #tpu.memory_space<vmem>>) target(%dma_start3A_143 : memref<10112x128xf32, #tpu.memory_space<vmem_shared>>) offsets(%dma_start3A_140 : memref<128xi32, #tpu.memory_space<vmem>>) semaphore(%arg14 : memref<!tpu.dma_semaphore, #tpu.memory_space<semaphore_mem>>) {add = true}
      %dma_wait3A_144 = arith.constant 3 : i32
      %dma_wait3A_145 = arith.constant 0 : i32
      %dma_wait3A_146 = tpu.memref_slice %arg7[%dma_wait3A_144, %dma_wait3A_145] : memref<8x128xi32, #tpu.memory_space<vmem>> -> memref<1x128xi32, #tpu.memory_space<vmem>>
      %dma_wait3A_147 = tpu.memref_squeeze %dma_wait3A_146 : memref<1x128xi32, #tpu.memory_space<vmem>> -> memref<128xi32, #tpu.memory_space<vmem>>
      %dma_wait3A_148 = arith.constant 0 : i32
      %dma_wait3A_149 = arith.constant 0 : i32
      %dma_wait3A_150 = tpu.memref_slice %arg10[%dma_wait3A_148, %dma_wait3A_149] : memref<10112x128xf32, #tpu.memory_space<vmem_shared>> -> memref<10112x128xf32, #tpu.memory_space<vmem_shared>>
      tpu.wait_indirect_dma semaphore(%arg14 : memref<!tpu.dma_semaphore, #tpu.memory_space<semaphore_mem>>) src(%arg9 : memref<128x128xf32, #tpu.memory_space<vmem>>) dst(%dma_wait3A_150 : memref<10112x128xf32, #tpu.memory_space<vmem_shared>>)
      %dma_start3A_151 = arith.constant 5 : i32
      %dma_start3A_152 = arith.constant 0 : i32
      %dma_start3A_153 = tpu.memref_slice %arg6[%dma_start3A_151, %dma_start3A_152] : memref<8x128xi32, #tpu.memory_space<vmem>> -> memref<1x128xi32, #tpu.memory_space<vmem>>
      %dma_start3A_154 = tpu.memref_squeeze %dma_start3A_153 : memref<1x128xi32, #tpu.memory_space<vmem>> -> memref<128xi32, #tpu.memory_space<vmem>>
      %dma_start3A_155 = arith.constant 0 : i32
      %dma_start3A_156 = arith.constant 0 : i32
      %dma_start3A_157 = tpu.memref_slice %arg2[%dma_start3A_155, %dma_start3A_156] : memref<20000x128xf32, #tpu.memory_space<hbm>> -> memref<20000x128xf32, #tpu.memory_space<hbm>>
      tpu.enqueue_indirect_dma source(%dma_start3A_157 : memref<20000x128xf32, #tpu.memory_space<hbm>>) target(%arg9 : memref<128x128xf32, #tpu.memory_space<vmem>>) offsets(%dma_start3A_154 : memref<128xi32, #tpu.memory_space<vmem>>) semaphore(%arg12 : memref<!tpu.dma_semaphore, #tpu.memory_space<semaphore_mem>>)
      %dma_wait3A_158 = arith.constant 4 : i32
      %dma_wait3A_159 = arith.constant 0 : i32
      %dma_wait3A_160 = tpu.memref_slice %arg6[%dma_wait3A_158, %dma_wait3A_159] : memref<8x128xi32, #tpu.memory_space<vmem>> -> memref<1x128xi32, #tpu.memory_space<vmem>>
      %dma_wait3A_161 = tpu.memref_squeeze %dma_wait3A_160 : memref<1x128xi32, #tpu.memory_space<vmem>> -> memref<128xi32, #tpu.memory_space<vmem>>
      %dma_wait3A_162 = arith.constant 0 : i32
      %dma_wait3A_163 = arith.constant 0 : i32
      %dma_wait3A_164 = tpu.memref_slice %arg2[%dma_wait3A_162, %dma_wait3A_163] : memref<20000x128xf32, #tpu.memory_space<hbm>> -> memref<20000x128xf32, #tpu.memory_space<hbm>>
      tpu.wait_indirect_dma semaphore(%arg11 : memref<!tpu.dma_semaphore, #tpu.memory_space<semaphore_mem>>) src(%dma_wait3A_164 : memref<20000x128xf32, #tpu.memory_space<hbm>>) dst(%arg8 : memref<128x128xf32, #tpu.memory_space<vmem>>)
      %dma_start3A_165 = arith.constant 4 : i32
      %dma_start3A_166 = arith.constant 0 : i32
      %dma_start3A_167 = tpu.memref_slice %arg7[%dma_start3A_165, %dma_start3A_166] : memref<8x128xi32, #tpu.memory_space<vmem>> -> memref<1x128xi32, #tpu.memory_space<vmem>>
      %dma_start3A_168 = tpu.memref_squeeze %dma_start3A_167 : memref<1x128xi32, #tpu.memory_space<vmem>> -> memref<128xi32, #tpu.memory_space<vmem>>
      %dma_start3A_169 = arith.constant 0 : i32
      %dma_start3A_170 = arith.constant 0 : i32
      %dma_start3A_171 = tpu.memref_slice %arg10[%dma_start3A_169, %dma_start3A_170] : memref<10112x128xf32, #tpu.memory_space<vmem_shared>> -> memref<10112x128xf32, #tpu.memory_space<vmem_shared>>
      tpu.enqueue_indirect_dma source(%arg8 : memref<128x128xf32, #tpu.memory_space<vmem>>) target(%dma_start3A_171 : memref<10112x128xf32, #tpu.memory_space<vmem_shared>>) offsets(%dma_start3A_168 : memref<128xi32, #tpu.memory_space<vmem>>) semaphore(%arg13 : memref<!tpu.dma_semaphore, #tpu.memory_space<semaphore_mem>>) {add = true}
      %dma_wait3A_172 = arith.constant 4 : i32
      %dma_wait3A_173 = arith.constant 0 : i32
      %dma_wait3A_174 = tpu.memref_slice %arg7[%dma_wait3A_172, %dma_wait3A_173] : memref<8x128xi32, #tpu.memory_space<vmem>> -> memref<1x128xi32, #tpu.memory_space<vmem>>
      %dma_wait3A_175 = tpu.memref_squeeze %dma_wait3A_174 : memref<1x128xi32, #tpu.memory_space<vmem>> -> memref<128xi32, #tpu.memory_space<vmem>>
      %dma_wait3A_176 = arith.constant 0 : i32
      %dma_wait3A_177 = arith.constant 0 : i32
      %dma_wait3A_178 = tpu.memref_slice %arg10[%dma_wait3A_176, %dma_wait3A_177] : memref<10112x128xf32, #tpu.memory_space<vmem_shared>> -> memref<10112x128xf32, #tpu.memory_space<vmem_shared>>
      tpu.wait_indirect_dma semaphore(%arg13 : memref<!tpu.dma_semaphore, #tpu.memory_space<semaphore_mem>>) src(%arg8 : memref<128x128xf32, #tpu.memory_space<vmem>>) dst(%dma_wait3A_178 : memref<10112x128xf32, #tpu.memory_space<vmem_shared>>)
      %dma_start3A_179 = arith.constant 6 : i32
      %dma_start3A_180 = arith.constant 0 : i32
      %dma_start3A_181 = tpu.memref_slice %arg6[%dma_start3A_179, %dma_start3A_180] : memref<8x128xi32, #tpu.memory_space<vmem>> -> memref<1x128xi32, #tpu.memory_space<vmem>>
      %dma_start3A_182 = tpu.memref_squeeze %dma_start3A_181 : memref<1x128xi32, #tpu.memory_space<vmem>> -> memref<128xi32, #tpu.memory_space<vmem>>
      %dma_start3A_183 = arith.constant 0 : i32
      %dma_start3A_184 = arith.constant 0 : i32
      %dma_start3A_185 = tpu.memref_slice %arg2[%dma_start3A_183, %dma_start3A_184] : memref<20000x128xf32, #tpu.memory_space<hbm>> -> memref<20000x128xf32, #tpu.memory_space<hbm>>
      tpu.enqueue_indirect_dma source(%dma_start3A_185 : memref<20000x128xf32, #tpu.memory_space<hbm>>) target(%arg8 : memref<128x128xf32, #tpu.memory_space<vmem>>) offsets(%dma_start3A_182 : memref<128xi32, #tpu.memory_space<vmem>>) semaphore(%arg11 : memref<!tpu.dma_semaphore, #tpu.memory_space<semaphore_mem>>)
      %dma_wait3A_186 = arith.constant 5 : i32
      %dma_wait3A_187 = arith.constant 0 : i32
      %dma_wait3A_188 = tpu.memref_slice %arg6[%dma_wait3A_186, %dma_wait3A_187] : memref<8x128xi32, #tpu.memory_space<vmem>> -> memref<1x128xi32, #tpu.memory_space<vmem>>
      %dma_wait3A_189 = tpu.memref_squeeze %dma_wait3A_188 : memref<1x128xi32, #tpu.memory_space<vmem>> -> memref<128xi32, #tpu.memory_space<vmem>>
      %dma_wait3A_190 = arith.constant 0 : i32
      %dma_wait3A_191 = arith.constant 0 : i32
      %dma_wait3A_192 = tpu.memref_slice %arg2[%dma_wait3A_190, %dma_wait3A_191] : memref<20000x128xf32, #tpu.memory_space<hbm>> -> memref<20000x128xf32, #tpu.memory_space<hbm>>
      tpu.wait_indirect_dma semaphore(%arg12 : memref<!tpu.dma_semaphore, #tpu.memory_space<semaphore_mem>>) src(%dma_wait3A_192 : memref<20000x128xf32, #tpu.memory_space<hbm>>) dst(%arg9 : memref<128x128xf32, #tpu.memory_space<vmem>>)
      %dma_start3A_193 = arith.constant 5 : i32
      %dma_start3A_194 = arith.constant 0 : i32
      %dma_start3A_195 = tpu.memref_slice %arg7[%dma_start3A_193, %dma_start3A_194] : memref<8x128xi32, #tpu.memory_space<vmem>> -> memref<1x128xi32, #tpu.memory_space<vmem>>
      %dma_start3A_196 = tpu.memref_squeeze %dma_start3A_195 : memref<1x128xi32, #tpu.memory_space<vmem>> -> memref<128xi32, #tpu.memory_space<vmem>>
      %dma_start3A_197 = arith.constant 0 : i32
      %dma_start3A_198 = arith.constant 0 : i32
      %dma_start3A_199 = tpu.memref_slice %arg10[%dma_start3A_197, %dma_start3A_198] : memref<10112x128xf32, #tpu.memory_space<vmem_shared>> -> memref<10112x128xf32, #tpu.memory_space<vmem_shared>>
      tpu.enqueue_indirect_dma source(%arg9 : memref<128x128xf32, #tpu.memory_space<vmem>>) target(%dma_start3A_199 : memref<10112x128xf32, #tpu.memory_space<vmem_shared>>) offsets(%dma_start3A_196 : memref<128xi32, #tpu.memory_space<vmem>>) semaphore(%arg14 : memref<!tpu.dma_semaphore, #tpu.memory_space<semaphore_mem>>) {add = true}
      %dma_wait3A_200 = arith.constant 5 : i32
      %dma_wait3A_201 = arith.constant 0 : i32
      %dma_wait3A_202 = tpu.memref_slice %arg7[%dma_wait3A_200, %dma_wait3A_201] : memref<8x128xi32, #tpu.memory_space<vmem>> -> memref<1x128xi32, #tpu.memory_space<vmem>>
      %dma_wait3A_203 = tpu.memref_squeeze %dma_wait3A_202 : memref<1x128xi32, #tpu.memory_space<vmem>> -> memref<128xi32, #tpu.memory_space<vmem>>
      %dma_wait3A_204 = arith.constant 0 : i32
      %dma_wait3A_205 = arith.constant 0 : i32
      %dma_wait3A_206 = tpu.memref_slice %arg10[%dma_wait3A_204, %dma_wait3A_205] : memref<10112x128xf32, #tpu.memory_space<vmem_shared>> -> memref<10112x128xf32, #tpu.memory_space<vmem_shared>>
      tpu.wait_indirect_dma semaphore(%arg14 : memref<!tpu.dma_semaphore, #tpu.memory_space<semaphore_mem>>) src(%arg9 : memref<128x128xf32, #tpu.memory_space<vmem>>) dst(%dma_wait3A_206 : memref<10112x128xf32, #tpu.memory_space<vmem_shared>>)
      %dma_start3A_207 = arith.constant 7 : i32
      %dma_start3A_208 = arith.constant 0 : i32
      %dma_start3A_209 = tpu.memref_slice %arg6[%dma_start3A_207, %dma_start3A_208] : memref<8x128xi32, #tpu.memory_space<vmem>> -> memref<1x128xi32, #tpu.memory_space<vmem>>
      %dma_start3A_210 = tpu.memref_squeeze %dma_start3A_209 : memref<1x128xi32, #tpu.memory_space<vmem>> -> memref<128xi32, #tpu.memory_space<vmem>>
      %dma_start3A_211 = arith.constant 0 : i32
      %dma_start3A_212 = arith.constant 0 : i32
      %dma_start3A_213 = tpu.memref_slice %arg2[%dma_start3A_211, %dma_start3A_212] : memref<20000x128xf32, #tpu.memory_space<hbm>> -> memref<20000x128xf32, #tpu.memory_space<hbm>>
      tpu.enqueue_indirect_dma source(%dma_start3A_213 : memref<20000x128xf32, #tpu.memory_space<hbm>>) target(%arg9 : memref<128x128xf32, #tpu.memory_space<vmem>>) offsets(%dma_start3A_210 : memref<128xi32, #tpu.memory_space<vmem>>) semaphore(%arg12 : memref<!tpu.dma_semaphore, #tpu.memory_space<semaphore_mem>>)
      %dma_wait3A_214 = arith.constant 6 : i32
      %dma_wait3A_215 = arith.constant 0 : i32
      %dma_wait3A_216 = tpu.memref_slice %arg6[%dma_wait3A_214, %dma_wait3A_215] : memref<8x128xi32, #tpu.memory_space<vmem>> -> memref<1x128xi32, #tpu.memory_space<vmem>>
      %dma_wait3A_217 = tpu.memref_squeeze %dma_wait3A_216 : memref<1x128xi32, #tpu.memory_space<vmem>> -> memref<128xi32, #tpu.memory_space<vmem>>
      %dma_wait3A_218 = arith.constant 0 : i32
      %dma_wait3A_219 = arith.constant 0 : i32
      %dma_wait3A_220 = tpu.memref_slice %arg2[%dma_wait3A_218, %dma_wait3A_219] : memref<20000x128xf32, #tpu.memory_space<hbm>> -> memref<20000x128xf32, #tpu.memory_space<hbm>>
      tpu.wait_indirect_dma semaphore(%arg11 : memref<!tpu.dma_semaphore, #tpu.memory_space<semaphore_mem>>) src(%dma_wait3A_220 : memref<20000x128xf32, #tpu.memory_space<hbm>>) dst(%arg8 : memref<128x128xf32, #tpu.memory_space<vmem>>)
      %dma_start3A_221 = arith.constant 6 : i32
      %dma_start3A_222 = arith.constant 0 : i32
      %dma_start3A_223 = tpu.memref_slice %arg7[%dma_start3A_221, %dma_start3A_222] : memref<8x128xi32, #tpu.memory_space<vmem>> -> memref<1x128xi32, #tpu.memory_space<vmem>>
      %dma_start3A_224 = tpu.memref_squeeze %dma_start3A_223 : memref<1x128xi32, #tpu.memory_space<vmem>> -> memref<128xi32, #tpu.memory_space<vmem>>
      %dma_start3A_225 = arith.constant 0 : i32
      %dma_start3A_226 = arith.constant 0 : i32
      %dma_start3A_227 = tpu.memref_slice %arg10[%dma_start3A_225, %dma_start3A_226] : memref<10112x128xf32, #tpu.memory_space<vmem_shared>> -> memref<10112x128xf32, #tpu.memory_space<vmem_shared>>
      tpu.enqueue_indirect_dma source(%arg8 : memref<128x128xf32, #tpu.memory_space<vmem>>) target(%dma_start3A_227 : memref<10112x128xf32, #tpu.memory_space<vmem_shared>>) offsets(%dma_start3A_224 : memref<128xi32, #tpu.memory_space<vmem>>) semaphore(%arg13 : memref<!tpu.dma_semaphore, #tpu.memory_space<semaphore_mem>>) {add = true}
      %dma_wait3A_228 = arith.constant 7 : i32
      %dma_wait3A_229 = arith.constant 0 : i32
      %dma_wait3A_230 = tpu.memref_slice %arg6[%dma_wait3A_228, %dma_wait3A_229] : memref<8x128xi32, #tpu.memory_space<vmem>> -> memref<1x128xi32, #tpu.memory_space<vmem>>
      %dma_wait3A_231 = tpu.memref_squeeze %dma_wait3A_230 : memref<1x128xi32, #tpu.memory_space<vmem>> -> memref<128xi32, #tpu.memory_space<vmem>>
      %dma_wait3A_232 = arith.constant 0 : i32
      %dma_wait3A_233 = arith.constant 0 : i32
      %dma_wait3A_234 = tpu.memref_slice %arg2[%dma_wait3A_232, %dma_wait3A_233] : memref<20000x128xf32, #tpu.memory_space<hbm>> -> memref<20000x128xf32, #tpu.memory_space<hbm>>
      tpu.wait_indirect_dma semaphore(%arg12 : memref<!tpu.dma_semaphore, #tpu.memory_space<semaphore_mem>>) src(%dma_wait3A_234 : memref<20000x128xf32, #tpu.memory_space<hbm>>) dst(%arg9 : memref<128x128xf32, #tpu.memory_space<vmem>>)
      %dma_start3A_235 = arith.constant 7 : i32
      %dma_start3A_236 = arith.constant 0 : i32
      %dma_start3A_237 = tpu.memref_slice %arg7[%dma_start3A_235, %dma_start3A_236] : memref<8x128xi32, #tpu.memory_space<vmem>> -> memref<1x128xi32, #tpu.memory_space<vmem>>
      %dma_start3A_238 = tpu.memref_squeeze %dma_start3A_237 : memref<1x128xi32, #tpu.memory_space<vmem>> -> memref<128xi32, #tpu.memory_space<vmem>>
      %dma_start3A_239 = arith.constant 0 : i32
      %dma_start3A_240 = arith.constant 0 : i32
      %dma_start3A_241 = tpu.memref_slice %arg10[%dma_start3A_239, %dma_start3A_240] : memref<10112x128xf32, #tpu.memory_space<vmem_shared>> -> memref<10112x128xf32, #tpu.memory_space<vmem_shared>>
      tpu.enqueue_indirect_dma source(%arg9 : memref<128x128xf32, #tpu.memory_space<vmem>>) target(%dma_start3A_241 : memref<10112x128xf32, #tpu.memory_space<vmem_shared>>) offsets(%dma_start3A_238 : memref<128xi32, #tpu.memory_space<vmem>>) semaphore(%arg14 : memref<!tpu.dma_semaphore, #tpu.memory_space<semaphore_mem>>) {add = true}
      %dma_wait3A_242 = arith.constant 6 : i32
      %dma_wait3A_243 = arith.constant 0 : i32
      %dma_wait3A_244 = tpu.memref_slice %arg7[%dma_wait3A_242, %dma_wait3A_243] : memref<8x128xi32, #tpu.memory_space<vmem>> -> memref<1x128xi32, #tpu.memory_space<vmem>>
      %dma_wait3A_245 = tpu.memref_squeeze %dma_wait3A_244 : memref<1x128xi32, #tpu.memory_space<vmem>> -> memref<128xi32, #tpu.memory_space<vmem>>
      %dma_wait3A_246 = arith.constant 0 : i32
      %dma_wait3A_247 = arith.constant 0 : i32
      %dma_wait3A_248 = tpu.memref_slice %arg10[%dma_wait3A_246, %dma_wait3A_247] : memref<10112x128xf32, #tpu.memory_space<vmem_shared>> -> memref<10112x128xf32, #tpu.memory_space<vmem_shared>>
      tpu.wait_indirect_dma semaphore(%arg13 : memref<!tpu.dma_semaphore, #tpu.memory_space<semaphore_mem>>) src(%arg8 : memref<128x128xf32, #tpu.memory_space<vmem>>) dst(%dma_wait3A_248 : memref<10112x128xf32, #tpu.memory_space<vmem_shared>>)
      %dma_wait3A_249 = arith.constant 7 : i32
      %dma_wait3A_250 = arith.constant 0 : i32
      %dma_wait3A_251 = tpu.memref_slice %arg7[%dma_wait3A_249, %dma_wait3A_250] : memref<8x128xi32, #tpu.memory_space<vmem>> -> memref<1x128xi32, #tpu.memory_space<vmem>>
      %dma_wait3A_252 = tpu.memref_squeeze %dma_wait3A_251 : memref<1x128xi32, #tpu.memory_space<vmem>> -> memref<128xi32, #tpu.memory_space<vmem>>
      %dma_wait3A_253 = arith.constant 0 : i32
      %dma_wait3A_254 = arith.constant 0 : i32
      %dma_wait3A_255 = tpu.memref_slice %arg10[%dma_wait3A_253, %dma_wait3A_254] : memref<10112x128xf32, #tpu.memory_space<vmem_shared>> -> memref<10112x128xf32, #tpu.memory_space<vmem_shared>>
      tpu.wait_indirect_dma semaphore(%arg14 : memref<!tpu.dma_semaphore, #tpu.memory_space<semaphore_mem>>) src(%arg9 : memref<128x128xf32, #tpu.memory_space<vmem>>) dst(%dma_wait3A_255 : memref<10112x128xf32, #tpu.memory_space<vmem_shared>>)
    }
    %scan3A_23 = arith.constant 20 : i32
    %barrier3A_24 = arith.constant 0 : index
    tpu.barrier barrier_id(%barrier3A_24)
    %mul3A_25 = arith.constant 10112 : i32
    %mul3A_26 = arith.muli %arg0, %mul3A_25 : i32
    %add3A_27 = arith.addi %mul3A_26, %mul3A_7 : i32
    "tpu.region"() ({
      %run_scoped3A = tpu.sem_alloc : memref<!tpu.dma_semaphore, #tpu.memory_space<semaphore_mem>>
      %dma_start3A = arith.constant 0 : i32
      %dma_start3A_28 = tpu.memref_slice %arg5[%add3A_27, %dma_start3A] : memref<20224x128xf32, #tpu.memory_space<hbm>> -> memref<632x128xf32, #tpu.memory_space<hbm>>
      %dma_start3A_29 = arith.constant 0 : i32
      %dma_start3A_30 = tpu.memref_slice %arg10[%mul3A_7, %dma_start3A_29] : memref<10112x128xf32, #tpu.memory_space<vmem_shared>> -> memref<632x128xf32, #tpu.memory_space<vmem_shared>>
      tpu.enqueue_dma source(%dma_start3A_30 : memref<632x128xf32, #tpu.memory_space<vmem_shared>>) target(%dma_start3A_28 : memref<632x128xf32, #tpu.memory_space<hbm>>) target_semaphore(%run_scoped3A : memref<!tpu.dma_semaphore, #tpu.memory_space<semaphore_mem>>)
      %dma_wait3A = arith.constant 0 : i32
      %dma_wait3A_31 = tpu.memref_slice %arg5[%add3A_27, %dma_wait3A] : memref<20224x128xf32, #tpu.memory_space<hbm>> -> memref<632x128xf32, #tpu.memory_space<hbm>>
      %dma_wait3A_32 = arith.constant 0 : i32
      %dma_wait3A_33 = tpu.memref_slice %arg10[%mul3A_7, %dma_wait3A_32] : memref<10112x128xf32, #tpu.memory_space<vmem_shared>> -> memref<632x128xf32, #tpu.memory_space<vmem_shared>>
      tpu.wait_dma2 semaphore(%run_scoped3A : memref<!tpu.dma_semaphore, #tpu.memory_space<semaphore_mem>>) src(%dma_wait3A_33 : memref<632x128xf32, #tpu.memory_space<vmem_shared>>) dst(%dma_wait3A_31 : memref<632x128xf32, #tpu.memory_space<hbm>>)
      tpu.yield
    }) : () -> ()
    return
  }
}

#map = affine_map<(d0, d1) -> (0, 0)>
module attributes {stable_mosaic.version = 14 : i64} {
  func.func @_scatter2(%arg0: i32, %arg1: i32, %arg2: memref<20000x128xf32, #tpu.memory_space<hbm>>, %arg3: memref<5120x128xi32, #tpu.memory_space<hbm>>, %arg4: memref<5120x128xi32, #tpu.memory_space<hbm>>, %arg5: memref<20224x128xf32, #tpu.memory_space<hbm>>, %arg6: memref<8x128xi32, #tpu.memory_space<vmem>>, %arg7: memref<8x128xi32, #tpu.memory_space<vmem>>, %arg8: memref<128x128xf32, #tpu.memory_space<vmem>>, %arg9: memref<128x128xf32, #tpu.memory_space<vmem>>, %arg10: memref<10112x128xf32, #tpu.memory_space<vmem_shared>>, %arg11: memref<!tpu.dma_semaphore, #tpu.memory_space<semaphore_mem>>, %arg12: memref<!tpu.dma_semaphore, #tpu.memory_space<semaphore_mem>>, %arg13: memref<!tpu.dma_semaphore, #tpu.memory_space<semaphore_mem>>, %arg14: memref<!tpu.dma_semaphore, #tpu.memory_space<semaphore_mem>>) attributes {dimension_semantics = [#tpu.dimension_semantics<core_parallel>, #tpu.dimension_semantics<subcore_parallel>], iteration_bounds = array<i64: 2, 16>, scalar_prefetch = 0 : i64, scratch_operands = 9 : i64, tpu.core_type = #tpu.core_type<sc_vector_subcore>, window_params = [{transform_indices = #map}, {transform_indices = #map}, {transform_indices = #map}, {transform_indices = #map}]} {
    %mul3A = arith.constant 16 : i32
    %mul3A_0 = arith.muli %arg0, %mul3A : i32
    %add3A = arith.addi %mul3A_0, %arg1 : i32
    %scan3A = arith.constant 0 : i32
    %scan3A_1 = arith.constant 0 : i32
    %scan3A_2 = arith.constant 128 : i32
    %scan3A_3 = arith.addi %scan3A_1, %scan3A_2 : i32
    %scan3A_4 = arith.constant 1 : i32
    scf.for %scan3A_28 = %scan3A_1 to %scan3A_3 step %scan3A_4  : i32 {
      %broadcast_in_dim3A = arith.constant 0.000000e+00 : f32
      %broadcast_in_dim3A_29 = vector.broadcast %broadcast_in_dim3A : f32 to vector<16xf32>
      %swap3A = arith.index_cast %scan3A_28 : i32 to index
      %swap3A_30 = arith.constant 0 : index
      %swap3A_31 = tpu.vector_load %arg8[%swap3A, %swap3A_30] {strides = array<i32>} : memref<128x128xf32, #tpu.memory_space<vmem>>, vector<1x16xf32>,
      %swap3A_32 = vector.shape_cast %swap3A_31 : vector<1x16xf32> to vector<16xf32>
      %swap3A_33 = vector.shape_cast %broadcast_in_dim3A_29 : vector<16xf32> to vector<1x16xf32>
      tpu.vector_store %arg8[%swap3A, %swap3A_30], %swap3A_33 {strides = array<i32>} : memref<128x128xf32, #tpu.memory_space<vmem>>, vector<1x16xf32>,
      %broadcast_in_dim3A_34 = arith.constant 0.000000e+00 : f32
      %broadcast_in_dim3A_35 = vector.broadcast %broadcast_in_dim3A_34 : f32 to vector<16xf32>
      %swap3A_36 = arith.index_cast %scan3A_28 : i32 to index
      %swap3A_37 = arith.constant 16 : index
      %swap3A_38 = tpu.vector_load %arg8[%swap3A_36, %swap3A_37] {strides = array<i32>} : memref<128x128xf32, #tpu.memory_space<vmem>>, vector<1x16xf32>,
      %swap3A_39 = vector.shape_cast %swap3A_38 : vector<1x16xf32> to vector<16xf32>
      %swap3A_40 = vector.shape_cast %broadcast_in_dim3A_35 : vector<16xf32> to vector<1x16xf32>
      tpu.vector_store %arg8[%swap3A_36, %swap3A_37], %swap3A_40 {strides = array<i32>} : memref<128x128xf32, #tpu.memory_space<vmem>>, vector<1x16xf32>,
      %broadcast_in_dim3A_41 = arith.constant 0.000000e+00 : f32
      %broadcast_in_dim3A_42 = vector.broadcast %broadcast_in_dim3A_41 : f32 to vector<16xf32>
      %swap3A_43 = arith.index_cast %scan3A_28 : i32 to index
      %swap3A_44 = arith.constant 32 : index
      %swap3A_45 = tpu.vector_load %arg8[%swap3A_43, %swap3A_44] {strides = array<i32>} : memref<128x128xf32, #tpu.memory_space<vmem>>, vector<1x16xf32>,
      %swap3A_46 = vector.shape_cast %swap3A_45 : vector<1x16xf32> to vector<16xf32>
      %swap3A_47 = vector.shape_cast %broadcast_in_dim3A_42 : vector<16xf32> to vector<1x16xf32>
      tpu.vector_store %arg8[%swap3A_43, %swap3A_44], %swap3A_47 {strides = array<i32>} : memref<128x128xf32, #tpu.memory_space<vmem>>, vector<1x16xf32>,
      %broadcast_in_dim3A_48 = arith.constant 0.000000e+00 : f32
      %broadcast_in_dim3A_49 = vector.broadcast %broadcast_in_dim3A_48 : f32 to vector<16xf32>
      %swap3A_50 = arith.index_cast %scan3A_28 : i32 to index
      %swap3A_51 = arith.constant 48 : index
      %swap3A_52 = tpu.vector_load %arg8[%swap3A_50, %swap3A_51] {strides = array<i32>} : memref<128x128xf32, #tpu.memory_space<vmem>>, vector<1x16xf32>,
      %swap3A_53 = vector.shape_cast %swap3A_52 : vector<1x16xf32> to vector<16xf32>
      %swap3A_54 = vector.shape_cast %broadcast_in_dim3A_49 : vector<16xf32> to vector<1x16xf32>
      tpu.vector_store %arg8[%swap3A_50, %swap3A_51], %swap3A_54 {strides = array<i32>} : memref<128x128xf32, #tpu.memory_space<vmem>>, vector<1x16xf32>,
      %broadcast_in_dim3A_55 = arith.constant 0.000000e+00 : f32
      %broadcast_in_dim3A_56 = vector.broadcast %broadcast_in_dim3A_55 : f32 to vector<16xf32>
      %swap3A_57 = arith.index_cast %scan3A_28 : i32 to index
      %swap3A_58 = arith.constant 64 : index
      %swap3A_59 = tpu.vector_load %arg8[%swap3A_57, %swap3A_58] {strides = array<i32>} : memref<128x128xf32, #tpu.memory_space<vmem>>, vector<1x16xf32>,
      %swap3A_60 = vector.shape_cast %swap3A_59 : vector<1x16xf32> to vector<16xf32>
      %swap3A_61 = vector.shape_cast %broadcast_in_dim3A_56 : vector<16xf32> to vector<1x16xf32>
      tpu.vector_store %arg8[%swap3A_57, %swap3A_58], %swap3A_61 {strides = array<i32>} : memref<128x128xf32, #tpu.memory_space<vmem>>, vector<1x16xf32>,
      %broadcast_in_dim3A_62 = arith.constant 0.000000e+00 : f32
      %broadcast_in_dim3A_63 = vector.broadcast %broadcast_in_dim3A_62 : f32 to vector<16xf32>
      %swap3A_64 = arith.index_cast %scan3A_28 : i32 to index
      %swap3A_65 = arith.constant 80 : index
      %swap3A_66 = tpu.vector_load %arg8[%swap3A_64, %swap3A_65] {strides = array<i32>} : memref<128x128xf32, #tpu.memory_space<vmem>>, vector<1x16xf32>,
      %swap3A_67 = vector.shape_cast %swap3A_66 : vector<1x16xf32> to vector<16xf32>
      %swap3A_68 = vector.shape_cast %broadcast_in_dim3A_63 : vector<16xf32> to vector<1x16xf32>
      tpu.vector_store %arg8[%swap3A_64, %swap3A_65], %swap3A_68 {strides = array<i32>} : memref<128x128xf32, #tpu.memory_space<vmem>>, vector<1x16xf32>,
      %broadcast_in_dim3A_69 = arith.constant 0.000000e+00 : f32
      %broadcast_in_dim3A_70 = vector.broadcast %broadcast_in_dim3A_69 : f32 to vector<16xf32>
      %swap3A_71 = arith.index_cast %scan3A_28 : i32 to index
      %swap3A_72 = arith.constant 96 : index
      %swap3A_73 = tpu.vector_load %arg8[%swap3A_71, %swap3A_72] {strides = array<i32>} : memref<128x128xf32, #tpu.memory_space<vmem>>, vector<1x16xf32>,
      %swap3A_74 = vector.shape_cast %swap3A_73 : vector<1x16xf32> to vector<16xf32>
      %swap3A_75 = vector.shape_cast %broadcast_in_dim3A_70 : vector<16xf32> to vector<1x16xf32>
      tpu.vector_store %arg8[%swap3A_71, %swap3A_72], %swap3A_75 {strides = array<i32>} : memref<128x128xf32, #tpu.memory_space<vmem>>, vector<1x16xf32>,
      %broadcast_in_dim3A_76 = arith.constant 0.000000e+00 : f32
      %broadcast_in_dim3A_77 = vector.broadcast %broadcast_in_dim3A_76 : f32 to vector<16xf32>
      %swap3A_78 = arith.index_cast %scan3A_28 : i32 to index
      %swap3A_79 = arith.constant 112 : index
      %swap3A_80 = tpu.vector_load %arg8[%swap3A_78, %swap3A_79] {strides = array<i32>} : memref<128x128xf32, #tpu.memory_space<vmem>>, vector<1x16xf32>,
      %swap3A_81 = vector.shape_cast %swap3A_80 : vector<1x16xf32> to vector<16xf32>
      %swap3A_82 = vector.shape_cast %broadcast_in_dim3A_77 : vector<16xf32> to vector<1x16xf32>
      tpu.vector_store %arg8[%swap3A_78, %swap3A_79], %swap3A_82 {strides = array<i32>} : memref<128x128xf32, #tpu.memory_space<vmem>>, vector<1x16xf32>,
    }
    %scan3A_5 = arith.constant 128 : i32
    %mul3A_6 = arith.constant 632 : i32
    %mul3A_7 = arith.muli %arg1, %mul3A_6 : i32
    %add3A_8 = arith.constant 0 : i32
    %add3A_9 = arith.addi %mul3A_7, %add3A_8 : i32
    "tpu.region"() ({
      %run_scoped3A = tpu.sem_alloc : memref<!tpu.dma_semaphore, #tpu.memory_space<semaphore_mem>>
      %dma_start3A = arith.constant 0 : i32
      %dma_start3A_28 = tpu.memref_slice %arg10[%add3A_9, %dma_start3A] : memref<10112x128xf32, #tpu.memory_space<vmem_shared>> -> memref<128x128xf32, #tpu.memory_space<vmem_shared>>
      %dma_start3A_29 = arith.constant 0 : i32
      %dma_start3A_30 = tpu.memref_slice %arg10[%add3A_9, %dma_start3A_29] : memref<10112x128xf32, #tpu.memory_space<vmem_shared>> -> memref<128x128xf32, #tpu.memory_space<vmem_shared>>
      tpu.enqueue_dma source(%arg8 : memref<128x128xf32, #tpu.memory_space<vmem>>) target(%dma_start3A_30 : memref<128x128xf32, #tpu.memory_space<vmem_shared>>) target_semaphore(%run_scoped3A : memref<!tpu.dma_semaphore, #tpu.memory_space<semaphore_mem>>)
      %dma_wait3A = arith.constant 0 : i32
      %dma_wait3A_31 = tpu.memref_slice %arg10[%add3A_9, %dma_wait3A] : memref<10112x128xf32, #tpu.memory_space<vmem_shared>> -> memref<128x128xf32, #tpu.memory_space<vmem_shared>>
      %dma_wait3A_32 = arith.constant 0 : i32
      %dma_wait3A_33 = tpu.memref_slice %arg10[%add3A_9, %dma_wait3A_32] : memref<10112x128xf32, #tpu.memory_space<vmem_shared>> -> memref<128x128xf32, #tpu.memory_space<vmem_shared>>
      tpu.wait_dma2 semaphore(%run_scoped3A : memref<!tpu.dma_semaphore, #tpu.memory_space<semaphore_mem>>) src(%arg8 : memref<128x128xf32, #tpu.memory_space<vmem>>) dst(%dma_wait3A_33 : memref<128x128xf32, #tpu.memory_space<vmem_shared>>)
      tpu.yield
    }) : () -> ()
    %add3A_10 = arith.constant 128 : i32
    %add3A_11 = arith.addi %mul3A_7, %add3A_10 : i32
    "tpu.region"() ({
      %run_scoped3A = tpu.sem_alloc : memref<!tpu.dma_semaphore, #tpu.memory_space<semaphore_mem>>
      %dma_start3A = arith.constant 0 : i32
      %dma_start3A_28 = tpu.memref_slice %arg10[%add3A_11, %dma_start3A] : memref<10112x128xf32, #tpu.memory_space<vmem_shared>> -> memref<128x128xf32, #tpu.memory_space<vmem_shared>>
      %dma_start3A_29 = arith.constant 0 : i32
      %dma_start3A_30 = tpu.memref_slice %arg10[%add3A_11, %dma_start3A_29] : memref<10112x128xf32, #tpu.memory_space<vmem_shared>> -> memref<128x128xf32, #tpu.memory_space<vmem_shared>>
      tpu.enqueue_dma source(%arg8 : memref<128x128xf32, #tpu.memory_space<vmem>>) target(%dma_start3A_30 : memref<128x128xf32, #tpu.memory_space<vmem_shared>>) target_semaphore(%run_scoped3A : memref<!tpu.dma_semaphore, #tpu.memory_space<semaphore_mem>>)
      %dma_wait3A = arith.constant 0 : i32
      %dma_wait3A_31 = tpu.memref_slice %arg10[%add3A_11, %dma_wait3A] : memref<10112x128xf32, #tpu.memory_space<vmem_shared>> -> memref<128x128xf32, #tpu.memory_space<vmem_shared>>
      %dma_wait3A_32 = arith.constant 0 : i32
      %dma_wait3A_33 = tpu.memref_slice %arg10[%add3A_11, %dma_wait3A_32] : memref<10112x128xf32, #tpu.memory_space<vmem_shared>> -> memref<128x128xf32, #tpu.memory_space<vmem_shared>>
      tpu.wait_dma2 semaphore(%run_scoped3A : memref<!tpu.dma_semaphore, #tpu.memory_space<semaphore_mem>>) src(%arg8 : memref<128x128xf32, #tpu.memory_space<vmem>>) dst(%dma_wait3A_33 : memref<128x128xf32, #tpu.memory_space<vmem_shared>>)
      tpu.yield
    }) : () -> ()
    %add3A_12 = arith.constant 256 : i32
    %add3A_13 = arith.addi %mul3A_7, %add3A_12 : i32
    "tpu.region"() ({
      %run_scoped3A = tpu.sem_alloc : memref<!tpu.dma_semaphore, #tpu.memory_space<semaphore_mem>>
      %dma_start3A = arith.constant 0 : i32
      %dma_start3A_28 = tpu.memref_slice %arg10[%add3A_13, %dma_start3A] : memref<10112x128xf32, #tpu.memory_space<vmem_shared>> -> memref<128x128xf32, #tpu.memory_space<vmem_shared>>
      %dma_start3A_29 = arith.constant 0 : i32
      %dma_start3A_30 = tpu.memref_slice %arg10[%add3A_13, %dma_start3A_29] : memref<10112x128xf32, #tpu.memory_space<vmem_shared>> -> memref<128x128xf32, #tpu.memory_space<vmem_shared>>
      tpu.enqueue_dma source(%arg8 : memref<128x128xf32, #tpu.memory_space<vmem>>) target(%dma_start3A_30 : memref<128x128xf32, #tpu.memory_space<vmem_shared>>) target_semaphore(%run_scoped3A : memref<!tpu.dma_semaphore, #tpu.memory_space<semaphore_mem>>)
      %dma_wait3A = arith.constant 0 : i32
      %dma_wait3A_31 = tpu.memref_slice %arg10[%add3A_13, %dma_wait3A] : memref<10112x128xf32, #tpu.memory_space<vmem_shared>> -> memref<128x128xf32, #tpu.memory_space<vmem_shared>>
      %dma_wait3A_32 = arith.constant 0 : i32
      %dma_wait3A_33 = tpu.memref_slice %arg10[%add3A_13, %dma_wait3A_32] : memref<10112x128xf32, #tpu.memory_space<vmem_shared>> -> memref<128x128xf32, #tpu.memory_space<vmem_shared>>
      tpu.wait_dma2 semaphore(%run_scoped3A : memref<!tpu.dma_semaphore, #tpu.memory_space<semaphore_mem>>) src(%arg8 : memref<128x128xf32, #tpu.memory_space<vmem>>) dst(%dma_wait3A_33 : memref<128x128xf32, #tpu.memory_space<vmem_shared>>)
      tpu.yield
    }) : () -> ()
    %add3A_14 = arith.constant 384 : i32
    %add3A_15 = arith.addi %mul3A_7, %add3A_14 : i32
    "tpu.region"() ({
      %run_scoped3A = tpu.sem_alloc : memref<!tpu.dma_semaphore, #tpu.memory_space<semaphore_mem>>
      %dma_start3A = arith.constant 0 : i32
      %dma_start3A_28 = tpu.memref_slice %arg10[%add3A_15, %dma_start3A] : memref<10112x128xf32, #tpu.memory_space<vmem_shared>> -> memref<128x128xf32, #tpu.memory_space<vmem_shared>>
      %dma_start3A_29 = arith.constant 0 : i32
      %dma_start3A_30 = tpu.memref_slice %arg10[%add3A_15, %dma_start3A_29] : memref<10112x128xf32, #tpu.memory_space<vmem_shared>> -> memref<128x128xf32, #tpu.memory_space<vmem_shared>>
      tpu.enqueue_dma source(%arg8 : memref<128x128xf32, #tpu.memory_space<vmem>>) target(%dma_start3A_30 : memref<128x128xf32, #tpu.memory_space<vmem_shared>>) target_semaphore(%run_scoped3A : memref<!tpu.dma_semaphore, #tpu.memory_space<semaphore_mem>>)
      %dma_wait3A = arith.constant 0 : i32
      %dma_wait3A_31 = tpu.memref_slice %arg10[%add3A_15, %dma_wait3A] : memref<10112x128xf32, #tpu.memory_space<vmem_shared>> -> memref<128x128xf32, #tpu.memory_space<vmem_shared>>
      %dma_wait3A_32 = arith.constant 0 : i32
      %dma_wait3A_33 = tpu.memref_slice %arg10[%add3A_15, %dma_wait3A_32] : memref<10112x128xf32, #tpu.memory_space<vmem_shared>> -> memref<128x128xf32, #tpu.memory_space<vmem_shared>>
      tpu.wait_dma2 semaphore(%run_scoped3A : memref<!tpu.dma_semaphore, #tpu.memory_space<semaphore_mem>>) src(%arg8 : memref<128x128xf32, #tpu.memory_space<vmem>>) dst(%dma_wait3A_33 : memref<128x128xf32, #tpu.memory_space<vmem_shared>>)
      tpu.yield
    }) : () -> ()
    %add3A_16 = arith.constant 512 : i32
    %add3A_17 = arith.addi %mul3A_7, %add3A_16 : i32
    "tpu.region"() ({
      %run_scoped3A = tpu.sem_alloc : memref<!tpu.dma_semaphore, #tpu.memory_space<semaphore_mem>>
      %dma_start3A = arith.constant 0 : i32
      %dma_start3A_28 = arith.constant 0 : i32
      %dma_start3A_29 = tpu.memref_slice %arg8[%dma_start3A, %dma_start3A_28] : memref<128x128xf32, #tpu.memory_space<vmem>> -> memref<120x128xf32, #tpu.memory_space<vmem>>
      %dma_start3A_30 = arith.constant 0 : i32
      %dma_start3A_31 = tpu.memref_slice %arg10[%add3A_17, %dma_start3A_30] : memref<10112x128xf32, #tpu.memory_space<vmem_shared>> -> memref<120x128xf32, #tpu.memory_space<vmem_shared>>
      %dma_start3A_32 = arith.constant 0 : i32
      %dma_start3A_33 = tpu.memref_slice %arg10[%add3A_17, %dma_start3A_32] : memref<10112x128xf32, #tpu.memory_space<vmem_shared>> -> memref<120x128xf32, #tpu.memory_space<vmem_shared>>
      %dma_start3A_34 = arith.constant 0 : i32
      %dma_start3A_35 = arith.constant 0 : i32
      %dma_start3A_36 = tpu.memref_slice %arg8[%dma_start3A_34, %dma_start3A_35] : memref<128x128xf32, #tpu.memory_space<vmem>> -> memref<120x128xf32, #tpu.memory_space<vmem>>
      tpu.enqueue_dma source(%dma_start3A_36 : memref<120x128xf32, #tpu.memory_space<vmem>>) target(%dma_start3A_33 : memref<120x128xf32, #tpu.memory_space<vmem_shared>>) target_semaphore(%run_scoped3A : memref<!tpu.dma_semaphore, #tpu.memory_space<semaphore_mem>>)
      %dma_wait3A = arith.constant 0 : i32
      %dma_wait3A_37 = arith.constant 0 : i32
      %dma_wait3A_38 = tpu.memref_slice %arg8[%dma_wait3A, %dma_wait3A_37] : memref<128x128xf32, #tpu.memory_space<vmem>> -> memref<120x128xf32, #tpu.memory_space<vmem>>
      %dma_wait3A_39 = arith.constant 0 : i32
      %dma_wait3A_40 = tpu.memref_slice %arg10[%add3A_17, %dma_wait3A_39] : memref<10112x128xf32, #tpu.memory_space<vmem_shared>> -> memref<120x128xf32, #tpu.memory_space<vmem_shared>>
      %dma_wait3A_41 = arith.constant 0 : i32
      %dma_wait3A_42 = tpu.memref_slice %arg10[%add3A_17, %dma_wait3A_41] : memref<10112x128xf32, #tpu.memory_space<vmem_shared>> -> memref<120x128xf32, #tpu.memory_space<vmem_shared>>
      %dma_wait3A_43 = arith.constant 0 : i32
      %dma_wait3A_44 = arith.constant 0 : i32
      %dma_wait3A_45 = tpu.memref_slice %arg8[%dma_wait3A_43, %dma_wait3A_44] : memref<128x128xf32, #tpu.memory_space<vmem>> -> memref<120x128xf32, #tpu.memory_space<vmem>>
      tpu.wait_dma2 semaphore(%run_scoped3A : memref<!tpu.dma_semaphore, #tpu.memory_space<semaphore_mem>>) src(%dma_wait3A_45 : memref<120x128xf32, #tpu.memory_space<vmem>>) dst(%dma_wait3A_42 : memref<120x128xf32, #tpu.memory_space<vmem_shared>>)
      tpu.yield
    }) : () -> ()
    %barrier3A = arith.constant 0 : index
    tpu.barrier barrier_id(%barrier3A)
    %scan3A_18 = arith.constant 0 : i32
    %scan3A_19 = arith.constant 0 : i32
    %scan3A_20 = arith.constant 20 : i32
    %scan3A_21 = arith.addi %scan3A_19, %scan3A_20 : i32
    %scan3A_22 = arith.constant 1 : i32
    scf.for %scan3A_28 = %scan3A_19 to %scan3A_21 step %scan3A_22  : i32 {
      %mul3A_29 = arith.constant 20 : i32
      %mul3A_30 = arith.muli %add3A, %mul3A_29 : i32
      %add3A_31 = arith.addi %mul3A_30, %scan3A_28 : i32
      %mul3A_32 = arith.constant 8 : i32
      %mul3A_33 = arith.muli %add3A_31, %mul3A_32 : i32
      "tpu.region"() ({
        %run_scoped3A = tpu.sem_alloc : memref<!tpu.dma_semaphore, #tpu.memory_space<semaphore_mem>>
        %dma_start3A_256 = arith.constant 0 : i32
        %dma_start3A_257 = tpu.memref_slice %arg3[%mul3A_33, %dma_start3A_256] : memref<5120x128xi32, #tpu.memory_space<hbm>> -> memref<8x128xi32, #tpu.memory_space<hbm>>
        %dma_start3A_258 = arith.constant 0 : i32
        %dma_start3A_259 = tpu.memref_slice %arg3[%mul3A_33, %dma_start3A_258] : memref<5120x128xi32, #tpu.memory_space<hbm>> -> memref<8x128xi32, #tpu.memory_space<hbm>>
        tpu.enqueue_dma source(%dma_start3A_259 : memref<8x128xi32, #tpu.memory_space<hbm>>) target(%arg6 : memref<8x128xi32, #tpu.memory_space<vmem>>) target_semaphore(%run_scoped3A : memref<!tpu.dma_semaphore, #tpu.memory_space<semaphore_mem>>)
        %dma_wait3A_260 = arith.constant 0 : i32
        %dma_wait3A_261 = tpu.memref_slice %arg3[%mul3A_33, %dma_wait3A_260] : memref<5120x128xi32, #tpu.memory_space<hbm>> -> memref<8x128xi32, #tpu.memory_space<hbm>>
        %dma_wait3A_262 = arith.constant 0 : i32
        %dma_wait3A_263 = tpu.memref_slice %arg3[%mul3A_33, %dma_wait3A_262] : memref<5120x128xi32, #tpu.memory_space<hbm>> -> memref<8x128xi32, #tpu.memory_space<hbm>>
        tpu.wait_dma2 semaphore(%run_scoped3A : memref<!tpu.dma_semaphore, #tpu.memory_space<semaphore_mem>>) src(%dma_wait3A_263 : memref<8x128xi32, #tpu.memory_space<hbm>>) dst(%arg6 : memref<8x128xi32, #tpu.memory_space<vmem>>)
        tpu.yield
      }) : () -> ()
      "tpu.region"() ({
        %run_scoped3A = tpu.sem_alloc : memref<!tpu.dma_semaphore, #tpu.memory_space<semaphore_mem>>
        %dma_start3A_256 = arith.constant 0 : i32
        %dma_start3A_257 = tpu.memref_slice %arg4[%mul3A_33, %dma_start3A_256] : memref<5120x128xi32, #tpu.memory_space<hbm>> -> memref<8x128xi32, #tpu.memory_space<hbm>>
        %dma_start3A_258 = arith.constant 0 : i32
        %dma_start3A_259 = tpu.memref_slice %arg4[%mul3A_33, %dma_start3A_258] : memref<5120x128xi32, #tpu.memory_space<hbm>> -> memref<8x128xi32, #tpu.memory_space<hbm>>
        tpu.enqueue_dma source(%dma_start3A_259 : memref<8x128xi32, #tpu.memory_space<hbm>>) target(%arg7 : memref<8x128xi32, #tpu.memory_space<vmem>>) target_semaphore(%run_scoped3A : memref<!tpu.dma_semaphore, #tpu.memory_space<semaphore_mem>>)
        %dma_wait3A_260 = arith.constant 0 : i32
        %dma_wait3A_261 = tpu.memref_slice %arg4[%mul3A_33, %dma_wait3A_260] : memref<5120x128xi32, #tpu.memory_space<hbm>> -> memref<8x128xi32, #tpu.memory_space<hbm>>
        %dma_wait3A_262 = arith.constant 0 : i32
        %dma_wait3A_263 = tpu.memref_slice %arg4[%mul3A_33, %dma_wait3A_262] : memref<5120x128xi32, #tpu.memory_space<hbm>> -> memref<8x128xi32, #tpu.memory_space<hbm>>
        tpu.wait_dma2 semaphore(%run_scoped3A : memref<!tpu.dma_semaphore, #tpu.memory_space<semaphore_mem>>) src(%dma_wait3A_263 : memref<8x128xi32, #tpu.memory_space<hbm>>) dst(%arg7 : memref<8x128xi32, #tpu.memory_space<vmem>>)
        tpu.yield
      }) : () -> ()
      %dma_start3A = arith.constant 0 : i32
      %dma_start3A_34 = arith.constant 0 : i32
      %dma_start3A_35 = tpu.memref_slice %arg6[%dma_start3A, %dma_start3A_34] : memref<8x128xi32, #tpu.memory_space<vmem>> -> memref<1x128xi32, #tpu.memory_space<vmem>>
      %dma_start3A_36 = tpu.memref_squeeze %dma_start3A_35 : memref<1x128xi32, #tpu.memory_space<vmem>> -> memref<128xi32, #tpu.memory_space<vmem>>
      %dma_start3A_37 = arith.constant 0 : i32
      %dma_start3A_38 = arith.constant 0 : i32
      %dma_start3A_39 = tpu.memref_slice %arg2[%dma_start3A_37, %dma_start3A_38] : memref<20000x128xf32, #tpu.memory_space<hbm>> -> memref<20000x128xf32, #tpu.memory_space<hbm>>
      tpu.enqueue_indirect_dma source(%dma_start3A_39 : memref<20000x128xf32, #tpu.memory_space<hbm>>) target(%arg8 : memref<128x128xf32, #tpu.memory_space<vmem>>) offsets(%dma_start3A_36 : memref<128xi32, #tpu.memory_space<vmem>>) semaphore(%arg11 : memref<!tpu.dma_semaphore, #tpu.memory_space<semaphore_mem>>)
      %dma_start3A_40 = arith.constant 1 : i32
      %dma_start3A_41 = arith.constant 0 : i32
      %dma_start3A_42 = tpu.memref_slice %arg6[%dma_start3A_40, %dma_start3A_41] : memref<8x128xi32, #tpu.memory_space<vmem>> -> memref<1x128xi32, #tpu.memory_space<vmem>>
      %dma_start3A_43 = tpu.memref_squeeze %dma_start3A_42 : memref<1x128xi32, #tpu.memory_space<vmem>> -> memref<128xi32, #tpu.memory_space<vmem>>
      %dma_start3A_44 = arith.constant 0 : i32
      %dma_start3A_45 = arith.constant 0 : i32
      %dma_start3A_46 = tpu.memref_slice %arg2[%dma_start3A_44, %dma_start3A_45] : memref<20000x128xf32, #tpu.memory_space<hbm>> -> memref<20000x128xf32, #tpu.memory_space<hbm>>
      tpu.enqueue_indirect_dma source(%dma_start3A_46 : memref<20000x128xf32, #tpu.memory_space<hbm>>) target(%arg9 : memref<128x128xf32, #tpu.memory_space<vmem>>) offsets(%dma_start3A_43 : memref<128xi32, #tpu.memory_space<vmem>>) semaphore(%arg12 : memref<!tpu.dma_semaphore, #tpu.memory_space<semaphore_mem>>)
      %dma_wait3A = arith.constant 0 : i32
      %dma_wait3A_47 = arith.constant 0 : i32
      %dma_wait3A_48 = tpu.memref_slice %arg6[%dma_wait3A, %dma_wait3A_47] : memref<8x128xi32, #tpu.memory_space<vmem>> -> memref<1x128xi32, #tpu.memory_space<vmem>>
      %dma_wait3A_49 = tpu.memref_squeeze %dma_wait3A_48 : memref<1x128xi32, #tpu.memory_space<vmem>> -> memref<128xi32, #tpu.memory_space<vmem>>
      %dma_wait3A_50 = arith.constant 0 : i32
      %dma_wait3A_51 = arith.constant 0 : i32
      %dma_wait3A_52 = tpu.memref_slice %arg2[%dma_wait3A_50, %dma_wait3A_51] : memref<20000x128xf32, #tpu.memory_space<hbm>> -> memref<20000x128xf32, #tpu.memory_space<hbm>>
      tpu.wait_indirect_dma semaphore(%arg11 : memref<!tpu.dma_semaphore, #tpu.memory_space<semaphore_mem>>) src(%dma_wait3A_52 : memref<20000x128xf32, #tpu.memory_space<hbm>>) dst(%arg8 : memref<128x128xf32, #tpu.memory_space<vmem>>)
      %dma_start3A_53 = arith.constant 0 : i32
      %dma_start3A_54 = arith.constant 0 : i32
      %dma_start3A_55 = tpu.memref_slice %arg7[%dma_start3A_53, %dma_start3A_54] : memref<8x128xi32, #tpu.memory_space<vmem>> -> memref<1x128xi32, #tpu.memory_space<vmem>>
      %dma_start3A_56 = tpu.memref_squeeze %dma_start3A_55 : memref<1x128xi32, #tpu.memory_space<vmem>> -> memref<128xi32, #tpu.memory_space<vmem>>
      %dma_start3A_57 = arith.constant 0 : i32
      %dma_start3A_58 = arith.constant 0 : i32
      %dma_start3A_59 = tpu.memref_slice %arg10[%dma_start3A_57, %dma_start3A_58] : memref<10112x128xf32, #tpu.memory_space<vmem_shared>> -> memref<10112x128xf32, #tpu.memory_space<vmem_shared>>
      tpu.enqueue_indirect_dma source(%arg8 : memref<128x128xf32, #tpu.memory_space<vmem>>) target(%dma_start3A_59 : memref<10112x128xf32, #tpu.memory_space<vmem_shared>>) offsets(%dma_start3A_56 : memref<128xi32, #tpu.memory_space<vmem>>) semaphore(%arg13 : memref<!tpu.dma_semaphore, #tpu.memory_space<semaphore_mem>>) {add = true}
      %dma_wait3A_60 = arith.constant 0 : i32
      %dma_wait3A_61 = arith.constant 0 : i32
      %dma_wait3A_62 = tpu.memref_slice %arg7[%dma_wait3A_60, %dma_wait3A_61] : memref<8x128xi32, #tpu.memory_space<vmem>> -> memref<1x128xi32, #tpu.memory_space<vmem>>
      %dma_wait3A_63 = tpu.memref_squeeze %dma_wait3A_62 : memref<1x128xi32, #tpu.memory_space<vmem>> -> memref<128xi32, #tpu.memory_space<vmem>>
      %dma_wait3A_64 = arith.constant 0 : i32
      %dma_wait3A_65 = arith.constant 0 : i32
      %dma_wait3A_66 = tpu.memref_slice %arg10[%dma_wait3A_64, %dma_wait3A_65] : memref<10112x128xf32, #tpu.memory_space<vmem_shared>> -> memref<10112x128xf32, #tpu.memory_space<vmem_shared>>
      tpu.wait_indirect_dma semaphore(%arg13 : memref<!tpu.dma_semaphore, #tpu.memory_space<semaphore_mem>>) src(%arg8 : memref<128x128xf32, #tpu.memory_space<vmem>>) dst(%dma_wait3A_66 : memref<10112x128xf32, #tpu.memory_space<vmem_shared>>)
      %dma_start3A_67 = arith.constant 2 : i32
      %dma_start3A_68 = arith.constant 0 : i32
      %dma_start3A_69 = tpu.memref_slice %arg6[%dma_start3A_67, %dma_start3A_68] : memref<8x128xi32, #tpu.memory_space<vmem>> -> memref<1x128xi32, #tpu.memory_space<vmem>>
      %dma_start3A_70 = tpu.memref_squeeze %dma_start3A_69 : memref<1x128xi32, #tpu.memory_space<vmem>> -> memref<128xi32, #tpu.memory_space<vmem>>
      %dma_start3A_71 = arith.constant 0 : i32
      %dma_start3A_72 = arith.constant 0 : i32
      %dma_start3A_73 = tpu.memref_slice %arg2[%dma_start3A_71, %dma_start3A_72] : memref<20000x128xf32, #tpu.memory_space<hbm>> -> memref<20000x128xf32, #tpu.memory_space<hbm>>
      tpu.enqueue_indirect_dma source(%dma_start3A_73 : memref<20000x128xf32, #tpu.memory_space<hbm>>) target(%arg8 : memref<128x128xf32, #tpu.memory_space<vmem>>) offsets(%dma_start3A_70 : memref<128xi32, #tpu.memory_space<vmem>>) semaphore(%arg11 : memref<!tpu.dma_semaphore, #tpu.memory_space<semaphore_mem>>)
      %dma_wait3A_74 = arith.constant 1 : i32
      %dma_wait3A_75 = arith.constant 0 : i32
      %dma_wait3A_76 = tpu.memref_slice %arg6[%dma_wait3A_74, %dma_wait3A_75] : memref<8x128xi32, #tpu.memory_space<vmem>> -> memref<1x128xi32, #tpu.memory_space<vmem>>
      %dma_wait3A_77 = tpu.memref_squeeze %dma_wait3A_76 : memref<1x128xi32, #tpu.memory_space<vmem>> -> memref<128xi32, #tpu.memory_space<vmem>>
      %dma_wait3A_78 = arith.constant 0 : i32
      %dma_wait3A_79 = arith.constant 0 : i32
      %dma_wait3A_80 = tpu.memref_slice %arg2[%dma_wait3A_78, %dma_wait3A_79] : memref<20000x128xf32, #tpu.memory_space<hbm>> -> memref<20000x128xf32, #tpu.memory_space<hbm>>
      tpu.wait_indirect_dma semaphore(%arg12 : memref<!tpu.dma_semaphore, #tpu.memory_space<semaphore_mem>>) src(%dma_wait3A_80 : memref<20000x128xf32, #tpu.memory_space<hbm>>) dst(%arg9 : memref<128x128xf32, #tpu.memory_space<vmem>>)
      %dma_start3A_81 = arith.constant 1 : i32
      %dma_start3A_82 = arith.constant 0 : i32
      %dma_start3A_83 = tpu.memref_slice %arg7[%dma_start3A_81, %dma_start3A_82] : memref<8x128xi32, #tpu.memory_space<vmem>> -> memref<1x128xi32, #tpu.memory_space<vmem>>
      %dma_start3A_84 = tpu.memref_squeeze %dma_start3A_83 : memref<1x128xi32, #tpu.memory_space<vmem>> -> memref<128xi32, #tpu.memory_space<vmem>>
      %dma_start3A_85 = arith.constant 0 : i32
      %dma_start3A_86 = arith.constant 0 : i32
      %dma_start3A_87 = tpu.memref_slice %arg10[%dma_start3A_85, %dma_start3A_86] : memref<10112x128xf32, #tpu.memory_space<vmem_shared>> -> memref<10112x128xf32, #tpu.memory_space<vmem_shared>>
      tpu.enqueue_indirect_dma source(%arg9 : memref<128x128xf32, #tpu.memory_space<vmem>>) target(%dma_start3A_87 : memref<10112x128xf32, #tpu.memory_space<vmem_shared>>) offsets(%dma_start3A_84 : memref<128xi32, #tpu.memory_space<vmem>>) semaphore(%arg14 : memref<!tpu.dma_semaphore, #tpu.memory_space<semaphore_mem>>) {add = true}
      %dma_wait3A_88 = arith.constant 1 : i32
      %dma_wait3A_89 = arith.constant 0 : i32
      %dma_wait3A_90 = tpu.memref_slice %arg7[%dma_wait3A_88, %dma_wait3A_89] : memref<8x128xi32, #tpu.memory_space<vmem>> -> memref<1x128xi32, #tpu.memory_space<vmem>>
      %dma_wait3A_91 = tpu.memref_squeeze %dma_wait3A_90 : memref<1x128xi32, #tpu.memory_space<vmem>> -> memref<128xi32, #tpu.memory_space<vmem>>
      %dma_wait3A_92 = arith.constant 0 : i32
      %dma_wait3A_93 = arith.constant 0 : i32
      %dma_wait3A_94 = tpu.memref_slice %arg10[%dma_wait3A_92, %dma_wait3A_93] : memref<10112x128xf32, #tpu.memory_space<vmem_shared>> -> memref<10112x128xf32, #tpu.memory_space<vmem_shared>>
      tpu.wait_indirect_dma semaphore(%arg14 : memref<!tpu.dma_semaphore, #tpu.memory_space<semaphore_mem>>) src(%arg9 : memref<128x128xf32, #tpu.memory_space<vmem>>) dst(%dma_wait3A_94 : memref<10112x128xf32, #tpu.memory_space<vmem_shared>>)
      %dma_start3A_95 = arith.constant 3 : i32
      %dma_start3A_96 = arith.constant 0 : i32
      %dma_start3A_97 = tpu.memref_slice %arg6[%dma_start3A_95, %dma_start3A_96] : memref<8x128xi32, #tpu.memory_space<vmem>> -> memref<1x128xi32, #tpu.memory_space<vmem>>
      %dma_start3A_98 = tpu.memref_squeeze %dma_start3A_97 : memref<1x128xi32, #tpu.memory_space<vmem>> -> memref<128xi32, #tpu.memory_space<vmem>>
      %dma_start3A_99 = arith.constant 0 : i32
      %dma_start3A_100 = arith.constant 0 : i32
      %dma_start3A_101 = tpu.memref_slice %arg2[%dma_start3A_99, %dma_start3A_100] : memref<20000x128xf32, #tpu.memory_space<hbm>> -> memref<20000x128xf32, #tpu.memory_space<hbm>>
      tpu.enqueue_indirect_dma source(%dma_start3A_101 : memref<20000x128xf32, #tpu.memory_space<hbm>>) target(%arg9 : memref<128x128xf32, #tpu.memory_space<vmem>>) offsets(%dma_start3A_98 : memref<128xi32, #tpu.memory_space<vmem>>) semaphore(%arg12 : memref<!tpu.dma_semaphore, #tpu.memory_space<semaphore_mem>>)
      %dma_wait3A_102 = arith.constant 2 : i32
      %dma_wait3A_103 = arith.constant 0 : i32
      %dma_wait3A_104 = tpu.memref_slice %arg6[%dma_wait3A_102, %dma_wait3A_103] : memref<8x128xi32, #tpu.memory_space<vmem>> -> memref<1x128xi32, #tpu.memory_space<vmem>>
      %dma_wait3A_105 = tpu.memref_squeeze %dma_wait3A_104 : memref<1x128xi32, #tpu.memory_space<vmem>> -> memref<128xi32, #tpu.memory_space<vmem>>
      %dma_wait3A_106 = arith.constant 0 : i32
      %dma_wait3A_107 = arith.constant 0 : i32
      %dma_wait3A_108 = tpu.memref_slice %arg2[%dma_wait3A_106, %dma_wait3A_107] : memref<20000x128xf32, #tpu.memory_space<hbm>> -> memref<20000x128xf32, #tpu.memory_space<hbm>>
      tpu.wait_indirect_dma semaphore(%arg11 : memref<!tpu.dma_semaphore, #tpu.memory_space<semaphore_mem>>) src(%dma_wait3A_108 : memref<20000x128xf32, #tpu.memory_space<hbm>>) dst(%arg8 : memref<128x128xf32, #tpu.memory_space<vmem>>)
      %dma_start3A_109 = arith.constant 2 : i32
      %dma_start3A_110 = arith.constant 0 : i32
      %dma_start3A_111 = tpu.memref_slice %arg7[%dma_start3A_109, %dma_start3A_110] : memref<8x128xi32, #tpu.memory_space<vmem>> -> memref<1x128xi32, #tpu.memory_space<vmem>>
      %dma_start3A_112 = tpu.memref_squeeze %dma_start3A_111 : memref<1x128xi32, #tpu.memory_space<vmem>> -> memref<128xi32, #tpu.memory_space<vmem>>
      %dma_start3A_113 = arith.constant 0 : i32
      %dma_start3A_114 = arith.constant 0 : i32
      %dma_start3A_115 = tpu.memref_slice %arg10[%dma_start3A_113, %dma_start3A_114] : memref<10112x128xf32, #tpu.memory_space<vmem_shared>> -> memref<10112x128xf32, #tpu.memory_space<vmem_shared>>
      tpu.enqueue_indirect_dma source(%arg8 : memref<128x128xf32, #tpu.memory_space<vmem>>) target(%dma_start3A_115 : memref<10112x128xf32, #tpu.memory_space<vmem_shared>>) offsets(%dma_start3A_112 : memref<128xi32, #tpu.memory_space<vmem>>) semaphore(%arg13 : memref<!tpu.dma_semaphore, #tpu.memory_space<semaphore_mem>>) {add = true}
      %dma_wait3A_116 = arith.constant 2 : i32
      %dma_wait3A_117 = arith.constant 0 : i32
      %dma_wait3A_118 = tpu.memref_slice %arg7[%dma_wait3A_116, %dma_wait3A_117] : memref<8x128xi32, #tpu.memory_space<vmem>> -> memref<1x128xi32, #tpu.memory_space<vmem>>
      %dma_wait3A_119 = tpu.memref_squeeze %dma_wait3A_118 : memref<1x128xi32, #tpu.memory_space<vmem>> -> memref<128xi32, #tpu.memory_space<vmem>>
      %dma_wait3A_120 = arith.constant 0 : i32
      %dma_wait3A_121 = arith.constant 0 : i32
      %dma_wait3A_122 = tpu.memref_slice %arg10[%dma_wait3A_120, %dma_wait3A_121] : memref<10112x128xf32, #tpu.memory_space<vmem_shared>> -> memref<10112x128xf32, #tpu.memory_space<vmem_shared>>
      tpu.wait_indirect_dma semaphore(%arg13 : memref<!tpu.dma_semaphore, #tpu.memory_space<semaphore_mem>>) src(%arg8 : memref<128x128xf32, #tpu.memory_space<vmem>>) dst(%dma_wait3A_122 : memref<10112x128xf32, #tpu.memory_space<vmem_shared>>)
      %dma_start3A_123 = arith.constant 4 : i32
      %dma_start3A_124 = arith.constant 0 : i32
      %dma_start3A_125 = tpu.memref_slice %arg6[%dma_start3A_123, %dma_start3A_124] : memref<8x128xi32, #tpu.memory_space<vmem>> -> memref<1x128xi32, #tpu.memory_space<vmem>>
      %dma_start3A_126 = tpu.memref_squeeze %dma_start3A_125 : memref<1x128xi32, #tpu.memory_space<vmem>> -> memref<128xi32, #tpu.memory_space<vmem>>
      %dma_start3A_127 = arith.constant 0 : i32
      %dma_start3A_128 = arith.constant 0 : i32
      %dma_start3A_129 = tpu.memref_slice %arg2[%dma_start3A_127, %dma_start3A_128] : memref<20000x128xf32, #tpu.memory_space<hbm>> -> memref<20000x128xf32, #tpu.memory_space<hbm>>
      tpu.enqueue_indirect_dma source(%dma_start3A_129 : memref<20000x128xf32, #tpu.memory_space<hbm>>) target(%arg8 : memref<128x128xf32, #tpu.memory_space<vmem>>) offsets(%dma_start3A_126 : memref<128xi32, #tpu.memory_space<vmem>>) semaphore(%arg11 : memref<!tpu.dma_semaphore, #tpu.memory_space<semaphore_mem>>)
      %dma_wait3A_130 = arith.constant 3 : i32
      %dma_wait3A_131 = arith.constant 0 : i32
      %dma_wait3A_132 = tpu.memref_slice %arg6[%dma_wait3A_130, %dma_wait3A_131] : memref<8x128xi32, #tpu.memory_space<vmem>> -> memref<1x128xi32, #tpu.memory_space<vmem>>
      %dma_wait3A_133 = tpu.memref_squeeze %dma_wait3A_132 : memref<1x128xi32, #tpu.memory_space<vmem>> -> memref<128xi32, #tpu.memory_space<vmem>>
      %dma_wait3A_134 = arith.constant 0 : i32
      %dma_wait3A_135 = arith.constant 0 : i32
      %dma_wait3A_136 = tpu.memref_slice %arg2[%dma_wait3A_134, %dma_wait3A_135] : memref<20000x128xf32, #tpu.memory_space<hbm>> -> memref<20000x128xf32, #tpu.memory_space<hbm>>
      tpu.wait_indirect_dma semaphore(%arg12 : memref<!tpu.dma_semaphore, #tpu.memory_space<semaphore_mem>>) src(%dma_wait3A_136 : memref<20000x128xf32, #tpu.memory_space<hbm>>) dst(%arg9 : memref<128x128xf32, #tpu.memory_space<vmem>>)
      %dma_start3A_137 = arith.constant 3 : i32
      %dma_start3A_138 = arith.constant 0 : i32
      %dma_start3A_139 = tpu.memref_slice %arg7[%dma_start3A_137, %dma_start3A_138] : memref<8x128xi32, #tpu.memory_space<vmem>> -> memref<1x128xi32, #tpu.memory_space<vmem>>
      %dma_start3A_140 = tpu.memref_squeeze %dma_start3A_139 : memref<1x128xi32, #tpu.memory_space<vmem>> -> memref<128xi32, #tpu.memory_space<vmem>>
      %dma_start3A_141 = arith.constant 0 : i32
      %dma_start3A_142 = arith.constant 0 : i32
      %dma_start3A_143 = tpu.memref_slice %arg10[%dma_start3A_141, %dma_start3A_142] : memref<10112x128xf32, #tpu.memory_space<vmem_shared>> -> memref<10112x128xf32, #tpu.memory_space<vmem_shared>>
      tpu.enqueue_indirect_dma source(%arg9 : memref<128x128xf32, #tpu.memory_space<vmem>>) target(%dma_start3A_143 : memref<10112x128xf32, #tpu.memory_space<vmem_shared>>) offsets(%dma_start3A_140 : memref<128xi32, #tpu.memory_space<vmem>>) semaphore(%arg14 : memref<!tpu.dma_semaphore, #tpu.memory_space<semaphore_mem>>) {add = true}
      %dma_wait3A_144 = arith.constant 3 : i32
      %dma_wait3A_145 = arith.constant 0 : i32
      %dma_wait3A_146 = tpu.memref_slice %arg7[%dma_wait3A_144, %dma_wait3A_145] : memref<8x128xi32, #tpu.memory_space<vmem>> -> memref<1x128xi32, #tpu.memory_space<vmem>>
      %dma_wait3A_147 = tpu.memref_squeeze %dma_wait3A_146 : memref<1x128xi32, #tpu.memory_space<vmem>> -> memref<128xi32, #tpu.memory_space<vmem>>
      %dma_wait3A_148 = arith.constant 0 : i32
      %dma_wait3A_149 = arith.constant 0 : i32
      %dma_wait3A_150 = tpu.memref_slice %arg10[%dma_wait3A_148, %dma_wait3A_149] : memref<10112x128xf32, #tpu.memory_space<vmem_shared>> -> memref<10112x128xf32, #tpu.memory_space<vmem_shared>>
      tpu.wait_indirect_dma semaphore(%arg14 : memref<!tpu.dma_semaphore, #tpu.memory_space<semaphore_mem>>) src(%arg9 : memref<128x128xf32, #tpu.memory_space<vmem>>) dst(%dma_wait3A_150 : memref<10112x128xf32, #tpu.memory_space<vmem_shared>>)
      %dma_start3A_151 = arith.constant 5 : i32
      %dma_start3A_152 = arith.constant 0 : i32
      %dma_start3A_153 = tpu.memref_slice %arg6[%dma_start3A_151, %dma_start3A_152] : memref<8x128xi32, #tpu.memory_space<vmem>> -> memref<1x128xi32, #tpu.memory_space<vmem>>
      %dma_start3A_154 = tpu.memref_squeeze %dma_start3A_153 : memref<1x128xi32, #tpu.memory_space<vmem>> -> memref<128xi32, #tpu.memory_space<vmem>>
      %dma_start3A_155 = arith.constant 0 : i32
      %dma_start3A_156 = arith.constant 0 : i32
      %dma_start3A_157 = tpu.memref_slice %arg2[%dma_start3A_155, %dma_start3A_156] : memref<20000x128xf32, #tpu.memory_space<hbm>> -> memref<20000x128xf32, #tpu.memory_space<hbm>>
      tpu.enqueue_indirect_dma source(%dma_start3A_157 : memref<20000x128xf32, #tpu.memory_space<hbm>>) target(%arg9 : memref<128x128xf32, #tpu.memory_space<vmem>>) offsets(%dma_start3A_154 : memref<128xi32, #tpu.memory_space<vmem>>) semaphore(%arg12 : memref<!tpu.dma_semaphore, #tpu.memory_space<semaphore_mem>>)
      %dma_wait3A_158 = arith.constant 4 : i32
      %dma_wait3A_159 = arith.constant 0 : i32
      %dma_wait3A_160 = tpu.memref_slice %arg6[%dma_wait3A_158, %dma_wait3A_159] : memref<8x128xi32, #tpu.memory_space<vmem>> -> memref<1x128xi32, #tpu.memory_space<vmem>>
      %dma_wait3A_161 = tpu.memref_squeeze %dma_wait3A_160 : memref<1x128xi32, #tpu.memory_space<vmem>> -> memref<128xi32, #tpu.memory_space<vmem>>
      %dma_wait3A_162 = arith.constant 0 : i32
      %dma_wait3A_163 = arith.constant 0 : i32
      %dma_wait3A_164 = tpu.memref_slice %arg2[%dma_wait3A_162, %dma_wait3A_163] : memref<20000x128xf32, #tpu.memory_space<hbm>> -> memref<20000x128xf32, #tpu.memory_space<hbm>>
      tpu.wait_indirect_dma semaphore(%arg11 : memref<!tpu.dma_semaphore, #tpu.memory_space<semaphore_mem>>) src(%dma_wait3A_164 : memref<20000x128xf32, #tpu.memory_space<hbm>>) dst(%arg8 : memref<128x128xf32, #tpu.memory_space<vmem>>)
      %dma_start3A_165 = arith.constant 4 : i32
      %dma_start3A_166 = arith.constant 0 : i32
      %dma_start3A_167 = tpu.memref_slice %arg7[%dma_start3A_165, %dma_start3A_166] : memref<8x128xi32, #tpu.memory_space<vmem>> -> memref<1x128xi32, #tpu.memory_space<vmem>>
      %dma_start3A_168 = tpu.memref_squeeze %dma_start3A_167 : memref<1x128xi32, #tpu.memory_space<vmem>> -> memref<128xi32, #tpu.memory_space<vmem>>
      %dma_start3A_169 = arith.constant 0 : i32
      %dma_start3A_170 = arith.constant 0 : i32
      %dma_start3A_171 = tpu.memref_slice %arg10[%dma_start3A_169, %dma_start3A_170] : memref<10112x128xf32, #tpu.memory_space<vmem_shared>> -> memref<10112x128xf32, #tpu.memory_space<vmem_shared>>
      tpu.enqueue_indirect_dma source(%arg8 : memref<128x128xf32, #tpu.memory_space<vmem>>) target(%dma_start3A_171 : memref<10112x128xf32, #tpu.memory_space<vmem_shared>>) offsets(%dma_start3A_168 : memref<128xi32, #tpu.memory_space<vmem>>) semaphore(%arg13 : memref<!tpu.dma_semaphore, #tpu.memory_space<semaphore_mem>>) {add = true}
      %dma_wait3A_172 = arith.constant 4 : i32
      %dma_wait3A_173 = arith.constant 0 : i32
      %dma_wait3A_174 = tpu.memref_slice %arg7[%dma_wait3A_172, %dma_wait3A_173] : memref<8x128xi32, #tpu.memory_space<vmem>> -> memref<1x128xi32, #tpu.memory_space<vmem>>
      %dma_wait3A_175 = tpu.memref_squeeze %dma_wait3A_174 : memref<1x128xi32, #tpu.memory_space<vmem>> -> memref<128xi32, #tpu.memory_space<vmem>>
      %dma_wait3A_176 = arith.constant 0 : i32
      %dma_wait3A_177 = arith.constant 0 : i32
      %dma_wait3A_178 = tpu.memref_slice %arg10[%dma_wait3A_176, %dma_wait3A_177] : memref<10112x128xf32, #tpu.memory_space<vmem_shared>> -> memref<10112x128xf32, #tpu.memory_space<vmem_shared>>
      tpu.wait_indirect_dma semaphore(%arg13 : memref<!tpu.dma_semaphore, #tpu.memory_space<semaphore_mem>>) src(%arg8 : memref<128x128xf32, #tpu.memory_space<vmem>>) dst(%dma_wait3A_178 : memref<10112x128xf32, #tpu.memory_space<vmem_shared>>)
      %dma_start3A_179 = arith.constant 6 : i32
      %dma_start3A_180 = arith.constant 0 : i32
      %dma_start3A_181 = tpu.memref_slice %arg6[%dma_start3A_179, %dma_start3A_180] : memref<8x128xi32, #tpu.memory_space<vmem>> -> memref<1x128xi32, #tpu.memory_space<vmem>>
      %dma_start3A_182 = tpu.memref_squeeze %dma_start3A_181 : memref<1x128xi32, #tpu.memory_space<vmem>> -> memref<128xi32, #tpu.memory_space<vmem>>
      %dma_start3A_183 = arith.constant 0 : i32
      %dma_start3A_184 = arith.constant 0 : i32
      %dma_start3A_185 = tpu.memref_slice %arg2[%dma_start3A_183, %dma_start3A_184] : memref<20000x128xf32, #tpu.memory_space<hbm>> -> memref<20000x128xf32, #tpu.memory_space<hbm>>
      tpu.enqueue_indirect_dma source(%dma_start3A_185 : memref<20000x128xf32, #tpu.memory_space<hbm>>) target(%arg8 : memref<128x128xf32, #tpu.memory_space<vmem>>) offsets(%dma_start3A_182 : memref<128xi32, #tpu.memory_space<vmem>>) semaphore(%arg11 : memref<!tpu.dma_semaphore, #tpu.memory_space<semaphore_mem>>)
      %dma_wait3A_186 = arith.constant 5 : i32
      %dma_wait3A_187 = arith.constant 0 : i32
      %dma_wait3A_188 = tpu.memref_slice %arg6[%dma_wait3A_186, %dma_wait3A_187] : memref<8x128xi32, #tpu.memory_space<vmem>> -> memref<1x128xi32, #tpu.memory_space<vmem>>
      %dma_wait3A_189 = tpu.memref_squeeze %dma_wait3A_188 : memref<1x128xi32, #tpu.memory_space<vmem>> -> memref<128xi32, #tpu.memory_space<vmem>>
      %dma_wait3A_190 = arith.constant 0 : i32
      %dma_wait3A_191 = arith.constant 0 : i32
      %dma_wait3A_192 = tpu.memref_slice %arg2[%dma_wait3A_190, %dma_wait3A_191] : memref<20000x128xf32, #tpu.memory_space<hbm>> -> memref<20000x128xf32, #tpu.memory_space<hbm>>
      tpu.wait_indirect_dma semaphore(%arg12 : memref<!tpu.dma_semaphore, #tpu.memory_space<semaphore_mem>>) src(%dma_wait3A_192 : memref<20000x128xf32, #tpu.memory_space<hbm>>) dst(%arg9 : memref<128x128xf32, #tpu.memory_space<vmem>>)
      %dma_start3A_193 = arith.constant 5 : i32
      %dma_start3A_194 = arith.constant 0 : i32
      %dma_start3A_195 = tpu.memref_slice %arg7[%dma_start3A_193, %dma_start3A_194] : memref<8x128xi32, #tpu.memory_space<vmem>> -> memref<1x128xi32, #tpu.memory_space<vmem>>
      %dma_start3A_196 = tpu.memref_squeeze %dma_start3A_195 : memref<1x128xi32, #tpu.memory_space<vmem>> -> memref<128xi32, #tpu.memory_space<vmem>>
      %dma_start3A_197 = arith.constant 0 : i32
      %dma_start3A_198 = arith.constant 0 : i32
      %dma_start3A_199 = tpu.memref_slice %arg10[%dma_start3A_197, %dma_start3A_198] : memref<10112x128xf32, #tpu.memory_space<vmem_shared>> -> memref<10112x128xf32, #tpu.memory_space<vmem_shared>>
      tpu.enqueue_indirect_dma source(%arg9 : memref<128x128xf32, #tpu.memory_space<vmem>>) target(%dma_start3A_199 : memref<10112x128xf32, #tpu.memory_space<vmem_shared>>) offsets(%dma_start3A_196 : memref<128xi32, #tpu.memory_space<vmem>>) semaphore(%arg14 : memref<!tpu.dma_semaphore, #tpu.memory_space<semaphore_mem>>) {add = true}
      %dma_wait3A_200 = arith.constant 5 : i32
      %dma_wait3A_201 = arith.constant 0 : i32
      %dma_wait3A_202 = tpu.memref_slice %arg7[%dma_wait3A_200, %dma_wait3A_201] : memref<8x128xi32, #tpu.memory_space<vmem>> -> memref<1x128xi32, #tpu.memory_space<vmem>>
      %dma_wait3A_203 = tpu.memref_squeeze %dma_wait3A_202 : memref<1x128xi32, #tpu.memory_space<vmem>> -> memref<128xi32, #tpu.memory_space<vmem>>
      %dma_wait3A_204 = arith.constant 0 : i32
      %dma_wait3A_205 = arith.constant 0 : i32
      %dma_wait3A_206 = tpu.memref_slice %arg10[%dma_wait3A_204, %dma_wait3A_205] : memref<10112x128xf32, #tpu.memory_space<vmem_shared>> -> memref<10112x128xf32, #tpu.memory_space<vmem_shared>>
      tpu.wait_indirect_dma semaphore(%arg14 : memref<!tpu.dma_semaphore, #tpu.memory_space<semaphore_mem>>) src(%arg9 : memref<128x128xf32, #tpu.memory_space<vmem>>) dst(%dma_wait3A_206 : memref<10112x128xf32, #tpu.memory_space<vmem_shared>>)
      %dma_start3A_207 = arith.constant 7 : i32
      %dma_start3A_208 = arith.constant 0 : i32
      %dma_start3A_209 = tpu.memref_slice %arg6[%dma_start3A_207, %dma_start3A_208] : memref<8x128xi32, #tpu.memory_space<vmem>> -> memref<1x128xi32, #tpu.memory_space<vmem>>
      %dma_start3A_210 = tpu.memref_squeeze %dma_start3A_209 : memref<1x128xi32, #tpu.memory_space<vmem>> -> memref<128xi32, #tpu.memory_space<vmem>>
      %dma_start3A_211 = arith.constant 0 : i32
      %dma_start3A_212 = arith.constant 0 : i32
      %dma_start3A_213 = tpu.memref_slice %arg2[%dma_start3A_211, %dma_start3A_212] : memref<20000x128xf32, #tpu.memory_space<hbm>> -> memref<20000x128xf32, #tpu.memory_space<hbm>>
      tpu.enqueue_indirect_dma source(%dma_start3A_213 : memref<20000x128xf32, #tpu.memory_space<hbm>>) target(%arg9 : memref<128x128xf32, #tpu.memory_space<vmem>>) offsets(%dma_start3A_210 : memref<128xi32, #tpu.memory_space<vmem>>) semaphore(%arg12 : memref<!tpu.dma_semaphore, #tpu.memory_space<semaphore_mem>>)
      %dma_wait3A_214 = arith.constant 6 : i32
      %dma_wait3A_215 = arith.constant 0 : i32
      %dma_wait3A_216 = tpu.memref_slice %arg6[%dma_wait3A_214, %dma_wait3A_215] : memref<8x128xi32, #tpu.memory_space<vmem>> -> memref<1x128xi32, #tpu.memory_space<vmem>>
      %dma_wait3A_217 = tpu.memref_squeeze %dma_wait3A_216 : memref<1x128xi32, #tpu.memory_space<vmem>> -> memref<128xi32, #tpu.memory_space<vmem>>
      %dma_wait3A_218 = arith.constant 0 : i32
      %dma_wait3A_219 = arith.constant 0 : i32
      %dma_wait3A_220 = tpu.memref_slice %arg2[%dma_wait3A_218, %dma_wait3A_219] : memref<20000x128xf32, #tpu.memory_space<hbm>> -> memref<20000x128xf32, #tpu.memory_space<hbm>>
      tpu.wait_indirect_dma semaphore(%arg11 : memref<!tpu.dma_semaphore, #tpu.memory_space<semaphore_mem>>) src(%dma_wait3A_220 : memref<20000x128xf32, #tpu.memory_space<hbm>>) dst(%arg8 : memref<128x128xf32, #tpu.memory_space<vmem>>)
      %dma_start3A_221 = arith.constant 6 : i32
      %dma_start3A_222 = arith.constant 0 : i32
      %dma_start3A_223 = tpu.memref_slice %arg7[%dma_start3A_221, %dma_start3A_222] : memref<8x128xi32, #tpu.memory_space<vmem>> -> memref<1x128xi32, #tpu.memory_space<vmem>>
      %dma_start3A_224 = tpu.memref_squeeze %dma_start3A_223 : memref<1x128xi32, #tpu.memory_space<vmem>> -> memref<128xi32, #tpu.memory_space<vmem>>
      %dma_start3A_225 = arith.constant 0 : i32
      %dma_start3A_226 = arith.constant 0 : i32
      %dma_start3A_227 = tpu.memref_slice %arg10[%dma_start3A_225, %dma_start3A_226] : memref<10112x128xf32, #tpu.memory_space<vmem_shared>> -> memref<10112x128xf32, #tpu.memory_space<vmem_shared>>
      tpu.enqueue_indirect_dma source(%arg8 : memref<128x128xf32, #tpu.memory_space<vmem>>) target(%dma_start3A_227 : memref<10112x128xf32, #tpu.memory_space<vmem_shared>>) offsets(%dma_start3A_224 : memref<128xi32, #tpu.memory_space<vmem>>) semaphore(%arg13 : memref<!tpu.dma_semaphore, #tpu.memory_space<semaphore_mem>>) {add = true}
      %dma_wait3A_228 = arith.constant 7 : i32
      %dma_wait3A_229 = arith.constant 0 : i32
      %dma_wait3A_230 = tpu.memref_slice %arg6[%dma_wait3A_228, %dma_wait3A_229] : memref<8x128xi32, #tpu.memory_space<vmem>> -> memref<1x128xi32, #tpu.memory_space<vmem>>
      %dma_wait3A_231 = tpu.memref_squeeze %dma_wait3A_230 : memref<1x128xi32, #tpu.memory_space<vmem>> -> memref<128xi32, #tpu.memory_space<vmem>>
      %dma_wait3A_232 = arith.constant 0 : i32
      %dma_wait3A_233 = arith.constant 0 : i32
      %dma_wait3A_234 = tpu.memref_slice %arg2[%dma_wait3A_232, %dma_wait3A_233] : memref<20000x128xf32, #tpu.memory_space<hbm>> -> memref<20000x128xf32, #tpu.memory_space<hbm>>
      tpu.wait_indirect_dma semaphore(%arg12 : memref<!tpu.dma_semaphore, #tpu.memory_space<semaphore_mem>>) src(%dma_wait3A_234 : memref<20000x128xf32, #tpu.memory_space<hbm>>) dst(%arg9 : memref<128x128xf32, #tpu.memory_space<vmem>>)
      %dma_start3A_235 = arith.constant 7 : i32
      %dma_start3A_236 = arith.constant 0 : i32
      %dma_start3A_237 = tpu.memref_slice %arg7[%dma_start3A_235, %dma_start3A_236] : memref<8x128xi32, #tpu.memory_space<vmem>> -> memref<1x128xi32, #tpu.memory_space<vmem>>
      %dma_start3A_238 = tpu.memref_squeeze %dma_start3A_237 : memref<1x128xi32, #tpu.memory_space<vmem>> -> memref<128xi32, #tpu.memory_space<vmem>>
      %dma_start3A_239 = arith.constant 0 : i32
      %dma_start3A_240 = arith.constant 0 : i32
      %dma_start3A_241 = tpu.memref_slice %arg10[%dma_start3A_239, %dma_start3A_240] : memref<10112x128xf32, #tpu.memory_space<vmem_shared>> -> memref<10112x128xf32, #tpu.memory_space<vmem_shared>>
      tpu.enqueue_indirect_dma source(%arg9 : memref<128x128xf32, #tpu.memory_space<vmem>>) target(%dma_start3A_241 : memref<10112x128xf32, #tpu.memory_space<vmem_shared>>) offsets(%dma_start3A_238 : memref<128xi32, #tpu.memory_space<vmem>>) semaphore(%arg14 : memref<!tpu.dma_semaphore, #tpu.memory_space<semaphore_mem>>) {add = true}
      %dma_wait3A_242 = arith.constant 6 : i32
      %dma_wait3A_243 = arith.constant 0 : i32
      %dma_wait3A_244 = tpu.memref_slice %arg7[%dma_wait3A_242, %dma_wait3A_243] : memref<8x128xi32, #tpu.memory_space<vmem>> -> memref<1x128xi32, #tpu.memory_space<vmem>>
      %dma_wait3A_245 = tpu.memref_squeeze %dma_wait3A_244 : memref<1x128xi32, #tpu.memory_space<vmem>> -> memref<128xi32, #tpu.memory_space<vmem>>
      %dma_wait3A_246 = arith.constant 0 : i32
      %dma_wait3A_247 = arith.constant 0 : i32
      %dma_wait3A_248 = tpu.memref_slice %arg10[%dma_wait3A_246, %dma_wait3A_247] : memref<10112x128xf32, #tpu.memory_space<vmem_shared>> -> memref<10112x128xf32, #tpu.memory_space<vmem_shared>>
      tpu.wait_indirect_dma semaphore(%arg13 : memref<!tpu.dma_semaphore, #tpu.memory_space<semaphore_mem>>) src(%arg8 : memref<128x128xf32, #tpu.memory_space<vmem>>) dst(%dma_wait3A_248 : memref<10112x128xf32, #tpu.memory_space<vmem_shared>>)
      %dma_wait3A_249 = arith.constant 7 : i32
      %dma_wait3A_250 = arith.constant 0 : i32
      %dma_wait3A_251 = tpu.memref_slice %arg7[%dma_wait3A_249, %dma_wait3A_250] : memref<8x128xi32, #tpu.memory_space<vmem>> -> memref<1x128xi32, #tpu.memory_space<vmem>>
      %dma_wait3A_252 = tpu.memref_squeeze %dma_wait3A_251 : memref<1x128xi32, #tpu.memory_space<vmem>> -> memref<128xi32, #tpu.memory_space<vmem>>
      %dma_wait3A_253 = arith.constant 0 : i32
      %dma_wait3A_254 = arith.constant 0 : i32
      %dma_wait3A_255 = tpu.memref_slice %arg10[%dma_wait3A_253, %dma_wait3A_254] : memref<10112x128xf32, #tpu.memory_space<vmem_shared>> -> memref<10112x128xf32, #tpu.memory_space<vmem_shared>>
      tpu.wait_indirect_dma semaphore(%arg14 : memref<!tpu.dma_semaphore, #tpu.memory_space<semaphore_mem>>) src(%arg9 : memref<128x128xf32, #tpu.memory_space<vmem>>) dst(%dma_wait3A_255 : memref<10112x128xf32, #tpu.memory_space<vmem_shared>>)
    }
    %scan3A_23 = arith.constant 20 : i32
    %barrier3A_24 = arith.constant 0 : index
    tpu.barrier barrier_id(%barrier3A_24)
    %mul3A_25 = arith.constant 10112 : i32
    %mul3A_26 = arith.muli %arg0, %mul3A_25 : i32
    %add3A_27 = arith.addi %mul3A_26, %mul3A_7 : i32
    "tpu.region"() ({
      %run_scoped3A = tpu.sem_alloc : memref<!tpu.dma_semaphore, #tpu.memory_space<semaphore_mem>>
      %dma_start3A = arith.constant 0 : i32
      %dma_start3A_28 = tpu.memref_slice %arg5[%add3A_27, %dma_start3A] : memref<20224x128xf32, #tpu.memory_space<hbm>> -> memref<632x128xf32, #tpu.memory_space<hbm>>
      %dma_start3A_29 = arith.constant 0 : i32
      %dma_start3A_30 = tpu.memref_slice %arg10[%mul3A_7, %dma_start3A_29] : memref<10112x128xf32, #tpu.memory_space<vmem_shared>> -> memref<632x128xf32, #tpu.memory_space<vmem_shared>>
      tpu.enqueue_dma source(%dma_start3A_30 : memref<632x128xf32, #tpu.memory_space<vmem_shared>>) target(%dma_start3A_28 : memref<632x128xf32, #tpu.memory_space<hbm>>) target_semaphore(%run_scoped3A : memref<!tpu.dma_semaphore, #tpu.memory_space<semaphore_mem>>)
      %dma_wait3A = arith.constant 0 : i32
      %dma_wait3A_31 = tpu.memref_slice %arg5[%add3A_27, %dma_wait3A] : memref<20224x128xf32, #tpu.memory_space<hbm>> -> memref<632x128xf32, #tpu.memory_space<hbm>>
      %dma_wait3A_32 = arith.constant 0 : i32
      %dma_wait3A_33 = tpu.memref_slice %arg10[%mul3A_7, %dma_wait3A_32] : memref<10112x128xf32, #tpu.memory_space<vmem_shared>> -> memref<632x128xf32, #tpu.memory_space<vmem_shared>>
      tpu.wait_dma2 semaphore(%run_scoped3A : memref<!tpu.dma_semaphore, #tpu.memory_space<semaphore_mem>>) src(%dma_wait3A_33 : memref<632x128xf32, #tpu.memory_space<vmem_shared>>) dst(%dma_wait3A_31 : memref<632x128xf32, #tpu.memory_space<hbm>>)
      tpu.yield
    }) : () -> ()
    return
  }
}

#map = affine_map<(d0, d1) -> (0, 0)>
module attributes {stable_mosaic.version = 14 : i64} {
  func.func @_scatter2(%arg0: i32, %arg1: i32, %arg2: memref<20000x128xf32, #tpu.memory_space<hbm>>, %arg3: memref<5120x128xi32, #tpu.memory_space<hbm>>, %arg4: memref<5120x128xi32, #tpu.memory_space<hbm>>, %arg5: memref<20224x128xf32, #tpu.memory_space<hbm>>, %arg6: memref<8x128xi32, #tpu.memory_space<vmem>>, %arg7: memref<8x128xi32, #tpu.memory_space<vmem>>, %arg8: memref<128x128xf32, #tpu.memory_space<vmem>>, %arg9: memref<128x128xf32, #tpu.memory_space<vmem>>, %arg10: memref<10112x128xf32, #tpu.memory_space<vmem_shared>>, %arg11: memref<!tpu.dma_semaphore, #tpu.memory_space<semaphore_mem>>, %arg12: memref<!tpu.dma_semaphore, #tpu.memory_space<semaphore_mem>>, %arg13: memref<!tpu.dma_semaphore, #tpu.memory_space<semaphore_mem>>, %arg14: memref<!tpu.dma_semaphore, #tpu.memory_space<semaphore_mem>>) attributes {dimension_semantics = [#tpu.dimension_semantics<core_parallel>, #tpu.dimension_semantics<subcore_parallel>], iteration_bounds = array<i64: 2, 16>, scalar_prefetch = 0 : i64, scratch_operands = 9 : i64, tpu.core_type = #tpu.core_type<sc_vector_subcore>, window_params = [{transform_indices = #map}, {transform_indices = #map}, {transform_indices = #map}, {transform_indices = #map}]} {
    %mul3A = arith.constant 16 : i32
    %mul3A_0 = arith.muli %arg0, %mul3A : i32
    %add3A = arith.addi %mul3A_0, %arg1 : i32
    %scan3A = arith.constant 0 : i32
    %scan3A_1 = arith.constant 0 : i32
    %scan3A_2 = arith.constant 128 : i32
    %scan3A_3 = arith.addi %scan3A_1, %scan3A_2 : i32
    %scan3A_4 = arith.constant 1 : i32
    scf.for %scan3A_28 = %scan3A_1 to %scan3A_3 step %scan3A_4  : i32 {
      %broadcast_in_dim3A = arith.constant 0.000000e+00 : f32
      %broadcast_in_dim3A_29 = vector.broadcast %broadcast_in_dim3A : f32 to vector<16xf32>
      %swap3A = arith.index_cast %scan3A_28 : i32 to index
      %swap3A_30 = arith.constant 0 : index
      %swap3A_31 = tpu.vector_load %arg8[%swap3A, %swap3A_30] {strides = array<i32>} : memref<128x128xf32, #tpu.memory_space<vmem>>, vector<1x16xf32>,
      %swap3A_32 = vector.shape_cast %swap3A_31 : vector<1x16xf32> to vector<16xf32>
      %swap3A_33 = vector.shape_cast %broadcast_in_dim3A_29 : vector<16xf32> to vector<1x16xf32>
      tpu.vector_store %arg8[%swap3A, %swap3A_30], %swap3A_33 {strides = array<i32>} : memref<128x128xf32, #tpu.memory_space<vmem>>, vector<1x16xf32>,
      %broadcast_in_dim3A_34 = arith.constant 0.000000e+00 : f32
      %broadcast_in_dim3A_35 = vector.broadcast %broadcast_in_dim3A_34 : f32 to vector<16xf32>
      %swap3A_36 = arith.index_cast %scan3A_28 : i32 to index
      %swap3A_37 = arith.constant 16 : index
      %swap3A_38 = tpu.vector_load %arg8[%swap3A_36, %swap3A_37] {strides = array<i32>} : memref<128x128xf32, #tpu.memory_space<vmem>>, vector<1x16xf32>,
      %swap3A_39 = vector.shape_cast %swap3A_38 : vector<1x16xf32> to vector<16xf32>
      %swap3A_40 = vector.shape_cast %broadcast_in_dim3A_35 : vector<16xf32> to vector<1x16xf32>
      tpu.vector_store %arg8[%swap3A_36, %swap3A_37], %swap3A_40 {strides = array<i32>} : memref<128x128xf32, #tpu.memory_space<vmem>>, vector<1x16xf32>,
      %broadcast_in_dim3A_41 = arith.constant 0.000000e+00 : f32
      %broadcast_in_dim3A_42 = vector.broadcast %broadcast_in_dim3A_41 : f32 to vector<16xf32>
      %swap3A_43 = arith.index_cast %scan3A_28 : i32 to index
      %swap3A_44 = arith.constant 32 : index
      %swap3A_45 = tpu.vector_load %arg8[%swap3A_43, %swap3A_44] {strides = array<i32>} : memref<128x128xf32, #tpu.memory_space<vmem>>, vector<1x16xf32>,
      %swap3A_46 = vector.shape_cast %swap3A_45 : vector<1x16xf32> to vector<16xf32>
      %swap3A_47 = vector.shape_cast %broadcast_in_dim3A_42 : vector<16xf32> to vector<1x16xf32>
      tpu.vector_store %arg8[%swap3A_43, %swap3A_44], %swap3A_47 {strides = array<i32>} : memref<128x128xf32, #tpu.memory_space<vmem>>, vector<1x16xf32>,
      %broadcast_in_dim3A_48 = arith.constant 0.000000e+00 : f32
      %broadcast_in_dim3A_49 = vector.broadcast %broadcast_in_dim3A_48 : f32 to vector<16xf32>
      %swap3A_50 = arith.index_cast %scan3A_28 : i32 to index
      %swap3A_51 = arith.constant 48 : index
      %swap3A_52 = tpu.vector_load %arg8[%swap3A_50, %swap3A_51] {strides = array<i32>} : memref<128x128xf32, #tpu.memory_space<vmem>>, vector<1x16xf32>,
      %swap3A_53 = vector.shape_cast %swap3A_52 : vector<1x16xf32> to vector<16xf32>
      %swap3A_54 = vector.shape_cast %broadcast_in_dim3A_49 : vector<16xf32> to vector<1x16xf32>
      tpu.vector_store %arg8[%swap3A_50, %swap3A_51], %swap3A_54 {strides = array<i32>} : memref<128x128xf32, #tpu.memory_space<vmem>>, vector<1x16xf32>,
      %broadcast_in_dim3A_55 = arith.constant 0.000000e+00 : f32
      %broadcast_in_dim3A_56 = vector.broadcast %broadcast_in_dim3A_55 : f32 to vector<16xf32>
      %swap3A_57 = arith.index_cast %scan3A_28 : i32 to index
      %swap3A_58 = arith.constant 64 : index
      %swap3A_59 = tpu.vector_load %arg8[%swap3A_57, %swap3A_58] {strides = array<i32>} : memref<128x128xf32, #tpu.memory_space<vmem>>, vector<1x16xf32>,
      %swap3A_60 = vector.shape_cast %swap3A_59 : vector<1x16xf32> to vector<16xf32>
      %swap3A_61 = vector.shape_cast %broadcast_in_dim3A_56 : vector<16xf32> to vector<1x16xf32>
      tpu.vector_store %arg8[%swap3A_57, %swap3A_58], %swap3A_61 {strides = array<i32>} : memref<128x128xf32, #tpu.memory_space<vmem>>, vector<1x16xf32>,
      %broadcast_in_dim3A_62 = arith.constant 0.000000e+00 : f32
      %broadcast_in_dim3A_63 = vector.broadcast %broadcast_in_dim3A_62 : f32 to vector<16xf32>
      %swap3A_64 = arith.index_cast %scan3A_28 : i32 to index
      %swap3A_65 = arith.constant 80 : index
      %swap3A_66 = tpu.vector_load %arg8[%swap3A_64, %swap3A_65] {strides = array<i32>} : memref<128x128xf32, #tpu.memory_space<vmem>>, vector<1x16xf32>,
      %swap3A_67 = vector.shape_cast %swap3A_66 : vector<1x16xf32> to vector<16xf32>
      %swap3A_68 = vector.shape_cast %broadcast_in_dim3A_63 : vector<16xf32> to vector<1x16xf32>
      tpu.vector_store %arg8[%swap3A_64, %swap3A_65], %swap3A_68 {strides = array<i32>} : memref<128x128xf32, #tpu.memory_space<vmem>>, vector<1x16xf32>,
      %broadcast_in_dim3A_69 = arith.constant 0.000000e+00 : f32
      %broadcast_in_dim3A_70 = vector.broadcast %broadcast_in_dim3A_69 : f32 to vector<16xf32>
      %swap3A_71 = arith.index_cast %scan3A_28 : i32 to index
      %swap3A_72 = arith.constant 96 : index
      %swap3A_73 = tpu.vector_load %arg8[%swap3A_71, %swap3A_72] {strides = array<i32>} : memref<128x128xf32, #tpu.memory_space<vmem>>, vector<1x16xf32>,
      %swap3A_74 = vector.shape_cast %swap3A_73 : vector<1x16xf32> to vector<16xf32>
      %swap3A_75 = vector.shape_cast %broadcast_in_dim3A_70 : vector<16xf32> to vector<1x16xf32>
      tpu.vector_store %arg8[%swap3A_71, %swap3A_72], %swap3A_75 {strides = array<i32>} : memref<128x128xf32, #tpu.memory_space<vmem>>, vector<1x16xf32>,
      %broadcast_in_dim3A_76 = arith.constant 0.000000e+00 : f32
      %broadcast_in_dim3A_77 = vector.broadcast %broadcast_in_dim3A_76 : f32 to vector<16xf32>
      %swap3A_78 = arith.index_cast %scan3A_28 : i32 to index
      %swap3A_79 = arith.constant 112 : index
      %swap3A_80 = tpu.vector_load %arg8[%swap3A_78, %swap3A_79] {strides = array<i32>} : memref<128x128xf32, #tpu.memory_space<vmem>>, vector<1x16xf32>,
      %swap3A_81 = vector.shape_cast %swap3A_80 : vector<1x16xf32> to vector<16xf32>
      %swap3A_82 = vector.shape_cast %broadcast_in_dim3A_77 : vector<16xf32> to vector<1x16xf32>
      tpu.vector_store %arg8[%swap3A_78, %swap3A_79], %swap3A_82 {strides = array<i32>} : memref<128x128xf32, #tpu.memory_space<vmem>>, vector<1x16xf32>,
    }
    %scan3A_5 = arith.constant 128 : i32
    %mul3A_6 = arith.constant 632 : i32
    %mul3A_7 = arith.muli %arg1, %mul3A_6 : i32
    %add3A_8 = arith.constant 0 : i32
    %add3A_9 = arith.addi %mul3A_7, %add3A_8 : i32
    "tpu.region"() ({
      %run_scoped3A = tpu.sem_alloc : memref<!tpu.dma_semaphore, #tpu.memory_space<semaphore_mem>>
      %dma_start3A = arith.constant 0 : i32
      %dma_start3A_28 = tpu.memref_slice %arg10[%add3A_9, %dma_start3A] : memref<10112x128xf32, #tpu.memory_space<vmem_shared>> -> memref<128x128xf32, #tpu.memory_space<vmem_shared>>
      %dma_start3A_29 = arith.constant 0 : i32
      %dma_start3A_30 = tpu.memref_slice %arg10[%add3A_9, %dma_start3A_29] : memref<10112x128xf32, #tpu.memory_space<vmem_shared>> -> memref<128x128xf32, #tpu.memory_space<vmem_shared>>
      tpu.enqueue_dma source(%arg8 : memref<128x128xf32, #tpu.memory_space<vmem>>) target(%dma_start3A_30 : memref<128x128xf32, #tpu.memory_space<vmem_shared>>) target_semaphore(%run_scoped3A : memref<!tpu.dma_semaphore, #tpu.memory_space<semaphore_mem>>)
      %dma_wait3A = arith.constant 0 : i32
      %dma_wait3A_31 = tpu.memref_slice %arg10[%add3A_9, %dma_wait3A] : memref<10112x128xf32, #tpu.memory_space<vmem_shared>> -> memref<128x128xf32, #tpu.memory_space<vmem_shared>>
      %dma_wait3A_32 = arith.constant 0 : i32
      %dma_wait3A_33 = tpu.memref_slice %arg10[%add3A_9, %dma_wait3A_32] : memref<10112x128xf32, #tpu.memory_space<vmem_shared>> -> memref<128x128xf32, #tpu.memory_space<vmem_shared>>
      tpu.wait_dma2 semaphore(%run_scoped3A : memref<!tpu.dma_semaphore, #tpu.memory_space<semaphore_mem>>) src(%arg8 : memref<128x128xf32, #tpu.memory_space<vmem>>) dst(%dma_wait3A_33 : memref<128x128xf32, #tpu.memory_space<vmem_shared>>)
      tpu.yield
    }) : () -> ()
    %add3A_10 = arith.constant 128 : i32
    %add3A_11 = arith.addi %mul3A_7, %add3A_10 : i32
    "tpu.region"() ({
      %run_scoped3A = tpu.sem_alloc : memref<!tpu.dma_semaphore, #tpu.memory_space<semaphore_mem>>
      %dma_start3A = arith.constant 0 : i32
      %dma_start3A_28 = tpu.memref_slice %arg10[%add3A_11, %dma_start3A] : memref<10112x128xf32, #tpu.memory_space<vmem_shared>> -> memref<128x128xf32, #tpu.memory_space<vmem_shared>>
      %dma_start3A_29 = arith.constant 0 : i32
      %dma_start3A_30 = tpu.memref_slice %arg10[%add3A_11, %dma_start3A_29] : memref<10112x128xf32, #tpu.memory_space<vmem_shared>> -> memref<128x128xf32, #tpu.memory_space<vmem_shared>>
      tpu.enqueue_dma source(%arg8 : memref<128x128xf32, #tpu.memory_space<vmem>>) target(%dma_start3A_30 : memref<128x128xf32, #tpu.memory_space<vmem_shared>>) target_semaphore(%run_scoped3A : memref<!tpu.dma_semaphore, #tpu.memory_space<semaphore_mem>>)
      %dma_wait3A = arith.constant 0 : i32
      %dma_wait3A_31 = tpu.memref_slice %arg10[%add3A_11, %dma_wait3A] : memref<10112x128xf32, #tpu.memory_space<vmem_shared>> -> memref<128x128xf32, #tpu.memory_space<vmem_shared>>
      %dma_wait3A_32 = arith.constant 0 : i32
      %dma_wait3A_33 = tpu.memref_slice %arg10[%add3A_11, %dma_wait3A_32] : memref<10112x128xf32, #tpu.memory_space<vmem_shared>> -> memref<128x128xf32, #tpu.memory_space<vmem_shared>>
      tpu.wait_dma2 semaphore(%run_scoped3A : memref<!tpu.dma_semaphore, #tpu.memory_space<semaphore_mem>>) src(%arg8 : memref<128x128xf32, #tpu.memory_space<vmem>>) dst(%dma_wait3A_33 : memref<128x128xf32, #tpu.memory_space<vmem_shared>>)
      tpu.yield
    }) : () -> ()
    %add3A_12 = arith.constant 256 : i32
    %add3A_13 = arith.addi %mul3A_7, %add3A_12 : i32
    "tpu.region"() ({
      %run_scoped3A = tpu.sem_alloc : memref<!tpu.dma_semaphore, #tpu.memory_space<semaphore_mem>>
      %dma_start3A = arith.constant 0 : i32
      %dma_start3A_28 = tpu.memref_slice %arg10[%add3A_13, %dma_start3A] : memref<10112x128xf32, #tpu.memory_space<vmem_shared>> -> memref<128x128xf32, #tpu.memory_space<vmem_shared>>
      %dma_start3A_29 = arith.constant 0 : i32
      %dma_start3A_30 = tpu.memref_slice %arg10[%add3A_13, %dma_start3A_29] : memref<10112x128xf32, #tpu.memory_space<vmem_shared>> -> memref<128x128xf32, #tpu.memory_space<vmem_shared>>
      tpu.enqueue_dma source(%arg8 : memref<128x128xf32, #tpu.memory_space<vmem>>) target(%dma_start3A_30 : memref<128x128xf32, #tpu.memory_space<vmem_shared>>) target_semaphore(%run_scoped3A : memref<!tpu.dma_semaphore, #tpu.memory_space<semaphore_mem>>)
      %dma_wait3A = arith.constant 0 : i32
      %dma_wait3A_31 = tpu.memref_slice %arg10[%add3A_13, %dma_wait3A] : memref<10112x128xf32, #tpu.memory_space<vmem_shared>> -> memref<128x128xf32, #tpu.memory_space<vmem_shared>>
      %dma_wait3A_32 = arith.constant 0 : i32
      %dma_wait3A_33 = tpu.memref_slice %arg10[%add3A_13, %dma_wait3A_32] : memref<10112x128xf32, #tpu.memory_space<vmem_shared>> -> memref<128x128xf32, #tpu.memory_space<vmem_shared>>
      tpu.wait_dma2 semaphore(%run_scoped3A : memref<!tpu.dma_semaphore, #tpu.memory_space<semaphore_mem>>) src(%arg8 : memref<128x128xf32, #tpu.memory_space<vmem>>) dst(%dma_wait3A_33 : memref<128x128xf32, #tpu.memory_space<vmem_shared>>)
      tpu.yield
    }) : () -> ()
    %add3A_14 = arith.constant 384 : i32
    %add3A_15 = arith.addi %mul3A_7, %add3A_14 : i32
    "tpu.region"() ({
      %run_scoped3A = tpu.sem_alloc : memref<!tpu.dma_semaphore, #tpu.memory_space<semaphore_mem>>
      %dma_start3A = arith.constant 0 : i32
      %dma_start3A_28 = tpu.memref_slice %arg10[%add3A_15, %dma_start3A] : memref<10112x128xf32, #tpu.memory_space<vmem_shared>> -> memref<128x128xf32, #tpu.memory_space<vmem_shared>>
      %dma_start3A_29 = arith.constant 0 : i32
      %dma_start3A_30 = tpu.memref_slice %arg10[%add3A_15, %dma_start3A_29] : memref<10112x128xf32, #tpu.memory_space<vmem_shared>> -> memref<128x128xf32, #tpu.memory_space<vmem_shared>>
      tpu.enqueue_dma source(%arg8 : memref<128x128xf32, #tpu.memory_space<vmem>>) target(%dma_start3A_30 : memref<128x128xf32, #tpu.memory_space<vmem_shared>>) target_semaphore(%run_scoped3A : memref<!tpu.dma_semaphore, #tpu.memory_space<semaphore_mem>>)
      %dma_wait3A = arith.constant 0 : i32
      %dma_wait3A_31 = tpu.memref_slice %arg10[%add3A_15, %dma_wait3A] : memref<10112x128xf32, #tpu.memory_space<vmem_shared>> -> memref<128x128xf32, #tpu.memory_space<vmem_shared>>
      %dma_wait3A_32 = arith.constant 0 : i32
      %dma_wait3A_33 = tpu.memref_slice %arg10[%add3A_15, %dma_wait3A_32] : memref<10112x128xf32, #tpu.memory_space<vmem_shared>> -> memref<128x128xf32, #tpu.memory_space<vmem_shared>>
      tpu.wait_dma2 semaphore(%run_scoped3A : memref<!tpu.dma_semaphore, #tpu.memory_space<semaphore_mem>>) src(%arg8 : memref<128x128xf32, #tpu.memory_space<vmem>>) dst(%dma_wait3A_33 : memref<128x128xf32, #tpu.memory_space<vmem_shared>>)
      tpu.yield
    }) : () -> ()
    %add3A_16 = arith.constant 512 : i32
    %add3A_17 = arith.addi %mul3A_7, %add3A_16 : i32
    "tpu.region"() ({
      %run_scoped3A = tpu.sem_alloc : memref<!tpu.dma_semaphore, #tpu.memory_space<semaphore_mem>>
      %dma_start3A = arith.constant 0 : i32
      %dma_start3A_28 = arith.constant 0 : i32
      %dma_start3A_29 = tpu.memref_slice %arg8[%dma_start3A, %dma_start3A_28] : memref<128x128xf32, #tpu.memory_space<vmem>> -> memref<120x128xf32, #tpu.memory_space<vmem>>
      %dma_start3A_30 = arith.constant 0 : i32
      %dma_start3A_31 = tpu.memref_slice %arg10[%add3A_17, %dma_start3A_30] : memref<10112x128xf32, #tpu.memory_space<vmem_shared>> -> memref<120x128xf32, #tpu.memory_space<vmem_shared>>
      %dma_start3A_32 = arith.constant 0 : i32
      %dma_start3A_33 = tpu.memref_slice %arg10[%add3A_17, %dma_start3A_32] : memref<10112x128xf32, #tpu.memory_space<vmem_shared>> -> memref<120x128xf32, #tpu.memory_space<vmem_shared>>
      %dma_start3A_34 = arith.constant 0 : i32
      %dma_start3A_35 = arith.constant 0 : i32
      %dma_start3A_36 = tpu.memref_slice %arg8[%dma_start3A_34, %dma_start3A_35] : memref<128x128xf32, #tpu.memory_space<vmem>> -> memref<120x128xf32, #tpu.memory_space<vmem>>
      tpu.enqueue_dma source(%dma_start3A_36 : memref<120x128xf32, #tpu.memory_space<vmem>>) target(%dma_start3A_33 : memref<120x128xf32, #tpu.memory_space<vmem_shared>>) target_semaphore(%run_scoped3A : memref<!tpu.dma_semaphore, #tpu.memory_space<semaphore_mem>>)
      %dma_wait3A = arith.constant 0 : i32
      %dma_wait3A_37 = arith.constant 0 : i32
      %dma_wait3A_38 = tpu.memref_slice %arg8[%dma_wait3A, %dma_wait3A_37] : memref<128x128xf32, #tpu.memory_space<vmem>> -> memref<120x128xf32, #tpu.memory_space<vmem>>
      %dma_wait3A_39 = arith.constant 0 : i32
      %dma_wait3A_40 = tpu.memref_slice %arg10[%add3A_17, %dma_wait3A_39] : memref<10112x128xf32, #tpu.memory_space<vmem_shared>> -> memref<120x128xf32, #tpu.memory_space<vmem_shared>>
      %dma_wait3A_41 = arith.constant 0 : i32
      %dma_wait3A_42 = tpu.memref_slice %arg10[%add3A_17, %dma_wait3A_41] : memref<10112x128xf32, #tpu.memory_space<vmem_shared>> -> memref<120x128xf32, #tpu.memory_space<vmem_shared>>
      %dma_wait3A_43 = arith.constant 0 : i32
      %dma_wait3A_44 = arith.constant 0 : i32
      %dma_wait3A_45 = tpu.memref_slice %arg8[%dma_wait3A_43, %dma_wait3A_44] : memref<128x128xf32, #tpu.memory_space<vmem>> -> memref<120x128xf32, #tpu.memory_space<vmem>>
      tpu.wait_dma2 semaphore(%run_scoped3A : memref<!tpu.dma_semaphore, #tpu.memory_space<semaphore_mem>>) src(%dma_wait3A_45 : memref<120x128xf32, #tpu.memory_space<vmem>>) dst(%dma_wait3A_42 : memref<120x128xf32, #tpu.memory_space<vmem_shared>>)
      tpu.yield
    }) : () -> ()
    %barrier3A = arith.constant 0 : index
    tpu.barrier barrier_id(%barrier3A)
    %scan3A_18 = arith.constant 0 : i32
    %scan3A_19 = arith.constant 0 : i32
    %scan3A_20 = arith.constant 20 : i32
    %scan3A_21 = arith.addi %scan3A_19, %scan3A_20 : i32
    %scan3A_22 = arith.constant 1 : i32
    scf.for %scan3A_28 = %scan3A_19 to %scan3A_21 step %scan3A_22  : i32 {
      %mul3A_29 = arith.constant 20 : i32
      %mul3A_30 = arith.muli %add3A, %mul3A_29 : i32
      %add3A_31 = arith.addi %mul3A_30, %scan3A_28 : i32
      %mul3A_32 = arith.constant 8 : i32
      %mul3A_33 = arith.muli %add3A_31, %mul3A_32 : i32
      "tpu.region"() ({
        %run_scoped3A = tpu.sem_alloc : memref<!tpu.dma_semaphore, #tpu.memory_space<semaphore_mem>>
        %dma_start3A_256 = arith.constant 0 : i32
        %dma_start3A_257 = tpu.memref_slice %arg3[%mul3A_33, %dma_start3A_256] : memref<5120x128xi32, #tpu.memory_space<hbm>> -> memref<8x128xi32, #tpu.memory_space<hbm>>
        %dma_start3A_258 = arith.constant 0 : i32
        %dma_start3A_259 = tpu.memref_slice %arg3[%mul3A_33, %dma_start3A_258] : memref<5120x128xi32, #tpu.memory_space<hbm>> -> memref<8x128xi32, #tpu.memory_space<hbm>>
        tpu.enqueue_dma source(%dma_start3A_259 : memref<8x128xi32, #tpu.memory_space<hbm>>) target(%arg6 : memref<8x128xi32, #tpu.memory_space<vmem>>) target_semaphore(%run_scoped3A : memref<!tpu.dma_semaphore, #tpu.memory_space<semaphore_mem>>)
        %dma_wait3A_260 = arith.constant 0 : i32
        %dma_wait3A_261 = tpu.memref_slice %arg3[%mul3A_33, %dma_wait3A_260] : memref<5120x128xi32, #tpu.memory_space<hbm>> -> memref<8x128xi32, #tpu.memory_space<hbm>>
        %dma_wait3A_262 = arith.constant 0 : i32
        %dma_wait3A_263 = tpu.memref_slice %arg3[%mul3A_33, %dma_wait3A_262] : memref<5120x128xi32, #tpu.memory_space<hbm>> -> memref<8x128xi32, #tpu.memory_space<hbm>>
        tpu.wait_dma2 semaphore(%run_scoped3A : memref<!tpu.dma_semaphore, #tpu.memory_space<semaphore_mem>>) src(%dma_wait3A_263 : memref<8x128xi32, #tpu.memory_space<hbm>>) dst(%arg6 : memref<8x128xi32, #tpu.memory_space<vmem>>)
        tpu.yield
      }) : () -> ()
      "tpu.region"() ({
        %run_scoped3A = tpu.sem_alloc : memref<!tpu.dma_semaphore, #tpu.memory_space<semaphore_mem>>
        %dma_start3A_256 = arith.constant 0 : i32
        %dma_start3A_257 = tpu.memref_slice %arg4[%mul3A_33, %dma_start3A_256] : memref<5120x128xi32, #tpu.memory_space<hbm>> -> memref<8x128xi32, #tpu.memory_space<hbm>>
        %dma_start3A_258 = arith.constant 0 : i32
        %dma_start3A_259 = tpu.memref_slice %arg4[%mul3A_33, %dma_start3A_258] : memref<5120x128xi32, #tpu.memory_space<hbm>> -> memref<8x128xi32, #tpu.memory_space<hbm>>
        tpu.enqueue_dma source(%dma_start3A_259 : memref<8x128xi32, #tpu.memory_space<hbm>>) target(%arg7 : memref<8x128xi32, #tpu.memory_space<vmem>>) target_semaphore(%run_scoped3A : memref<!tpu.dma_semaphore, #tpu.memory_space<semaphore_mem>>)
        %dma_wait3A_260 = arith.constant 0 : i32
        %dma_wait3A_261 = tpu.memref_slice %arg4[%mul3A_33, %dma_wait3A_260] : memref<5120x128xi32, #tpu.memory_space<hbm>> -> memref<8x128xi32, #tpu.memory_space<hbm>>
        %dma_wait3A_262 = arith.constant 0 : i32
        %dma_wait3A_263 = tpu.memref_slice %arg4[%mul3A_33, %dma_wait3A_262] : memref<5120x128xi32, #tpu.memory_space<hbm>> -> memref<8x128xi32, #tpu.memory_space<hbm>>
        tpu.wait_dma2 semaphore(%run_scoped3A : memref<!tpu.dma_semaphore, #tpu.memory_space<semaphore_mem>>) src(%dma_wait3A_263 : memref<8x128xi32, #tpu.memory_space<hbm>>) dst(%arg7 : memref<8x128xi32, #tpu.memory_space<vmem>>)
        tpu.yield
      }) : () -> ()
      %dma_start3A = arith.constant 0 : i32
      %dma_start3A_34 = arith.constant 0 : i32
      %dma_start3A_35 = tpu.memref_slice %arg6[%dma_start3A, %dma_start3A_34] : memref<8x128xi32, #tpu.memory_space<vmem>> -> memref<1x128xi32, #tpu.memory_space<vmem>>
      %dma_start3A_36 = tpu.memref_squeeze %dma_start3A_35 : memref<1x128xi32, #tpu.memory_space<vmem>> -> memref<128xi32, #tpu.memory_space<vmem>>
      %dma_start3A_37 = arith.constant 0 : i32
      %dma_start3A_38 = arith.constant 0 : i32
      %dma_start3A_39 = tpu.memref_slice %arg2[%dma_start3A_37, %dma_start3A_38] : memref<20000x128xf32, #tpu.memory_space<hbm>> -> memref<20000x128xf32, #tpu.memory_space<hbm>>
      tpu.enqueue_indirect_dma source(%dma_start3A_39 : memref<20000x128xf32, #tpu.memory_space<hbm>>) target(%arg8 : memref<128x128xf32, #tpu.memory_space<vmem>>) offsets(%dma_start3A_36 : memref<128xi32, #tpu.memory_space<vmem>>) semaphore(%arg11 : memref<!tpu.dma_semaphore, #tpu.memory_space<semaphore_mem>>)
      %dma_start3A_40 = arith.constant 1 : i32
      %dma_start3A_41 = arith.constant 0 : i32
      %dma_start3A_42 = tpu.memref_slice %arg6[%dma_start3A_40, %dma_start3A_41] : memref<8x128xi32, #tpu.memory_space<vmem>> -> memref<1x128xi32, #tpu.memory_space<vmem>>
      %dma_start3A_43 = tpu.memref_squeeze %dma_start3A_42 : memref<1x128xi32, #tpu.memory_space<vmem>> -> memref<128xi32, #tpu.memory_space<vmem>>
      %dma_start3A_44 = arith.constant 0 : i32
      %dma_start3A_45 = arith.constant 0 : i32
      %dma_start3A_46 = tpu.memref_slice %arg2[%dma_start3A_44, %dma_start3A_45] : memref<20000x128xf32, #tpu.memory_space<hbm>> -> memref<20000x128xf32, #tpu.memory_space<hbm>>
      tpu.enqueue_indirect_dma source(%dma_start3A_46 : memref<20000x128xf32, #tpu.memory_space<hbm>>) target(%arg9 : memref<128x128xf32, #tpu.memory_space<vmem>>) offsets(%dma_start3A_43 : memref<128xi32, #tpu.memory_space<vmem>>) semaphore(%arg12 : memref<!tpu.dma_semaphore, #tpu.memory_space<semaphore_mem>>)
      %dma_wait3A = arith.constant 0 : i32
      %dma_wait3A_47 = arith.constant 0 : i32
      %dma_wait3A_48 = tpu.memref_slice %arg6[%dma_wait3A, %dma_wait3A_47] : memref<8x128xi32, #tpu.memory_space<vmem>> -> memref<1x128xi32, #tpu.memory_space<vmem>>
      %dma_wait3A_49 = tpu.memref_squeeze %dma_wait3A_48 : memref<1x128xi32, #tpu.memory_space<vmem>> -> memref<128xi32, #tpu.memory_space<vmem>>
      %dma_wait3A_50 = arith.constant 0 : i32
      %dma_wait3A_51 = arith.constant 0 : i32
      %dma_wait3A_52 = tpu.memref_slice %arg2[%dma_wait3A_50, %dma_wait3A_51] : memref<20000x128xf32, #tpu.memory_space<hbm>> -> memref<20000x128xf32, #tpu.memory_space<hbm>>
      tpu.wait_indirect_dma semaphore(%arg11 : memref<!tpu.dma_semaphore, #tpu.memory_space<semaphore_mem>>) src(%dma_wait3A_52 : memref<20000x128xf32, #tpu.memory_space<hbm>>) dst(%arg8 : memref<128x128xf32, #tpu.memory_space<vmem>>)
      %dma_start3A_53 = arith.constant 0 : i32
      %dma_start3A_54 = arith.constant 0 : i32
      %dma_start3A_55 = tpu.memref_slice %arg7[%dma_start3A_53, %dma_start3A_54] : memref<8x128xi32, #tpu.memory_space<vmem>> -> memref<1x128xi32, #tpu.memory_space<vmem>>
      %dma_start3A_56 = tpu.memref_squeeze %dma_start3A_55 : memref<1x128xi32, #tpu.memory_space<vmem>> -> memref<128xi32, #tpu.memory_space<vmem>>
      %dma_start3A_57 = arith.constant 0 : i32
      %dma_start3A_58 = arith.constant 0 : i32
      %dma_start3A_59 = tpu.memref_slice %arg10[%dma_start3A_57, %dma_start3A_58] : memref<10112x128xf32, #tpu.memory_space<vmem_shared>> -> memref<10112x128xf32, #tpu.memory_space<vmem_shared>>
      tpu.enqueue_indirect_dma source(%arg8 : memref<128x128xf32, #tpu.memory_space<vmem>>) target(%dma_start3A_59 : memref<10112x128xf32, #tpu.memory_space<vmem_shared>>) offsets(%dma_start3A_56 : memref<128xi32, #tpu.memory_space<vmem>>) semaphore(%arg13 : memref<!tpu.dma_semaphore, #tpu.memory_space<semaphore_mem>>) {add = true}
      %dma_wait3A_60 = arith.constant 0 : i32
      %dma_wait3A_61 = arith.constant 0 : i32
      %dma_wait3A_62 = tpu.memref_slice %arg7[%dma_wait3A_60, %dma_wait3A_61] : memref<8x128xi32, #tpu.memory_space<vmem>> -> memref<1x128xi32, #tpu.memory_space<vmem>>
      %dma_wait3A_63 = tpu.memref_squeeze %dma_wait3A_62 : memref<1x128xi32, #tpu.memory_space<vmem>> -> memref<128xi32, #tpu.memory_space<vmem>>
      %dma_wait3A_64 = arith.constant 0 : i32
      %dma_wait3A_65 = arith.constant 0 : i32
      %dma_wait3A_66 = tpu.memref_slice %arg10[%dma_wait3A_64, %dma_wait3A_65] : memref<10112x128xf32, #tpu.memory_space<vmem_shared>> -> memref<10112x128xf32, #tpu.memory_space<vmem_shared>>
      tpu.wait_indirect_dma semaphore(%arg13 : memref<!tpu.dma_semaphore, #tpu.memory_space<semaphore_mem>>) src(%arg8 : memref<128x128xf32, #tpu.memory_space<vmem>>) dst(%dma_wait3A_66 : memref<10112x128xf32, #tpu.memory_space<vmem_shared>>)
      %dma_start3A_67 = arith.constant 2 : i32
      %dma_start3A_68 = arith.constant 0 : i32
      %dma_start3A_69 = tpu.memref_slice %arg6[%dma_start3A_67, %dma_start3A_68] : memref<8x128xi32, #tpu.memory_space<vmem>> -> memref<1x128xi32, #tpu.memory_space<vmem>>
      %dma_start3A_70 = tpu.memref_squeeze %dma_start3A_69 : memref<1x128xi32, #tpu.memory_space<vmem>> -> memref<128xi32, #tpu.memory_space<vmem>>
      %dma_start3A_71 = arith.constant 0 : i32
      %dma_start3A_72 = arith.constant 0 : i32
      %dma_start3A_73 = tpu.memref_slice %arg2[%dma_start3A_71, %dma_start3A_72] : memref<20000x128xf32, #tpu.memory_space<hbm>> -> memref<20000x128xf32, #tpu.memory_space<hbm>>
      tpu.enqueue_indirect_dma source(%dma_start3A_73 : memref<20000x128xf32, #tpu.memory_space<hbm>>) target(%arg8 : memref<128x128xf32, #tpu.memory_space<vmem>>) offsets(%dma_start3A_70 : memref<128xi32, #tpu.memory_space<vmem>>) semaphore(%arg11 : memref<!tpu.dma_semaphore, #tpu.memory_space<semaphore_mem>>)
      %dma_wait3A_74 = arith.constant 1 : i32
      %dma_wait3A_75 = arith.constant 0 : i32
      %dma_wait3A_76 = tpu.memref_slice %arg6[%dma_wait3A_74, %dma_wait3A_75] : memref<8x128xi32, #tpu.memory_space<vmem>> -> memref<1x128xi32, #tpu.memory_space<vmem>>
      %dma_wait3A_77 = tpu.memref_squeeze %dma_wait3A_76 : memref<1x128xi32, #tpu.memory_space<vmem>> -> memref<128xi32, #tpu.memory_space<vmem>>
      %dma_wait3A_78 = arith.constant 0 : i32
      %dma_wait3A_79 = arith.constant 0 : i32
      %dma_wait3A_80 = tpu.memref_slice %arg2[%dma_wait3A_78, %dma_wait3A_79] : memref<20000x128xf32, #tpu.memory_space<hbm>> -> memref<20000x128xf32, #tpu.memory_space<hbm>>
      tpu.wait_indirect_dma semaphore(%arg12 : memref<!tpu.dma_semaphore, #tpu.memory_space<semaphore_mem>>) src(%dma_wait3A_80 : memref<20000x128xf32, #tpu.memory_space<hbm>>) dst(%arg9 : memref<128x128xf32, #tpu.memory_space<vmem>>)
      %dma_start3A_81 = arith.constant 1 : i32
      %dma_start3A_82 = arith.constant 0 : i32
      %dma_start3A_83 = tpu.memref_slice %arg7[%dma_start3A_81, %dma_start3A_82] : memref<8x128xi32, #tpu.memory_space<vmem>> -> memref<1x128xi32, #tpu.memory_space<vmem>>
      %dma_start3A_84 = tpu.memref_squeeze %dma_start3A_83 : memref<1x128xi32, #tpu.memory_space<vmem>> -> memref<128xi32, #tpu.memory_space<vmem>>
      %dma_start3A_85 = arith.constant 0 : i32
      %dma_start3A_86 = arith.constant 0 : i32
      %dma_start3A_87 = tpu.memref_slice %arg10[%dma_start3A_85, %dma_start3A_86] : memref<10112x128xf32, #tpu.memory_space<vmem_shared>> -> memref<10112x128xf32, #tpu.memory_space<vmem_shared>>
      tpu.enqueue_indirect_dma source(%arg9 : memref<128x128xf32, #tpu.memory_space<vmem>>) target(%dma_start3A_87 : memref<10112x128xf32, #tpu.memory_space<vmem_shared>>) offsets(%dma_start3A_84 : memref<128xi32, #tpu.memory_space<vmem>>) semaphore(%arg14 : memref<!tpu.dma_semaphore, #tpu.memory_space<semaphore_mem>>) {add = true}
      %dma_wait3A_88 = arith.constant 1 : i32
      %dma_wait3A_89 = arith.constant 0 : i32
      %dma_wait3A_90 = tpu.memref_slice %arg7[%dma_wait3A_88, %dma_wait3A_89] : memref<8x128xi32, #tpu.memory_space<vmem>> -> memref<1x128xi32, #tpu.memory_space<vmem>>
      %dma_wait3A_91 = tpu.memref_squeeze %dma_wait3A_90 : memref<1x128xi32, #tpu.memory_space<vmem>> -> memref<128xi32, #tpu.memory_space<vmem>>
      %dma_wait3A_92 = arith.constant 0 : i32
      %dma_wait3A_93 = arith.constant 0 : i32
      %dma_wait3A_94 = tpu.memref_slice %arg10[%dma_wait3A_92, %dma_wait3A_93] : memref<10112x128xf32, #tpu.memory_space<vmem_shared>> -> memref<10112x128xf32, #tpu.memory_space<vmem_shared>>
      tpu.wait_indirect_dma semaphore(%arg14 : memref<!tpu.dma_semaphore, #tpu.memory_space<semaphore_mem>>) src(%arg9 : memref<128x128xf32, #tpu.memory_space<vmem>>) dst(%dma_wait3A_94 : memref<10112x128xf32, #tpu.memory_space<vmem_shared>>)
      %dma_start3A_95 = arith.constant 3 : i32
      %dma_start3A_96 = arith.constant 0 : i32
      %dma_start3A_97 = tpu.memref_slice %arg6[%dma_start3A_95, %dma_start3A_96] : memref<8x128xi32, #tpu.memory_space<vmem>> -> memref<1x128xi32, #tpu.memory_space<vmem>>
      %dma_start3A_98 = tpu.memref_squeeze %dma_start3A_97 : memref<1x128xi32, #tpu.memory_space<vmem>> -> memref<128xi32, #tpu.memory_space<vmem>>
      %dma_start3A_99 = arith.constant 0 : i32
      %dma_start3A_100 = arith.constant 0 : i32
      %dma_start3A_101 = tpu.memref_slice %arg2[%dma_start3A_99, %dma_start3A_100] : memref<20000x128xf32, #tpu.memory_space<hbm>> -> memref<20000x128xf32, #tpu.memory_space<hbm>>
      tpu.enqueue_indirect_dma source(%dma_start3A_101 : memref<20000x128xf32, #tpu.memory_space<hbm>>) target(%arg9 : memref<128x128xf32, #tpu.memory_space<vmem>>) offsets(%dma_start3A_98 : memref<128xi32, #tpu.memory_space<vmem>>) semaphore(%arg12 : memref<!tpu.dma_semaphore, #tpu.memory_space<semaphore_mem>>)
      %dma_wait3A_102 = arith.constant 2 : i32
      %dma_wait3A_103 = arith.constant 0 : i32
      %dma_wait3A_104 = tpu.memref_slice %arg6[%dma_wait3A_102, %dma_wait3A_103] : memref<8x128xi32, #tpu.memory_space<vmem>> -> memref<1x128xi32, #tpu.memory_space<vmem>>
      %dma_wait3A_105 = tpu.memref_squeeze %dma_wait3A_104 : memref<1x128xi32, #tpu.memory_space<vmem>> -> memref<128xi32, #tpu.memory_space<vmem>>
      %dma_wait3A_106 = arith.constant 0 : i32
      %dma_wait3A_107 = arith.constant 0 : i32
      %dma_wait3A_108 = tpu.memref_slice %arg2[%dma_wait3A_106, %dma_wait3A_107] : memref<20000x128xf32, #tpu.memory_space<hbm>> -> memref<20000x128xf32, #tpu.memory_space<hbm>>
      tpu.wait_indirect_dma semaphore(%arg11 : memref<!tpu.dma_semaphore, #tpu.memory_space<semaphore_mem>>) src(%dma_wait3A_108 : memref<20000x128xf32, #tpu.memory_space<hbm>>) dst(%arg8 : memref<128x128xf32, #tpu.memory_space<vmem>>)
      %dma_start3A_109 = arith.constant 2 : i32
      %dma_start3A_110 = arith.constant 0 : i32
      %dma_start3A_111 = tpu.memref_slice %arg7[%dma_start3A_109, %dma_start3A_110] : memref<8x128xi32, #tpu.memory_space<vmem>> -> memref<1x128xi32, #tpu.memory_space<vmem>>
      %dma_start3A_112 = tpu.memref_squeeze %dma_start3A_111 : memref<1x128xi32, #tpu.memory_space<vmem>> -> memref<128xi32, #tpu.memory_space<vmem>>
      %dma_start3A_113 = arith.constant 0 : i32
      %dma_start3A_114 = arith.constant 0 : i32
      %dma_start3A_115 = tpu.memref_slice %arg10[%dma_start3A_113, %dma_start3A_114] : memref<10112x128xf32, #tpu.memory_space<vmem_shared>> -> memref<10112x128xf32, #tpu.memory_space<vmem_shared>>
      tpu.enqueue_indirect_dma source(%arg8 : memref<128x128xf32, #tpu.memory_space<vmem>>) target(%dma_start3A_115 : memref<10112x128xf32, #tpu.memory_space<vmem_shared>>) offsets(%dma_start3A_112 : memref<128xi32, #tpu.memory_space<vmem>>) semaphore(%arg13 : memref<!tpu.dma_semaphore, #tpu.memory_space<semaphore_mem>>) {add = true}
      %dma_wait3A_116 = arith.constant 2 : i32
      %dma_wait3A_117 = arith.constant 0 : i32
      %dma_wait3A_118 = tpu.memref_slice %arg7[%dma_wait3A_116, %dma_wait3A_117] : memref<8x128xi32, #tpu.memory_space<vmem>> -> memref<1x128xi32, #tpu.memory_space<vmem>>
      %dma_wait3A_119 = tpu.memref_squeeze %dma_wait3A_118 : memref<1x128xi32, #tpu.memory_space<vmem>> -> memref<128xi32, #tpu.memory_space<vmem>>
      %dma_wait3A_120 = arith.constant 0 : i32
      %dma_wait3A_121 = arith.constant 0 : i32
      %dma_wait3A_122 = tpu.memref_slice %arg10[%dma_wait3A_120, %dma_wait3A_121] : memref<10112x128xf32, #tpu.memory_space<vmem_shared>> -> memref<10112x128xf32, #tpu.memory_space<vmem_shared>>
      tpu.wait_indirect_dma semaphore(%arg13 : memref<!tpu.dma_semaphore, #tpu.memory_space<semaphore_mem>>) src(%arg8 : memref<128x128xf32, #tpu.memory_space<vmem>>) dst(%dma_wait3A_122 : memref<10112x128xf32, #tpu.memory_space<vmem_shared>>)
      %dma_start3A_123 = arith.constant 4 : i32
      %dma_start3A_124 = arith.constant 0 : i32
      %dma_start3A_125 = tpu.memref_slice %arg6[%dma_start3A_123, %dma_start3A_124] : memref<8x128xi32, #tpu.memory_space<vmem>> -> memref<1x128xi32, #tpu.memory_space<vmem>>
      %dma_start3A_126 = tpu.memref_squeeze %dma_start3A_125 : memref<1x128xi32, #tpu.memory_space<vmem>> -> memref<128xi32, #tpu.memory_space<vmem>>
      %dma_start3A_127 = arith.constant 0 : i32
      %dma_start3A_128 = arith.constant 0 : i32
      %dma_start3A_129 = tpu.memref_slice %arg2[%dma_start3A_127, %dma_start3A_128] : memref<20000x128xf32, #tpu.memory_space<hbm>> -> memref<20000x128xf32, #tpu.memory_space<hbm>>
      tpu.enqueue_indirect_dma source(%dma_start3A_129 : memref<20000x128xf32, #tpu.memory_space<hbm>>) target(%arg8 : memref<128x128xf32, #tpu.memory_space<vmem>>) offsets(%dma_start3A_126 : memref<128xi32, #tpu.memory_space<vmem>>) semaphore(%arg11 : memref<!tpu.dma_semaphore, #tpu.memory_space<semaphore_mem>>)
      %dma_wait3A_130 = arith.constant 3 : i32
      %dma_wait3A_131 = arith.constant 0 : i32
      %dma_wait3A_132 = tpu.memref_slice %arg6[%dma_wait3A_130, %dma_wait3A_131] : memref<8x128xi32, #tpu.memory_space<vmem>> -> memref<1x128xi32, #tpu.memory_space<vmem>>
      %dma_wait3A_133 = tpu.memref_squeeze %dma_wait3A_132 : memref<1x128xi32, #tpu.memory_space<vmem>> -> memref<128xi32, #tpu.memory_space<vmem>>
      %dma_wait3A_134 = arith.constant 0 : i32
      %dma_wait3A_135 = arith.constant 0 : i32
      %dma_wait3A_136 = tpu.memref_slice %arg2[%dma_wait3A_134, %dma_wait3A_135] : memref<20000x128xf32, #tpu.memory_space<hbm>> -> memref<20000x128xf32, #tpu.memory_space<hbm>>
      tpu.wait_indirect_dma semaphore(%arg12 : memref<!tpu.dma_semaphore, #tpu.memory_space<semaphore_mem>>) src(%dma_wait3A_136 : memref<20000x128xf32, #tpu.memory_space<hbm>>) dst(%arg9 : memref<128x128xf32, #tpu.memory_space<vmem>>)
      %dma_start3A_137 = arith.constant 3 : i32
      %dma_start3A_138 = arith.constant 0 : i32
      %dma_start3A_139 = tpu.memref_slice %arg7[%dma_start3A_137, %dma_start3A_138] : memref<8x128xi32, #tpu.memory_space<vmem>> -> memref<1x128xi32, #tpu.memory_space<vmem>>
      %dma_start3A_140 = tpu.memref_squeeze %dma_start3A_139 : memref<1x128xi32, #tpu.memory_space<vmem>> -> memref<128xi32, #tpu.memory_space<vmem>>
      %dma_start3A_141 = arith.constant 0 : i32
      %dma_start3A_142 = arith.constant 0 : i32
      %dma_start3A_143 = tpu.memref_slice %arg10[%dma_start3A_141, %dma_start3A_142] : memref<10112x128xf32, #tpu.memory_space<vmem_shared>> -> memref<10112x128xf32, #tpu.memory_space<vmem_shared>>
      tpu.enqueue_indirect_dma source(%arg9 : memref<128x128xf32, #tpu.memory_space<vmem>>) target(%dma_start3A_143 : memref<10112x128xf32, #tpu.memory_space<vmem_shared>>) offsets(%dma_start3A_140 : memref<128xi32, #tpu.memory_space<vmem>>) semaphore(%arg14 : memref<!tpu.dma_semaphore, #tpu.memory_space<semaphore_mem>>) {add = true}
      %dma_wait3A_144 = arith.constant 3 : i32
      %dma_wait3A_145 = arith.constant 0 : i32
      %dma_wait3A_146 = tpu.memref_slice %arg7[%dma_wait3A_144, %dma_wait3A_145] : memref<8x128xi32, #tpu.memory_space<vmem>> -> memref<1x128xi32, #tpu.memory_space<vmem>>
      %dma_wait3A_147 = tpu.memref_squeeze %dma_wait3A_146 : memref<1x128xi32, #tpu.memory_space<vmem>> -> memref<128xi32, #tpu.memory_space<vmem>>
      %dma_wait3A_148 = arith.constant 0 : i32
      %dma_wait3A_149 = arith.constant 0 : i32
      %dma_wait3A_150 = tpu.memref_slice %arg10[%dma_wait3A_148, %dma_wait3A_149] : memref<10112x128xf32, #tpu.memory_space<vmem_shared>> -> memref<10112x128xf32, #tpu.memory_space<vmem_shared>>
      tpu.wait_indirect_dma semaphore(%arg14 : memref<!tpu.dma_semaphore, #tpu.memory_space<semaphore_mem>>) src(%arg9 : memref<128x128xf32, #tpu.memory_space<vmem>>) dst(%dma_wait3A_150 : memref<10112x128xf32, #tpu.memory_space<vmem_shared>>)
      %dma_start3A_151 = arith.constant 5 : i32
      %dma_start3A_152 = arith.constant 0 : i32
      %dma_start3A_153 = tpu.memref_slice %arg6[%dma_start3A_151, %dma_start3A_152] : memref<8x128xi32, #tpu.memory_space<vmem>> -> memref<1x128xi32, #tpu.memory_space<vmem>>
      %dma_start3A_154 = tpu.memref_squeeze %dma_start3A_153 : memref<1x128xi32, #tpu.memory_space<vmem>> -> memref<128xi32, #tpu.memory_space<vmem>>
      %dma_start3A_155 = arith.constant 0 : i32
      %dma_start3A_156 = arith.constant 0 : i32
      %dma_start3A_157 = tpu.memref_slice %arg2[%dma_start3A_155, %dma_start3A_156] : memref<20000x128xf32, #tpu.memory_space<hbm>> -> memref<20000x128xf32, #tpu.memory_space<hbm>>
      tpu.enqueue_indirect_dma source(%dma_start3A_157 : memref<20000x128xf32, #tpu.memory_space<hbm>>) target(%arg9 : memref<128x128xf32, #tpu.memory_space<vmem>>) offsets(%dma_start3A_154 : memref<128xi32, #tpu.memory_space<vmem>>) semaphore(%arg12 : memref<!tpu.dma_semaphore, #tpu.memory_space<semaphore_mem>>)
      %dma_wait3A_158 = arith.constant 4 : i32
      %dma_wait3A_159 = arith.constant 0 : i32
      %dma_wait3A_160 = tpu.memref_slice %arg6[%dma_wait3A_158, %dma_wait3A_159] : memref<8x128xi32, #tpu.memory_space<vmem>> -> memref<1x128xi32, #tpu.memory_space<vmem>>
      %dma_wait3A_161 = tpu.memref_squeeze %dma_wait3A_160 : memref<1x128xi32, #tpu.memory_space<vmem>> -> memref<128xi32, #tpu.memory_space<vmem>>
      %dma_wait3A_162 = arith.constant 0 : i32
      %dma_wait3A_163 = arith.constant 0 : i32
      %dma_wait3A_164 = tpu.memref_slice %arg2[%dma_wait3A_162, %dma_wait3A_163] : memref<20000x128xf32, #tpu.memory_space<hbm>> -> memref<20000x128xf32, #tpu.memory_space<hbm>>
      tpu.wait_indirect_dma semaphore(%arg11 : memref<!tpu.dma_semaphore, #tpu.memory_space<semaphore_mem>>) src(%dma_wait3A_164 : memref<20000x128xf32, #tpu.memory_space<hbm>>) dst(%arg8 : memref<128x128xf32, #tpu.memory_space<vmem>>)
      %dma_start3A_165 = arith.constant 4 : i32
      %dma_start3A_166 = arith.constant 0 : i32
      %dma_start3A_167 = tpu.memref_slice %arg7[%dma_start3A_165, %dma_start3A_166] : memref<8x128xi32, #tpu.memory_space<vmem>> -> memref<1x128xi32, #tpu.memory_space<vmem>>
      %dma_start3A_168 = tpu.memref_squeeze %dma_start3A_167 : memref<1x128xi32, #tpu.memory_space<vmem>> -> memref<128xi32, #tpu.memory_space<vmem>>
      %dma_start3A_169 = arith.constant 0 : i32
      %dma_start3A_170 = arith.constant 0 : i32
      %dma_start3A_171 = tpu.memref_slice %arg10[%dma_start3A_169, %dma_start3A_170] : memref<10112x128xf32, #tpu.memory_space<vmem_shared>> -> memref<10112x128xf32, #tpu.memory_space<vmem_shared>>
      tpu.enqueue_indirect_dma source(%arg8 : memref<128x128xf32, #tpu.memory_space<vmem>>) target(%dma_start3A_171 : memref<10112x128xf32, #tpu.memory_space<vmem_shared>>) offsets(%dma_start3A_168 : memref<128xi32, #tpu.memory_space<vmem>>) semaphore(%arg13 : memref<!tpu.dma_semaphore, #tpu.memory_space<semaphore_mem>>) {add = true}
      %dma_wait3A_172 = arith.constant 4 : i32
      %dma_wait3A_173 = arith.constant 0 : i32
      %dma_wait3A_174 = tpu.memref_slice %arg7[%dma_wait3A_172, %dma_wait3A_173] : memref<8x128xi32, #tpu.memory_space<vmem>> -> memref<1x128xi32, #tpu.memory_space<vmem>>
      %dma_wait3A_175 = tpu.memref_squeeze %dma_wait3A_174 : memref<1x128xi32, #tpu.memory_space<vmem>> -> memref<128xi32, #tpu.memory_space<vmem>>
      %dma_wait3A_176 = arith.constant 0 : i32
      %dma_wait3A_177 = arith.constant 0 : i32
      %dma_wait3A_178 = tpu.memref_slice %arg10[%dma_wait3A_176, %dma_wait3A_177] : memref<10112x128xf32, #tpu.memory_space<vmem_shared>> -> memref<10112x128xf32, #tpu.memory_space<vmem_shared>>
      tpu.wait_indirect_dma semaphore(%arg13 : memref<!tpu.dma_semaphore, #tpu.memory_space<semaphore_mem>>) src(%arg8 : memref<128x128xf32, #tpu.memory_space<vmem>>) dst(%dma_wait3A_178 : memref<10112x128xf32, #tpu.memory_space<vmem_shared>>)
      %dma_start3A_179 = arith.constant 6 : i32
      %dma_start3A_180 = arith.constant 0 : i32
      %dma_start3A_181 = tpu.memref_slice %arg6[%dma_start3A_179, %dma_start3A_180] : memref<8x128xi32, #tpu.memory_space<vmem>> -> memref<1x128xi32, #tpu.memory_space<vmem>>
      %dma_start3A_182 = tpu.memref_squeeze %dma_start3A_181 : memref<1x128xi32, #tpu.memory_space<vmem>> -> memref<128xi32, #tpu.memory_space<vmem>>
      %dma_start3A_183 = arith.constant 0 : i32
      %dma_start3A_184 = arith.constant 0 : i32
      %dma_start3A_185 = tpu.memref_slice %arg2[%dma_start3A_183, %dma_start3A_184] : memref<20000x128xf32, #tpu.memory_space<hbm>> -> memref<20000x128xf32, #tpu.memory_space<hbm>>
      tpu.enqueue_indirect_dma source(%dma_start3A_185 : memref<20000x128xf32, #tpu.memory_space<hbm>>) target(%arg8 : memref<128x128xf32, #tpu.memory_space<vmem>>) offsets(%dma_start3A_182 : memref<128xi32, #tpu.memory_space<vmem>>) semaphore(%arg11 : memref<!tpu.dma_semaphore, #tpu.memory_space<semaphore_mem>>)
      %dma_wait3A_186 = arith.constant 5 : i32
      %dma_wait3A_187 = arith.constant 0 : i32
      %dma_wait3A_188 = tpu.memref_slice %arg6[%dma_wait3A_186, %dma_wait3A_187] : memref<8x128xi32, #tpu.memory_space<vmem>> -> memref<1x128xi32, #tpu.memory_space<vmem>>
      %dma_wait3A_189 = tpu.memref_squeeze %dma_wait3A_188 : memref<1x128xi32, #tpu.memory_space<vmem>> -> memref<128xi32, #tpu.memory_space<vmem>>
      %dma_wait3A_190 = arith.constant 0 : i32
      %dma_wait3A_191 = arith.constant 0 : i32
      %dma_wait3A_192 = tpu.memref_slice %arg2[%dma_wait3A_190, %dma_wait3A_191] : memref<20000x128xf32, #tpu.memory_space<hbm>> -> memref<20000x128xf32, #tpu.memory_space<hbm>>
      tpu.wait_indirect_dma semaphore(%arg12 : memref<!tpu.dma_semaphore, #tpu.memory_space<semaphore_mem>>) src(%dma_wait3A_192 : memref<20000x128xf32, #tpu.memory_space<hbm>>) dst(%arg9 : memref<128x128xf32, #tpu.memory_space<vmem>>)
      %dma_start3A_193 = arith.constant 5 : i32
      %dma_start3A_194 = arith.constant 0 : i32
      %dma_start3A_195 = tpu.memref_slice %arg7[%dma_start3A_193, %dma_start3A_194] : memref<8x128xi32, #tpu.memory_space<vmem>> -> memref<1x128xi32, #tpu.memory_space<vmem>>
      %dma_start3A_196 = tpu.memref_squeeze %dma_start3A_195 : memref<1x128xi32, #tpu.memory_space<vmem>> -> memref<128xi32, #tpu.memory_space<vmem>>
      %dma_start3A_197 = arith.constant 0 : i32
      %dma_start3A_198 = arith.constant 0 : i32
      %dma_start3A_199 = tpu.memref_slice %arg10[%dma_start3A_197, %dma_start3A_198] : memref<10112x128xf32, #tpu.memory_space<vmem_shared>> -> memref<10112x128xf32, #tpu.memory_space<vmem_shared>>
      tpu.enqueue_indirect_dma source(%arg9 : memref<128x128xf32, #tpu.memory_space<vmem>>) target(%dma_start3A_199 : memref<10112x128xf32, #tpu.memory_space<vmem_shared>>) offsets(%dma_start3A_196 : memref<128xi32, #tpu.memory_space<vmem>>) semaphore(%arg14 : memref<!tpu.dma_semaphore, #tpu.memory_space<semaphore_mem>>) {add = true}
      %dma_wait3A_200 = arith.constant 5 : i32
      %dma_wait3A_201 = arith.constant 0 : i32
      %dma_wait3A_202 = tpu.memref_slice %arg7[%dma_wait3A_200, %dma_wait3A_201] : memref<8x128xi32, #tpu.memory_space<vmem>> -> memref<1x128xi32, #tpu.memory_space<vmem>>
      %dma_wait3A_203 = tpu.memref_squeeze %dma_wait3A_202 : memref<1x128xi32, #tpu.memory_space<vmem>> -> memref<128xi32, #tpu.memory_space<vmem>>
      %dma_wait3A_204 = arith.constant 0 : i32
      %dma_wait3A_205 = arith.constant 0 : i32
      %dma_wait3A_206 = tpu.memref_slice %arg10[%dma_wait3A_204, %dma_wait3A_205] : memref<10112x128xf32, #tpu.memory_space<vmem_shared>> -> memref<10112x128xf32, #tpu.memory_space<vmem_shared>>
      tpu.wait_indirect_dma semaphore(%arg14 : memref<!tpu.dma_semaphore, #tpu.memory_space<semaphore_mem>>) src(%arg9 : memref<128x128xf32, #tpu.memory_space<vmem>>) dst(%dma_wait3A_206 : memref<10112x128xf32, #tpu.memory_space<vmem_shared>>)
      %dma_start3A_207 = arith.constant 7 : i32
      %dma_start3A_208 = arith.constant 0 : i32
      %dma_start3A_209 = tpu.memref_slice %arg6[%dma_start3A_207, %dma_start3A_208] : memref<8x128xi32, #tpu.memory_space<vmem>> -> memref<1x128xi32, #tpu.memory_space<vmem>>
      %dma_start3A_210 = tpu.memref_squeeze %dma_start3A_209 : memref<1x128xi32, #tpu.memory_space<vmem>> -> memref<128xi32, #tpu.memory_space<vmem>>
      %dma_start3A_211 = arith.constant 0 : i32
      %dma_start3A_212 = arith.constant 0 : i32
      %dma_start3A_213 = tpu.memref_slice %arg2[%dma_start3A_211, %dma_start3A_212] : memref<20000x128xf32, #tpu.memory_space<hbm>> -> memref<20000x128xf32, #tpu.memory_space<hbm>>
      tpu.enqueue_indirect_dma source(%dma_start3A_213 : memref<20000x128xf32, #tpu.memory_space<hbm>>) target(%arg9 : memref<128x128xf32, #tpu.memory_space<vmem>>) offsets(%dma_start3A_210 : memref<128xi32, #tpu.memory_space<vmem>>) semaphore(%arg12 : memref<!tpu.dma_semaphore, #tpu.memory_space<semaphore_mem>>)
      %dma_wait3A_214 = arith.constant 6 : i32
      %dma_wait3A_215 = arith.constant 0 : i32
      %dma_wait3A_216 = tpu.memref_slice %arg6[%dma_wait3A_214, %dma_wait3A_215] : memref<8x128xi32, #tpu.memory_space<vmem>> -> memref<1x128xi32, #tpu.memory_space<vmem>>
      %dma_wait3A_217 = tpu.memref_squeeze %dma_wait3A_216 : memref<1x128xi32, #tpu.memory_space<vmem>> -> memref<128xi32, #tpu.memory_space<vmem>>
      %dma_wait3A_218 = arith.constant 0 : i32
      %dma_wait3A_219 = arith.constant 0 : i32
      %dma_wait3A_220 = tpu.memref_slice %arg2[%dma_wait3A_218, %dma_wait3A_219] : memref<20000x128xf32, #tpu.memory_space<hbm>> -> memref<20000x128xf32, #tpu.memory_space<hbm>>
      tpu.wait_indirect_dma semaphore(%arg11 : memref<!tpu.dma_semaphore, #tpu.memory_space<semaphore_mem>>) src(%dma_wait3A_220 : memref<20000x128xf32, #tpu.memory_space<hbm>>) dst(%arg8 : memref<128x128xf32, #tpu.memory_space<vmem>>)
      %dma_start3A_221 = arith.constant 6 : i32
      %dma_start3A_222 = arith.constant 0 : i32
      %dma_start3A_223 = tpu.memref_slice %arg7[%dma_start3A_221, %dma_start3A_222] : memref<8x128xi32, #tpu.memory_space<vmem>> -> memref<1x128xi32, #tpu.memory_space<vmem>>
      %dma_start3A_224 = tpu.memref_squeeze %dma_start3A_223 : memref<1x128xi32, #tpu.memory_space<vmem>> -> memref<128xi32, #tpu.memory_space<vmem>>
      %dma_start3A_225 = arith.constant 0 : i32
      %dma_start3A_226 = arith.constant 0 : i32
      %dma_start3A_227 = tpu.memref_slice %arg10[%dma_start3A_225, %dma_start3A_226] : memref<10112x128xf32, #tpu.memory_space<vmem_shared>> -> memref<10112x128xf32, #tpu.memory_space<vmem_shared>>
      tpu.enqueue_indirect_dma source(%arg8 : memref<128x128xf32, #tpu.memory_space<vmem>>) target(%dma_start3A_227 : memref<10112x128xf32, #tpu.memory_space<vmem_shared>>) offsets(%dma_start3A_224 : memref<128xi32, #tpu.memory_space<vmem>>) semaphore(%arg13 : memref<!tpu.dma_semaphore, #tpu.memory_space<semaphore_mem>>) {add = true}
      %dma_wait3A_228 = arith.constant 7 : i32
      %dma_wait3A_229 = arith.constant 0 : i32
      %dma_wait3A_230 = tpu.memref_slice %arg6[%dma_wait3A_228, %dma_wait3A_229] : memref<8x128xi32, #tpu.memory_space<vmem>> -> memref<1x128xi32, #tpu.memory_space<vmem>>
      %dma_wait3A_231 = tpu.memref_squeeze %dma_wait3A_230 : memref<1x128xi32, #tpu.memory_space<vmem>> -> memref<128xi32, #tpu.memory_space<vmem>>
      %dma_wait3A_232 = arith.constant 0 : i32
      %dma_wait3A_233 = arith.constant 0 : i32
      %dma_wait3A_234 = tpu.memref_slice %arg2[%dma_wait3A_232, %dma_wait3A_233] : memref<20000x128xf32, #tpu.memory_space<hbm>> -> memref<20000x128xf32, #tpu.memory_space<hbm>>
      tpu.wait_indirect_dma semaphore(%arg12 : memref<!tpu.dma_semaphore, #tpu.memory_space<semaphore_mem>>) src(%dma_wait3A_234 : memref<20000x128xf32, #tpu.memory_space<hbm>>) dst(%arg9 : memref<128x128xf32, #tpu.memory_space<vmem>>)
      %dma_start3A_235 = arith.constant 7 : i32
      %dma_start3A_236 = arith.constant 0 : i32
      %dma_start3A_237 = tpu.memref_slice %arg7[%dma_start3A_235, %dma_start3A_236] : memref<8x128xi32, #tpu.memory_space<vmem>> -> memref<1x128xi32, #tpu.memory_space<vmem>>
      %dma_start3A_238 = tpu.memref_squeeze %dma_start3A_237 : memref<1x128xi32, #tpu.memory_space<vmem>> -> memref<128xi32, #tpu.memory_space<vmem>>
      %dma_start3A_239 = arith.constant 0 : i32
      %dma_start3A_240 = arith.constant 0 : i32
      %dma_start3A_241 = tpu.memref_slice %arg10[%dma_start3A_239, %dma_start3A_240] : memref<10112x128xf32, #tpu.memory_space<vmem_shared>> -> memref<10112x128xf32, #tpu.memory_space<vmem_shared>>
      tpu.enqueue_indirect_dma source(%arg9 : memref<128x128xf32, #tpu.memory_space<vmem>>) target(%dma_start3A_241 : memref<10112x128xf32, #tpu.memory_space<vmem_shared>>) offsets(%dma_start3A_238 : memref<128xi32, #tpu.memory_space<vmem>>) semaphore(%arg14 : memref<!tpu.dma_semaphore, #tpu.memory_space<semaphore_mem>>) {add = true}
      %dma_wait3A_242 = arith.constant 6 : i32
      %dma_wait3A_243 = arith.constant 0 : i32
      %dma_wait3A_244 = tpu.memref_slice %arg7[%dma_wait3A_242, %dma_wait3A_243] : memref<8x128xi32, #tpu.memory_space<vmem>> -> memref<1x128xi32, #tpu.memory_space<vmem>>
      %dma_wait3A_245 = tpu.memref_squeeze %dma_wait3A_244 : memref<1x128xi32, #tpu.memory_space<vmem>> -> memref<128xi32, #tpu.memory_space<vmem>>
      %dma_wait3A_246 = arith.constant 0 : i32
      %dma_wait3A_247 = arith.constant 0 : i32
      %dma_wait3A_248 = tpu.memref_slice %arg10[%dma_wait3A_246, %dma_wait3A_247] : memref<10112x128xf32, #tpu.memory_space<vmem_shared>> -> memref<10112x128xf32, #tpu.memory_space<vmem_shared>>
      tpu.wait_indirect_dma semaphore(%arg13 : memref<!tpu.dma_semaphore, #tpu.memory_space<semaphore_mem>>) src(%arg8 : memref<128x128xf32, #tpu.memory_space<vmem>>) dst(%dma_wait3A_248 : memref<10112x128xf32, #tpu.memory_space<vmem_shared>>)
      %dma_wait3A_249 = arith.constant 7 : i32
      %dma_wait3A_250 = arith.constant 0 : i32
      %dma_wait3A_251 = tpu.memref_slice %arg7[%dma_wait3A_249, %dma_wait3A_250] : memref<8x128xi32, #tpu.memory_space<vmem>> -> memref<1x128xi32, #tpu.memory_space<vmem>>
      %dma_wait3A_252 = tpu.memref_squeeze %dma_wait3A_251 : memref<1x128xi32, #tpu.memory_space<vmem>> -> memref<128xi32, #tpu.memory_space<vmem>>
      %dma_wait3A_253 = arith.constant 0 : i32
      %dma_wait3A_254 = arith.constant 0 : i32
      %dma_wait3A_255 = tpu.memref_slice %arg10[%dma_wait3A_253, %dma_wait3A_254] : memref<10112x128xf32, #tpu.memory_space<vmem_shared>> -> memref<10112x128xf32, #tpu.memory_space<vmem_shared>>
      tpu.wait_indirect_dma semaphore(%arg14 : memref<!tpu.dma_semaphore, #tpu.memory_space<semaphore_mem>>) src(%arg9 : memref<128x128xf32, #tpu.memory_space<vmem>>) dst(%dma_wait3A_255 : memref<10112x128xf32, #tpu.memory_space<vmem_shared>>)
    }
    %scan3A_23 = arith.constant 20 : i32
    %barrier3A_24 = arith.constant 0 : index
    tpu.barrier barrier_id(%barrier3A_24)
    %mul3A_25 = arith.constant 10112 : i32
    %mul3A_26 = arith.muli %arg0, %mul3A_25 : i32
    %add3A_27 = arith.addi %mul3A_26, %mul3A_7 : i32
    "tpu.region"() ({
      %run_scoped3A = tpu.sem_alloc : memref<!tpu.dma_semaphore, #tpu.memory_space<semaphore_mem>>
      %dma_start3A = arith.constant 0 : i32
      %dma_start3A_28 = tpu.memref_slice %arg5[%add3A_27, %dma_start3A] : memref<20224x128xf32, #tpu.memory_space<hbm>> -> memref<632x128xf32, #tpu.memory_space<hbm>>
      %dma_start3A_29 = arith.constant 0 : i32
      %dma_start3A_30 = tpu.memref_slice %arg10[%mul3A_7, %dma_start3A_29] : memref<10112x128xf32, #tpu.memory_space<vmem_shared>> -> memref<632x128xf32, #tpu.memory_space<vmem_shared>>
      tpu.enqueue_dma source(%dma_start3A_30 : memref<632x128xf32, #tpu.memory_space<vmem_shared>>) target(%dma_start3A_28 : memref<632x128xf32, #tpu.memory_space<hbm>>) target_semaphore(%run_scoped3A : memref<!tpu.dma_semaphore, #tpu.memory_space<semaphore_mem>>)
      %dma_wait3A = arith.constant 0 : i32
      %dma_wait3A_31 = tpu.memref_slice %arg5[%add3A_27, %dma_wait3A] : memref<20224x128xf32, #tpu.memory_space<hbm>> -> memref<632x128xf32, #tpu.memory_space<hbm>>
      %dma_wait3A_32 = arith.constant 0 : i32
      %dma_wait3A_33 = tpu.memref_slice %arg10[%mul3A_7, %dma_wait3A_32] : memref<10112x128xf32, #tpu.memory_space<vmem_shared>> -> memref<632x128xf32, #tpu.memory_space<vmem_shared>>
      tpu.wait_dma2 semaphore(%run_scoped3A : memref<!tpu.dma_semaphore, #tpu.memory_space<semaphore_mem>>) src(%dma_wait3A_33 : memref<632x128xf32, #tpu.memory_space<vmem_shared>>) dst(%dma_wait3A_31 : memref<632x128xf32, #tpu.memory_space<hbm>>)
      tpu.yield
    }) : () -> ()
    return
  }
}

module attributes {stable_mosaic.version = 14 : i64} {
  func.func @_pre_body(%arg0: i32, %arg1: memref<2000x128xf32, #tpu.memory_space<vmem>>, %arg2: memref<2x128x128xf32, #tpu.memory_space<vmem>>, %arg3: memref<128x128xf32, #tpu.memory_space<vmem>>, %arg4: memref<1x128xf32, #tpu.memory_space<vmem>>, %arg5: memref<2x2000x128xf32, #tpu.memory_space<vmem>>, %arg6: memref<2000x128xf32, #tpu.memory_space<vmem>>) attributes {dimension_semantics = [#tpu.dimension_semantics<arbitrary>], iteration_bounds = array<i64: 5>, scalar_prefetch = 0 : i64, scratch_operands = 0 : i64, tpu.core_type = #tpu.core_type<tc>, window_params = [{transform_indices = @transform_0, window_bounds = array<i64: 2000, 128>}, {pipeline_mode = #tpu.pipeline_mode<synchronous>, transform_indices = @transform_1, window_bounds = array<i64: 2, 128, 128>}, {pipeline_mode = #tpu.pipeline_mode<synchronous>, transform_indices = @transform_2, window_bounds = array<i64: 128, 128>}, {pipeline_mode = #tpu.pipeline_mode<synchronous>, transform_indices = @transform_3, window_bounds = array<i64: 1, 128>}, {transform_indices = @transform_4, window_bounds = array<i64: 2, 2000, 128>}, {transform_indices = @transform_5, window_bounds = array<i64: 2000, 128>}]} {
    %get3A = arith.constant 0 : index
    %get3A_0 = arith.constant 0 : index
    %get3A_1 = vector.load %arg1[%get3A, %get3A_0] : memref<2000x128xf32, #tpu.memory_space<vmem>>, vector<2000x128xf32>
    %get3A_2 = arith.constant 0 : index
    %get3A_3 = arith.constant 0 : index
    %get3A_4 = arith.constant 0 : index
    %get3A_5 = vector.load %arg2[%get3A_2, %get3A_3, %get3A_4] : memref<2x128x128xf32, #tpu.memory_space<vmem>>, vector<1x128x128xf32>
    %get3A_6 = vector.shape_cast %get3A_5 : vector<1x128x128xf32> to vector<128x128xf32>
    %dot_general3A = arith.constant dense<0.000000e+00> : vector<2000x128xf32>
    %dot_general3A_7 = tpu.matmul %get3A_1, %get3A_6, %dot_general3A {dimension_numbers = #tpu.dot_dimension_numbers<[1], [0], [0], [1], [0, 0, 1, 1], [], []>, precision = #tpu.contract_precision<fp32>, transpose_lhs_hint = false} : vector<2000x128xf32>, vector<128x128xf32>, vector<2000x128xf32> -> vector<2000x128xf32>
    %swap3A = arith.constant 0 : index
    %swap3A_8 = arith.constant 0 : index
    %swap3A_9 = arith.constant 0 : index
    %swap3A_10 = vector.load %arg5[%swap3A, %swap3A_8, %swap3A_9] : memref<2x2000x128xf32, #tpu.memory_space<vmem>>, vector<1x2000x128xf32>
    %swap3A_11 = vector.shape_cast %swap3A_10 : vector<1x2000x128xf32> to vector<2000x128xf32>
    %swap3A_12 = vector.shape_cast %dot_general3A_7 : vector<2000x128xf32> to vector<1x2000x128xf32>
    tpu.vector_store %arg5[%swap3A, %swap3A_8, %swap3A_9], %swap3A_12 {strides = array<i32>} : memref<2x2000x128xf32, #tpu.memory_space<vmem>>, vector<1x2000x128xf32>,
    %get3A_13 = arith.constant 1 : index
    %get3A_14 = arith.constant 0 : index
    %get3A_15 = arith.constant 0 : index
    %get3A_16 = vector.load %arg2[%get3A_13, %get3A_14, %get3A_15] : memref<2x128x128xf32, #tpu.memory_space<vmem>>, vector<1x128x128xf32>
    %get3A_17 = vector.shape_cast %get3A_16 : vector<1x128x128xf32> to vector<128x128xf32>
    %dot_general3A_18 = arith.constant dense<0.000000e+00> : vector<2000x128xf32>
    %dot_general3A_19 = tpu.matmul %get3A_1, %get3A_17, %dot_general3A_18 {dimension_numbers = #tpu.dot_dimension_numbers<[1], [0], [0], [1], [0, 0, 1, 1], [], []>, precision = #tpu.contract_precision<fp32>, transpose_lhs_hint = false} : vector<2000x128xf32>, vector<128x128xf32>, vector<2000x128xf32> -> vector<2000x128xf32>
    %swap3A_20 = arith.constant 1 : index
    %swap3A_21 = arith.constant 0 : index
    %swap3A_22 = arith.constant 0 : index
    %swap3A_23 = vector.load %arg5[%swap3A_20, %swap3A_21, %swap3A_22] : memref<2x2000x128xf32, #tpu.memory_space<vmem>>, vector<1x2000x128xf32>
    %swap3A_24 = vector.shape_cast %swap3A_23 : vector<1x2000x128xf32> to vector<2000x128xf32>
    %swap3A_25 = vector.shape_cast %dot_general3A_19 : vector<2000x128xf32> to vector<1x2000x128xf32>
    tpu.vector_store %arg5[%swap3A_20, %swap3A_21, %swap3A_22], %swap3A_25 {strides = array<i32>} : memref<2x2000x128xf32, #tpu.memory_space<vmem>>, vector<1x2000x128xf32>,
    %get3A_26 = arith.constant 0 : index
    %get3A_27 = arith.constant 0 : index
    %get3A_28 = vector.load %arg3[%get3A_26, %get3A_27] : memref<128x128xf32, #tpu.memory_space<vmem>>, vector<128x128xf32>
    %dot_general3A_29 = arith.constant dense<0.000000e+00> : vector<2000x128xf32>
    %dot_general3A_30 = tpu.matmul %get3A_1, %get3A_28, %dot_general3A_29 {dimension_numbers = #tpu.dot_dimension_numbers<[1], [0], [0], [1], [0, 0, 1, 1], [], []>, precision = #tpu.contract_precision<fp32>, transpose_lhs_hint = false} : vector<2000x128xf32>, vector<128x128xf32>, vector<2000x128xf32> -> vector<2000x128xf32>
    %get3A_31 = arith.constant 0 : index
    %get3A_32 = arith.constant 0 : index
    %get3A_33 = vector.load %arg4[%get3A_31, %get3A_32] : memref<1x128xf32, #tpu.memory_space<vmem>>, vector<1x128xf32>
    %add3A = vector.broadcast %get3A_33 : vector<1x128xf32> to vector<2000x128xf32>
    %add3A_34 = arith.addf %dot_general3A_30, %add3A : vector<2000x128xf32>
    %swap3A_35 = arith.constant 0 : index
    %swap3A_36 = arith.constant 0 : index
    %swap3A_37 = vector.load %arg6[%swap3A_35, %swap3A_36] : memref<2000x128xf32, #tpu.memory_space<vmem>>, vector<2000x128xf32>
    tpu.vector_store %arg6[%swap3A_35, %swap3A_36], %add3A_34 {strides = array<i32>} : memref<2000x128xf32, #tpu.memory_space<vmem>>, vector<2000x128xf32>,
    return
  }
  func.func @transform_0(%arg0: i32) -> (i32, i32) {
    %c0_i32 = arith.constant 0 : i32
    %c0_i32_0 = arith.constant 0 : i32
    return %arg0, %c0_i32 : i32, i32
  }
  func.func @transform_1(%arg0: i32) -> (i32, i32, i32) {
    %c0_i32 = arith.constant 0 : i32
    %c0_i32_0 = arith.constant 0 : i32
    %c0_i32_1 = arith.constant 0 : i32
    %c0_i32_2 = arith.constant 0 : i32
    return %c0_i32, %c0_i32_0, %c0_i32_1 : i32, i32, i32
  }
  func.func @transform_2(%arg0: i32) -> (i32, i32) {
    %c0_i32 = arith.constant 0 : i32
    %c0_i32_0 = arith.constant 0 : i32
    %c0_i32_1 = arith.constant 0 : i32
    return %c0_i32, %c0_i32_0 : i32, i32
  }
  func.func @transform_3(%arg0: i32) -> (i32, i32) {
    %c0_i32 = arith.constant 0 : i32
    %c0_i32_0 = arith.constant 0 : i32
    %c0_i32_1 = arith.constant 0 : i32
    return %c0_i32, %c0_i32_0 : i32, i32
  }
  func.func @transform_4(%arg0: i32) -> (i32, i32, i32) {
    %c0_i32 = arith.constant 0 : i32
    %c0_i32_0 = arith.constant 0 : i32
    %c0_i32_1 = arith.constant 0 : i32
    return %c0_i32, %arg0, %c0_i32_0 : i32, i32, i32
  }
  func.func @transform_5(%arg0: i32) -> (i32, i32) {
    %c0_i32 = arith.constant 0 : i32
    %c0_i32_0 = arith.constant 0 : i32
    return %arg0, %c0_i32 : i32, i32
  }
}

module attributes {stable_mosaic.version = 14 : i64} {
  func.func @_comb_body(%arg0: i32, %arg1: memref<2000x128xf32, #tpu.memory_space<vmem>>, %arg2: memref<2x2000x128xf32, #tpu.memory_space<vmem>>, %arg3: memref<2000x1xf32, #tpu.memory_space<vmem>>, %arg4: memref<2000x1xf32, #tpu.memory_space<vmem>>, %arg5: memref<2000x128xf32, #tpu.memory_space<vmem>>) attributes {dimension_semantics = [#tpu.dimension_semantics<arbitrary>], iteration_bounds = array<i64: 5>, scalar_prefetch = 0 : i64, scratch_operands = 0 : i64, tpu.core_type = #tpu.core_type<tc>, window_params = [{transform_indices = @transform_0, window_bounds = array<i64: 2000, 128>}, {transform_indices = @transform_1, window_bounds = array<i64: 2, 2000, 128>}, {transform_indices = @transform_2, window_bounds = array<i64: 2000, 1>}, {transform_indices = @transform_3, window_bounds = array<i64: 2000, 1>}, {transform_indices = @transform_4, window_bounds = array<i64: 2000, 128>}]} {
    %get3A = arith.constant 0 : index
    %get3A_0 = arith.constant 0 : index
    %get3A_1 = vector.load %arg3[%get3A, %get3A_0] : memref<2000x1xf32, #tpu.memory_space<vmem>>, vector<2000x1xf32>
    %max3A = arith.constant 1.000000e+00 : f32
    %max3A_2 = vector.broadcast %max3A : f32 to vector<2000x1xf32>
    %max3A_3 = arith.maximumf %get3A_1, %max3A_2 : vector<2000x1xf32>
    %div3A = arith.constant 1.000000e+00 : f32
    %div3A_4 = vector.broadcast %div3A : f32 to vector<2000x1xf32>
    %div3A_5 = arith.divf %div3A_4, %max3A_3 : vector<2000x1xf32>
    %get3A_6 = arith.constant 0 : index
    %get3A_7 = arith.constant 0 : index
    %get3A_8 = vector.load %arg4[%get3A_6, %get3A_7] : memref<2000x1xf32, #tpu.memory_space<vmem>>, vector<2000x1xf32>
    %max3A_9 = arith.constant 1.000000e+00 : f32
    %max3A_10 = vector.broadcast %max3A_9 : f32 to vector<2000x1xf32>
    %max3A_11 = arith.maximumf %get3A_8, %max3A_10 : vector<2000x1xf32>
    %div3A_12 = arith.constant 1.000000e+00 : f32
    %div3A_13 = vector.broadcast %div3A_12 : f32 to vector<2000x1xf32>
    %div3A_14 = arith.divf %div3A_13, %max3A_11 : vector<2000x1xf32>
    %get3A_15 = arith.constant 0 : index
    %get3A_16 = arith.constant 0 : index
    %get3A_17 = vector.load %arg1[%get3A_15, %get3A_16] : memref<2000x128xf32, #tpu.memory_space<vmem>>, vector<2000x128xf32>
    %get3A_18 = arith.constant 0 : index
    %get3A_19 = arith.constant 0 : index
    %get3A_20 = arith.constant 0 : index
    %get3A_21 = vector.load %arg2[%get3A_18, %get3A_19, %get3A_20] : memref<2x2000x128xf32, #tpu.memory_space<vmem>>, vector<1x2000x128xf32>
    %get3A_22 = vector.shape_cast %get3A_21 : vector<1x2000x128xf32> to vector<2000x128xf32>
    %mul3A = vector.broadcast %div3A_5 : vector<2000x1xf32> to vector<2000x128xf32>
    %mul3A_23 = arith.mulf %get3A_22, %mul3A : vector<2000x128xf32>
    %add3A = arith.addf %get3A_17, %mul3A_23 : vector<2000x128xf32>
    %get3A_24 = arith.constant 1 : index
    %get3A_25 = arith.constant 0 : index
    %get3A_26 = arith.constant 0 : index
    %get3A_27 = vector.load %arg2[%get3A_24, %get3A_25, %get3A_26] : memref<2x2000x128xf32, #tpu.memory_space<vmem>>, vector<1x2000x128xf32>
    %get3A_28 = vector.shape_cast %get3A_27 : vector<1x2000x128xf32> to vector<2000x128xf32>
    %mul3A_29 = vector.broadcast %div3A_14 : vector<2000x1xf32> to vector<2000x128xf32>
    %mul3A_30 = arith.mulf %get3A_28, %mul3A_29 : vector<2000x128xf32>
    %add3A_31 = arith.addf %add3A, %mul3A_30 : vector<2000x128xf32>
    %max3A_32 = arith.constant 0.000000e+00 : f32
    %max3A_33 = vector.broadcast %max3A_32 : f32 to vector<2000x128xf32>
    %max3A_34 = arith.maximumf %add3A_31, %max3A_33 : vector<2000x128xf32>
    %swap3A = arith.constant 0 : index
    %swap3A_35 = arith.constant 0 : index
    %swap3A_36 = vector.load %arg5[%swap3A, %swap3A_35] : memref<2000x128xf32, #tpu.memory_space<vmem>>, vector<2000x128xf32>
    tpu.vector_store %arg5[%swap3A, %swap3A_35], %max3A_34 {strides = array<i32>} : memref<2000x128xf32, #tpu.memory_space<vmem>>, vector<2000x128xf32>,
    return
  }
  func.func @transform_0(%arg0: i32) -> (i32, i32) {
    %c0_i32 = arith.constant 0 : i32
    %c0_i32_0 = arith.constant 0 : i32
    return %arg0, %c0_i32 : i32, i32
  }
  func.func @transform_1(%arg0: i32) -> (i32, i32, i32) {
    %c0_i32 = arith.constant 0 : i32
    %c0_i32_0 = arith.constant 0 : i32
    %c0_i32_1 = arith.constant 0 : i32
    return %c0_i32, %arg0, %c0_i32_0 : i32, i32, i32
  }
  func.func @transform_2(%arg0: i32) -> (i32, i32) {
    %c0_i32 = arith.constant 0 : i32
    %c0_i32_0 = arith.constant 0 : i32
    return %arg0, %c0_i32 : i32, i32
  }
  func.func @transform_3(%arg0: i32) -> (i32, i32) {
    %c0_i32 = arith.constant 0 : i32
    %c0_i32_0 = arith.constant 0 : i32
    return %arg0, %c0_i32 : i32, i32
  }
  func.func @transform_4(%arg0: i32) -> (i32, i32) {
    %c0_i32 = arith.constant 0 : i32
    %c0_i32_0 = arith.constant 0 : i32
    return %arg0, %c0_i32 : i32, i32
  }
}

module attributes {stable_mosaic.version = 14 : i64} {
  func.func @_fin_body(%arg0: i32, %arg1: memref<2000x128xf32, #tpu.memory_space<vmem>>, %arg2: memref<2000x128xf32, #tpu.memory_space<vmem>>, %arg3: memref<2000x128xf32, #tpu.memory_space<vmem>>, %arg4: memref<2000x128xf32, #tpu.memory_space<vmem>>, %arg5: memref<512x128xf32, #tpu.memory_space<vmem>>, %arg6: memref<1x128xf32, #tpu.memory_space<vmem>>, %arg7: memref<2000x128xf32, #tpu.memory_space<vmem>>) attributes {dimension_semantics = [#tpu.dimension_semantics<arbitrary>], iteration_bounds = array<i64: 5>, scalar_prefetch = 0 : i64, scratch_operands = 0 : i64, tpu.core_type = #tpu.core_type<tc>, window_params = [{transform_indices = @transform_0, window_bounds = array<i64: 2000, 128>}, {transform_indices = @transform_1, window_bounds = array<i64: 2000, 128>}, {transform_indices = @transform_2, window_bounds = array<i64: 2000, 128>}, {transform_indices = @transform_3, window_bounds = array<i64: 2000, 128>}, {pipeline_mode = #tpu.pipeline_mode<synchronous>, transform_indices = @transform_4, window_bounds = array<i64: 512, 128>}, {pipeline_mode = #tpu.pipeline_mode<synchronous>, transform_indices = @transform_5, window_bounds = array<i64: 1, 128>}, {transform_indices = @transform_6, window_bounds = array<i64: 2000, 128>}]} {
    %get3A = arith.constant 0 : index
    %get3A_0 = arith.constant 0 : index
    %get3A_1 = vector.load %arg1[%get3A, %get3A_0] : memref<2000x128xf32, #tpu.memory_space<vmem>>, vector<2000x128xf32>
    %get3A_2 = arith.constant 0 : index
    %get3A_3 = arith.constant 0 : index
    %get3A_4 = vector.load %arg5[%get3A_2, %get3A_3] : memref<512x128xf32, #tpu.memory_space<vmem>>, vector<128x128xf32>
    %dot_general3A = arith.constant dense<0.000000e+00> : vector<2000x128xf32>
    %dot_general3A_5 = tpu.matmul %get3A_1, %get3A_4, %dot_general3A {dimension_numbers = #tpu.dot_dimension_numbers<[1], [0], [0], [1], [0, 0, 1, 1], [], []>, precision = #tpu.contract_precision<fp32>, transpose_lhs_hint = false} : vector<2000x128xf32>, vector<128x128xf32>, vector<2000x128xf32> -> vector<2000x128xf32>
    %get3A_6 = arith.constant 0 : index
    %get3A_7 = arith.constant 0 : index
    %get3A_8 = vector.load %arg2[%get3A_6, %get3A_7] : memref<2000x128xf32, #tpu.memory_space<vmem>>, vector<2000x128xf32>
    %get3A_9 = arith.constant 128 : index
    %get3A_10 = arith.constant 0 : index
    %get3A_11 = vector.load %arg5[%get3A_9, %get3A_10] : memref<512x128xf32, #tpu.memory_space<vmem>>, vector<128x128xf32>
    %dot_general3A_12 = arith.constant dense<0.000000e+00> : vector<2000x128xf32>
    %dot_general3A_13 = tpu.matmul %get3A_8, %get3A_11, %dot_general3A_12 {dimension_numbers = #tpu.dot_dimension_numbers<[1], [0], [0], [1], [0, 0, 1, 1], [], []>, precision = #tpu.contract_precision<fp32>, transpose_lhs_hint = false} : vector<2000x128xf32>, vector<128x128xf32>, vector<2000x128xf32> -> vector<2000x128xf32>
    %add3A = arith.addf %dot_general3A_5, %dot_general3A_13 : vector<2000x128xf32>
    %get3A_14 = arith.constant 0 : index
    %get3A_15 = arith.constant 0 : index
    %get3A_16 = vector.load %arg3[%get3A_14, %get3A_15] : memref<2000x128xf32, #tpu.memory_space<vmem>>, vector<2000x128xf32>
    %get3A_17 = arith.constant 256 : index
    %get3A_18 = arith.constant 0 : index
    %get3A_19 = vector.load %arg5[%get3A_17, %get3A_18] : memref<512x128xf32, #tpu.memory_space<vmem>>, vector<128x128xf32>
    %dot_general3A_20 = arith.constant dense<0.000000e+00> : vector<2000x128xf32>
    %dot_general3A_21 = tpu.matmul %get3A_16, %get3A_19, %dot_general3A_20 {dimension_numbers = #tpu.dot_dimension_numbers<[1], [0], [0], [1], [0, 0, 1, 1], [], []>, precision = #tpu.contract_precision<fp32>, transpose_lhs_hint = false} : vector<2000x128xf32>, vector<128x128xf32>, vector<2000x128xf32> -> vector<2000x128xf32>
    %add3A_22 = arith.addf %add3A, %dot_general3A_21 : vector<2000x128xf32>
    %get3A_23 = arith.constant 0 : index
    %get3A_24 = arith.constant 0 : index
    %get3A_25 = vector.load %arg4[%get3A_23, %get3A_24] : memref<2000x128xf32, #tpu.memory_space<vmem>>, vector<2000x128xf32>
    %get3A_26 = arith.constant 384 : index
    %get3A_27 = arith.constant 0 : index
    %get3A_28 = vector.load %arg5[%get3A_26, %get3A_27] : memref<512x128xf32, #tpu.memory_space<vmem>>, vector<128x128xf32>
    %dot_general3A_29 = arith.constant dense<0.000000e+00> : vector<2000x128xf32>
    %dot_general3A_30 = tpu.matmul %get3A_25, %get3A_28, %dot_general3A_29 {dimension_numbers = #tpu.dot_dimension_numbers<[1], [0], [0], [1], [0, 0, 1, 1], [], []>, precision = #tpu.contract_precision<fp32>, transpose_lhs_hint = false} : vector<2000x128xf32>, vector<128x128xf32>, vector<2000x128xf32> -> vector<2000x128xf32>
    %add3A_31 = arith.addf %add3A_22, %dot_general3A_30 : vector<2000x128xf32>
    %get3A_32 = arith.constant 0 : index
    %get3A_33 = arith.constant 0 : index
    %get3A_34 = vector.load %arg6[%get3A_32, %get3A_33] : memref<1x128xf32, #tpu.memory_space<vmem>>, vector<1x128xf32>
    %add3A_35 = vector.broadcast %get3A_34 : vector<1x128xf32> to vector<2000x128xf32>
    %add3A_36 = arith.addf %add3A_31, %add3A_35 : vector<2000x128xf32>
    %swap3A = arith.constant 0 : index
    %swap3A_37 = arith.constant 0 : index
    %swap3A_38 = vector.load %arg7[%swap3A, %swap3A_37] : memref<2000x128xf32, #tpu.memory_space<vmem>>, vector<2000x128xf32>
    tpu.vector_store %arg7[%swap3A, %swap3A_37], %add3A_36 {strides = array<i32>} : memref<2000x128xf32, #tpu.memory_space<vmem>>, vector<2000x128xf32>,
    return
  }
  func.func @transform_0(%arg0: i32) -> (i32, i32) {
    %c0_i32 = arith.constant 0 : i32
    %c0_i32_0 = arith.constant 0 : i32
    return %arg0, %c0_i32 : i32, i32
  }
  func.func @transform_1(%arg0: i32) -> (i32, i32) {
    %c0_i32 = arith.constant 0 : i32
    %c0_i32_0 = arith.constant 0 : i32
    return %arg0, %c0_i32 : i32, i32
  }
  func.func @transform_2(%arg0: i32) -> (i32, i32) {
    %c0_i32 = arith.constant 0 : i32
    %c0_i32_0 = arith.constant 0 : i32
    return %arg0, %c0_i32 : i32, i32
  }
  func.func @transform_3(%arg0: i32) -> (i32, i32) {
    %c0_i32 = arith.constant 0 : i32
    %c0_i32_0 = arith.constant 0 : i32
    return %arg0, %c0_i32 : i32, i32
  }
  func.func @transform_4(%arg0: i32) -> (i32, i32) {
    %c0_i32 = arith.constant 0 : i32
    %c0_i32_0 = arith.constant 0 : i32
    %c0_i32_1 = arith.constant 0 : i32
    return %c0_i32, %c0_i32_0 : i32, i32
  }
  func.func @transform_5(%arg0: i32) -> (i32, i32) {
    %c0_i32 = arith.constant 0 : i32
    %c0_i32_0 = arith.constant 0 : i32
    %c0_i32_1 = arith.constant 0 : i32
    return %c0_i32, %c0_i32_0 : i32, i32
  }
  func.func @transform_6(%arg0: i32) -> (i32, i32) {
    %c0_i32 = arith.constant 0 : i32
    %c0_i32_0 = arith.constant 0 : i32
    return %arg0, %c0_i32 : i32, i32
  }
}

</mosaic_0001>

<sc_bundles>
// kernel: kernel.13.cloned.1.call-start
scs
__scs_entry_jumppad:
0x0: {  	(pc) =	sbr.rel $0x88, $3  }
0x1: {  	(tag) =	ssettag $0x0;
	lr =	simm.s32 $0x1  }
0x2: {  	[smem:$0x3F91] =	sst lr;
	_ =	strace $0xD0000000  }
0x3: {  	_ = 	snop  }
0x4: {  	_ = 	snop  }
0x5: {  	_ = 	snop  }
0x6: {  	_ = 	snop  }
0x7: {  	_ = 	snop  }
__scs_overlays_trampoline_lowered:
0x8: {  	[smem:$0x3FA0] =	sst s0  }
0x9: {  	[smem:$0x3FA1] =	sst s1  }
0xa: {  	[smem:$0x3FA2] =	sst s2  }
0xb: {  	[smem:$0x3FA3] =	sst s3  }
0xc: {  	[smem:$0x3FA4] =	sst s4  }
0xd: {  	[smem:$0x3FA5] =	sst s5  }
0xe: {  	[smem:$0x3FA6] =	sst s6  }
0xf: {  	[smem:$0x3FA7] =	sst s7  }
0x10: {  	[smem:$0x3FA8] =	sst s8  }
0x11: {  	[smem:$0x3FA9] =	sst s9;
	s0 =	simm.s32 @!p0 $0x0  }
0x12: {  	s1 =	sld [smem:$0x3F8F];
	s0 =	simm.s32 @p0 $0x1  }
0x13: {  	[smem:$0x3FAA] =	sst s0;
	s0 =	simm.s32 @!p1 $0x0  }
0x14: {  	s2 =	sld [smem:$0x3F8E];
	s0 =	simm.s32 @p1 $0x1  }
0x15: {  	[smem:$0x3FAB] =	sst s0;
	s0 =	simm.s32 @!p2 $0x0  }
0x16: {  	s3 =	sld [smem:$0x3FDB];
	s0 =	simm.s32 @p2 $0x1  }
0x17: {  	s4 =	simm.s32 $0x1BF5;
	[smem:$0x3FAD] =	sst s0  }
0x18: {  	s0 =	sld [smem:$0x3F90];
	_ =	swait.ge [sflag:s4], $0x0  }
0x19: {  	s7 =	sld [smem:$0x3F91]  }
0x1a: {  	s8 =	sadd.s32 $0xFFFFE003, lr  }
0x1b: {  	s9 =	sadd.s32 $0xFFFFFEF7, lr;
	s5 =	simm.s32 $0xFFFFFFFF;
	p2 =	slt.u32 s8, $0xFFFFF086  }
0x1c: {  	p1 =	slt.u32 s9, $0xF7A;
	s5 =	simm.s32 @!p2 $0x0  }
0x1d: {  	s5 =	simm.s32 @p1 $0x1;
	p0 =	seq.s32 s7, s2  }
0x1e: {  	s7 =	smul.u32 @!p0 $0xF7A, s2;
	p2 =	seq.s32 @!p0 s5, $0x0  }
0x1f: {  	s9 =	smul.u32 $0xF7A, s1;
	s8 =	simm.s32 @!p0 $0x1BF5;
	p2 =	por !p2, p0  }
0x20: {  	[sflag:s8] =	ssyncset.s32 @!p0 $0xFFFFF086;
	s6 =	sadd.s32 @!p0 s3, s7;
	s7 =	simm.s32 @!p0 $0x108  }
0x21: {  	s3 =	sadd.s32 s3, s9;
	s6 =	sadd.s32 @!p0 $0x88, s6;
	s7 =	simm.s32 @p2 $0x1082  }
0x22: {  	[simem:s7], [sflag:s8] =	dma.local @!p0 [hbm:s6], $0xF7A  }
0x23: {  	s9 =	sor.u32 $0xD0000000, s2;
	s6 =	simm.s32 $0x108;
	_ =	swait.ge @!p0 [sflag:s8], $0x0  }
0x24: {  	s3 =	sadd.s32 $0x88, s3;
	s6 =	simm.s32 @!p1 $0x1082;
	[sflag:s4] =	ssyncset.s32 $0xFFFFF086  }
0x25: {  	[simem:s6], [sflag:s4] =	dma.local [hbm:s3], $0xF7A  }
0x26: {  	[smem:$0x3F91] =	sst s1;
	(tag) =	ssettag s2;
	_ =	strace s9  }
0x27: {  	s1 =	sld [smem:$0x3FA1]  }
0x28: {  	s2 =	sld [smem:$0x3FA2]  }
0x29: {  	s4 =	sld [smem:$0x3FA4]  }
0x2a: {  	p0 =	seq.s32 s5, $0x0;
	s5 =	sld [smem:$0x3FA5]  }
0x2b: {  	s6 =	sld [smem:$0x3FA6]  }
0x2c: {  	s7 =	sld [smem:$0x3FA7]  }
0x2d: {  	s3 =	simm.s32 $0x108;
	s8 =	sld [smem:$0x3FA8]  }
0x2e: {  	s3 =	simm.s32 @!p0 $0x1082;
	s9 =	sld [smem:$0x3FA9]  }
0x2f: {  	lr =	sadd.s32 s0, s3;
	s0 =	sld [smem:$0x3FA0]  }
0x30: {  	s3 =	sld [smem:$0x3FA3]  }
0x31: {  	[smem:$0x3FAC] =	sst s10  }
0x32: {  	s10 =	sld [smem:$0x3FAA];
	_ =	sdelay $0x3  }
0x33: {  	p0 =	seq.s32 s10, $0x1;
	s10 =	sld [smem:$0x3FAC];
	_ =	sdelay $0x3  }
0x34: {  	[smem:$0x3FAC] =	sst s10  }
0x35: {  	s10 =	sld [smem:$0x3FAB];
	_ =	sdelay $0x3  }
0x36: {  	p1 =	seq.s32 s10, $0x1;
	s10 =	sld [smem:$0x3FAC];
	_ =	sdelay $0x3  }
0x37: {  	[smem:$0x3FAC] =	sst s10  }
0x38: {  	s10 =	sld [smem:$0x3FAD]  }
0x39: {  	_ = 	snop;
	(pc) =	sbr.ind lr, $3  }
0x3a: {  	_ = 	snop  }
0x3b: {  	_ = 	snop  }
0x3c: {  	p2 =	seq.s32 s10, $0x1;
	s10 =	sld [smem:$0x3FAC]  }
0x3d: {  	_ =	shalt  }
0x3e: {  	_ =	shalt  }
0x3f: {  	_ =	shalt  }
0x40: {  	_ =	shalt  }
0x41: {  	_ =	shalt  }
0x42: {  	_ =	shalt  }
0x43: {  	_ =	shalt  }
0x44: {  	_ =	shalt  }
0x45: {  	_ =	shalt  }
0x46: {  	_ =	shalt  }
0x47: {  	_ =	shalt  }
0x48: {  	_ =	shalt  }
0x49: {  	_ =	shalt  }
0x4a: {  	_ =	shalt  }
0x4b: {  	_ =	shalt  }
0x4c: {  	_ =	shalt  }
0x4d: {  	_ =	shalt  }
0x4e: {  	_ =	shalt  }
0x4f: {  	_ =	shalt  }
0x50: {  	_ =	shalt  }
0x51: {  	_ =	shalt  }
0x52: {  	_ =	shalt  }
0x53: {  	_ =	shalt  }
0x54: {  	_ =	shalt  }
0x55: {  	_ =	shalt  }
0x56: {  	_ =	shalt  }
0x57: {  	_ =	shalt  }
0x58: {  	_ =	shalt  }
0x59: {  	_ =	shalt  }
0x5a: {  	_ =	shalt  }
0x5b: {  	_ =	shalt  }
0x5c: {  	_ =	shalt  }
0x5d: {  	_ =	shalt  }
0x5e: {  	_ =	shalt  }
0x5f: {  	_ =	shalt  }
0x60: {  	_ =	shalt  }
0x61: {  	_ =	shalt  }
0x62: {  	_ =	shalt  }
0x63: {  	_ =	shalt  }
0x64: {  	_ =	shalt  }
0x65: {  	_ =	shalt  }
0x66: {  	_ =	shalt  }
0x67: {  	_ =	shalt  }
0x68: {  	_ =	shalt  }
0x69: {  	_ =	shalt  }
0x6a: {  	_ =	shalt  }
0x6b: {  	_ =	shalt  }
0x6c: {  	_ =	shalt  }
0x6d: {  	_ =	shalt  }
0x6e: {  	_ =	shalt  }
0x6f: {  	_ =	shalt  }
0x70: {  	_ =	shalt  }
0x71: {  	_ =	shalt  }
0x72: {  	_ =	shalt  }
0x73: {  	_ =	shalt  }
0x74: {  	_ =	shalt  }
0x75: {  	_ =	shalt  }
0x76: {  	_ =	shalt  }
0x77: {  	_ =	shalt  }
0x78: {  	_ =	shalt  }
0x79: {  	_ =	shalt  }
0x7a: {  	_ =	shalt  }
0x7b: {  	_ =	shalt  }
0x7c: {  	_ =	shalt  }
0x7d: {  	_ =	shalt  }
0x7e: {  	_ =	shalt  }
0x7f: {  	_ =	shalt  }
0x80: {  	_ =	shalt  }
0x81: {  	_ =	shalt  }
0x82: {  	_ =	shalt  }
0x83: {  	_ =	shalt  }
0x84: {  	_ =	shalt  }
0x85: {  	_ =	shalt  }
0x86: {  	_ =	shalt  }
0x87: {  	_ =	shalt  }
.Lfunc_end0:
.L_simem_size_0:
called_computation_lowered:
.L_overlay_start_0:
0x88: {  	s2 =	sld [smem:$0x3FD9]  }
0x89: {  	s3 =	sld [smem:$0x3FFE];
	_ =	sdelay $0x1  }
0x8a: {  	s1 =	srdreg.scid  }
0x8b: {  	s0 =	sand.u32 $0x1, s1  }
0x8c: {  	s16 =	sshll.u32 s0, $0xA;
	s2 =	sadd.s32 s3, s2  }
0x8d: {  	s2 =	sadd.s32 s2, s16  }
0x8e: {  	[smem:$0x3FB8] =	sst s2  }
0x8f: {  	_ = 	snop  }
0x90: {  	(tm) =	ssettm $0x1  }
0x91: {  	s17 =	sld [smem:$0x3FFB];
	_ =	sdelay $0x3  }
0x92: {  	_ =	strace s17  }
0x93: {  	s2 =	sld [smem:$0x3FFC];
	_ =	sdelay $0x3  }
0x94: {  	_ =	strace s2  }
0x95: {  	s2 =	sld [smem:$0x3FFD];
	_ =	sdelay $0x3  }
0x96: {  	_ =	strace s2  }
0x97: {  	_ =	strace $0x8FFFFFFF  }
0x98: {  	s18 =	sld [smem:$0x3FDB];
	_ =	sdelay $0x1  }
0x99: {  	s19 =	simm.s32 $_scs_section_size  }
0x9a: {  	s4 =	simm.s32 $_size__tile_overlayer_lowered;
	s5 =	simm.s32 $_tile_overlayer_lowered  }
0x9b: {  	s22 =	simm.s32 $0x1BFF;
	s21 =	sshll.u32 s5, $0x1;
	s2 =	sadd.s32 s19, s18  }
0x9c: {  	s6 =	simm.s32 $0x0;
	s20 =	sshll.u32 s4, $0x1;
	s4 =	sadd.s32 s21, s2  }
0x9d: {  	[timem:s6], [sflag:s22] =	dma.local [hbm:s4], s20  }
0x9e: {  	_ =	swait.ge [sflag:s22], s20  }
0x9f: {  	s3 =	ssub.s32 $0x0, s20;
	[sflag:s22] =	ssyncset.done $0x0  }
0xa0: {  	[sflag:s22] =	ssyncadd.s32 s3;
	_ =	sdelay $0x1  }
0xa1: {  	s23 =	simm.s32 $0x1B8B  }
0xa2: {  	_ =	swait.ge [sflag:s23], $0x1  }
0xa3: {  	[sflag:s23] =	ssyncset.done $0x0  }
0xa4: {  	s25 =	simm.s32 $0x1B8E;
	s24 =	sld [smem:$0x3FFE];
	[sflag:s23] =	ssyncadd.s32 $0xFFFFFFFF  }
0xa5: {  	s26 =	simm.s32 $execute0_lowered;
	[smem:$0x3FD2] =	sst s25  }
0xa6: {  	s4 =	sshll.u32 s26, $0x1;
	_ =	strace $0x80000046;
	[dreg:$0x1] =	wrdreg $0xFFFFFFFF  }
0xa7: {  	s28 =	simm.s32 $_size_execute0_lowered;
	s2 =	sadd.s32 s2, s4;
	[dreg:$0x0] =	wrdreg $0x0  }
0xa8: {  	s4 =	sshll.u32 s28, $0x1;
	[dreg:$0x2] =	wrdreg s2  }
0xa9: {  	[dreg:$0x3] =	wrdreg s4  }
0xaa: {  	[dreg:$0x4] =	wrdreg $0xC0  }
0xab: {  	_ =	task [dreg:s6], $0x5FFFF  }
0xac: {  	[dreg:$0x1] =	wrdreg $0xFFFFFFFF  }
0xad: {  	[dreg:$0x0] =	wrdreg $0x60  }
0xae: {  	[dreg:$0x2] =	wrdreg s24  }
0xaf: {  	[dreg:$0x3] =	wrdreg $0x44000  }
0xb0: {  	[dreg:$0x4] =	wrdreg $0x9  }
0xb1: {  	_ =	task.clear_ibuf [dreg:s6], $0x5FFFF;
	_ =	strace $0x90000046  }
0xb2: {  	s29 =	simm.s32 $0x9;
	_ =	strace $0x80000048  }
0xb3: {  	_ =	swait.ge [sflag:s29], $0x1  }
0xb4: {  	[sflag:s29] =	ssyncadd.s32 $0xFFFFFFFF  }
0xb5: {  	_ =	strace $0x90000048  }
0xb6: {  	_ =	sfence  }
0xb7: {  	s30 =	sld [smem:$0x0];
	_ =	sdelay $0x2  }
0xb8: {  	s31 =	sshll.u32 s1, $0xD;
	s1 =	sshrl.u32 s1, $0x2  }
0xb9: {  	s3 =	sand.u32 $0x4000, s31;
	s1 =	sadd.s32 s1, s30  }
0xba: {  	s0 =	sor.u32 s3, s0;
	s1 =	sshll.u32 s1, $0x11  }
0xbb: {  	s0 =	sor.u32 s1, s0  }
0xbc: {  	s0 =	sadd.s32 $0x8F2B, s0  }
0xbd: {  	[sflag:s0] =	ssyncadd.remote.s32 $0x1  }
0xbe: {  	_ =	sfence.sel $0xFFFF  }
0xbf: {  	[dreg:$0x0] =	wrdreg $0xFFFFFFFF;
	(pc) =	sbr.abs _section_cstart, $3  }
0xc0: {  	[dreg:$0x1] =	wrdreg $0xFFFFFFFF  }
0xc1: {  	_ =	task.clear_ibuf [dreg:s6], $0x2FFFF;
	_ =	strace $0x9FFFFFFF  }
0xc2: {  	(tm) =	ssettm $0x7FFFFFFF  }
0xc3: {  	_ =	shalt  }
tec
execute0_lowered:
.L_overlay_start_1:
0x0: {  	(tag) =	ssettag $0x1  }
0x1: {  	s4 =	rddreg [dreg:$0x0]  }
0x2: {  	s0 =	srdreg.scid;
	s2 =	rddreg [dreg:$0x1]  }
0x3: {  	s1 =	rddreg [dreg:$0x2];
	s3 =	simm.s32 $0x0;
	s14 =	simm.s32 $0x80  }
0x4: {  	s15 =	simm.s32 $0x100;
	s16 =	simm.s32 $0x180;
	s5 =	sand.u32 $0x1, s0  }
0x5: {  	s17 =	simm.s32 $0x200;
	s0 =	stileid.u32;
	s6 =	smul.u32 $0xA000, s5  }
0x6: {  	s18 =	simm.s32 $0x280;
	s19 =	simm.s32 $0x300;
	s7 =	smul.u32 $0x2780, s0  }
0x7: {  	s20 =	simm.s32 $0x380;
	[smem:$0x7FF] =	sst s3;
	s8 =	smul.u32 $0x27800, s5  }
0x8: {  	s22 =	simm.s32 $0x0;
	s9 =	smul.u32 $0x4F000, s0;
	_ =	strace $0x80000047  }
0x9: {  	s5 =	ssub.s32 $0x2, s5;
	s31 =	smul.u32 $0xA00, s0;
	s21 =	sshll.u32 s0, $0x6  }
0xa: {  	s30 =	sshrl.u32 s5, $0x1;
	s21 =	sor.u32 $0x1C01, s21;
	s10 =	sadd.s32 s6, s4  }
0xb: {  	s28 =	sadd.s32 s7, s8;
	s29 =	sshrl.u32 s9, $0x2;
	s12 =	ssub.s32 s5, s30  }
0xc: {  	s11 =	sadd.s32 s28, s4;
	s4 =	sadd.s32 s29, s2;
	s13 =	sadd.s32 s31, s10  }
0xd: {  	s10 =	smax.u32 s12, $0x1;
	s12 =	simm.s32 $0x400;
	s5 =	sadd.s32 $0x4000, s4  }
0xe: {  	s6 =	sadd.s32 $0x8000, s4;
	s7 =	sadd.s32 $0xC000, s4;
	s8 =	sadd.s32 $0x10000, s4  }
0xf: {  	v0 =	vimm.f32 $0.0e+00;
	v1 =	vimm.f32 $1.000000000e+00;
	s9 =	sadd.s32 $0x19200, s11;
	s11 =	sadd.s32 $0x5200, s13;
	s13 =	simm.s32 $0x1  }
.LBB2_1:
0x10: {  	s23 =	simm.s32 $0x0;
	s24 =	simm.s32 $0x200  }
.LBB2_2:
0x11: {  	p0 =	sne.s32 s24, $0xFE00;
	[tilespmem:s23+$0x470] =	vst v0  }
0x12: {  	[tilespmem:s23+$0x400] =	vst v0  }
0x13: {  	[tilespmem:s23+$0x410] =	vst v0  }
.Ltmp0:
0x14: {  	[tilespmem:s23+$0x420] =	vst v0;
	(pc) =	sbr.rel @p0 .LBB2_2-.Ltmp0, $4  }
0x15: {  	[tilespmem:s23+$0x430] =	vst v0  }
0x16: {  	[tilespmem:s23+$0x440] =	vst v0  }
0x17: {  	[tilespmem:s23+$0x450] =	vst v0  }
0x18: {  	[tilespmem:s23+$0x460] =	vst v0;
	s23 =	sshra.s32 s24, $0x2;
	s24 =	sadd.s32 $0x200, s24  }
0x19: {  	[tilespmem:s23+$0x470] =	vst v0  }
0x1a: {  	[tilespmem:s23+$0x400] =	vst v0  }
0x1b: {  	[tilespmem:s23+$0x410] =	vst v0  }
0x1c: {  	[tilespmem:s23+$0x420] =	vst v0  }
0x1d: {  	[tilespmem:s23+$0x430] =	vst v0  }
0x1e: {  	[tilespmem:s23+$0x440] =	vst v0  }
0x1f: {  	[tilespmem:s23+$0x450] =	vst v0  }
0x20: {  	[tilespmem:s23+$0x460] =	vst v0  }
0x21: {  	[spmem:s4] =	stream.linear.scatter [tilespmem:s12], [sflag:$0x1], $0x4000, $0x38;
	[tilespmem:$0x18000] =	vst v63  }
0x22: {  	_ =	swait.ge [sflag:s13], $0x4000  }
0x23: {  	[sflag:s13] =	ssyncset.done $0x0  }
0x24: {  	[sflag:s13] =	ssyncadd.s32 $0xFFFFC000  }
0x25: {  	[spmem:s5] =	stream.linear.scatter [tilespmem:s12], [sflag:$0x1], $0x4000, $0x38;
	[tilespmem:$0x18000] =	vst v63  }
0x26: {  	_ =	swait.ge [sflag:s13], $0x4000  }
0x27: {  	[sflag:s13] =	ssyncset.done $0x0  }
0x28: {  	[sflag:s13] =	ssyncadd.s32 $0xFFFFC000  }
0x29: {  	[spmem:s6] =	stream.linear.scatter [tilespmem:s12], [sflag:$0x1], $0x4000, $0x38;
	[tilespmem:$0x18000] =	vst v63  }
0x2a: {  	_ =	swait.ge [sflag:s13], $0x4000  }
0x2b: {  	[sflag:s13] =	ssyncset.done $0x0  }
0x2c: {  	[sflag:s13] =	ssyncadd.s32 $0xFFFFC000  }
0x2d: {  	[spmem:s7] =	stream.linear.scatter [tilespmem:s12], [sflag:$0x1], $0x4000, $0x38;
	[tilespmem:$0x18000] =	vst v63  }
0x2e: {  	_ =	swait.ge [sflag:s13], $0x4000  }
0x2f: {  	[sflag:s13] =	ssyncset.done $0x0  }
0x30: {  	[sflag:s13] =	ssyncadd.s32 $0xFFFFC000  }
0x31: {  	[spmem:s8] =	stream.linear.scatter [tilespmem:s12], [sflag:$0x1], $0x3C00, $0x38;
	[tilespmem:$0x18000] =	vst v63  }
0x32: {  	_ =	swait.ge [sflag:s13], $0x3C00  }
0x33: {  	[sflag:s13] =	ssyncset.done $0x0  }
0x34: {  	s23 =	simm.s32 $0x0;
	s24 =	simm.s32 $0x200;
	[sflag:s13] =	ssyncadd.s32 $0xFFFFC400  }
.LBB2_4:
0x35: {  	p0 =	sne.s32 s24, $0xFE00;
	[tilespmem:s23+$0x470] =	vst v1  }
0x36: {  	[tilespmem:s23+$0x400] =	vst v1  }
0x37: {  	[tilespmem:s23+$0x410] =	vst v1  }
.Ltmp1:
0x38: {  	[tilespmem:s23+$0x420] =	vst v1;
	(pc) =	sbr.rel @p0 .LBB2_4-.Ltmp1, $4  }
0x39: {  	[tilespmem:s23+$0x430] =	vst v1  }
0x3a: {  	[tilespmem:s23+$0x440] =	vst v1  }
0x3b: {  	[tilespmem:s23+$0x450] =	vst v1  }
0x3c: {  	[tilespmem:s23+$0x460] =	vst v1;
	s23 =	sshra.s32 s24, $0x2;
	s24 =	sadd.s32 $0x200, s24  }
0x3d: {  	[tilespmem:s23+$0x470] =	vst v1  }
0x3e: {  	[tilespmem:s23+$0x400] =	vst v1  }
0x3f: {  	[tilespmem:s23+$0x410] =	vst v1  }
0x40: {  	[tilespmem:s23+$0x420] =	vst v1  }
0x41: {  	[tilespmem:s23+$0x430] =	vst v1  }
0x42: {  	[tilespmem:s23+$0x440] =	vst v1  }
0x43: {  	[tilespmem:s23+$0x450] =	vst v1  }
0x44: {  	[tilespmem:s23+$0x460] =	vst v1  }
0x45: {  	s31 =	sadd.s32 $0x0, s11;
	[bflag:$0x0] =	sbarrier.arrive $0xFFFF  }
0x46: {  	[tilespmem:s3], [sflag:$0x1] =	stream.linear.gather [hbm4b:s31+s3], $0x400, $0x38;
	[tilespmem:$0x18000] =	vst v63  }
0x47: {  	_ =	swait.ge [sflag:s13], $0x400  }
0x48: {  	[sflag:s13] =	ssyncset.done $0x0  }
0x49: {  	[sflag:s13] =	ssyncadd.s32 $0xFFFFFC00  }
0x4a: {  	[spmem:s2] =	stream.indirect.scatter.add.f32 [tilespmem:s12], [sflag:$0x1], $0x80, s3, s14, $0xb8;
	[tilespmem:$0x18000] =	vst v63  }
0x4b: {  	_ =	swait.ge [sflag:s13], $0x4000  }
0x4c: {  	[sflag:s13] =	ssyncset.done $0x0  }
0x4d: {  	[sflag:s13] =	ssyncadd.s32 $0xFFFFC000  }
0x4e: {  	[spmem:s2] =	stream.indirect.scatter.add.f32 [tilespmem:s12], [sflag:$0x1], $0x80, s14, s14, $0xb8;
	[tilespmem:$0x18000] =	vst v63  }
0x4f: {  	_ =	swait.ge [sflag:s13], $0x4000  }
0x50: {  	[sflag:s13] =	ssyncset.done $0x0  }
0x51: {  	[sflag:s13] =	ssyncadd.s32 $0xFFFFC000  }
0x52: {  	[spmem:s2] =	stream.indirect.scatter.add.f32 [tilespmem:s12], [sflag:$0x1], $0x80, s15, s14, $0xb8;
	[tilespmem:$0x18000] =	vst v63  }
0x53: {  	_ =	swait.ge [sflag:s13], $0x4000  }
0x54: {  	[sflag:s13] =	ssyncset.done $0x0  }
0x55: {  	[sflag:s13] =	ssyncadd.s32 $0xFFFFC000  }
0x56: {  	[spmem:s2] =	stream.indirect.scatter.add.f32 [tilespmem:s12], [sflag:$0x1], $0x80, s16, s14, $0xb8;
	[tilespmem:$0x18000] =	vst v63  }
0x57: {  	_ =	swait.ge [sflag:s13], $0x4000  }
0x58: {  	[sflag:s13] =	ssyncset.done $0x0  }
0x59: {  	[sflag:s13] =	ssyncadd.s32 $0xFFFFC000  }
0x5a: {  	[spmem:s2] =	stream.indirect.scatter.add.f32 [tilespmem:s12], [sflag:$0x1], $0x80, s17, s14, $0xb8;
	[tilespmem:$0x18000] =	vst v63  }
0x5b: {  	_ =	swait.ge [sflag:s13], $0x4000  }
0x5c: {  	[sflag:s13] =	ssyncset.done $0x0  }
0x5d: {  	[sflag:s13] =	ssyncadd.s32 $0xFFFFC000  }
0x5e: {  	[spmem:s2] =	stream.indirect.scatter.add.f32 [tilespmem:s12], [sflag:$0x1], $0x80, s18, s14, $0xb8;
	[tilespmem:$0x18000] =	vst v63  }
0x5f: {  	_ =	swait.ge [sflag:s13], $0x4000  }
0x60: {  	[sflag:s13] =	ssyncset.done $0x0  }
0x61: {  	[sflag:s13] =	ssyncadd.s32 $0xFFFFC000  }
0x62: {  	[spmem:s2] =	stream.indirect.scatter.add.f32 [tilespmem:s12], [sflag:$0x1], $0x80, s19, s14, $0xb8;
	[tilespmem:$0x18000] =	vst v63  }
0x63: {  	_ =	swait.ge [sflag:s13], $0x4000  }
0x64: {  	[sflag:s13] =	ssyncset.done $0x0  }
0x65: {  	[sflag:s13] =	ssyncadd.s32 $0xFFFFC000  }
0x66: {  	[spmem:s2] =	stream.indirect.scatter.add.f32 [tilespmem:s12], [sflag:$0x1], $0x80, s20, s14, $0xb8;
	[tilespmem:$0x18000] =	vst v63  }
0x67: {  	_ =	swait.ge [sflag:s13], $0x4000  }
0x68: {  	s23 =	simm.s32 $0x80;
	s25 =	simm.s32 $0x100;
	[sflag:s13] =	ssyncset.done $0x0  }
.LBB2_6:
0x69: {  	s26 =	sadd.s32 s23, s11  }
0x6a: {  	[sflag:s13] =	ssyncadd.s32 $0xFFFFC000;
	s23 =	smov.u32 s25;
	s24 =	sadd.s32 $0x80, s25  }
0x6b: {  	[tilespmem:s3], [sflag:$0x1] =	stream.linear.gather [hbm4b:s26+s3], $0x400, $0x38;
	[tilespmem:$0x18000] =	vst v63  }
0x6c: {  	p0 =	sne.s32 s25, $0x980;
	_ =	swait.ge [sflag:s13], $0x400  }
0x6d: {  	[sflag:s13] =	ssyncset.done $0x0  }
0x6e: {  	[sflag:s13] =	ssyncadd.s32 $0xFFFFFC00  }
0x6f: {  	[spmem:s2] =	stream.indirect.scatter.add.f32 [tilespmem:s12], [sflag:$0x1], $0x80, s3, s14, $0xb8;
	[tilespmem:$0x18000] =	vst v63  }
0x70: {  	_ =	swait.ge [sflag:s13], $0x4000  }
0x71: {  	[sflag:s13] =	ssyncset.done $0x0  }
0x72: {  	[sflag:s13] =	ssyncadd.s32 $0xFFFFC000  }
0x73: {  	[spmem:s2] =	stream.indirect.scatter.add.f32 [tilespmem:s12], [sflag:$0x1], $0x80, s14, s14, $0xb8;
	[tilespmem:$0x18000] =	vst v63  }
0x74: {  	_ =	swait.ge [sflag:s13], $0x4000  }
0x75: {  	[sflag:s13] =	ssyncset.done $0x0  }
0x76: {  	[sflag:s13] =	ssyncadd.s32 $0xFFFFC000  }
0x77: {  	[spmem:s2] =	stream.indirect.scatter.add.f32 [tilespmem:s12], [sflag:$0x1], $0x80, s15, s14, $0xb8;
	[tilespmem:$0x18000] =	vst v63  }
0x78: {  	_ =	swait.ge [sflag:s13], $0x4000  }
0x79: {  	[sflag:s13] =	ssyncset.done $0x0  }
0x7a: {  	[sflag:s13] =	ssyncadd.s32 $0xFFFFC000  }
0x7b: {  	[spmem:s2] =	stream.indirect.scatter.add.f32 [tilespmem:s12], [sflag:$0x1], $0x80, s16, s14, $0xb8;
	[tilespmem:$0x18000] =	vst v63  }
0x7c: {  	_ =	swait.ge [sflag:s13], $0x4000  }
0x7d: {  	[sflag:s13] =	ssyncset.done $0x0  }
0x7e: {  	[sflag:s13] =	ssyncadd.s32 $0xFFFFC000  }
0x7f: {  	[spmem:s2] =	stream.indirect.scatter.add.f32 [tilespmem:s12], [sflag:$0x1], $0x80, s17, s14, $0xb8;
	[tilespmem:$0x18000] =	vst v63  }
0x80: {  	_ =	swait.ge [sflag:s13], $0x4000  }
0x81: {  	[sflag:s13] =	ssyncset.done $0x0  }
0x82: {  	[sflag:s13] =	ssyncadd.s32 $0xFFFFC000  }
0x83: {  	[spmem:s2] =	stream.indirect.scatter.add.f32 [tilespmem:s12], [sflag:$0x1], $0x80, s18, s14, $0xb8;
	[tilespmem:$0x18000] =	vst v63  }
0x84: {  	_ =	swait.ge [sflag:s13], $0x4000  }
0x85: {  	[sflag:s13] =	ssyncset.done $0x0  }
0x86: {  	[sflag:s13] =	ssyncadd.s32 $0xFFFFC000  }
0x87: {  	[spmem:s2] =	stream.indirect.scatter.add.f32 [tilespmem:s12], [sflag:$0x1], $0x80, s19, s14, $0xb8;
	[tilespmem:$0x18000] =	vst v63  }
0x88: {  	_ =	swait.ge [sflag:s13], $0x4000  }
.Ltmp2:
0x89: {  	[sflag:s13] =	ssyncset.done $0x0;
	(pc) =	sbr.rel @p0 .LBB2_6-.Ltmp2, $4  }
0x8a: {  	[sflag:s13] =	ssyncadd.s32 $0xFFFFC000  }
0x8b: {  	[spmem:s2] =	stream.indirect.scatter.add.f32 [tilespmem:s12], [sflag:$0x1], $0x80, s20, s14, $0xb8;
	[tilespmem:$0x18000] =	vst v63  }
0x8c: {  	_ =	swait.ge [sflag:s13], $0x4000  }
0x8d: {  	s25 =	smov.u32 s24;
	[sflag:s13] =	ssyncset.done $0x0  }
0x8e: {  	s23 =	sadd.s32 s23, s11;
	[sflag:s13] =	ssyncadd.s32 $0xFFFFC000  }
0x8f: {  	[tilespmem:s3], [sflag:$0x1] =	stream.linear.gather [hbm4b:s23+s3], $0x400, $0x38;
	[tilespmem:$0x18000] =	vst v63  }
0x90: {  	_ =	swait.ge [sflag:s13], $0x400  }
0x91: {  	[sflag:s13] =	ssyncset.done $0x0  }
0x92: {  	[sflag:s13] =	ssyncadd.s32 $0xFFFFFC00  }
0x93: {  	[spmem:s2] =	stream.indirect.scatter.add.f32 [tilespmem:s12], [sflag:$0x1], $0x80, s3, s14, $0xb8;
	[tilespmem:$0x18000] =	vst v63  }
0x94: {  	_ =	swait.ge [sflag:s13], $0x4000  }
0x95: {  	[sflag:s13] =	ssyncset.done $0x0  }
0x96: {  	[sflag:s13] =	ssyncadd.s32 $0xFFFFC000  }
0x97: {  	[spmem:s2] =	stream.indirect.scatter.add.f32 [tilespmem:s12], [sflag:$0x1], $0x80, s14, s14, $0xb8;
	[tilespmem:$0x18000] =	vst v63  }
0x98: {  	_ =	swait.ge [sflag:s13], $0x4000  }
0x99: {  	[sflag:s13] =	ssyncset.done $0x0  }
0x9a: {  	[sflag:s13] =	ssyncadd.s32 $0xFFFFC000  }
0x9b: {  	[spmem:s2] =	stream.indirect.scatter.add.f32 [tilespmem:s12], [sflag:$0x1], $0x80, s15, s14, $0xb8;
	[tilespmem:$0x18000] =	vst v63  }
0x9c: {  	_ =	swait.ge [sflag:s13], $0x4000  }
0x9d: {  	[sflag:s13] =	ssyncset.done $0x0  }
0x9e: {  	[sflag:s13] =	ssyncadd.s32 $0xFFFFC000  }
0x9f: {  	[spmem:s2] =	stream.indirect.scatter.add.f32 [tilespmem:s12], [sflag:$0x1], $0x80, s16, s14, $0xb8;
	[tilespmem:$0x18000] =	vst v63  }
0xa0: {  	_ =	swait.ge [sflag:s13], $0x4000  }
0xa1: {  	[sflag:s13] =	ssyncset.done $0x0  }
0xa2: {  	[sflag:s13] =	ssyncadd.s32 $0xFFFFC000  }
0xa3: {  	[spmem:s2] =	stream.indirect.scatter.add.f32 [tilespmem:s12], [sflag:$0x1], $0x80, s17, s14, $0xb8;
	[tilespmem:$0x18000] =	vst v63  }
0xa4: {  	_ =	swait.ge [sflag:s13], $0x4000  }
0xa5: {  	[sflag:s13] =	ssyncset.done $0x0  }
0xa6: {  	[sflag:s13] =	ssyncadd.s32 $0xFFFFC000  }
0xa7: {  	[spmem:s2] =	stream.indirect.scatter.add.f32 [tilespmem:s12], [sflag:$0x1], $0x80, s18, s14, $0xb8;
	[tilespmem:$0x18000] =	vst v63  }
0xa8: {  	_ =	swait.ge [sflag:s13], $0x4000  }
0xa9: {  	[sflag:s13] =	ssyncset.done $0x0  }
0xaa: {  	[sflag:s13] =	ssyncadd.s32 $0xFFFFC000  }
0xab: {  	[spmem:s2] =	stream.indirect.scatter.add.f32 [tilespmem:s12], [sflag:$0x1], $0x80, s19, s14, $0xb8;
	[tilespmem:$0x18000] =	vst v63  }
0xac: {  	_ =	swait.ge [sflag:s13], $0x4000  }
0xad: {  	[sflag:s13] =	ssyncset.done $0x0  }
0xae: {  	[sflag:s13] =	ssyncadd.s32 $0xFFFFC000  }
0xaf: {  	[spmem:s2] =	stream.indirect.scatter.add.f32 [tilespmem:s12], [sflag:$0x1], $0x80, s20, s14, $0xb8;
	[tilespmem:$0x18000] =	vst v63  }
0xb0: {  	_ =	swait.ge [sflag:s13], $0x4000  }
0xb1: {  	s22 =	sadd.s32 $0x1, s22;
	[sflag:s13] =	ssyncset.done $0x0  }
0xb2: {  	p0 =	sne.s32 s22, s10;
	[sflag:s13] =	ssyncadd.s32 $0xFFFFC000  }
.Ltmp3:
0xb3: {  	s31 =	sshrl.u32 s4, $0x3;
	[bflag:$0x0] =	sbarrier.arrive $0xFFFF;
	(pc) =	sbr.rel @p0 .LBB2_1-.Ltmp3, $4  }
0xb4: {  	[hbm:s9], [sflag:s21] =	dma.local [spmem:s31], $0x2780  }
0xb5: {  	_ =	swait.ge [sflag:s13], $0x2780  }
0xb6: {  	[sflag:s13] =	ssyncset.done $0x0  }
0xb7: {  	[sflag:s13] =	ssyncadd.s32 $0xFFFFD880  }
0xb8: {  	_ =	sfence.sel $0x180000  }
0xb9: {  	[bflag:$0x0] =	sbarrier.arrive $0xFFFF  }
0xba: {  	p0 =	sne.s32 s0, $0x0;
	_ =	strace $0x90000047  }
0xbb: {  	s0 =	sadd.s32 @!p0 $0x100000, s1;
	[bflag:$0x2] =	sbarrier.arrive $0xFFFF  }
0xbc: {  	[sflag:s0] =	ssyncadd.tile.s32 @!p0 $0x1;
	_ =	shalt  }
.Lfunc_end2:
_tile_overlayer_lowered:
.L_overlay_start_2:
0xbd: {  	(tag) =	ssettag $0x2  }
0xbe: {  	s0 =	rddreg [dreg:$0x0];
	s2 =	stileid.u32  }
0xbf: {  	s1 =	rddreg [dreg:$0x1];
	p0 =	sne.s32 s2, $0x0  }
0xc0: {  	s3 =	rddreg [dreg:$0x2];
	[bflag:$0x3] =	sbarrier.arrive $0xFFFF;
	s2 =	simm.s32 @!p0 $0x1C01  }
0xc1: {  	[timem:s3], [sflag:s2] =	dma.local @!p0 [hbm:s0], s1  }
0xc2: {  	s0 =	simm.s32 @!p0 $0x1  }
0xc3: {  	_ =	swait.ge @!p0 [sflag:s0], s1  }
0xc4: {  	s1 =	ssub.s32 @!p0 $0x0, s1;
	[sflag:s0] =	ssyncset.done @!p0 $0x0  }
0xc5: {  	[sflag:s0] =	ssyncadd.s32 @!p0 s1  }
0xc6: {  	[bflag:$0x3] =	sbarrier.arrive $0xFFFF  }
0xc7: {  	_ =	shalt  }

// kernel: kernel.16.cloned.1.call-start
scs
__scs_entry_jumppad:
0x0: {  	(pc) =	sbr.rel $0x88, $3  }
0x1: {  	(tag) =	ssettag $0x0;
	lr =	simm.s32 $0x1  }
0x2: {  	[smem:$0x3F91] =	sst lr;
	_ =	strace $0xD0000000  }
0x3: {  	_ = 	snop  }
0x4: {  	_ = 	snop  }
0x5: {  	_ = 	snop  }
0x6: {  	_ = 	snop  }
0x7: {  	_ = 	snop  }
__scs_overlays_trampoline_lowered:
0x8: {  	[smem:$0x3FA0] =	sst s0  }
0x9: {  	[smem:$0x3FA1] =	sst s1  }
0xa: {  	[smem:$0x3FA2] =	sst s2  }
0xb: {  	[smem:$0x3FA3] =	sst s3  }
0xc: {  	[smem:$0x3FA4] =	sst s4  }
0xd: {  	[smem:$0x3FA5] =	sst s5  }
0xe: {  	[smem:$0x3FA6] =	sst s6  }
0xf: {  	[smem:$0x3FA7] =	sst s7  }
0x10: {  	[smem:$0x3FA8] =	sst s8  }
0x11: {  	[smem:$0x3FA9] =	sst s9;
	s0 =	simm.s32 @!p0 $0x0  }
0x12: {  	s1 =	sld [smem:$0x3F8F];
	s0 =	simm.s32 @p0 $0x1  }
0x13: {  	[smem:$0x3FAA] =	sst s0;
	s0 =	simm.s32 @!p1 $0x0  }
0x14: {  	s2 =	sld [smem:$0x3F8E];
	s0 =	simm.s32 @p1 $0x1  }
0x15: {  	[smem:$0x3FAB] =	sst s0;
	s0 =	simm.s32 @!p2 $0x0  }
0x16: {  	s3 =	sld [smem:$0x3FDB];
	s0 =	simm.s32 @p2 $0x1  }
0x17: {  	s4 =	simm.s32 $0x1BF5;
	[smem:$0x3FAD] =	sst s0  }
0x18: {  	s0 =	sld [smem:$0x3F90];
	_ =	swait.ge [sflag:s4], $0x0  }
0x19: {  	s7 =	sld [smem:$0x3F91]  }
0x1a: {  	s8 =	sadd.s32 $0xFFFFE003, lr  }
0x1b: {  	s9 =	sadd.s32 $0xFFFFFEF7, lr;
	s5 =	simm.s32 $0xFFFFFFFF;
	p2 =	slt.u32 s8, $0xFFFFF086  }
0x1c: {  	p1 =	slt.u32 s9, $0xF7A;
	s5 =	simm.s32 @!p2 $0x0  }
0x1d: {  	s5 =	simm.s32 @p1 $0x1;
	p0 =	seq.s32 s7, s2  }
0x1e: {  	s7 =	smul.u32 @!p0 $0xF7A, s2;
	p2 =	seq.s32 @!p0 s5, $0x0  }
0x1f: {  	s9 =	smul.u32 $0xF7A, s1;
	s8 =	simm.s32 @!p0 $0x1BF5;
	p2 =	por !p2, p0  }
0x20: {  	[sflag:s8] =	ssyncset.s32 @!p0 $0xFFFFF086;
	s6 =	sadd.s32 @!p0 s3, s7;
	s7 =	simm.s32 @!p0 $0x108  }
0x21: {  	s3 =	sadd.s32 s3, s9;
	s6 =	sadd.s32 @!p0 $0x88, s6;
	s7 =	simm.s32 @p2 $0x1082  }
0x22: {  	[simem:s7], [sflag:s8] =	dma.local @!p0 [hbm:s6], $0xF7A  }
0x23: {  	s9 =	sor.u32 $0xD0000000, s2;
	s6 =	simm.s32 $0x108;
	_ =	swait.ge @!p0 [sflag:s8], $0x0  }
0x24: {  	s3 =	sadd.s32 $0x88, s3;
	s6 =	simm.s32 @!p1 $0x1082;
	[sflag:s4] =	ssyncset.s32 $0xFFFFF086  }
0x25: {  	[simem:s6], [sflag:s4] =	dma.local [hbm:s3], $0xF7A  }
0x26: {  	[smem:$0x3F91] =	sst s1;
	(tag) =	ssettag s2;
	_ =	strace s9  }
0x27: {  	s1 =	sld [smem:$0x3FA1]  }
0x28: {  	s2 =	sld [smem:$0x3FA2]  }
0x29: {  	s4 =	sld [smem:$0x3FA4]  }
0x2a: {  	p0 =	seq.s32 s5, $0x0;
	s5 =	sld [smem:$0x3FA5]  }
0x2b: {  	s6 =	sld [smem:$0x3FA6]  }
0x2c: {  	s7 =	sld [smem:$0x3FA7]  }
0x2d: {  	s3 =	simm.s32 $0x108;
	s8 =	sld [smem:$0x3FA8]  }
0x2e: {  	s3 =	simm.s32 @!p0 $0x1082;
	s9 =	sld [smem:$0x3FA9]  }
0x2f: {  	lr =	sadd.s32 s0, s3;
	s0 =	sld [smem:$0x3FA0]  }
0x30: {  	s3 =	sld [smem:$0x3FA3]  }
0x31: {  	[smem:$0x3FAC] =	sst s10  }
0x32: {  	s10 =	sld [smem:$0x3FAA];
	_ =	sdelay $0x3  }
0x33: {  	p0 =	seq.s32 s10, $0x1;
	s10 =	sld [smem:$0x3FAC];
	_ =	sdelay $0x3  }
0x34: {  	[smem:$0x3FAC] =	sst s10  }
0x35: {  	s10 =	sld [smem:$0x3FAB];
	_ =	sdelay $0x3  }
0x36: {  	p1 =	seq.s32 s10, $0x1;
	s10 =	sld [smem:$0x3FAC];
	_ =	sdelay $0x3  }
0x37: {  	[smem:$0x3FAC] =	sst s10  }
0x38: {  	s10 =	sld [smem:$0x3FAD]  }
0x39: {  	_ = 	snop;
	(pc) =	sbr.ind lr, $3  }
0x3a: {  	_ = 	snop  }
0x3b: {  	_ = 	snop  }
0x3c: {  	p2 =	seq.s32 s10, $0x1;
	s10 =	sld [smem:$0x3FAC]  }
0x3d: {  	_ =	shalt  }
0x3e: {  	_ =	shalt  }
0x3f: {  	_ =	shalt  }
0x40: {  	_ =	shalt  }
0x41: {  	_ =	shalt  }
0x42: {  	_ =	shalt  }
0x43: {  	_ =	shalt  }
0x44: {  	_ =	shalt  }
0x45: {  	_ =	shalt  }
0x46: {  	_ =	shalt  }
0x47: {  	_ =	shalt  }
0x48: {  	_ =	shalt  }
0x49: {  	_ =	shalt  }
0x4a: {  	_ =	shalt  }
0x4b: {  	_ =	shalt  }
0x4c: {  	_ =	shalt  }
0x4d: {  	_ =	shalt  }
0x4e: {  	_ =	shalt  }
0x4f: {  	_ =	shalt  }
0x50: {  	_ =	shalt  }
0x51: {  	_ =	shalt  }
0x52: {  	_ =	shalt  }
0x53: {  	_ =	shalt  }
0x54: {  	_ =	shalt  }
0x55: {  	_ =	shalt  }
0x56: {  	_ =	shalt  }
0x57: {  	_ =	shalt  }
0x58: {  	_ =	shalt  }
0x59: {  	_ =	shalt  }
0x5a: {  	_ =	shalt  }
0x5b: {  	_ =	shalt  }
0x5c: {  	_ =	shalt  }
0x5d: {  	_ =	shalt  }
0x5e: {  	_ =	shalt  }
0x5f: {  	_ =	shalt  }
0x60: {  	_ =	shalt  }
0x61: {  	_ =	shalt  }
0x62: {  	_ =	shalt  }
0x63: {  	_ =	shalt  }
0x64: {  	_ =	shalt  }
0x65: {  	_ =	shalt  }
0x66: {  	_ =	shalt  }
0x67: {  	_ =	shalt  }
0x68: {  	_ =	shalt  }
0x69: {  	_ =	shalt  }
0x6a: {  	_ =	shalt  }
0x6b: {  	_ =	shalt  }
0x6c: {  	_ =	shalt  }
0x6d: {  	_ =	shalt  }
0x6e: {  	_ =	shalt  }
0x6f: {  	_ =	shalt  }
0x70: {  	_ =	shalt  }
0x71: {  	_ =	shalt  }
0x72: {  	_ =	shalt  }
0x73: {  	_ =	shalt  }
0x74: {  	_ =	shalt  }
0x75: {  	_ =	shalt  }
0x76: {  	_ =	shalt  }
0x77: {  	_ =	shalt  }
0x78: {  	_ =	shalt  }
0x79: {  	_ =	shalt  }
0x7a: {  	_ =	shalt  }
0x7b: {  	_ =	shalt  }
0x7c: {  	_ =	shalt  }
0x7d: {  	_ =	shalt  }
0x7e: {  	_ =	shalt  }
0x7f: {  	_ =	shalt  }
0x80: {  	_ =	shalt  }
0x81: {  	_ =	shalt  }
0x82: {  	_ =	shalt  }
0x83: {  	_ =	shalt  }
0x84: {  	_ =	shalt  }
0x85: {  	_ =	shalt  }
0x86: {  	_ =	shalt  }
0x87: {  	_ =	shalt  }
.Lfunc_end0:
.L_simem_size_0:
called_computation.1_lowered:
.L_overlay_start_0:
0x88: {  	s2 =	sld [smem:$0x3FD9]  }
0x89: {  	s3 =	sld [smem:$0x3FFE];
	_ =	sdelay $0x1  }
0x8a: {  	s1 =	srdreg.scid  }
0x8b: {  	s0 =	sand.u32 $0x1, s1  }
0x8c: {  	s17 =	sshll.u32 s0, $0xA;
	s2 =	sadd.s32 s3, s2  }
0x8d: {  	s2 =	sadd.s32 s2, s17  }
0x8e: {  	[smem:$0x3FB8] =	sst s2  }
0x8f: {  	_ = 	snop  }
0x90: {  	(tm) =	ssettm $0x1  }
0x91: {  	s18 =	sld [smem:$0x3FFB];
	_ =	sdelay $0x3  }
0x92: {  	_ =	strace s18  }
0x93: {  	s2 =	sld [smem:$0x3FFC];
	_ =	sdelay $0x3  }
0x94: {  	_ =	strace s2  }
0x95: {  	s2 =	sld [smem:$0x3FFD];
	_ =	sdelay $0x3  }
0x96: {  	_ =	strace s2  }
0x97: {  	_ =	strace $0x8FFFFFFF  }
0x98: {  	s19 =	sld [smem:$0x3FDB];
	_ =	sdelay $0x1  }
0x99: {  	s20 =	simm.s32 $_scs_section_size  }
0x9a: {  	s4 =	simm.s32 $_size__tile_overlayer_lowered;
	s5 =	simm.s32 $_tile_overlayer_lowered  }
0x9b: {  	s6 =	simm.s32 $0x1BFF;
	s21 =	sshll.u32 s5, $0x1;
	s3 =	sadd.s32 s20, s19  }
0x9c: {  	s22 =	simm.s32 $0x0;
	s4 =	sshll.u32 s4, $0x1;
	s5 =	sadd.s32 s21, s3  }
0x9d: {  	[timem:s22], [sflag:s6] =	dma.local [hbm:s5], s4  }
0x9e: {  	_ =	swait.ge [sflag:s6], s4  }
0x9f: {  	s4 =	ssub.s32 $0x0, s4;
	[sflag:s6] =	ssyncset.done $0x0  }
0xa0: {  	[sflag:s6] =	ssyncadd.s32 s4;
	_ =	sdelay $0x1  }
0xa1: {  	s23 =	simm.s32 $0x1B8B  }
0xa2: {  	_ =	swait.ge [sflag:s23], $0x1  }
0xa3: {  	[sflag:s23] =	ssyncset.done $0x0  }
0xa4: {  	[sflag:s23] =	ssyncadd.s32 $0xFFFFFFFF  }
0xa5: {  	s4 =	sld [smem:$0x0]  }
0xa6: {  	s5 =	sand.u32 $0xFFFFFFFE, s1  }
0xa7: {  	p0 =	sne.s32 s1, s5  }
0xa8: {  	s5 =	sshll.u32 @p0 s5, $0xE  }
0xa9: {  	s5 =	sadd.s32 @p0 $0x11B8D, s5;
	s6 =	sshll.u32 @p0 s4, $0x11  }
0xaa: {  	s5 =	sor.u32 @p0 s6, s5  }
0xab: {  	[sflag:s5] =	ssyncadd.remote.s32 @p0 $0x1;
	_ =	sdelay $0x1  }
0xac: {  	s5 =	simm.s32 @p0 $0x1B8D  }
0xad: {  	_ =	swait.eq @p0 [sflag:s5], $0x1  }
0xae: {  	[sflag:s5] =	ssyncadd.s32 @p0 $0xFFFFFFFF  }
0xaf: {  	s6 =	sshll.u32 @!p0 s1, $0xE  }
0xb0: {  	s6 =	sor.u32 @!p0 $0x4000, s6;
	s5 =	simm.s32 @!p0 $0x1B8D  }
0xb1: {  	s4 =	sshll.u32 @!p0 s4, $0x11;
	s6 =	sadd.s32 @!p0 $0x11B8D, s6;
	_ =	swait.eq @!p0 [sflag:s5], $0x1  }
0xb2: {  	s4 =	sor.u32 @!p0 s4, s6;
	[sflag:s5] =	ssyncadd.s32 @!p0 $0xFFFFFFFF  }
0xb3: {  	s25 =	simm.s32 $0x1B8E;
	s24 =	sld [smem:$0x3FFE];
	[sflag:s4] =	ssyncadd.remote.s32 @!p0 $0x1  }
0xb4: {  	s26 =	simm.s32 $execute0_lowered;
	[smem:$0x3FD2] =	sst s25  }
0xb5: {  	s5 =	sshll.u32 s26, $0x1;
	_ =	strace $0x80000049;
	[dreg:$0x1] =	wrdreg $0xFFFFFFFF  }
0xb6: {  	s28 =	simm.s32 $_size_execute0_lowered;
	s3 =	sadd.s32 s3, s5;
	[dreg:$0x0] =	wrdreg $0x0  }
0xb7: {  	s5 =	sshll.u32 s28, $0x1;
	[dreg:$0x2] =	wrdreg s3  }
0xb8: {  	[dreg:$0x3] =	wrdreg s5  }
0xb9: {  	[dreg:$0x4] =	wrdreg $0xC0  }
0xba: {  	_ =	task [dreg:s22], $0x5FFFF  }
0xbb: {  	[dreg:$0x1] =	wrdreg $0xFFFFFFFF  }
0xbc: {  	[dreg:$0x0] =	wrdreg $0x60  }
0xbd: {  	[dreg:$0x2] =	wrdreg s24  }
0xbe: {  	[dreg:$0x3] =	wrdreg $0x88000  }
0xbf: {  	[dreg:$0x4] =	wrdreg $0xA  }
0xc0: {  	_ =	task.clear_ibuf [dreg:s22], $0x5FFFF;
	_ =	strace $0x90000049  }
0xc1: {  	s29 =	simm.s32 $0xA;
	_ =	strace $0x8000004B  }
0xc2: {  	_ =	swait.ge [sflag:s29], $0x1  }
0xc3: {  	[sflag:s29] =	ssyncadd.s32 $0xFFFFFFFF  }
0xc4: {  	_ =	strace $0x9000004B  }
0xc5: {  	_ =	sfence  }
0xc6: {  	s30 =	sld [smem:$0x0];
	_ =	sdelay $0x2  }
0xc7: {  	s31 =	sshll.u32 s1, $0xD;
	s1 =	sshrl.u32 s1, $0x2  }
0xc8: {  	s4 =	sand.u32 $0x4000, s31;
	s1 =	sadd.s32 s1, s30  }
0xc9: {  	s0 =	sor.u32 s4, s0;
	s1 =	sshll.u32 s1, $0x11  }
0xca: {  	s0 =	sor.u32 s1, s0  }
0xcb: {  	s0 =	sadd.s32 $0x8F2B, s0  }
0xcc: {  	[sflag:s0] =	ssyncadd.remote.s32 $0x1  }
0xcd: {  	_ =	sfence.sel $0xFFFF  }
0xce: {  	[dreg:$0x0] =	wrdreg $0xFFFFFFFF;
	(pc) =	sbr.abs _section_cstart, $3  }
0xcf: {  	[dreg:$0x1] =	wrdreg $0xFFFFFFFF  }
0xd0: {  	_ =	task.clear_ibuf [dreg:s22], $0x2FFFF;
	_ =	strace $0x9FFFFFFF  }
0xd1: {  	(tm) =	ssettm $0x7FFFFFFF  }
tec
execute0_lowered:
.L_overlay_start_1:
0x0: {  	(tag) =	ssettag $0x1  }
0x1: {  	s0 =	rddreg [dreg:$0x0];
	s1 =	srdreg.scid  }
0x2: {  	s2 =	rddreg [dreg:$0x1];
	s10 =	stileid.u32;
	s3 =	simm.s32 $0x0  }
0x3: {  	s13 =	simm.s32 $0x800;
	s14 =	simm.s32 $0x5;
	s15 =	simm.s32 $0x400  }
0x4: {  	s28 =	simm.s32 $0x580;
	s29 =	simm.s32 $0x280;
	s6 =	smul.u32 $0x2780, s10  }
0x5: {  	s30 =	simm.s32 $0x600;
	s1 =	sand.u32 $0x1, s1;
	s8 =	smul.u32 $0x4F000, s10  }
0x6: {  	s31 =	simm.s32 $0x300;
	[smem:$0x7FF] =	sst s3;
	s5 =	smul.u32 $0xA000, s1  }
0x7: {  	s4 =	sadd.s32 $0x7C200, s0;
	s7 =	smul.u32 $0x27800, s1;
	s1 =	ssub.s32 $0x2, s1  }
0x8: {  	s19 =	smul.u32 $0xA00, s10;
	_ =	strace $0x8000004A;
	s17 =	sshrl.u32 s1, $0x1  }
0x9: {  	s18 =	sshrl.u32 s8, $0x2;
	s8 =	simm.s32 $0x0;
	s9 =	sadd.s32 s5, s0  }
0xa: {  	s16 =	sadd.s32 s6, s7;
	s1 =	ssub.s32 s1, s17;
	s11 =	sadd.s32 s18, s2  }
0xb: {  	s17 =	simm.s32 $0x4800;
	s18 =	simm.s32 $0x1;
	s6 =	simm.s32 $0x700  }
0xc: {  	s7 =	simm.s32 $0x780;
	s0 =	sadd.s32 s16, s0;
	s20 =	sadd.s32 $0x4000, s11  }
0xd: {  	s21 =	sadd.s32 $0x8000, s11;
	s22 =	sadd.s32 s19, s9;
	[dreg:$0x4] =	wrdreg s11  }
0xe: {  	s23 =	sadd.s32 $0xC000, s11;
	s24 =	sadd.s32 $0x10000, s11;
	[dreg:$0x5] =	wrdreg s20  }
0xf: {  	s26 =	smax.u32 s1, $0x1;
	s16 =	simm.s32 $0x80;
	[dreg:$0x6] =	wrdreg s21  }
0x10: {  	s19 =	simm.s32 $0x3;
	s1 =	simm.s32 $0x380;
	[dreg:$0x7] =	wrdreg s23  }
0x11: {  	[dreg:$0x8] =	wrdreg s24;
	s25 =	sadd.s32 $0x5200, s22;
	s0 =	sadd.s32 $0xCA400, s0  }
0x12: {  	[dreg:$0xa] =	wrdreg s26;
	s12 =	sadd.s32 $0x68200, s22;
	s20 =	simm.s32 $0x100  }
0x13: {  	s21 =	simm.s32 $0x2;
	s22 =	simm.s32 $0x480;
	s23 =	simm.s32 $0x4  }
0x14: {  	s24 =	simm.s32 $0x180;
	s26 =	simm.s32 $0x200;
	[dreg:$0x9] =	wrdreg s0  }
0x15: {  	v0 =	vimm.f32 $0.0e+00;
	[dreg:$0x3] =	wrdreg s25;
	s25 =	simm.s32 $0x500;
	s0 =	simm.s32 $0x680  }
.LBB2_1:
0x16: {  	s9 =	simm.s32 $0x0;
	s10 =	simm.s32 $0x200  }
.LBB2_2:
0x17: {  	p0 =	sne.s32 s10, $0xFE00;
	[tilespmem:s9+$0x870] =	vst v0  }
0x18: {  	[tilespmem:s9+$0x800] =	vst v0  }
0x19: {  	[tilespmem:s9+$0x810] =	vst v0  }
.Ltmp0:
0x1a: {  	[tilespmem:s9+$0x820] =	vst v0;
	(pc) =	sbr.rel @p0 .LBB2_2-.Ltmp0, $4  }
0x1b: {  	[tilespmem:s9+$0x830] =	vst v0  }
0x1c: {  	[tilespmem:s9+$0x840] =	vst v0  }
0x1d: {  	[tilespmem:s9+$0x850] =	vst v0  }
0x1e: {  	[tilespmem:s9+$0x860] =	vst v0;
	s9 =	sshra.s32 s10, $0x2;
	s10 =	sadd.s32 $0x200, s10  }
0x1f: {  	[tilespmem:s9+$0x870] =	vst v0  }
0x20: {  	[tilespmem:s9+$0x800] =	vst v0  }
0x21: {  	[tilespmem:s9+$0x810] =	vst v0  }
0x22: {  	[tilespmem:s9+$0x820] =	vst v0  }
0x23: {  	[tilespmem:s9+$0x830] =	vst v0  }
0x24: {  	[tilespmem:s9+$0x840] =	vst v0  }
0x25: {  	[tilespmem:s9+$0x850] =	vst v0  }
0x26: {  	[dreg:$0xb] =	wrdreg s8;
	[tilespmem:s9+$0x860] =	vst v0  }
0x27: {  	[spmem:s11] =	stream.linear.scatter [tilespmem:s13], [sflag:$0x5], $0x4000, $0x38;
	[tilespmem:$0x1C400] =	vst v63  }
0x28: {  	_ =	swait.ge [sflag:s14], $0x4000  }
0x29: {  	[sflag:s14] =	ssyncset.done $0x0  }
0x2a: {  	s5 =	rddreg [dreg:$0x5];
	[sflag:s14] =	ssyncadd.s32 $0xFFFFC000  }
0x2b: {  	[spmem:s5] =	stream.linear.scatter [tilespmem:s13], [sflag:$0x5], $0x4000, $0x38;
	[tilespmem:$0x1C400] =	vst v63  }
0x2c: {  	_ =	swait.ge [sflag:s14], $0x4000  }
0x2d: {  	[sflag:s14] =	ssyncset.done $0x0  }
0x2e: {  	s11 =	rddreg [dreg:$0x6];
	[sflag:s14] =	ssyncadd.s32 $0xFFFFC000  }
0x2f: {  	[spmem:s11] =	stream.linear.scatter [tilespmem:s13], [sflag:$0x5], $0x4000, $0x38;
	[tilespmem:$0x1C400] =	vst v63  }
0x30: {  	_ =	swait.ge [sflag:s14], $0x4000  }
0x31: {  	[sflag:s14] =	ssyncset.done $0x0  }
0x32: {  	s8 =	rddreg [dreg:$0x7];
	[sflag:s14] =	ssyncadd.s32 $0xFFFFC000  }
0x33: {  	[spmem:s8] =	stream.linear.scatter [tilespmem:s13], [sflag:$0x5], $0x4000, $0x38;
	[tilespmem:$0x1C400] =	vst v63  }
0x34: {  	_ =	swait.ge [sflag:s14], $0x4000  }
0x35: {  	[sflag:s14] =	ssyncset.done $0x0  }
0x36: {  	s9 =	rddreg [dreg:$0x8];
	[sflag:s14] =	ssyncadd.s32 $0xFFFFC000  }
0x37: {  	[spmem:s9] =	stream.linear.scatter [tilespmem:s13], [sflag:$0x5], $0x3C00, $0x38;
	[tilespmem:$0x1C400] =	vst v63  }
0x38: {  	_ =	swait.ge [sflag:s14], $0x3C00  }
0x39: {  	[sflag:s14] =	ssyncset.done $0x0  }
0x3a: {  	[sflag:s14] =	ssyncadd.s32 $0xFFFFC400  }
0x3b: {  	s10 =	sadd.s32 $0x0, s12;
	[bflag:$0x0] =	sbarrier.arrive $0xFFFF  }
0x3c: {  	[tilespmem:s3], [sflag:$0x5] =	stream.linear.gather [hbm4b:s10+s3], $0x400, $0x38;
	[tilespmem:$0x1C400] =	vst v63  }
0x3d: {  	_ =	swait.ge [sflag:s14], $0x400  }
0x3e: {  	s11 =	rddreg [dreg:$0x3];
	[sflag:s14] =	ssyncset.done $0x0  }
0x3f: {  	[sflag:s14] =	ssyncadd.s32 $0xFFFFFC00;
	s9 =	sadd.s32 $0x0, s11  }
0x40: {  	[tilespmem:s15], [sflag:$0x5] =	stream.linear.gather [hbm4b:s9+s3], $0x400, $0x38;
	[tilespmem:$0x1C400] =	vst v63  }
0x41: {  	_ =	swait.ge [sflag:s14], $0x400  }
0x42: {  	[sflag:s14] =	ssyncset.done $0x0  }
0x43: {  	[sflag:s14] =	ssyncadd.s32 $0xFFFFFC00  }
0x44: {  	[tilespmem:s13], [sflag:$0x1] =	stream.indirect.gather [hbm4b:s4+s16], $0x80, s3, s16, $0xb8;
	[tilespmem:$0x1C400] =	vst v63  }
0x45: {  	_ = 	snop  }
0x46: {  	[tilespmem:s17], [sflag:$0x2] =	stream.indirect.gather [hbm4b:s4+s16], $0x80, s16, s16, $0xb8;
	[tilespmem:$0x1C400] =	vst v63  }
0x47: {  	_ =	swait.ge [sflag:s18], $0x4000  }
0x48: {  	[sflag:s18] =	ssyncset.done $0x0  }
0x49: {  	[sflag:s18] =	ssyncadd.s32 $0xFFFFC000  }
0x4a: {  	[spmem:s2] =	stream.indirect.scatter.add.f32 [tilespmem:s13], [sflag:$0x3], $0x80, s15, s16, $0xb8;
	[tilespmem:$0x1C400] =	vst v63  }
0x4b: {  	_ =	swait.ge [sflag:s19], $0x4000  }
0x4c: {  	[sflag:s19] =	ssyncset.done $0x0  }
0x4d: {  	[sflag:s19] =	ssyncadd.s32 $0xFFFFC000  }
0x4e: {  	[tilespmem:s13], [sflag:$0x1] =	stream.indirect.gather [hbm4b:s4+s16], $0x80, s20, s16, $0xb8;
	[tilespmem:$0x1C400] =	vst v63  }
0x4f: {  	_ =	swait.ge [sflag:s21], $0x4000  }
0x50: {  	[sflag:s21] =	ssyncset.done $0x0  }
0x51: {  	[sflag:s21] =	ssyncadd.s32 $0xFFFFC000  }
0x52: {  	[spmem:s2] =	stream.indirect.scatter.add.f32 [tilespmem:s17], [sflag:$0x4], $0x80, s22, s16, $0xb8;
	[tilespmem:$0x1C400] =	vst v63  }
0x53: {  	_ =	swait.ge [sflag:s23], $0x4000  }
0x54: {  	[sflag:s23] =	ssyncset.done $0x0  }
0x55: {  	[sflag:s23] =	ssyncadd.s32 $0xFFFFC000  }
0x56: {  	[tilespmem:s17], [sflag:$0x2] =	stream.indirect.gather [hbm4b:s4+s16], $0x80, s24, s16, $0xb8;
	[tilespmem:$0x1C400] =	vst v63  }
0x57: {  	_ =	swait.ge [sflag:s18], $0x4000  }
0x58: {  	[sflag:s18] =	ssyncset.done $0x0  }
0x59: {  	[sflag:s18] =	ssyncadd.s32 $0xFFFFC000  }
0x5a: {  	[spmem:s2] =	stream.indirect.scatter.add.f32 [tilespmem:s13], [sflag:$0x3], $0x80, s25, s16, $0xb8;
	[tilespmem:$0x1C400] =	vst v63  }
0x5b: {  	_ =	swait.ge [sflag:s19], $0x4000  }
0x5c: {  	[sflag:s19] =	ssyncset.done $0x0  }
0x5d: {  	[sflag:s19] =	ssyncadd.s32 $0xFFFFC000  }
0x5e: {  	[tilespmem:s13], [sflag:$0x1] =	stream.indirect.gather [hbm4b:s4+s16], $0x80, s26, s16, $0xb8;
	[tilespmem:$0x1C400] =	vst v63  }
0x5f: {  	_ =	swait.ge [sflag:s21], $0x4000  }
0x60: {  	[sflag:s21] =	ssyncset.done $0x0  }
0x61: {  	[sflag:s21] =	ssyncadd.s32 $0xFFFFC000  }
0x62: {  	[spmem:s2] =	stream.indirect.scatter.add.f32 [tilespmem:s17], [sflag:$0x4], $0x80, s28, s16, $0xb8;
	[tilespmem:$0x1C400] =	vst v63  }
0x63: {  	_ =	swait.ge [sflag:s23], $0x4000  }
0x64: {  	[sflag:s23] =	ssyncset.done $0x0  }
0x65: {  	[sflag:s23] =	ssyncadd.s32 $0xFFFFC000  }
0x66: {  	[tilespmem:s17], [sflag:$0x2] =	stream.indirect.gather [hbm4b:s4+s16], $0x80, s29, s16, $0xb8;
	[tilespmem:$0x1C400] =	vst v63  }
0x67: {  	_ =	swait.ge [sflag:s18], $0x4000  }
0x68: {  	[sflag:s18] =	ssyncset.done $0x0  }
0x69: {  	[sflag:s18] =	ssyncadd.s32 $0xFFFFC000  }
0x6a: {  	[spmem:s2] =	stream.indirect.scatter.add.f32 [tilespmem:s13], [sflag:$0x3], $0x80, s30, s16, $0xb8;
	[tilespmem:$0x1C400] =	vst v63  }
0x6b: {  	_ =	swait.ge [sflag:s19], $0x4000  }
0x6c: {  	[sflag:s19] =	ssyncset.done $0x0  }
0x6d: {  	[sflag:s19] =	ssyncadd.s32 $0xFFFFC000  }
0x6e: {  	[tilespmem:s13], [sflag:$0x1] =	stream.indirect.gather [hbm4b:s4+s16], $0x80, s31, s16, $0xb8;
	[tilespmem:$0x1C400] =	vst v63  }
0x6f: {  	_ =	swait.ge [sflag:s21], $0x4000  }
0x70: {  	[sflag:s21] =	ssyncset.done $0x0  }
0x71: {  	[sflag:s21] =	ssyncadd.s32 $0xFFFFC000  }
0x72: {  	[spmem:s2] =	stream.indirect.scatter.add.f32 [tilespmem:s17], [sflag:$0x4], $0x80, s0, s16, $0xb8;
	[tilespmem:$0x1C400] =	vst v63  }
0x73: {  	_ =	swait.ge [sflag:s23], $0x4000  }
0x74: {  	[sflag:s23] =	ssyncset.done $0x0  }
0x75: {  	[sflag:s23] =	ssyncadd.s32 $0xFFFFC000  }
0x76: {  	[tilespmem:s17], [sflag:$0x2] =	stream.indirect.gather [hbm4b:s4+s16], $0x80, s1, s16, $0xb8;
	[tilespmem:$0x1C400] =	vst v63  }
0x77: {  	_ =	swait.ge [sflag:s18], $0x4000  }
0x78: {  	[sflag:s18] =	ssyncset.done $0x0  }
0x79: {  	[sflag:s18] =	ssyncadd.s32 $0xFFFFC000  }
0x7a: {  	[spmem:s2] =	stream.indirect.scatter.add.f32 [tilespmem:s13], [sflag:$0x3], $0x80, s6, s16, $0xb8;
	[tilespmem:$0x1C400] =	vst v63  }
0x7b: {  	_ =	swait.ge [sflag:s21], $0x4000  }
0x7c: {  	[sflag:s21] =	ssyncset.done $0x0  }
0x7d: {  	[sflag:s21] =	ssyncadd.s32 $0xFFFFC000  }
0x7e: {  	[spmem:s2] =	stream.indirect.scatter.add.f32 [tilespmem:s17], [sflag:$0x4], $0x80, s7, s16, $0xb8;
	[tilespmem:$0x1C400] =	vst v63  }
0x7f: {  	_ =	swait.ge [sflag:s19], $0x4000  }
0x80: {  	[sflag:s19] =	ssyncset.done $0x0  }
0x81: {  	[sflag:s19] =	ssyncadd.s32 $0xFFFFC000  }
0x82: {  	_ =	swait.ge [sflag:s23], $0x4000  }
0x83: {  	s10 =	simm.s32 $0x100;
	s9 =	simm.s32 $0x80;
	[sflag:s23] =	ssyncset.done $0x0  }
.LBB2_4:
0x84: {  	s5 =	sadd.s32 s9, s12;
	[sflag:s23] =	ssyncadd.s32 $0xFFFFC000  }
0x85: {  	[tilespmem:s3], [sflag:$0x5] =	stream.linear.gather [hbm4b:s5+s3], $0x400, $0x38;
	[tilespmem:$0x1C400] =	vst v63  }
0x86: {  	s8 =	smov.u32 s10;
	s11 =	sadd.s32 $0x80, s10;
	_ =	swait.ge [sflag:s14], $0x400  }
0x87: {  	p0 =	sne.s32 s10, $0x980;
	s10 =	rddreg [dreg:$0x3];
	[sflag:s14] =	ssyncset.done $0x0  }
0x88: {  	[sflag:s14] =	ssyncadd.s32 $0xFFFFFC00;
	s5 =	sadd.s32 s9, s10  }
0x89: {  	[tilespmem:s15], [sflag:$0x5] =	stream.linear.gather [hbm4b:s5+s3], $0x400, $0x38;
	[tilespmem:$0x1C400] =	vst v63  }
0x8a: {  	_ =	swait.ge [sflag:s14], $0x400  }
0x8b: {  	[sflag:s14] =	ssyncset.done $0x0  }
0x8c: {  	[sflag:s14] =	ssyncadd.s32 $0xFFFFFC00  }
0x8d: {  	[tilespmem:s13], [sflag:$0x1] =	stream.indirect.gather [hbm4b:s4+s16], $0x80, s3, s16, $0xb8;
	[tilespmem:$0x1C400] =	vst v63  }
0x8e: {  	_ = 	snop  }
0x8f: {  	[tilespmem:s17], [sflag:$0x2] =	stream.indirect.gather [hbm4b:s4+s16], $0x80, s16, s16, $0xb8;
	[tilespmem:$0x1C400] =	vst v63  }
0x90: {  	_ =	swait.ge [sflag:s18], $0x4000  }
0x91: {  	[sflag:s18] =	ssyncset.done $0x0  }
0x92: {  	[sflag:s18] =	ssyncadd.s32 $0xFFFFC000  }
0x93: {  	[spmem:s2] =	stream.indirect.scatter.add.f32 [tilespmem:s13], [sflag:$0x3], $0x80, s15, s16, $0xb8;
	[tilespmem:$0x1C400] =	vst v63  }
0x94: {  	_ =	swait.ge [sflag:s19], $0x4000  }
0x95: {  	[sflag:s19] =	ssyncset.done $0x0  }
0x96: {  	[sflag:s19] =	ssyncadd.s32 $0xFFFFC000  }
0x97: {  	[tilespmem:s13], [sflag:$0x1] =	stream.indirect.gather [hbm4b:s4+s16], $0x80, s20, s16, $0xb8;
	[tilespmem:$0x1C400] =	vst v63  }
0x98: {  	_ =	swait.ge [sflag:s21], $0x4000  }
0x99: {  	[sflag:s21] =	ssyncset.done $0x0  }
0x9a: {  	[sflag:s21] =	ssyncadd.s32 $0xFFFFC000  }
0x9b: {  	[spmem:s2] =	stream.indirect.scatter.add.f32 [tilespmem:s17], [sflag:$0x4], $0x80, s22, s16, $0xb8;
	[tilespmem:$0x1C400] =	vst v63  }
0x9c: {  	_ =	swait.ge [sflag:s23], $0x4000  }
0x9d: {  	[sflag:s23] =	ssyncset.done $0x0  }
0x9e: {  	[sflag:s23] =	ssyncadd.s32 $0xFFFFC000  }
0x9f: {  	[tilespmem:s17], [sflag:$0x2] =	stream.indirect.gather [hbm4b:s4+s16], $0x80, s24, s16, $0xb8;
	[tilespmem:$0x1C400] =	vst v63  }
0xa0: {  	_ =	swait.ge [sflag:s18], $0x4000  }
0xa1: {  	[sflag:s18] =	ssyncset.done $0x0  }
0xa2: {  	[sflag:s18] =	ssyncadd.s32 $0xFFFFC000  }
0xa3: {  	[spmem:s2] =	stream.indirect.scatter.add.f32 [tilespmem:s13], [sflag:$0x3], $0x80, s25, s16, $0xb8;
	[tilespmem:$0x1C400] =	vst v63  }
0xa4: {  	_ =	swait.ge [sflag:s19], $0x4000  }
0xa5: {  	[sflag:s19] =	ssyncset.done $0x0  }
0xa6: {  	[sflag:s19] =	ssyncadd.s32 $0xFFFFC000  }
0xa7: {  	[tilespmem:s13], [sflag:$0x1] =	stream.indirect.gather [hbm4b:s4+s16], $0x80, s26, s16, $0xb8;
	[tilespmem:$0x1C400] =	vst v63  }
0xa8: {  	_ =	swait.ge [sflag:s21], $0x4000  }
0xa9: {  	[sflag:s21] =	ssyncset.done $0x0  }
0xaa: {  	[sflag:s21] =	ssyncadd.s32 $0xFFFFC000  }
0xab: {  	[spmem:s2] =	stream.indirect.scatter.add.f32 [tilespmem:s17], [sflag:$0x4], $0x80, s28, s16, $0xb8;
	[tilespmem:$0x1C400] =	vst v63  }
0xac: {  	_ =	swait.ge [sflag:s23], $0x4000  }
0xad: {  	[sflag:s23] =	ssyncset.done $0x0  }
0xae: {  	[sflag:s23] =	ssyncadd.s32 $0xFFFFC000  }
0xaf: {  	[tilespmem:s17], [sflag:$0x2] =	stream.indirect.gather [hbm4b:s4+s16], $0x80, s29, s16, $0xb8;
	[tilespmem:$0x1C400] =	vst v63  }
0xb0: {  	_ =	swait.ge [sflag:s18], $0x4000  }
0xb1: {  	[sflag:s18] =	ssyncset.done $0x0  }
0xb2: {  	[sflag:s18] =	ssyncadd.s32 $0xFFFFC000  }
0xb3: {  	[spmem:s2] =	stream.indirect.scatter.add.f32 [tilespmem:s13], [sflag:$0x3], $0x80, s30, s16, $0xb8;
	[tilespmem:$0x1C400] =	vst v63  }
0xb4: {  	_ =	swait.ge [sflag:s19], $0x4000  }
0xb5: {  	[sflag:s19] =	ssyncset.done $0x0  }
0xb6: {  	[sflag:s19] =	ssyncadd.s32 $0xFFFFC000  }
0xb7: {  	[tilespmem:s13], [sflag:$0x1] =	stream.indirect.gather [hbm4b:s4+s16], $0x80, s31, s16, $0xb8;
	[tilespmem:$0x1C400] =	vst v63  }
0xb8: {  	_ =	swait.ge [sflag:s21], $0x4000  }
0xb9: {  	[sflag:s21] =	ssyncset.done $0x0  }
0xba: {  	[sflag:s21] =	ssyncadd.s32 $0xFFFFC000  }
0xbb: {  	[spmem:s2] =	stream.indirect.scatter.add.f32 [tilespmem:s17], [sflag:$0x4], $0x80, s0, s16, $0xb8;
	[tilespmem:$0x1C400] =	vst v63  }
0xbc: {  	_ =	swait.ge [sflag:s23], $0x4000  }
0xbd: {  	[sflag:s23] =	ssyncset.done $0x0  }
0xbe: {  	[sflag:s23] =	ssyncadd.s32 $0xFFFFC000  }
0xbf: {  	[tilespmem:s17], [sflag:$0x2] =	stream.indirect.gather [hbm4b:s4+s16], $0x80, s1, s16, $0xb8;
	[tilespmem:$0x1C400] =	vst v63  }
0xc0: {  	_ =	swait.ge [sflag:s18], $0x4000  }
0xc1: {  	[sflag:s18] =	ssyncset.done $0x0  }
0xc2: {  	[sflag:s18] =	ssyncadd.s32 $0xFFFFC000  }
0xc3: {  	[spmem:s2] =	stream.indirect.scatter.add.f32 [tilespmem:s13], [sflag:$0x3], $0x80, s6, s16, $0xb8;
	[tilespmem:$0x1C400] =	vst v63  }
0xc4: {  	_ =	swait.ge [sflag:s21], $0x4000  }
0xc5: {  	[sflag:s21] =	ssyncset.done $0x0  }
0xc6: {  	[sflag:s21] =	ssyncadd.s32 $0xFFFFC000  }
0xc7: {  	[spmem:s2] =	stream.indirect.scatter.add.f32 [tilespmem:s17], [sflag:$0x4], $0x80, s7, s16, $0xb8;
	[tilespmem:$0x1C400] =	vst v63  }
.Ltmp1:
0xc8: {  	_ =	swait.ge [sflag:s19], $0x4000;
	(pc) =	sbr.rel @p0 .LBB2_4-.Ltmp1, $4  }
0xc9: {  	[sflag:s19] =	ssyncset.done $0x0  }
0xca: {  	[sflag:s19] =	ssyncadd.s32 $0xFFFFC000  }
0xcb: {  	_ =	swait.ge [sflag:s23], $0x4000  }
0xcc: {  	s9 =	smov.u32 s8;
	s10 =	smov.u32 s11;
	[sflag:s23] =	ssyncset.done $0x0  }
0xcd: {  	s5 =	sadd.s32 s9, s12;
	[sflag:s23] =	ssyncadd.s32 $0xFFFFC000  }
0xce: {  	[tilespmem:s3], [sflag:$0x5] =	stream.linear.gather [hbm4b:s5+s3], $0x400, $0x38;
	[tilespmem:$0x1C400] =	vst v63  }
0xcf: {  	_ =	swait.ge [sflag:s14], $0x400  }
0xd0: {  	s8 =	rddreg [dreg:$0x3];
	[sflag:s14] =	ssyncset.done $0x0  }
0xd1: {  	[sflag:s14] =	ssyncadd.s32 $0xFFFFFC00;
	s5 =	sadd.s32 s9, s8  }
0xd2: {  	[tilespmem:s15], [sflag:$0x5] =	stream.linear.gather [hbm4b:s5+s3], $0x400, $0x38;
	[tilespmem:$0x1C400] =	vst v63  }
0xd3: {  	_ =	swait.ge [sflag:s14], $0x400  }
0xd4: {  	[sflag:s14] =	ssyncset.done $0x0  }
0xd5: {  	[sflag:s14] =	ssyncadd.s32 $0xFFFFFC00  }
0xd6: {  	[tilespmem:s13], [sflag:$0x1] =	stream.indirect.gather [hbm4b:s4+s16], $0x80, s3, s16, $0xb8;
	[tilespmem:$0x1C400] =	vst v63  }
0xd7: {  	_ = 	snop  }
0xd8: {  	[tilespmem:s17], [sflag:$0x2] =	stream.indirect.gather [hbm4b:s4+s16], $0x80, s16, s16, $0xb8;
	[tilespmem:$0x1C400] =	vst v63  }
0xd9: {  	_ =	swait.ge [sflag:s18], $0x4000  }
0xda: {  	[sflag:s18] =	ssyncset.done $0x0  }
0xdb: {  	[sflag:s18] =	ssyncadd.s32 $0xFFFFC000  }
0xdc: {  	[spmem:s2] =	stream.indirect.scatter.add.f32 [tilespmem:s13], [sflag:$0x3], $0x80, s15, s16, $0xb8;
	[tilespmem:$0x1C400] =	vst v63  }
0xdd: {  	_ =	swait.ge [sflag:s19], $0x4000  }
0xde: {  	[sflag:s19] =	ssyncset.done $0x0  }
0xdf: {  	[sflag:s19] =	ssyncadd.s32 $0xFFFFC000  }
0xe0: {  	[tilespmem:s13], [sflag:$0x1] =	stream.indirect.gather [hbm4b:s4+s16], $0x80, s20, s16, $0xb8;
	[tilespmem:$0x1C400] =	vst v63  }
0xe1: {  	_ =	swait.ge [sflag:s21], $0x4000  }
0xe2: {  	[sflag:s21] =	ssyncset.done $0x0  }
0xe3: {  	[sflag:s21] =	ssyncadd.s32 $0xFFFFC000  }
0xe4: {  	[spmem:s2] =	stream.indirect.scatter.add.f32 [tilespmem:s17], [sflag:$0x4], $0x80, s22, s16, $0xb8;
	[tilespmem:$0x1C400] =	vst v63  }
0xe5: {  	_ =	swait.ge [sflag:s23], $0x4000  }
0xe6: {  	[sflag:s23] =	ssyncset.done $0x0  }
0xe7: {  	[sflag:s23] =	ssyncadd.s32 $0xFFFFC000  }
0xe8: {  	[tilespmem:s17], [sflag:$0x2] =	stream.indirect.gather [hbm4b:s4+s16], $0x80, s24, s16, $0xb8;
	[tilespmem:$0x1C400] =	vst v63  }
0xe9: {  	_ =	swait.ge [sflag:s18], $0x4000  }
0xea: {  	[sflag:s18] =	ssyncset.done $0x0  }
0xeb: {  	[sflag:s18] =	ssyncadd.s32 $0xFFFFC000  }
0xec: {  	[spmem:s2] =	stream.indirect.scatter.add.f32 [tilespmem:s13], [sflag:$0x3], $0x80, s25, s16, $0xb8;
	[tilespmem:$0x1C400] =	vst v63  }
0xed: {  	_ =	swait.ge [sflag:s19], $0x4000  }
0xee: {  	[sflag:s19] =	ssyncset.done $0x0  }
0xef: {  	[sflag:s19] =	ssyncadd.s32 $0xFFFFC000  }
0xf0: {  	[tilespmem:s13], [sflag:$0x1] =	stream.indirect.gather [hbm4b:s4+s16], $0x80, s26, s16, $0xb8;
	[tilespmem:$0x1C400] =	vst v63  }
0xf1: {  	_ =	swait.ge [sflag:s21], $0x4000  }
0xf2: {  	[sflag:s21] =	ssyncset.done $0x0  }
0xf3: {  	[sflag:s21] =	ssyncadd.s32 $0xFFFFC000  }
0xf4: {  	[spmem:s2] =	stream.indirect.scatter.add.f32 [tilespmem:s17], [sflag:$0x4], $0x80, s28, s16, $0xb8;
	[tilespmem:$0x1C400] =	vst v63  }
0xf5: {  	_ =	swait.ge [sflag:s23], $0x4000  }
0xf6: {  	[sflag:s23] =	ssyncset.done $0x0  }
0xf7: {  	[sflag:s23] =	ssyncadd.s32 $0xFFFFC000  }
0xf8: {  	[tilespmem:s17], [sflag:$0x2] =	stream.indirect.gather [hbm4b:s4+s16], $0x80, s29, s16, $0xb8;
	[tilespmem:$0x1C400] =	vst v63  }
0xf9: {  	_ =	swait.ge [sflag:s18], $0x4000  }
0xfa: {  	[sflag:s18] =	ssyncset.done $0x0  }
0xfb: {  	[sflag:s18] =	ssyncadd.s32 $0xFFFFC000  }
0xfc: {  	[spmem:s2] =	stream.indirect.scatter.add.f32 [tilespmem:s13], [sflag:$0x3], $0x80, s30, s16, $0xb8;
	[tilespmem:$0x1C400] =	vst v63  }
0xfd: {  	_ =	swait.ge [sflag:s19], $0x4000  }
0xfe: {  	[sflag:s19] =	ssyncset.done $0x0  }
0xff: {  	[sflag:s19] =	ssyncadd.s32 $0xFFFFC000  }
0x100: {  	[tilespmem:s13], [sflag:$0x1] =	stream.indirect.gather [hbm4b:s4+s16], $0x80, s31, s16, $0xb8;
	[tilespmem:$0x1C400] =	vst v63  }
0x101: {  	_ =	swait.ge [sflag:s21], $0x4000  }
0x102: {  	[sflag:s21] =	ssyncset.done $0x0  }
0x103: {  	[sflag:s21] =	ssyncadd.s32 $0xFFFFC000  }
0x104: {  	[spmem:s2] =	stream.indirect.scatter.add.f32 [tilespmem:s17], [sflag:$0x4], $0x80, s0, s16, $0xb8;
	[tilespmem:$0x1C400] =	vst v63  }
0x105: {  	_ =	swait.ge [sflag:s23], $0x4000  }
0x106: {  	[sflag:s23] =	ssyncset.done $0x0  }
0x107: {  	[sflag:s23] =	ssyncadd.s32 $0xFFFFC000  }
0x108: {  	[tilespmem:s17], [sflag:$0x2] =	stream.indirect.gather [hbm4b:s4+s16], $0x80, s1, s16, $0xb8;
	[tilespmem:$0x1C400] =	vst v63  }
0x109: {  	_ =	swait.ge [sflag:s18], $0x4000  }
0x10a: {  	[sflag:s18] =	ssyncset.done $0x0  }
0x10b: {  	[sflag:s18] =	ssyncadd.s32 $0xFFFFC000  }
0x10c: {  	[spmem:s2] =	stream.indirect.scatter.add.f32 [tilespmem:s13], [sflag:$0x3], $0x80, s6, s16, $0xb8;
	[tilespmem:$0x1C400] =	vst v63  }
0x10d: {  	_ =	swait.ge [sflag:s21], $0x4000  }
0x10e: {  	[sflag:s21] =	ssyncset.done $0x0  }
0x10f: {  	[sflag:s21] =	ssyncadd.s32 $0xFFFFC000  }
0x110: {  	[spmem:s2] =	stream.indirect.scatter.add.f32 [tilespmem:s17], [sflag:$0x4], $0x80, s7, s16, $0xb8;
	[tilespmem:$0x1C400] =	vst v63  }
0x111: {  	_ =	swait.ge [sflag:s19], $0x4000  }
0x112: {  	[sflag:s19] =	ssyncset.done $0x0  }
0x113: {  	[sflag:s19] =	ssyncadd.s32 $0xFFFFC000  }
0x114: {  	_ =	swait.ge [sflag:s23], $0x4000  }
0x115: {  	[sflag:s23] =	ssyncset.done $0x0  }
0x116: {  	[sflag:s23] =	ssyncadd.s32 $0xFFFFC000  }
0x117: {  	s9 =	stileid.u32;
	[bflag:$0x0] =	sbarrier.arrive $0xFFFF  }
0x118: {  	s5 =	sshll.u32 s9, $0x6;
	s11 =	rddreg [dreg:$0x4]  }
0x119: {  	s5 =	sor.u32 $0x1C05, s5;
	s10 =	rddreg [dreg:$0x9];
	s8 =	sshrl.u32 s11, $0x3  }
0x11a: {  	[hbm:s10], [sflag:s5] =	dma.local [spmem:s8], $0x2780  }
0x11b: {  	_ =	swait.ge [sflag:s14], $0x2780  }
0x11c: {  	s9 =	rddreg [dreg:$0xb]  }
0x11d: {  	s10 =	rddreg [dreg:$0xa];
	s8 =	sadd.s32 $0x1, s9  }
0x11e: {  	p0 =	sne.s32 s8, s10  }
.Ltmp2:
0x11f: {  	_ = 	snop;
	(pc) =	sbr.rel @p0 .LBB2_1-.Ltmp2, $3  }
0x120: {  	_ =	sdelay $0x1  }
0x121: {  	[sflag:s14] =	ssyncset.done $0x0  }
0x122: {  	[sflag:s14] =	ssyncadd.s32 $0xFFFFD880  }
0x123: {  	_ =	sfence.sel $0x180000  }
0x124: {  	[bflag:$0x0] =	sbarrier.arrive $0xFFFF  }
0x125: {  	_ =	strace $0x9000004A  }
0x126: {  	s0 =	stileid.u32;
	[bflag:$0x2] =	sbarrier.arrive $0xFFFF  }
0x127: {  	p0 =	sne.s32 s0, $0x0;
	s0 =	rddreg [dreg:$0x2]  }
0x128: {  	s0 =	sadd.s32 @!p0 $0x100000, s0  }
0x129: {  	[sflag:s0] =	ssyncadd.tile.s32 @!p0 $0x1;
	_ =	shalt  }
.Lfunc_end2:
_tile_overlayer_lowered:
.L_overlay_start_2:
0x12a: {  	(tag) =	ssettag $0x2  }
0x12b: {  	s0 =	rddreg [dreg:$0x0];
	s2 =	stileid.u32  }
0x12c: {  	s1 =	rddreg [dreg:$0x1];
	p0 =	sne.s32 s2, $0x0  }
0x12d: {  	s3 =	rddreg [dreg:$0x2];
	[bflag:$0x3] =	sbarrier.arrive $0xFFFF;
	s2 =	simm.s32 @!p0 $0x1C05  }
0x12e: {  	[timem:s3], [sflag:s2] =	dma.local @!p0 [hbm:s0], s1  }
0x12f: {  	s0 =	simm.s32 @!p0 $0x5  }
0x130: {  	_ =	swait.ge @!p0 [sflag:s0], s1  }
0x131: {  	s1 =	ssub.s32 @!p0 $0x0, s1;
	[sflag:s0] =	ssyncset.done @!p0 $0x0  }
0x132: {  	[sflag:s0] =	ssyncadd.s32 @!p0 s1  }
0x133: {  	[bflag:$0x3] =	sbarrier.arrive $0xFFFF  }
0x134: {  	_ =	shalt  }

// kernel: kernel.19.cloned.1.call-start
scs
__scs_entry_jumppad:
0x0: {  	(pc) =	sbr.rel $0x88, $3  }
0x1: {  	(tag) =	ssettag $0x0;
	lr =	simm.s32 $0x1  }
0x2: {  	[smem:$0x3F91] =	sst lr;
	_ =	strace $0xD0000000  }
0x3: {  	_ = 	snop  }
0x4: {  	_ = 	snop  }
0x5: {  	_ = 	snop  }
0x6: {  	_ = 	snop  }
0x7: {  	_ = 	snop  }
__scs_overlays_trampoline_lowered:
0x8: {  	[smem:$0x3FA0] =	sst s0  }
0x9: {  	[smem:$0x3FA1] =	sst s1  }
0xa: {  	[smem:$0x3FA2] =	sst s2  }
0xb: {  	[smem:$0x3FA3] =	sst s3  }
0xc: {  	[smem:$0x3FA4] =	sst s4  }
0xd: {  	[smem:$0x3FA5] =	sst s5  }
0xe: {  	[smem:$0x3FA6] =	sst s6  }
0xf: {  	[smem:$0x3FA7] =	sst s7  }
0x10: {  	[smem:$0x3FA8] =	sst s8  }
0x11: {  	[smem:$0x3FA9] =	sst s9;
	s0 =	simm.s32 @!p0 $0x0  }
0x12: {  	s1 =	sld [smem:$0x3F8F];
	s0 =	simm.s32 @p0 $0x1  }
0x13: {  	[smem:$0x3FAA] =	sst s0;
	s0 =	simm.s32 @!p1 $0x0  }
0x14: {  	s2 =	sld [smem:$0x3F8E];
	s0 =	simm.s32 @p1 $0x1  }
0x15: {  	[smem:$0x3FAB] =	sst s0;
	s0 =	simm.s32 @!p2 $0x0  }
0x16: {  	s3 =	sld [smem:$0x3FDB];
	s0 =	simm.s32 @p2 $0x1  }
0x17: {  	s4 =	simm.s32 $0x1BF5;
	[smem:$0x3FAD] =	sst s0  }
0x18: {  	s0 =	sld [smem:$0x3F90];
	_ =	swait.ge [sflag:s4], $0x0  }
0x19: {  	s7 =	sld [smem:$0x3F91]  }
0x1a: {  	s8 =	sadd.s32 $0xFFFFE003, lr  }
0x1b: {  	s9 =	sadd.s32 $0xFFFFFEF7, lr;
	s5 =	simm.s32 $0xFFFFFFFF;
	p2 =	slt.u32 s8, $0xFFFFF086  }
0x1c: {  	p1 =	slt.u32 s9, $0xF7A;
	s5 =	simm.s32 @!p2 $0x0  }
0x1d: {  	s5 =	simm.s32 @p1 $0x1;
	p0 =	seq.s32 s7, s2  }
0x1e: {  	s7 =	smul.u32 @!p0 $0xF7A, s2;
	p2 =	seq.s32 @!p0 s5, $0x0  }
0x1f: {  	s9 =	smul.u32 $0xF7A, s1;
	s8 =	simm.s32 @!p0 $0x1BF5;
	p2 =	por !p2, p0  }
0x20: {  	[sflag:s8] =	ssyncset.s32 @!p0 $0xFFFFF086;
	s6 =	sadd.s32 @!p0 s3, s7;
	s7 =	simm.s32 @!p0 $0x108  }
0x21: {  	s3 =	sadd.s32 s3, s9;
	s6 =	sadd.s32 @!p0 $0x88, s6;
	s7 =	simm.s32 @p2 $0x1082  }
0x22: {  	[simem:s7], [sflag:s8] =	dma.local @!p0 [hbm:s6], $0xF7A  }
0x23: {  	s9 =	sor.u32 $0xD0000000, s2;
	s6 =	simm.s32 $0x108;
	_ =	swait.ge @!p0 [sflag:s8], $0x0  }
0x24: {  	s3 =	sadd.s32 $0x88, s3;
	s6 =	simm.s32 @!p1 $0x1082;
	[sflag:s4] =	ssyncset.s32 $0xFFFFF086  }
0x25: {  	[simem:s6], [sflag:s4] =	dma.local [hbm:s3], $0xF7A  }
0x26: {  	[smem:$0x3F91] =	sst s1;
	(tag) =	ssettag s2;
	_ =	strace s9  }
0x27: {  	s1 =	sld [smem:$0x3FA1]  }
0x28: {  	s2 =	sld [smem:$0x3FA2]  }
0x29: {  	s4 =	sld [smem:$0x3FA4]  }
0x2a: {  	p0 =	seq.s32 s5, $0x0;
	s5 =	sld [smem:$0x3FA5]  }
0x2b: {  	s6 =	sld [smem:$0x3FA6]  }
0x2c: {  	s7 =	sld [smem:$0x3FA7]  }
0x2d: {  	s3 =	simm.s32 $0x108;
	s8 =	sld [smem:$0x3FA8]  }
0x2e: {  	s3 =	simm.s32 @!p0 $0x1082;
	s9 =	sld [smem:$0x3FA9]  }
0x2f: {  	lr =	sadd.s32 s0, s3;
	s0 =	sld [smem:$0x3FA0]  }
0x30: {  	s3 =	sld [smem:$0x3FA3]  }
0x31: {  	[smem:$0x3FAC] =	sst s10  }
0x32: {  	s10 =	sld [smem:$0x3FAA];
	_ =	sdelay $0x3  }
0x33: {  	p0 =	seq.s32 s10, $0x1;
	s10 =	sld [smem:$0x3FAC];
	_ =	sdelay $0x3  }
0x34: {  	[smem:$0x3FAC] =	sst s10  }
0x35: {  	s10 =	sld [smem:$0x3FAB];
	_ =	sdelay $0x3  }
0x36: {  	p1 =	seq.s32 s10, $0x1;
	s10 =	sld [smem:$0x3FAC];
	_ =	sdelay $0x3  }
0x37: {  	[smem:$0x3FAC] =	sst s10  }
0x38: {  	s10 =	sld [smem:$0x3FAD]  }
0x39: {  	_ = 	snop;
	(pc) =	sbr.ind lr, $3  }
0x3a: {  	_ = 	snop  }
0x3b: {  	_ = 	snop  }
0x3c: {  	p2 =	seq.s32 s10, $0x1;
	s10 =	sld [smem:$0x3FAC]  }
0x3d: {  	_ =	shalt  }
0x3e: {  	_ =	shalt  }
0x3f: {  	_ =	shalt  }
0x40: {  	_ =	shalt  }
0x41: {  	_ =	shalt  }
0x42: {  	_ =	shalt  }
0x43: {  	_ =	shalt  }
0x44: {  	_ =	shalt  }
0x45: {  	_ =	shalt  }
0x46: {  	_ =	shalt  }
0x47: {  	_ =	shalt  }
0x48: {  	_ =	shalt  }
0x49: {  	_ =	shalt  }
0x4a: {  	_ =	shalt  }
0x4b: {  	_ =	shalt  }
0x4c: {  	_ =	shalt  }
0x4d: {  	_ =	shalt  }
0x4e: {  	_ =	shalt  }
0x4f: {  	_ =	shalt  }
0x50: {  	_ =	shalt  }
0x51: {  	_ =	shalt  }
0x52: {  	_ =	shalt  }
0x53: {  	_ =	shalt  }
0x54: {  	_ =	shalt  }
0x55: {  	_ =	shalt  }
0x56: {  	_ =	shalt  }
0x57: {  	_ =	shalt  }
0x58: {  	_ =	shalt  }
0x59: {  	_ =	shalt  }
0x5a: {  	_ =	shalt  }
0x5b: {  	_ =	shalt  }
0x5c: {  	_ =	shalt  }
0x5d: {  	_ =	shalt  }
0x5e: {  	_ =	shalt  }
0x5f: {  	_ =	shalt  }
0x60: {  	_ =	shalt  }
0x61: {  	_ =	shalt  }
0x62: {  	_ =	shalt  }
0x63: {  	_ =	shalt  }
0x64: {  	_ =	shalt  }
0x65: {  	_ =	shalt  }
0x66: {  	_ =	shalt  }
0x67: {  	_ =	shalt  }
0x68: {  	_ =	shalt  }
0x69: {  	_ =	shalt  }
0x6a: {  	_ =	shalt  }
0x6b: {  	_ =	shalt  }
0x6c: {  	_ =	shalt  }
0x6d: {  	_ =	shalt  }
0x6e: {  	_ =	shalt  }
0x6f: {  	_ =	shalt  }
0x70: {  	_ =	shalt  }
0x71: {  	_ =	shalt  }
0x72: {  	_ =	shalt  }
0x73: {  	_ =	shalt  }
0x74: {  	_ =	shalt  }
0x75: {  	_ =	shalt  }
0x76: {  	_ =	shalt  }
0x77: {  	_ =	shalt  }
0x78: {  	_ =	shalt  }
0x79: {  	_ =	shalt  }
0x7a: {  	_ =	shalt  }
0x7b: {  	_ =	shalt  }
0x7c: {  	_ =	shalt  }
0x7d: {  	_ =	shalt  }
0x7e: {  	_ =	shalt  }
0x7f: {  	_ =	shalt  }
0x80: {  	_ =	shalt  }
0x81: {  	_ =	shalt  }
0x82: {  	_ =	shalt  }
0x83: {  	_ =	shalt  }
0x84: {  	_ =	shalt  }
0x85: {  	_ =	shalt  }
0x86: {  	_ =	shalt  }
0x87: {  	_ =	shalt  }
.Lfunc_end0:
.L_simem_size_0:
called_computation.2_lowered:
.L_overlay_start_0:
0x88: {  	s2 =	sld [smem:$0x3FD9]  }
0x89: {  	s3 =	sld [smem:$0x3FFE];
	_ =	sdelay $0x1  }
0x8a: {  	s1 =	srdreg.scid  }
0x8b: {  	s0 =	sand.u32 $0x1, s1  }
0x8c: {  	s16 =	sshll.u32 s0, $0xA;
	s2 =	sadd.s32 s3, s2  }
0x8d: {  	s2 =	sadd.s32 s2, s16  }
0x8e: {  	[smem:$0x3FB8] =	sst s2  }
0x8f: {  	_ = 	snop  }
0x90: {  	(tm) =	ssettm $0x1  }
0x91: {  	s17 =	sld [smem:$0x3FFB];
	_ =	sdelay $0x3  }
0x92: {  	_ =	strace s17  }
0x93: {  	s2 =	sld [smem:$0x3FFC];
	_ =	sdelay $0x3  }
0x94: {  	_ =	strace s2  }
0x95: {  	s2 =	sld [smem:$0x3FFD];
	_ =	sdelay $0x3  }
0x96: {  	_ =	strace s2  }
0x97: {  	_ =	strace $0x8FFFFFFF  }
0x98: {  	s18 =	sld [smem:$0x3FDB];
	_ =	sdelay $0x1  }
0x99: {  	s19 =	simm.s32 $_scs_section_size  }
0x9a: {  	s4 =	simm.s32 $_size__tile_overlayer_lowered;
	s5 =	simm.s32 $_tile_overlayer_lowered  }
0x9b: {  	s22 =	simm.s32 $0x1BFF;
	s21 =	sshll.u32 s5, $0x1;
	s2 =	sadd.s32 s19, s18  }
0x9c: {  	s6 =	simm.s32 $0x0;
	s20 =	sshll.u32 s4, $0x1;
	s4 =	sadd.s32 s21, s2  }
0x9d: {  	[timem:s6], [sflag:s22] =	dma.local [hbm:s4], s20  }
0x9e: {  	_ =	swait.ge [sflag:s22], s20  }
0x9f: {  	s3 =	ssub.s32 $0x0, s20;
	[sflag:s22] =	ssyncset.done $0x0  }
0xa0: {  	[sflag:s22] =	ssyncadd.s32 s3;
	_ =	sdelay $0x1  }
0xa1: {  	s23 =	simm.s32 $0x1B8B  }
0xa2: {  	_ =	swait.ge [sflag:s23], $0x1  }
0xa3: {  	[sflag:s23] =	ssyncset.done $0x0  }
0xa4: {  	s25 =	simm.s32 $0x1B8E;
	s24 =	sld [smem:$0x3FFE];
	[sflag:s23] =	ssyncadd.s32 $0xFFFFFFFF  }
0xa5: {  	s26 =	simm.s32 $execute0_lowered;
	[smem:$0x3FD2] =	sst s25  }
0xa6: {  	s4 =	sshll.u32 s26, $0x1;
	_ =	strace $0x8000004C;
	[dreg:$0x1] =	wrdreg $0xFFFFFFFF  }
0xa7: {  	s28 =	simm.s32 $_size_execute0_lowered;
	s2 =	sadd.s32 s2, s4;
	[dreg:$0x0] =	wrdreg $0x0  }
0xa8: {  	s4 =	sshll.u32 s28, $0x1;
	[dreg:$0x2] =	wrdreg s2  }
0xa9: {  	[dreg:$0x3] =	wrdreg s4  }
0xaa: {  	[dreg:$0x4] =	wrdreg $0xC0  }
0xab: {  	_ =	task [dreg:s6], $0x5FFFF  }
0xac: {  	[dreg:$0x1] =	wrdreg $0xFFFFFFFF  }
0xad: {  	[dreg:$0x0] =	wrdreg $0x60  }
0xae: {  	[dreg:$0x2] =	wrdreg s24  }
0xaf: {  	[dreg:$0x3] =	wrdreg $0x88000  }
0xb0: {  	[dreg:$0x4] =	wrdreg $0x9  }
0xb1: {  	_ =	task.clear_ibuf [dreg:s6], $0x5FFFF;
	_ =	strace $0x9000004C  }
0xb2: {  	s29 =	simm.s32 $0x9;
	_ =	strace $0x8000004E  }
0xb3: {  	_ =	swait.ge [sflag:s29], $0x1  }
0xb4: {  	[sflag:s29] =	ssyncadd.s32 $0xFFFFFFFF  }
0xb5: {  	_ =	strace $0x9000004E  }
0xb6: {  	_ =	sfence  }
0xb7: {  	s30 =	sld [smem:$0x0];
	_ =	sdelay $0x2  }
0xb8: {  	s31 =	sshll.u32 s1, $0xD;
	s1 =	sshrl.u32 s1, $0x2  }
0xb9: {  	s3 =	sand.u32 $0x4000, s31;
	s1 =	sadd.s32 s1, s30  }
0xba: {  	s0 =	sor.u32 s3, s0;
	s1 =	sshll.u32 s1, $0x11  }
0xbb: {  	s0 =	sor.u32 s1, s0  }
0xbc: {  	s0 =	sadd.s32 $0x8F2B, s0  }
0xbd: {  	[sflag:s0] =	ssyncadd.remote.s32 $0x1  }
0xbe: {  	_ =	sfence.sel $0xFFFF  }
0xbf: {  	[dreg:$0x0] =	wrdreg $0xFFFFFFFF;
	(pc) =	sbr.abs _section_cstart, $3  }
0xc0: {  	[dreg:$0x1] =	wrdreg $0xFFFFFFFF  }
0xc1: {  	_ =	task.clear_ibuf [dreg:s6], $0x2FFFF;
	_ =	strace $0x9FFFFFFF  }
0xc2: {  	(tm) =	ssettm $0x7FFFFFFF  }
0xc3: {  	_ =	shalt  }
tec
execute0_lowered:
.L_overlay_start_1:
0x0: {  	(tag) =	ssettag $0x1  }
0x1: {  	s0 =	rddreg [dreg:$0x0];
	s1 =	srdreg.scid  }
0x2: {  	s2 =	rddreg [dreg:$0x1];
	s10 =	stileid.u32;
	s3 =	simm.s32 $0x0  }
0x3: {  	s13 =	simm.s32 $0x800;
	s14 =	simm.s32 $0x5;
	s15 =	simm.s32 $0x400  }
0x4: {  	s28 =	simm.s32 $0x580;
	s29 =	simm.s32 $0x280;
	s6 =	smul.u32 $0x2780, s10  }
0x5: {  	s30 =	simm.s32 $0x600;
	s1 =	sand.u32 $0x1, s1;
	s8 =	smul.u32 $0x4F000, s10  }
0x6: {  	s31 =	simm.s32 $0x300;
	[smem:$0x7FF] =	sst s3;
	s5 =	smul.u32 $0xA000, s1  }
0x7: {  	s4 =	sadd.s32 $0x19200, s0;
	s7 =	smul.u32 $0x27800, s1;
	s1 =	ssub.s32 $0x2, s1  }
0x8: {  	s19 =	smul.u32 $0xA00, s10;
	_ =	strace $0x8000004D;
	s17 =	sshrl.u32 s1, $0x1  }
0x9: {  	s18 =	sshrl.u32 s8, $0x2;
	s8 =	simm.s32 $0x0;
	s9 =	sadd.s32 s5, s0  }
0xa: {  	s16 =	sadd.s32 s6, s7;
	s1 =	ssub.s32 s1, s17;
	s11 =	sadd.s32 s18, s2  }
0xb: {  	s17 =	simm.s32 $0x4800;
	s18 =	simm.s32 $0x1;
	s6 =	simm.s32 $0x700  }
0xc: {  	s7 =	simm.s32 $0x780;
	s0 =	sadd.s32 s16, s0;
	s20 =	sadd.s32 $0x4000, s11  }
0xd: {  	s21 =	sadd.s32 $0x8000, s11;
	s22 =	sadd.s32 s19, s9;
	[dreg:$0x4] =	wrdreg s11  }
0xe: {  	s23 =	sadd.s32 $0xC000, s11;
	s24 =	sadd.s32 $0x10000, s11;
	[dreg:$0x5] =	wrdreg s20  }
0xf: {  	s26 =	smax.u32 s1, $0x1;
	s16 =	simm.s32 $0x80;
	[dreg:$0x6] =	wrdreg s21  }
0x10: {  	s19 =	simm.s32 $0x3;
	s1 =	simm.s32 $0x380;
	[dreg:$0x7] =	wrdreg s23  }
0x11: {  	[dreg:$0x8] =	wrdreg s24;
	s25 =	sadd.s32 $0x5200, s22;
	s0 =	sadd.s32 $0xA3400, s0  }
0x12: {  	[dreg:$0xa] =	wrdreg s26;
	s12 =	sadd.s32 $0x68200, s22;
	s20 =	simm.s32 $0x100  }
0x13: {  	s21 =	simm.s32 $0x2;
	s22 =	simm.s32 $0x480;
	s23 =	simm.s32 $0x4  }
0x14: {  	s24 =	simm.s32 $0x180;
	s26 =	simm.s32 $0x200;
	[dreg:$0x9] =	wrdreg s0  }
0x15: {  	v0 =	vimm.f32 $0.0e+00;
	[dreg:$0x3] =	wrdreg s25;
	s25 =	simm.s32 $0x500;
	s0 =	simm.s32 $0x680  }
.LBB2_1:
0x16: {  	s9 =	simm.s32 $0x0;
	s10 =	simm.s32 $0x200  }
.LBB2_2:
0x17: {  	p0 =	sne.s32 s10, $0xFE00;
	[tilespmem:s9+$0x870] =	vst v0  }
0x18: {  	[tilespmem:s9+$0x800] =	vst v0  }
0x19: {  	[tilespmem:s9+$0x810] =	vst v0  }
.Ltmp0:
0x1a: {  	[tilespmem:s9+$0x820] =	vst v0;
	(pc) =	sbr.rel @p0 .LBB2_2-.Ltmp0, $4  }
0x1b: {  	[tilespmem:s9+$0x830] =	vst v0  }
0x1c: {  	[tilespmem:s9+$0x840] =	vst v0  }
0x1d: {  	[tilespmem:s9+$0x850] =	vst v0  }
0x1e: {  	[tilespmem:s9+$0x860] =	vst v0;
	s9 =	sshra.s32 s10, $0x2;
	s10 =	sadd.s32 $0x200, s10  }
0x1f: {  	[tilespmem:s9+$0x870] =	vst v0  }
0x20: {  	[tilespmem:s9+$0x800] =	vst v0  }
0x21: {  	[tilespmem:s9+$0x810] =	vst v0  }
0x22: {  	[tilespmem:s9+$0x820] =	vst v0  }
0x23: {  	[tilespmem:s9+$0x830] =	vst v0  }
0x24: {  	[tilespmem:s9+$0x840] =	vst v0  }
0x25: {  	[tilespmem:s9+$0x850] =	vst v0  }
0x26: {  	[dreg:$0xb] =	wrdreg s8;
	[tilespmem:s9+$0x860] =	vst v0  }
0x27: {  	[spmem:s11] =	stream.linear.scatter [tilespmem:s13], [sflag:$0x5], $0x4000, $0x38;
	[tilespmem:$0x1C400] =	vst v63  }
0x28: {  	_ =	swait.ge [sflag:s14], $0x4000  }
0x29: {  	[sflag:s14] =	ssyncset.done $0x0  }
0x2a: {  	s5 =	rddreg [dreg:$0x5];
	[sflag:s14] =	ssyncadd.s32 $0xFFFFC000  }
0x2b: {  	[spmem:s5] =	stream.linear.scatter [tilespmem:s13], [sflag:$0x5], $0x4000, $0x38;
	[tilespmem:$0x1C400] =	vst v63  }
0x2c: {  	_ =	swait.ge [sflag:s14], $0x4000  }
0x2d: {  	[sflag:s14] =	ssyncset.done $0x0  }
0x2e: {  	s11 =	rddreg [dreg:$0x6];
	[sflag:s14] =	ssyncadd.s32 $0xFFFFC000  }
0x2f: {  	[spmem:s11] =	stream.linear.scatter [tilespmem:s13], [sflag:$0x5], $0x4000, $0x38;
	[tilespmem:$0x1C400] =	vst v63  }
0x30: {  	_ =	swait.ge [sflag:s14], $0x4000  }
0x31: {  	[sflag:s14] =	ssyncset.done $0x0  }
0x32: {  	s8 =	rddreg [dreg:$0x7];
	[sflag:s14] =	ssyncadd.s32 $0xFFFFC000  }
0x33: {  	[spmem:s8] =	stream.linear.scatter [tilespmem:s13], [sflag:$0x5], $0x4000, $0x38;
	[tilespmem:$0x1C400] =	vst v63  }
0x34: {  	_ =	swait.ge [sflag:s14], $0x4000  }
0x35: {  	[sflag:s14] =	ssyncset.done $0x0  }
0x36: {  	s9 =	rddreg [dreg:$0x8];
	[sflag:s14] =	ssyncadd.s32 $0xFFFFC000  }
0x37: {  	[spmem:s9] =	stream.linear.scatter [tilespmem:s13], [sflag:$0x5], $0x3C00, $0x38;
	[tilespmem:$0x1C400] =	vst v63  }
0x38: {  	_ =	swait.ge [sflag:s14], $0x3C00  }
0x39: {  	[sflag:s14] =	ssyncset.done $0x0  }
0x3a: {  	[sflag:s14] =	ssyncadd.s32 $0xFFFFC400  }
0x3b: {  	s10 =	sadd.s32 $0x0, s12;
	[bflag:$0x0] =	sbarrier.arrive $0xFFFF  }
0x3c: {  	[tilespmem:s3], [sflag:$0x5] =	stream.linear.gather [hbm4b:s10+s3], $0x400, $0x38;
	[tilespmem:$0x1C400] =	vst v63  }
0x3d: {  	_ =	swait.ge [sflag:s14], $0x400  }
0x3e: {  	s11 =	rddreg [dreg:$0x3];
	[sflag:s14] =	ssyncset.done $0x0  }
0x3f: {  	[sflag:s14] =	ssyncadd.s32 $0xFFFFFC00;
	s9 =	sadd.s32 $0x0, s11  }
0x40: {  	[tilespmem:s15], [sflag:$0x5] =	stream.linear.gather [hbm4b:s9+s3], $0x400, $0x38;
	[tilespmem:$0x1C400] =	vst v63  }
0x41: {  	_ =	swait.ge [sflag:s14], $0x400  }
0x42: {  	[sflag:s14] =	ssyncset.done $0x0  }
0x43: {  	[sflag:s14] =	ssyncadd.s32 $0xFFFFFC00  }
0x44: {  	[tilespmem:s13], [sflag:$0x1] =	stream.indirect.gather [hbm4b:s4+s16], $0x80, s3, s16, $0xb8;
	[tilespmem:$0x1C400] =	vst v63  }
0x45: {  	_ = 	snop  }
0x46: {  	[tilespmem:s17], [sflag:$0x2] =	stream.indirect.gather [hbm4b:s4+s16], $0x80, s16, s16, $0xb8;
	[tilespmem:$0x1C400] =	vst v63  }
0x47: {  	_ =	swait.ge [sflag:s18], $0x4000  }
0x48: {  	[sflag:s18] =	ssyncset.done $0x0  }
0x49: {  	[sflag:s18] =	ssyncadd.s32 $0xFFFFC000  }
0x4a: {  	[spmem:s2] =	stream.indirect.scatter.add.f32 [tilespmem:s13], [sflag:$0x3], $0x80, s15, s16, $0xb8;
	[tilespmem:$0x1C400] =	vst v63  }
0x4b: {  	_ =	swait.ge [sflag:s19], $0x4000  }
0x4c: {  	[sflag:s19] =	ssyncset.done $0x0  }
0x4d: {  	[sflag:s19] =	ssyncadd.s32 $0xFFFFC000  }
0x4e: {  	[tilespmem:s13], [sflag:$0x1] =	stream.indirect.gather [hbm4b:s4+s16], $0x80, s20, s16, $0xb8;
	[tilespmem:$0x1C400] =	vst v63  }
0x4f: {  	_ =	swait.ge [sflag:s21], $0x4000  }
0x50: {  	[sflag:s21] =	ssyncset.done $0x0  }
0x51: {  	[sflag:s21] =	ssyncadd.s32 $0xFFFFC000  }
0x52: {  	[spmem:s2] =	stream.indirect.scatter.add.f32 [tilespmem:s17], [sflag:$0x4], $0x80, s22, s16, $0xb8;
	[tilespmem:$0x1C400] =	vst v63  }
0x53: {  	_ =	swait.ge [sflag:s23], $0x4000  }
0x54: {  	[sflag:s23] =	ssyncset.done $0x0  }
0x55: {  	[sflag:s23] =	ssyncadd.s32 $0xFFFFC000  }
0x56: {  	[tilespmem:s17], [sflag:$0x2] =	stream.indirect.gather [hbm4b:s4+s16], $0x80, s24, s16, $0xb8;
	[tilespmem:$0x1C400] =	vst v63  }
0x57: {  	_ =	swait.ge [sflag:s18], $0x4000  }
0x58: {  	[sflag:s18] =	ssyncset.done $0x0  }
0x59: {  	[sflag:s18] =	ssyncadd.s32 $0xFFFFC000  }
0x5a: {  	[spmem:s2] =	stream.indirect.scatter.add.f32 [tilespmem:s13], [sflag:$0x3], $0x80, s25, s16, $0xb8;
	[tilespmem:$0x1C400] =	vst v63  }
0x5b: {  	_ =	swait.ge [sflag:s19], $0x4000  }
0x5c: {  	[sflag:s19] =	ssyncset.done $0x0  }
0x5d: {  	[sflag:s19] =	ssyncadd.s32 $0xFFFFC000  }
0x5e: {  	[tilespmem:s13], [sflag:$0x1] =	stream.indirect.gather [hbm4b:s4+s16], $0x80, s26, s16, $0xb8;
	[tilespmem:$0x1C400] =	vst v63  }
0x5f: {  	_ =	swait.ge [sflag:s21], $0x4000  }
0x60: {  	[sflag:s21] =	ssyncset.done $0x0  }
0x61: {  	[sflag:s21] =	ssyncadd.s32 $0xFFFFC000  }
0x62: {  	[spmem:s2] =	stream.indirect.scatter.add.f32 [tilespmem:s17], [sflag:$0x4], $0x80, s28, s16, $0xb8;
	[tilespmem:$0x1C400] =	vst v63  }
0x63: {  	_ =	swait.ge [sflag:s23], $0x4000  }
0x64: {  	[sflag:s23] =	ssyncset.done $0x0  }
0x65: {  	[sflag:s23] =	ssyncadd.s32 $0xFFFFC000  }
0x66: {  	[tilespmem:s17], [sflag:$0x2] =	stream.indirect.gather [hbm4b:s4+s16], $0x80, s29, s16, $0xb8;
	[tilespmem:$0x1C400] =	vst v63  }
0x67: {  	_ =	swait.ge [sflag:s18], $0x4000  }
0x68: {  	[sflag:s18] =	ssyncset.done $0x0  }
0x69: {  	[sflag:s18] =	ssyncadd.s32 $0xFFFFC000  }
0x6a: {  	[spmem:s2] =	stream.indirect.scatter.add.f32 [tilespmem:s13], [sflag:$0x3], $0x80, s30, s16, $0xb8;
	[tilespmem:$0x1C400] =	vst v63  }
0x6b: {  	_ =	swait.ge [sflag:s19], $0x4000  }
0x6c: {  	[sflag:s19] =	ssyncset.done $0x0  }
0x6d: {  	[sflag:s19] =	ssyncadd.s32 $0xFFFFC000  }
0x6e: {  	[tilespmem:s13], [sflag:$0x1] =	stream.indirect.gather [hbm4b:s4+s16], $0x80, s31, s16, $0xb8;
	[tilespmem:$0x1C400] =	vst v63  }
0x6f: {  	_ =	swait.ge [sflag:s21], $0x4000  }
0x70: {  	[sflag:s21] =	ssyncset.done $0x0  }
0x71: {  	[sflag:s21] =	ssyncadd.s32 $0xFFFFC000  }
0x72: {  	[spmem:s2] =	stream.indirect.scatter.add.f32 [tilespmem:s17], [sflag:$0x4], $0x80, s0, s16, $0xb8;
	[tilespmem:$0x1C400] =	vst v63  }
0x73: {  	_ =	swait.ge [sflag:s23], $0x4000  }
0x74: {  	[sflag:s23] =	ssyncset.done $0x0  }
0x75: {  	[sflag:s23] =	ssyncadd.s32 $0xFFFFC000  }
0x76: {  	[tilespmem:s17], [sflag:$0x2] =	stream.indirect.gather [hbm4b:s4+s16], $0x80, s1, s16, $0xb8;
	[tilespmem:$0x1C400] =	vst v63  }
0x77: {  	_ =	swait.ge [sflag:s18], $0x4000  }
0x78: {  	[sflag:s18] =	ssyncset.done $0x0  }
0x79: {  	[sflag:s18] =	ssyncadd.s32 $0xFFFFC000  }
0x7a: {  	[spmem:s2] =	stream.indirect.scatter.add.f32 [tilespmem:s13], [sflag:$0x3], $0x80, s6, s16, $0xb8;
	[tilespmem:$0x1C400] =	vst v63  }
0x7b: {  	_ =	swait.ge [sflag:s21], $0x4000  }
0x7c: {  	[sflag:s21] =	ssyncset.done $0x0  }
0x7d: {  	[sflag:s21] =	ssyncadd.s32 $0xFFFFC000  }
0x7e: {  	[spmem:s2] =	stream.indirect.scatter.add.f32 [tilespmem:s17], [sflag:$0x4], $0x80, s7, s16, $0xb8;
	[tilespmem:$0x1C400] =	vst v63  }
0x7f: {  	_ =	swait.ge [sflag:s19], $0x4000  }
0x80: {  	[sflag:s19] =	ssyncset.done $0x0  }
0x81: {  	[sflag:s19] =	ssyncadd.s32 $0xFFFFC000  }
0x82: {  	_ =	swait.ge [sflag:s23], $0x4000  }
0x83: {  	s10 =	simm.s32 $0x100;
	s9 =	simm.s32 $0x80;
	[sflag:s23] =	ssyncset.done $0x0  }
.LBB2_4:
0x84: {  	s5 =	sadd.s32 s9, s12;
	[sflag:s23] =	ssyncadd.s32 $0xFFFFC000  }
0x85: {  	[tilespmem:s3], [sflag:$0x5] =	stream.linear.gather [hbm4b:s5+s3], $0x400, $0x38;
	[tilespmem:$0x1C400] =	vst v63  }
0x86: {  	s8 =	smov.u32 s10;
	s11 =	sadd.s32 $0x80, s10;
	_ =	swait.ge [sflag:s14], $0x400  }
0x87: {  	p0 =	sne.s32 s10, $0x980;
	s10 =	rddreg [dreg:$0x3];
	[sflag:s14] =	ssyncset.done $0x0  }
0x88: {  	[sflag:s14] =	ssyncadd.s32 $0xFFFFFC00;
	s5 =	sadd.s32 s9, s10  }
0x89: {  	[tilespmem:s15], [sflag:$0x5] =	stream.linear.gather [hbm4b:s5+s3], $0x400, $0x38;
	[tilespmem:$0x1C400] =	vst v63  }
0x8a: {  	_ =	swait.ge [sflag:s14], $0x400  }
0x8b: {  	[sflag:s14] =	ssyncset.done $0x0  }
0x8c: {  	[sflag:s14] =	ssyncadd.s32 $0xFFFFFC00  }
0x8d: {  	[tilespmem:s13], [sflag:$0x1] =	stream.indirect.gather [hbm4b:s4+s16], $0x80, s3, s16, $0xb8;
	[tilespmem:$0x1C400] =	vst v63  }
0x8e: {  	_ = 	snop  }
0x8f: {  	[tilespmem:s17], [sflag:$0x2] =	stream.indirect.gather [hbm4b:s4+s16], $0x80, s16, s16, $0xb8;
	[tilespmem:$0x1C400] =	vst v63  }
0x90: {  	_ =	swait.ge [sflag:s18], $0x4000  }
0x91: {  	[sflag:s18] =	ssyncset.done $0x0  }
0x92: {  	[sflag:s18] =	ssyncadd.s32 $0xFFFFC000  }
0x93: {  	[spmem:s2] =	stream.indirect.scatter.add.f32 [tilespmem:s13], [sflag:$0x3], $0x80, s15, s16, $0xb8;
	[tilespmem:$0x1C400] =	vst v63  }
0x94: {  	_ =	swait.ge [sflag:s19], $0x4000  }
0x95: {  	[sflag:s19] =	ssyncset.done $0x0  }
0x96: {  	[sflag:s19] =	ssyncadd.s32 $0xFFFFC000  }
0x97: {  	[tilespmem:s13], [sflag:$0x1] =	stream.indirect.gather [hbm4b:s4+s16], $0x80, s20, s16, $0xb8;
	[tilespmem:$0x1C400] =	vst v63  }
0x98: {  	_ =	swait.ge [sflag:s21], $0x4000  }
0x99: {  	[sflag:s21] =	ssyncset.done $0x0  }
0x9a: {  	[sflag:s21] =	ssyncadd.s32 $0xFFFFC000  }
0x9b: {  	[spmem:s2] =	stream.indirect.scatter.add.f32 [tilespmem:s17], [sflag:$0x4], $0x80, s22, s16, $0xb8;
	[tilespmem:$0x1C400] =	vst v63  }
0x9c: {  	_ =	swait.ge [sflag:s23], $0x4000  }
0x9d: {  	[sflag:s23] =	ssyncset.done $0x0  }
0x9e: {  	[sflag:s23] =	ssyncadd.s32 $0xFFFFC000  }
0x9f: {  	[tilespmem:s17], [sflag:$0x2] =	stream.indirect.gather [hbm4b:s4+s16], $0x80, s24, s16, $0xb8;
	[tilespmem:$0x1C400] =	vst v63  }
0xa0: {  	_ =	swait.ge [sflag:s18], $0x4000  }
0xa1: {  	[sflag:s18] =	ssyncset.done $0x0  }
0xa2: {  	[sflag:s18] =	ssyncadd.s32 $0xFFFFC000  }
0xa3: {  	[spmem:s2] =	stream.indirect.scatter.add.f32 [tilespmem:s13], [sflag:$0x3], $0x80, s25, s16, $0xb8;
	[tilespmem:$0x1C400] =	vst v63  }
0xa4: {  	_ =	swait.ge [sflag:s19], $0x4000  }
0xa5: {  	[sflag:s19] =	ssyncset.done $0x0  }
0xa6: {  	[sflag:s19] =	ssyncadd.s32 $0xFFFFC000  }
0xa7: {  	[tilespmem:s13], [sflag:$0x1] =	stream.indirect.gather [hbm4b:s4+s16], $0x80, s26, s16, $0xb8;
	[tilespmem:$0x1C400] =	vst v63  }
0xa8: {  	_ =	swait.ge [sflag:s21], $0x4000  }
0xa9: {  	[sflag:s21] =	ssyncset.done $0x0  }
0xaa: {  	[sflag:s21] =	ssyncadd.s32 $0xFFFFC000  }
0xab: {  	[spmem:s2] =	stream.indirect.scatter.add.f32 [tilespmem:s17], [sflag:$0x4], $0x80, s28, s16, $0xb8;
	[tilespmem:$0x1C400] =	vst v63  }
0xac: {  	_ =	swait.ge [sflag:s23], $0x4000  }
0xad: {  	[sflag:s23] =	ssyncset.done $0x0  }
0xae: {  	[sflag:s23] =	ssyncadd.s32 $0xFFFFC000  }
0xaf: {  	[tilespmem:s17], [sflag:$0x2] =	stream.indirect.gather [hbm4b:s4+s16], $0x80, s29, s16, $0xb8;
	[tilespmem:$0x1C400] =	vst v63  }
0xb0: {  	_ =	swait.ge [sflag:s18], $0x4000  }
0xb1: {  	[sflag:s18] =	ssyncset.done $0x0  }
0xb2: {  	[sflag:s18] =	ssyncadd.s32 $0xFFFFC000  }
0xb3: {  	[spmem:s2] =	stream.indirect.scatter.add.f32 [tilespmem:s13], [sflag:$0x3], $0x80, s30, s16, $0xb8;
	[tilespmem:$0x1C400] =	vst v63  }
0xb4: {  	_ =	swait.ge [sflag:s19], $0x4000  }
0xb5: {  	[sflag:s19] =	ssyncset.done $0x0  }
0xb6: {  	[sflag:s19] =	ssyncadd.s32 $0xFFFFC000  }
0xb7: {  	[tilespmem:s13], [sflag:$0x1] =	stream.indirect.gather [hbm4b:s4+s16], $0x80, s31, s16, $0xb8;
	[tilespmem:$0x1C400] =	vst v63  }
0xb8: {  	_ =	swait.ge [sflag:s21], $0x4000  }
0xb9: {  	[sflag:s21] =	ssyncset.done $0x0  }
0xba: {  	[sflag:s21] =	ssyncadd.s32 $0xFFFFC000  }
0xbb: {  	[spmem:s2] =	stream.indirect.scatter.add.f32 [tilespmem:s17], [sflag:$0x4], $0x80, s0, s16, $0xb8;
	[tilespmem:$0x1C400] =	vst v63  }
0xbc: {  	_ =	swait.ge [sflag:s23], $0x4000  }
0xbd: {  	[sflag:s23] =	ssyncset.done $0x0  }
0xbe: {  	[sflag:s23] =	ssyncadd.s32 $0xFFFFC000  }
0xbf: {  	[tilespmem:s17], [sflag:$0x2] =	stream.indirect.gather [hbm4b:s4+s16], $0x80, s1, s16, $0xb8;
	[tilespmem:$0x1C400] =	vst v63  }
0xc0: {  	_ =	swait.ge [sflag:s18], $0x4000  }
0xc1: {  	[sflag:s18] =	ssyncset.done $0x0  }
0xc2: {  	[sflag:s18] =	ssyncadd.s32 $0xFFFFC000  }
0xc3: {  	[spmem:s2] =	stream.indirect.scatter.add.f32 [tilespmem:s13], [sflag:$0x3], $0x80, s6, s16, $0xb8;
	[tilespmem:$0x1C400] =	vst v63  }
0xc4: {  	_ =	swait.ge [sflag:s21], $0x4000  }
0xc5: {  	[sflag:s21] =	ssyncset.done $0x0  }
0xc6: {  	[sflag:s21] =	ssyncadd.s32 $0xFFFFC000  }
0xc7: {  	[spmem:s2] =	stream.indirect.scatter.add.f32 [tilespmem:s17], [sflag:$0x4], $0x80, s7, s16, $0xb8;
	[tilespmem:$0x1C400] =	vst v63  }
.Ltmp1:
0xc8: {  	_ =	swait.ge [sflag:s19], $0x4000;
	(pc) =	sbr.rel @p0 .LBB2_4-.Ltmp1, $4  }
0xc9: {  	[sflag:s19] =	ssyncset.done $0x0  }
0xca: {  	[sflag:s19] =	ssyncadd.s32 $0xFFFFC000  }
0xcb: {  	_ =	swait.ge [sflag:s23], $0x4000  }
0xcc: {  	s9 =	smov.u32 s8;
	s10 =	smov.u32 s11;
	[sflag:s23] =	ssyncset.done $0x0  }
0xcd: {  	s5 =	sadd.s32 s9, s12;
	[sflag:s23] =	ssyncadd.s32 $0xFFFFC000  }
0xce: {  	[tilespmem:s3], [sflag:$0x5] =	stream.linear.gather [hbm4b:s5+s3], $0x400, $0x38;
	[tilespmem:$0x1C400] =	vst v63  }
0xcf: {  	_ =	swait.ge [sflag:s14], $0x400  }
0xd0: {  	s8 =	rddreg [dreg:$0x3];
	[sflag:s14] =	ssyncset.done $0x0  }
0xd1: {  	[sflag:s14] =	ssyncadd.s32 $0xFFFFFC00;
	s5 =	sadd.s32 s9, s8  }
0xd2: {  	[tilespmem:s15], [sflag:$0x5] =	stream.linear.gather [hbm4b:s5+s3], $0x400, $0x38;
	[tilespmem:$0x1C400] =	vst v63  }
0xd3: {  	_ =	swait.ge [sflag:s14], $0x400  }
0xd4: {  	[sflag:s14] =	ssyncset.done $0x0  }
0xd5: {  	[sflag:s14] =	ssyncadd.s32 $0xFFFFFC00  }
0xd6: {  	[tilespmem:s13], [sflag:$0x1] =	stream.indirect.gather [hbm4b:s4+s16], $0x80, s3, s16, $0xb8;
	[tilespmem:$0x1C400] =	vst v63  }
0xd7: {  	_ = 	snop  }
0xd8: {  	[tilespmem:s17], [sflag:$0x2] =	stream.indirect.gather [hbm4b:s4+s16], $0x80, s16, s16, $0xb8;
	[tilespmem:$0x1C400] =	vst v63  }
0xd9: {  	_ =	swait.ge [sflag:s18], $0x4000  }
0xda: {  	[sflag:s18] =	ssyncset.done $0x0  }
0xdb: {  	[sflag:s18] =	ssyncadd.s32 $0xFFFFC000  }
0xdc: {  	[spmem:s2] =	stream.indirect.scatter.add.f32 [tilespmem:s13], [sflag:$0x3], $0x80, s15, s16, $0xb8;
	[tilespmem:$0x1C400] =	vst v63  }
0xdd: {  	_ =	swait.ge [sflag:s19], $0x4000  }
0xde: {  	[sflag:s19] =	ssyncset.done $0x0  }
0xdf: {  	[sflag:s19] =	ssyncadd.s32 $0xFFFFC000  }
0xe0: {  	[tilespmem:s13], [sflag:$0x1] =	stream.indirect.gather [hbm4b:s4+s16], $0x80, s20, s16, $0xb8;
	[tilespmem:$0x1C400] =	vst v63  }
0xe1: {  	_ =	swait.ge [sflag:s21], $0x4000  }
0xe2: {  	[sflag:s21] =	ssyncset.done $0x0  }
0xe3: {  	[sflag:s21] =	ssyncadd.s32 $0xFFFFC000  }
0xe4: {  	[spmem:s2] =	stream.indirect.scatter.add.f32 [tilespmem:s17], [sflag:$0x4], $0x80, s22, s16, $0xb8;
	[tilespmem:$0x1C400] =	vst v63  }
0xe5: {  	_ =	swait.ge [sflag:s23], $0x4000  }
0xe6: {  	[sflag:s23] =	ssyncset.done $0x0  }
0xe7: {  	[sflag:s23] =	ssyncadd.s32 $0xFFFFC000  }
0xe8: {  	[tilespmem:s17], [sflag:$0x2] =	stream.indirect.gather [hbm4b:s4+s16], $0x80, s24, s16, $0xb8;
	[tilespmem:$0x1C400] =	vst v63  }
0xe9: {  	_ =	swait.ge [sflag:s18], $0x4000  }
0xea: {  	[sflag:s18] =	ssyncset.done $0x0  }
0xeb: {  	[sflag:s18] =	ssyncadd.s32 $0xFFFFC000  }
0xec: {  	[spmem:s2] =	stream.indirect.scatter.add.f32 [tilespmem:s13], [sflag:$0x3], $0x80, s25, s16, $0xb8;
	[tilespmem:$0x1C400] =	vst v63  }
0xed: {  	_ =	swait.ge [sflag:s19], $0x4000  }
0xee: {  	[sflag:s19] =	ssyncset.done $0x0  }
0xef: {  	[sflag:s19] =	ssyncadd.s32 $0xFFFFC000  }
0xf0: {  	[tilespmem:s13], [sflag:$0x1] =	stream.indirect.gather [hbm4b:s4+s16], $0x80, s26, s16, $0xb8;
	[tilespmem:$0x1C400] =	vst v63  }
0xf1: {  	_ =	swait.ge [sflag:s21], $0x4000  }
0xf2: {  	[sflag:s21] =	ssyncset.done $0x0  }
0xf3: {  	[sflag:s21] =	ssyncadd.s32 $0xFFFFC000  }
0xf4: {  	[spmem:s2] =	stream.indirect.scatter.add.f32 [tilespmem:s17], [sflag:$0x4], $0x80, s28, s16, $0xb8;
	[tilespmem:$0x1C400] =	vst v63  }
0xf5: {  	_ =	swait.ge [sflag:s23], $0x4000  }
0xf6: {  	[sflag:s23] =	ssyncset.done $0x0  }
0xf7: {  	[sflag:s23] =	ssyncadd.s32 $0xFFFFC000  }
0xf8: {  	[tilespmem:s17], [sflag:$0x2] =	stream.indirect.gather [hbm4b:s4+s16], $0x80, s29, s16, $0xb8;
	[tilespmem:$0x1C400] =	vst v63  }
0xf9: {  	_ =	swait.ge [sflag:s18], $0x4000  }
0xfa: {  	[sflag:s18] =	ssyncset.done $0x0  }
0xfb: {  	[sflag:s18] =	ssyncadd.s32 $0xFFFFC000  }
0xfc: {  	[spmem:s2] =	stream.indirect.scatter.add.f32 [tilespmem:s13], [sflag:$0x3], $0x80, s30, s16, $0xb8;
	[tilespmem:$0x1C400] =	vst v63  }
0xfd: {  	_ =	swait.ge [sflag:s19], $0x4000  }
0xfe: {  	[sflag:s19] =	ssyncset.done $0x0  }
0xff: {  	[sflag:s19] =	ssyncadd.s32 $0xFFFFC000  }
0x100: {  	[tilespmem:s13], [sflag:$0x1] =	stream.indirect.gather [hbm4b:s4+s16], $0x80, s31, s16, $0xb8;
	[tilespmem:$0x1C400] =	vst v63  }
0x101: {  	_ =	swait.ge [sflag:s21], $0x4000  }
0x102: {  	[sflag:s21] =	ssyncset.done $0x0  }
0x103: {  	[sflag:s21] =	ssyncadd.s32 $0xFFFFC000  }
0x104: {  	[spmem:s2] =	stream.indirect.scatter.add.f32 [tilespmem:s17], [sflag:$0x4], $0x80, s0, s16, $0xb8;
	[tilespmem:$0x1C400] =	vst v63  }
0x105: {  	_ =	swait.ge [sflag:s23], $0x4000  }
0x106: {  	[sflag:s23] =	ssyncset.done $0x0  }
0x107: {  	[sflag:s23] =	ssyncadd.s32 $0xFFFFC000  }
0x108: {  	[tilespmem:s17], [sflag:$0x2] =	stream.indirect.gather [hbm4b:s4+s16], $0x80, s1, s16, $0xb8;
	[tilespmem:$0x1C400] =	vst v63  }
0x109: {  	_ =	swait.ge [sflag:s18], $0x4000  }
0x10a: {  	[sflag:s18] =	ssyncset.done $0x0  }
0x10b: {  	[sflag:s18] =	ssyncadd.s32 $0xFFFFC000  }
0x10c: {  	[spmem:s2] =	stream.indirect.scatter.add.f32 [tilespmem:s13], [sflag:$0x3], $0x80, s6, s16, $0xb8;
	[tilespmem:$0x1C400] =	vst v63  }
0x10d: {  	_ =	swait.ge [sflag:s21], $0x4000  }
0x10e: {  	[sflag:s21] =	ssyncset.done $0x0  }
0x10f: {  	[sflag:s21] =	ssyncadd.s32 $0xFFFFC000  }
0x110: {  	[spmem:s2] =	stream.indirect.scatter.add.f32 [tilespmem:s17], [sflag:$0x4], $0x80, s7, s16, $0xb8;
	[tilespmem:$0x1C400] =	vst v63  }
0x111: {  	_ =	swait.ge [sflag:s19], $0x4000  }
0x112: {  	[sflag:s19] =	ssyncset.done $0x0  }
0x113: {  	[sflag:s19] =	ssyncadd.s32 $0xFFFFC000  }
0x114: {  	_ =	swait.ge [sflag:s23], $0x4000  }
0x115: {  	[sflag:s23] =	ssyncset.done $0x0  }
0x116: {  	[sflag:s23] =	ssyncadd.s32 $0xFFFFC000  }
0x117: {  	s9 =	stileid.u32;
	[bflag:$0x0] =	sbarrier.arrive $0xFFFF  }
0x118: {  	s5 =	sshll.u32 s9, $0x6;
	s11 =	rddreg [dreg:$0x4]  }
0x119: {  	s5 =	sor.u32 $0x1C05, s5;
	s10 =	rddreg [dreg:$0x9];
	s8 =	sshrl.u32 s11, $0x3  }
0x11a: {  	[hbm:s10], [sflag:s5] =	dma.local [spmem:s8], $0x2780  }
0x11b: {  	_ =	swait.ge [sflag:s14], $0x2780  }
0x11c: {  	s9 =	rddreg [dreg:$0xb]  }
0x11d: {  	s10 =	rddreg [dreg:$0xa];
	s8 =	sadd.s32 $0x1, s9  }
0x11e: {  	p0 =	sne.s32 s8, s10  }
.Ltmp2:
0x11f: {  	_ = 	snop;
	(pc) =	sbr.rel @p0 .LBB2_1-.Ltmp2, $3  }
0x120: {  	_ =	sdelay $0x1  }
0x121: {  	[sflag:s14] =	ssyncset.done $0x0  }
0x122: {  	[sflag:s14] =	ssyncadd.s32 $0xFFFFD880  }
0x123: {  	_ =	sfence.sel $0x180000  }
0x124: {  	[bflag:$0x0] =	sbarrier.arrive $0xFFFF  }
0x125: {  	_ =	strace $0x9000004D  }
0x126: {  	s0 =	stileid.u32;
	[bflag:$0x2] =	sbarrier.arrive $0xFFFF  }
0x127: {  	p0 =	sne.s32 s0, $0x0;
	s0 =	rddreg [dreg:$0x2]  }
0x128: {  	s0 =	sadd.s32 @!p0 $0x100000, s0  }
0x129: {  	[sflag:s0] =	ssyncadd.tile.s32 @!p0 $0x1;
	_ =	shalt  }
.Lfunc_end2:
_tile_overlayer_lowered:
.L_overlay_start_2:
0x12a: {  	(tag) =	ssettag $0x2  }
0x12b: {  	s0 =	rddreg [dreg:$0x0];
	s2 =	stileid.u32  }
0x12c: {  	s1 =	rddreg [dreg:$0x1];
	p0 =	sne.s32 s2, $0x0  }
0x12d: {  	s3 =	rddreg [dreg:$0x2];
	[bflag:$0x3] =	sbarrier.arrive $0xFFFF;
	s2 =	simm.s32 @!p0 $0x1C05  }
0x12e: {  	[timem:s3], [sflag:s2] =	dma.local @!p0 [hbm:s0], s1  }
0x12f: {  	s0 =	simm.s32 @!p0 $0x5  }
0x130: {  	_ =	swait.ge @!p0 [sflag:s0], s1  }
0x131: {  	s1 =	ssub.s32 @!p0 $0x0, s1;
	[sflag:s0] =	ssyncset.done @!p0 $0x0  }
0x132: {  	[sflag:s0] =	ssyncadd.s32 @!p0 s1  }
0x133: {  	[bflag:$0x3] =	sbarrier.arrive $0xFFFF  }
0x134: {  	_ =	shalt  }

// kernel: kernel.22.cloned.1.call-start
scs
__scs_entry_jumppad:
0x0: {  	(pc) =	sbr.rel $0x88, $3  }
0x1: {  	(tag) =	ssettag $0x0;
	lr =	simm.s32 $0x1  }
0x2: {  	[smem:$0x3F91] =	sst lr;
	_ =	strace $0xD0000000  }
0x3: {  	_ = 	snop  }
0x4: {  	_ = 	snop  }
0x5: {  	_ = 	snop  }
0x6: {  	_ = 	snop  }
0x7: {  	_ = 	snop  }
__scs_overlays_trampoline_lowered:
0x8: {  	[smem:$0x3FA0] =	sst s0  }
0x9: {  	[smem:$0x3FA1] =	sst s1  }
0xa: {  	[smem:$0x3FA2] =	sst s2  }
0xb: {  	[smem:$0x3FA3] =	sst s3  }
0xc: {  	[smem:$0x3FA4] =	sst s4  }
0xd: {  	[smem:$0x3FA5] =	sst s5  }
0xe: {  	[smem:$0x3FA6] =	sst s6  }
0xf: {  	[smem:$0x3FA7] =	sst s7  }
0x10: {  	[smem:$0x3FA8] =	sst s8  }
0x11: {  	[smem:$0x3FA9] =	sst s9;
	s0 =	simm.s32 @!p0 $0x0  }
0x12: {  	s1 =	sld [smem:$0x3F8F];
	s0 =	simm.s32 @p0 $0x1  }
0x13: {  	[smem:$0x3FAA] =	sst s0;
	s0 =	simm.s32 @!p1 $0x0  }
0x14: {  	s2 =	sld [smem:$0x3F8E];
	s0 =	simm.s32 @p1 $0x1  }
0x15: {  	[smem:$0x3FAB] =	sst s0;
	s0 =	simm.s32 @!p2 $0x0  }
0x16: {  	s3 =	sld [smem:$0x3FDB];
	s0 =	simm.s32 @p2 $0x1  }
0x17: {  	s4 =	simm.s32 $0x1BF5;
	[smem:$0x3FAD] =	sst s0  }
0x18: {  	s0 =	sld [smem:$0x3F90];
	_ =	swait.ge [sflag:s4], $0x0  }
0x19: {  	s7 =	sld [smem:$0x3F91]  }
0x1a: {  	s8 =	sadd.s32 $0xFFFFE003, lr  }
0x1b: {  	s9 =	sadd.s32 $0xFFFFFEF7, lr;
	s5 =	simm.s32 $0xFFFFFFFF;
	p2 =	slt.u32 s8, $0xFFFFF086  }
0x1c: {  	p1 =	slt.u32 s9, $0xF7A;
	s5 =	simm.s32 @!p2 $0x0  }
0x1d: {  	s5 =	simm.s32 @p1 $0x1;
	p0 =	seq.s32 s7, s2  }
0x1e: {  	s7 =	smul.u32 @!p0 $0xF7A, s2;
	p2 =	seq.s32 @!p0 s5, $0x0  }
0x1f: {  	s9 =	smul.u32 $0xF7A, s1;
	s8 =	simm.s32 @!p0 $0x1BF5;
	p2 =	por !p2, p0  }
0x20: {  	[sflag:s8] =	ssyncset.s32 @!p0 $0xFFFFF086;
	s6 =	sadd.s32 @!p0 s3, s7;
	s7 =	simm.s32 @!p0 $0x108  }
0x21: {  	s3 =	sadd.s32 s3, s9;
	s6 =	sadd.s32 @!p0 $0x88, s6;
	s7 =	simm.s32 @p2 $0x1082  }
0x22: {  	[simem:s7], [sflag:s8] =	dma.local @!p0 [hbm:s6], $0xF7A  }
0x23: {  	s9 =	sor.u32 $0xD0000000, s2;
	s6 =	simm.s32 $0x108;
	_ =	swait.ge @!p0 [sflag:s8], $0x0  }
0x24: {  	s3 =	sadd.s32 $0x88, s3;
	s6 =	simm.s32 @!p1 $0x1082;
	[sflag:s4] =	ssyncset.s32 $0xFFFFF086  }
0x25: {  	[simem:s6], [sflag:s4] =	dma.local [hbm:s3], $0xF7A  }
0x26: {  	[smem:$0x3F91] =	sst s1;
	(tag) =	ssettag s2;
	_ =	strace s9  }
0x27: {  	s1 =	sld [smem:$0x3FA1]  }
0x28: {  	s2 =	sld [smem:$0x3FA2]  }
0x29: {  	s4 =	sld [smem:$0x3FA4]  }
0x2a: {  	p0 =	seq.s32 s5, $0x0;
	s5 =	sld [smem:$0x3FA5]  }
0x2b: {  	s6 =	sld [smem:$0x3FA6]  }
0x2c: {  	s7 =	sld [smem:$0x3FA7]  }
0x2d: {  	s3 =	simm.s32 $0x108;
	s8 =	sld [smem:$0x3FA8]  }
0x2e: {  	s3 =	simm.s32 @!p0 $0x1082;
	s9 =	sld [smem:$0x3FA9]  }
0x2f: {  	lr =	sadd.s32 s0, s3;
	s0 =	sld [smem:$0x3FA0]  }
0x30: {  	s3 =	sld [smem:$0x3FA3]  }
0x31: {  	[smem:$0x3FAC] =	sst s10  }
0x32: {  	s10 =	sld [smem:$0x3FAA];
	_ =	sdelay $0x3  }
0x33: {  	p0 =	seq.s32 s10, $0x1;
	s10 =	sld [smem:$0x3FAC];
	_ =	sdelay $0x3  }
0x34: {  	[smem:$0x3FAC] =	sst s10  }
0x35: {  	s10 =	sld [smem:$0x3FAB];
	_ =	sdelay $0x3  }
0x36: {  	p1 =	seq.s32 s10, $0x1;
	s10 =	sld [smem:$0x3FAC];
	_ =	sdelay $0x3  }
0x37: {  	[smem:$0x3FAC] =	sst s10  }
0x38: {  	s10 =	sld [smem:$0x3FAD]  }
0x39: {  	_ = 	snop;
	(pc) =	sbr.ind lr, $3  }
0x3a: {  	_ = 	snop  }
0x3b: {  	_ = 	snop  }
0x3c: {  	p2 =	seq.s32 s10, $0x1;
	s10 =	sld [smem:$0x3FAC]  }
0x3d: {  	_ =	shalt  }
0x3e: {  	_ =	shalt  }
0x3f: {  	_ =	shalt  }
0x40: {  	_ =	shalt  }
0x41: {  	_ =	shalt  }
0x42: {  	_ =	shalt  }
0x43: {  	_ =	shalt  }
0x44: {  	_ =	shalt  }
0x45: {  	_ =	shalt  }
0x46: {  	_ =	shalt  }
0x47: {  	_ =	shalt  }
0x48: {  	_ =	shalt  }
0x49: {  	_ =	shalt  }
0x4a: {  	_ =	shalt  }
0x4b: {  	_ =	shalt  }
0x4c: {  	_ =	shalt  }
0x4d: {  	_ =	shalt  }
0x4e: {  	_ =	shalt  }
0x4f: {  	_ =	shalt  }
0x50: {  	_ =	shalt  }
0x51: {  	_ =	shalt  }
0x52: {  	_ =	shalt  }
0x53: {  	_ =	shalt  }
0x54: {  	_ =	shalt  }
0x55: {  	_ =	shalt  }
0x56: {  	_ =	shalt  }
0x57: {  	_ =	shalt  }
0x58: {  	_ =	shalt  }
0x59: {  	_ =	shalt  }
0x5a: {  	_ =	shalt  }
0x5b: {  	_ =	shalt  }
0x5c: {  	_ =	shalt  }
0x5d: {  	_ =	shalt  }
0x5e: {  	_ =	shalt  }
0x5f: {  	_ =	shalt  }
0x60: {  	_ =	shalt  }
0x61: {  	_ =	shalt  }
0x62: {  	_ =	shalt  }
0x63: {  	_ =	shalt  }
0x64: {  	_ =	shalt  }
0x65: {  	_ =	shalt  }
0x66: {  	_ =	shalt  }
0x67: {  	_ =	shalt  }
0x68: {  	_ =	shalt  }
0x69: {  	_ =	shalt  }
0x6a: {  	_ =	shalt  }
0x6b: {  	_ =	shalt  }
0x6c: {  	_ =	shalt  }
0x6d: {  	_ =	shalt  }
0x6e: {  	_ =	shalt  }
0x6f: {  	_ =	shalt  }
0x70: {  	_ =	shalt  }
0x71: {  	_ =	shalt  }
0x72: {  	_ =	shalt  }
0x73: {  	_ =	shalt  }
0x74: {  	_ =	shalt  }
0x75: {  	_ =	shalt  }
0x76: {  	_ =	shalt  }
0x77: {  	_ =	shalt  }
0x78: {  	_ =	shalt  }
0x79: {  	_ =	shalt  }
0x7a: {  	_ =	shalt  }
0x7b: {  	_ =	shalt  }
0x7c: {  	_ =	shalt  }
0x7d: {  	_ =	shalt  }
0x7e: {  	_ =	shalt  }
0x7f: {  	_ =	shalt  }
0x80: {  	_ =	shalt  }
0x81: {  	_ =	shalt  }
0x82: {  	_ =	shalt  }
0x83: {  	_ =	shalt  }
0x84: {  	_ =	shalt  }
0x85: {  	_ =	shalt  }
0x86: {  	_ =	shalt  }
0x87: {  	_ =	shalt  }
.Lfunc_end0:
.L_simem_size_0:
called_computation.3_lowered:
.L_overlay_start_0:
0x88: {  	s2 =	sld [smem:$0x3FD9]  }
0x89: {  	s3 =	sld [smem:$0x3FFE];
	_ =	sdelay $0x1  }
0x8a: {  	s1 =	srdreg.scid  }
0x8b: {  	s0 =	sand.u32 $0x1, s1  }
0x8c: {  	s16 =	sshll.u32 s0, $0xA;
	s2 =	sadd.s32 s3, s2  }
0x8d: {  	s2 =	sadd.s32 s2, s16  }
0x8e: {  	[smem:$0x3FB8] =	sst s2  }
0x8f: {  	_ = 	snop  }
0x90: {  	(tm) =	ssettm $0x1  }
0x91: {  	s17 =	sld [smem:$0x3FFB];
	_ =	sdelay $0x3  }
0x92: {  	_ =	strace s17  }
0x93: {  	s2 =	sld [smem:$0x3FFC];
	_ =	sdelay $0x3  }
0x94: {  	_ =	strace s2  }
0x95: {  	s2 =	sld [smem:$0x3FFD];
	_ =	sdelay $0x3  }
0x96: {  	_ =	strace s2  }
0x97: {  	_ =	strace $0x8FFFFFFF  }
0x98: {  	s18 =	sld [smem:$0x3FDB];
	_ =	sdelay $0x1  }
0x99: {  	s19 =	simm.s32 $_scs_section_size  }
0x9a: {  	s4 =	simm.s32 $_size__tile_overlayer_lowered;
	s5 =	simm.s32 $_tile_overlayer_lowered  }
0x9b: {  	s22 =	simm.s32 $0x1BFF;
	s21 =	sshll.u32 s5, $0x1;
	s2 =	sadd.s32 s19, s18  }
0x9c: {  	s6 =	simm.s32 $0x0;
	s20 =	sshll.u32 s4, $0x1;
	s4 =	sadd.s32 s21, s2  }
0x9d: {  	[timem:s6], [sflag:s22] =	dma.local [hbm:s4], s20  }
0x9e: {  	_ =	swait.ge [sflag:s22], s20  }
0x9f: {  	s3 =	ssub.s32 $0x0, s20;
	[sflag:s22] =	ssyncset.done $0x0  }
0xa0: {  	[sflag:s22] =	ssyncadd.s32 s3;
	_ =	sdelay $0x1  }
0xa1: {  	s23 =	simm.s32 $0x1B8B  }
0xa2: {  	_ =	swait.ge [sflag:s23], $0x1  }
0xa3: {  	[sflag:s23] =	ssyncset.done $0x0  }
0xa4: {  	s25 =	simm.s32 $0x1B8E;
	s24 =	sld [smem:$0x3FFE];
	[sflag:s23] =	ssyncadd.s32 $0xFFFFFFFF  }
0xa5: {  	s26 =	simm.s32 $execute0_lowered;
	[smem:$0x3FD2] =	sst s25  }
0xa6: {  	s4 =	sshll.u32 s26, $0x1;
	_ =	strace $0x8000004F;
	[dreg:$0x1] =	wrdreg $0xFFFFFFFF  }
0xa7: {  	s28 =	simm.s32 $_size_execute0_lowered;
	s2 =	sadd.s32 s2, s4;
	[dreg:$0x0] =	wrdreg $0x0  }
0xa8: {  	s4 =	sshll.u32 s28, $0x1;
	[dreg:$0x2] =	wrdreg s2  }
0xa9: {  	[dreg:$0x3] =	wrdreg s4  }
0xaa: {  	[dreg:$0x4] =	wrdreg $0xC0  }
0xab: {  	_ =	task [dreg:s6], $0x5FFFF  }
0xac: {  	[dreg:$0x1] =	wrdreg $0xFFFFFFFF  }
0xad: {  	[dreg:$0x0] =	wrdreg $0x60  }
0xae: {  	[dreg:$0x2] =	wrdreg s24  }
0xaf: {  	[dreg:$0x3] =	wrdreg $0x88000  }
0xb0: {  	[dreg:$0x4] =	wrdreg $0x9  }
0xb1: {  	_ =	task.clear_ibuf [dreg:s6], $0x5FFFF;
	_ =	strace $0x9000004F  }
0xb2: {  	s29 =	simm.s32 $0x9;
	_ =	strace $0x80000051  }
0xb3: {  	_ =	swait.ge [sflag:s29], $0x1  }
0xb4: {  	[sflag:s29] =	ssyncadd.s32 $0xFFFFFFFF  }
0xb5: {  	_ =	strace $0x90000051  }
0xb6: {  	_ =	sfence  }
0xb7: {  	s30 =	sld [smem:$0x0];
	_ =	sdelay $0x2  }
0xb8: {  	s31 =	sshll.u32 s1, $0xD;
	s1 =	sshrl.u32 s1, $0x2  }
0xb9: {  	s3 =	sand.u32 $0x4000, s31;
	s1 =	sadd.s32 s1, s30  }
0xba: {  	s0 =	sor.u32 s3, s0;
	s1 =	sshll.u32 s1, $0x11  }
0xbb: {  	s0 =	sor.u32 s1, s0  }
0xbc: {  	s0 =	sadd.s32 $0x8F2B, s0  }
0xbd: {  	[sflag:s0] =	ssyncadd.remote.s32 $0x1  }
0xbe: {  	_ =	sfence.sel $0xFFFF  }
0xbf: {  	[dreg:$0x0] =	wrdreg $0xFFFFFFFF;
	(pc) =	sbr.abs _section_cstart, $3  }
0xc0: {  	[dreg:$0x1] =	wrdreg $0xFFFFFFFF  }
0xc1: {  	_ =	task.clear_ibuf [dreg:s6], $0x2FFFF;
	_ =	strace $0x9FFFFFFF  }
0xc2: {  	(tm) =	ssettm $0x7FFFFFFF  }
0xc3: {  	_ =	shalt  }
tec
execute0_lowered:
.L_overlay_start_1:
0x0: {  	(tag) =	ssettag $0x1  }
0x1: {  	s0 =	rddreg [dreg:$0x0];
	s1 =	srdreg.scid  }
0x2: {  	s2 =	rddreg [dreg:$0x1];
	s10 =	stileid.u32;
	s3 =	simm.s32 $0x0  }
0x3: {  	s13 =	simm.s32 $0x800;
	s14 =	simm.s32 $0x5;
	s15 =	simm.s32 $0x400  }
0x4: {  	s28 =	simm.s32 $0x580;
	s29 =	simm.s32 $0x280;
	s6 =	smul.u32 $0x2780, s10  }
0x5: {  	s30 =	simm.s32 $0x600;
	s1 =	sand.u32 $0x1, s1;
	s8 =	smul.u32 $0x4F000, s10  }
0x6: {  	s31 =	simm.s32 $0x300;
	[smem:$0x7FF] =	sst s3;
	s5 =	smul.u32 $0xA000, s1  }
0x7: {  	s4 =	sadd.s32 $0x7C200, s0;
	s7 =	smul.u32 $0x27800, s1;
	s1 =	ssub.s32 $0x2, s1  }
0x8: {  	s19 =	smul.u32 $0xA00, s10;
	_ =	strace $0x80000050;
	s17 =	sshrl.u32 s1, $0x1  }
0x9: {  	s18 =	sshrl.u32 s8, $0x2;
	s8 =	simm.s32 $0x0;
	s9 =	sadd.s32 s5, s0  }
0xa: {  	s16 =	sadd.s32 s6, s7;
	s1 =	ssub.s32 s1, s17;
	s11 =	sadd.s32 s18, s2  }
0xb: {  	s17 =	simm.s32 $0x4800;
	s18 =	simm.s32 $0x1;
	s6 =	simm.s32 $0x700  }
0xc: {  	s7 =	simm.s32 $0x780;
	s0 =	sadd.s32 s16, s0;
	s20 =	sadd.s32 $0x4000, s11  }
0xd: {  	s21 =	sadd.s32 $0x8000, s11;
	s22 =	sadd.s32 s19, s9;
	[dreg:$0x4] =	wrdreg s11  }
0xe: {  	s23 =	sadd.s32 $0xC000, s11;
	s24 =	sadd.s32 $0x10000, s11;
	[dreg:$0x5] =	wrdreg s20  }
0xf: {  	s26 =	smax.u32 s1, $0x1;
	s16 =	simm.s32 $0x80;
	[dreg:$0x6] =	wrdreg s21  }
0x10: {  	s19 =	simm.s32 $0x3;
	s1 =	simm.s32 $0x380;
	[dreg:$0x7] =	wrdreg s23  }
0x11: {  	[dreg:$0x8] =	wrdreg s24;
	s25 =	sadd.s32 $0x5200, s22;
	s0 =	sadd.s32 $0xCA400, s0  }
0x12: {  	[dreg:$0xa] =	wrdreg s26;
	s12 =	sadd.s32 $0x68200, s22;
	s20 =	simm.s32 $0x100  }
0x13: {  	s21 =	simm.s32 $0x2;
	s22 =	simm.s32 $0x480;
	s23 =	simm.s32 $0x4  }
0x14: {  	s24 =	simm.s32 $0x180;
	s26 =	simm.s32 $0x200;
	[dreg:$0x9] =	wrdreg s0  }
0x15: {  	v0 =	vimm.f32 $0.0e+00;
	[dreg:$0x3] =	wrdreg s25;
	s25 =	simm.s32 $0x500;
	s0 =	simm.s32 $0x680  }
.LBB2_1:
0x16: {  	s9 =	simm.s32 $0x0;
	s10 =	simm.s32 $0x200  }
.LBB2_2:
0x17: {  	p0 =	sne.s32 s10, $0xFE00;
	[tilespmem:s9+$0x870] =	vst v0  }
0x18: {  	[tilespmem:s9+$0x800] =	vst v0  }
0x19: {  	[tilespmem:s9+$0x810] =	vst v0  }
.Ltmp0:
0x1a: {  	[tilespmem:s9+$0x820] =	vst v0;
	(pc) =	sbr.rel @p0 .LBB2_2-.Ltmp0, $4  }
0x1b: {  	[tilespmem:s9+$0x830] =	vst v0  }
0x1c: {  	[tilespmem:s9+$0x840] =	vst v0  }
0x1d: {  	[tilespmem:s9+$0x850] =	vst v0  }
0x1e: {  	[tilespmem:s9+$0x860] =	vst v0;
	s9 =	sshra.s32 s10, $0x2;
	s10 =	sadd.s32 $0x200, s10  }
0x1f: {  	[tilespmem:s9+$0x870] =	vst v0  }
0x20: {  	[tilespmem:s9+$0x800] =	vst v0  }
0x21: {  	[tilespmem:s9+$0x810] =	vst v0  }
0x22: {  	[tilespmem:s9+$0x820] =	vst v0  }
0x23: {  	[tilespmem:s9+$0x830] =	vst v0  }
0x24: {  	[tilespmem:s9+$0x840] =	vst v0  }
0x25: {  	[tilespmem:s9+$0x850] =	vst v0  }
0x26: {  	[dreg:$0xb] =	wrdreg s8;
	[tilespmem:s9+$0x860] =	vst v0  }
0x27: {  	[spmem:s11] =	stream.linear.scatter [tilespmem:s13], [sflag:$0x5], $0x4000, $0x38;
	[tilespmem:$0x1C400] =	vst v63  }
0x28: {  	_ =	swait.ge [sflag:s14], $0x4000  }
0x29: {  	[sflag:s14] =	ssyncset.done $0x0  }
0x2a: {  	s5 =	rddreg [dreg:$0x5];
	[sflag:s14] =	ssyncadd.s32 $0xFFFFC000  }
0x2b: {  	[spmem:s5] =	stream.linear.scatter [tilespmem:s13], [sflag:$0x5], $0x4000, $0x38;
	[tilespmem:$0x1C400] =	vst v63  }
0x2c: {  	_ =	swait.ge [sflag:s14], $0x4000  }
0x2d: {  	[sflag:s14] =	ssyncset.done $0x0  }
0x2e: {  	s11 =	rddreg [dreg:$0x6];
	[sflag:s14] =	ssyncadd.s32 $0xFFFFC000  }
0x2f: {  	[spmem:s11] =	stream.linear.scatter [tilespmem:s13], [sflag:$0x5], $0x4000, $0x38;
	[tilespmem:$0x1C400] =	vst v63  }
0x30: {  	_ =	swait.ge [sflag:s14], $0x4000  }
0x31: {  	[sflag:s14] =	ssyncset.done $0x0  }
0x32: {  	s8 =	rddreg [dreg:$0x7];
	[sflag:s14] =	ssyncadd.s32 $0xFFFFC000  }
0x33: {  	[spmem:s8] =	stream.linear.scatter [tilespmem:s13], [sflag:$0x5], $0x4000, $0x38;
	[tilespmem:$0x1C400] =	vst v63  }
0x34: {  	_ =	swait.ge [sflag:s14], $0x4000  }
0x35: {  	[sflag:s14] =	ssyncset.done $0x0  }
0x36: {  	s9 =	rddreg [dreg:$0x8];
	[sflag:s14] =	ssyncadd.s32 $0xFFFFC000  }
0x37: {  	[spmem:s9] =	stream.linear.scatter [tilespmem:s13], [sflag:$0x5], $0x3C00, $0x38;
	[tilespmem:$0x1C400] =	vst v63  }
0x38: {  	_ =	swait.ge [sflag:s14], $0x3C00  }
0x39: {  	[sflag:s14] =	ssyncset.done $0x0  }
0x3a: {  	[sflag:s14] =	ssyncadd.s32 $0xFFFFC400  }
0x3b: {  	s10 =	sadd.s32 $0x0, s12;
	[bflag:$0x0] =	sbarrier.arrive $0xFFFF  }
0x3c: {  	[tilespmem:s3], [sflag:$0x5] =	stream.linear.gather [hbm4b:s10+s3], $0x400, $0x38;
	[tilespmem:$0x1C400] =	vst v63  }
0x3d: {  	_ =	swait.ge [sflag:s14], $0x400  }
0x3e: {  	s11 =	rddreg [dreg:$0x3];
	[sflag:s14] =	ssyncset.done $0x0  }
0x3f: {  	[sflag:s14] =	ssyncadd.s32 $0xFFFFFC00;
	s9 =	sadd.s32 $0x0, s11  }
0x40: {  	[tilespmem:s15], [sflag:$0x5] =	stream.linear.gather [hbm4b:s9+s3], $0x400, $0x38;
	[tilespmem:$0x1C400] =	vst v63  }
0x41: {  	_ =	swait.ge [sflag:s14], $0x400  }
0x42: {  	[sflag:s14] =	ssyncset.done $0x0  }
0x43: {  	[sflag:s14] =	ssyncadd.s32 $0xFFFFFC00  }
0x44: {  	[tilespmem:s13], [sflag:$0x1] =	stream.indirect.gather [hbm4b:s4+s16], $0x80, s3, s16, $0xb8;
	[tilespmem:$0x1C400] =	vst v63  }
0x45: {  	_ = 	snop  }
0x46: {  	[tilespmem:s17], [sflag:$0x2] =	stream.indirect.gather [hbm4b:s4+s16], $0x80, s16, s16, $0xb8;
	[tilespmem:$0x1C400] =	vst v63  }
0x47: {  	_ =	swait.ge [sflag:s18], $0x4000  }
0x48: {  	[sflag:s18] =	ssyncset.done $0x0  }
0x49: {  	[sflag:s18] =	ssyncadd.s32 $0xFFFFC000  }
0x4a: {  	[spmem:s2] =	stream.indirect.scatter.add.f32 [tilespmem:s13], [sflag:$0x3], $0x80, s15, s16, $0xb8;
	[tilespmem:$0x1C400] =	vst v63  }
0x4b: {  	_ =	swait.ge [sflag:s19], $0x4000  }
0x4c: {  	[sflag:s19] =	ssyncset.done $0x0  }
0x4d: {  	[sflag:s19] =	ssyncadd.s32 $0xFFFFC000  }
0x4e: {  	[tilespmem:s13], [sflag:$0x1] =	stream.indirect.gather [hbm4b:s4+s16], $0x80, s20, s16, $0xb8;
	[tilespmem:$0x1C400] =	vst v63  }
0x4f: {  	_ =	swait.ge [sflag:s21], $0x4000  }
0x50: {  	[sflag:s21] =	ssyncset.done $0x0  }
0x51: {  	[sflag:s21] =	ssyncadd.s32 $0xFFFFC000  }
0x52: {  	[spmem:s2] =	stream.indirect.scatter.add.f32 [tilespmem:s17], [sflag:$0x4], $0x80, s22, s16, $0xb8;
	[tilespmem:$0x1C400] =	vst v63  }
0x53: {  	_ =	swait.ge [sflag:s23], $0x4000  }
0x54: {  	[sflag:s23] =	ssyncset.done $0x0  }
0x55: {  	[sflag:s23] =	ssyncadd.s32 $0xFFFFC000  }
0x56: {  	[tilespmem:s17], [sflag:$0x2] =	stream.indirect.gather [hbm4b:s4+s16], $0x80, s24, s16, $0xb8;
	[tilespmem:$0x1C400] =	vst v63  }
0x57: {  	_ =	swait.ge [sflag:s18], $0x4000  }
0x58: {  	[sflag:s18] =	ssyncset.done $0x0  }
0x59: {  	[sflag:s18] =	ssyncadd.s32 $0xFFFFC000  }
0x5a: {  	[spmem:s2] =	stream.indirect.scatter.add.f32 [tilespmem:s13], [sflag:$0x3], $0x80, s25, s16, $0xb8;
	[tilespmem:$0x1C400] =	vst v63  }
0x5b: {  	_ =	swait.ge [sflag:s19], $0x4000  }
0x5c: {  	[sflag:s19] =	ssyncset.done $0x0  }
0x5d: {  	[sflag:s19] =	ssyncadd.s32 $0xFFFFC000  }
0x5e: {  	[tilespmem:s13], [sflag:$0x1] =	stream.indirect.gather [hbm4b:s4+s16], $0x80, s26, s16, $0xb8;
	[tilespmem:$0x1C400] =	vst v63  }
0x5f: {  	_ =	swait.ge [sflag:s21], $0x4000  }
0x60: {  	[sflag:s21] =	ssyncset.done $0x0  }
0x61: {  	[sflag:s21] =	ssyncadd.s32 $0xFFFFC000  }
0x62: {  	[spmem:s2] =	stream.indirect.scatter.add.f32 [tilespmem:s17], [sflag:$0x4], $0x80, s28, s16, $0xb8;
	[tilespmem:$0x1C400] =	vst v63  }
0x63: {  	_ =	swait.ge [sflag:s23], $0x4000  }
0x64: {  	[sflag:s23] =	ssyncset.done $0x0  }
0x65: {  	[sflag:s23] =	ssyncadd.s32 $0xFFFFC000  }
0x66: {  	[tilespmem:s17], [sflag:$0x2] =	stream.indirect.gather [hbm4b:s4+s16], $0x80, s29, s16, $0xb8;
	[tilespmem:$0x1C400] =	vst v63  }
0x67: {  	_ =	swait.ge [sflag:s18], $0x4000  }
0x68: {  	[sflag:s18] =	ssyncset.done $0x0  }
0x69: {  	[sflag:s18] =	ssyncadd.s32 $0xFFFFC000  }
0x6a: {  	[spmem:s2] =	stream.indirect.scatter.add.f32 [tilespmem:s13], [sflag:$0x3], $0x80, s30, s16, $0xb8;
	[tilespmem:$0x1C400] =	vst v63  }
0x6b: {  	_ =	swait.ge [sflag:s19], $0x4000  }
0x6c: {  	[sflag:s19] =	ssyncset.done $0x0  }
0x6d: {  	[sflag:s19] =	ssyncadd.s32 $0xFFFFC000  }
0x6e: {  	[tilespmem:s13], [sflag:$0x1] =	stream.indirect.gather [hbm4b:s4+s16], $0x80, s31, s16, $0xb8;
	[tilespmem:$0x1C400] =	vst v63  }
0x6f: {  	_ =	swait.ge [sflag:s21], $0x4000  }
0x70: {  	[sflag:s21] =	ssyncset.done $0x0  }
0x71: {  	[sflag:s21] =	ssyncadd.s32 $0xFFFFC000  }
0x72: {  	[spmem:s2] =	stream.indirect.scatter.add.f32 [tilespmem:s17], [sflag:$0x4], $0x80, s0, s16, $0xb8;
	[tilespmem:$0x1C400] =	vst v63  }
0x73: {  	_ =	swait.ge [sflag:s23], $0x4000  }
0x74: {  	[sflag:s23] =	ssyncset.done $0x0  }
0x75: {  	[sflag:s23] =	ssyncadd.s32 $0xFFFFC000  }
0x76: {  	[tilespmem:s17], [sflag:$0x2] =	stream.indirect.gather [hbm4b:s4+s16], $0x80, s1, s16, $0xb8;
	[tilespmem:$0x1C400] =	vst v63  }
0x77: {  	_ =	swait.ge [sflag:s18], $0x4000  }
0x78: {  	[sflag:s18] =	ssyncset.done $0x0  }
0x79: {  	[sflag:s18] =	ssyncadd.s32 $0xFFFFC000  }
0x7a: {  	[spmem:s2] =	stream.indirect.scatter.add.f32 [tilespmem:s13], [sflag:$0x3], $0x80, s6, s16, $0xb8;
	[tilespmem:$0x1C400] =	vst v63  }
0x7b: {  	_ =	swait.ge [sflag:s21], $0x4000  }
0x7c: {  	[sflag:s21] =	ssyncset.done $0x0  }
0x7d: {  	[sflag:s21] =	ssyncadd.s32 $0xFFFFC000  }
0x7e: {  	[spmem:s2] =	stream.indirect.scatter.add.f32 [tilespmem:s17], [sflag:$0x4], $0x80, s7, s16, $0xb8;
	[tilespmem:$0x1C400] =	vst v63  }
0x7f: {  	_ =	swait.ge [sflag:s19], $0x4000  }
0x80: {  	[sflag:s19] =	ssyncset.done $0x0  }
0x81: {  	[sflag:s19] =	ssyncadd.s32 $0xFFFFC000  }
0x82: {  	_ =	swait.ge [sflag:s23], $0x4000  }
0x83: {  	s10 =	simm.s32 $0x100;
	s9 =	simm.s32 $0x80;
	[sflag:s23] =	ssyncset.done $0x0  }
.LBB2_4:
0x84: {  	s5 =	sadd.s32 s9, s12;
	[sflag:s23] =	ssyncadd.s32 $0xFFFFC000  }
0x85: {  	[tilespmem:s3], [sflag:$0x5] =	stream.linear.gather [hbm4b:s5+s3], $0x400, $0x38;
	[tilespmem:$0x1C400] =	vst v63  }
0x86: {  	s8 =	smov.u32 s10;
	s11 =	sadd.s32 $0x80, s10;
	_ =	swait.ge [sflag:s14], $0x400  }
0x87: {  	p0 =	sne.s32 s10, $0x980;
	s10 =	rddreg [dreg:$0x3];
	[sflag:s14] =	ssyncset.done $0x0  }
0x88: {  	[sflag:s14] =	ssyncadd.s32 $0xFFFFFC00;
	s5 =	sadd.s32 s9, s10  }
0x89: {  	[tilespmem:s15], [sflag:$0x5] =	stream.linear.gather [hbm4b:s5+s3], $0x400, $0x38;
	[tilespmem:$0x1C400] =	vst v63  }
0x8a: {  	_ =	swait.ge [sflag:s14], $0x400  }
0x8b: {  	[sflag:s14] =	ssyncset.done $0x0  }
0x8c: {  	[sflag:s14] =	ssyncadd.s32 $0xFFFFFC00  }
0x8d: {  	[tilespmem:s13], [sflag:$0x1] =	stream.indirect.gather [hbm4b:s4+s16], $0x80, s3, s16, $0xb8;
	[tilespmem:$0x1C400] =	vst v63  }
0x8e: {  	_ = 	snop  }
0x8f: {  	[tilespmem:s17], [sflag:$0x2] =	stream.indirect.gather [hbm4b:s4+s16], $0x80, s16, s16, $0xb8;
	[tilespmem:$0x1C400] =	vst v63  }
0x90: {  	_ =	swait.ge [sflag:s18], $0x4000  }
0x91: {  	[sflag:s18] =	ssyncset.done $0x0  }
0x92: {  	[sflag:s18] =	ssyncadd.s32 $0xFFFFC000  }
0x93: {  	[spmem:s2] =	stream.indirect.scatter.add.f32 [tilespmem:s13], [sflag:$0x3], $0x80, s15, s16, $0xb8;
	[tilespmem:$0x1C400] =	vst v63  }
0x94: {  	_ =	swait.ge [sflag:s19], $0x4000  }
0x95: {  	[sflag:s19] =	ssyncset.done $0x0  }
0x96: {  	[sflag:s19] =	ssyncadd.s32 $0xFFFFC000  }
0x97: {  	[tilespmem:s13], [sflag:$0x1] =	stream.indirect.gather [hbm4b:s4+s16], $0x80, s20, s16, $0xb8;
	[tilespmem:$0x1C400] =	vst v63  }
0x98: {  	_ =	swait.ge [sflag:s21], $0x4000  }
0x99: {  	[sflag:s21] =	ssyncset.done $0x0  }
0x9a: {  	[sflag:s21] =	ssyncadd.s32 $0xFFFFC000  }
0x9b: {  	[spmem:s2] =	stream.indirect.scatter.add.f32 [tilespmem:s17], [sflag:$0x4], $0x80, s22, s16, $0xb8;
	[tilespmem:$0x1C400] =	vst v63  }
0x9c: {  	_ =	swait.ge [sflag:s23], $0x4000  }
0x9d: {  	[sflag:s23] =	ssyncset.done $0x0  }
0x9e: {  	[sflag:s23] =	ssyncadd.s32 $0xFFFFC000  }
0x9f: {  	[tilespmem:s17], [sflag:$0x2] =	stream.indirect.gather [hbm4b:s4+s16], $0x80, s24, s16, $0xb8;
	[tilespmem:$0x1C400] =	vst v63  }
0xa0: {  	_ =	swait.ge [sflag:s18], $0x4000  }
0xa1: {  	[sflag:s18] =	ssyncset.done $0x0  }
0xa2: {  	[sflag:s18] =	ssyncadd.s32 $0xFFFFC000  }
0xa3: {  	[spmem:s2] =	stream.indirect.scatter.add.f32 [tilespmem:s13], [sflag:$0x3], $0x80, s25, s16, $0xb8;
	[tilespmem:$0x1C400] =	vst v63  }
0xa4: {  	_ =	swait.ge [sflag:s19], $0x4000  }
0xa5: {  	[sflag:s19] =	ssyncset.done $0x0  }
0xa6: {  	[sflag:s19] =	ssyncadd.s32 $0xFFFFC000  }
0xa7: {  	[tilespmem:s13], [sflag:$0x1] =	stream.indirect.gather [hbm4b:s4+s16], $0x80, s26, s16, $0xb8;
	[tilespmem:$0x1C400] =	vst v63  }
0xa8: {  	_ =	swait.ge [sflag:s21], $0x4000  }
0xa9: {  	[sflag:s21] =	ssyncset.done $0x0  }
0xaa: {  	[sflag:s21] =	ssyncadd.s32 $0xFFFFC000  }
0xab: {  	[spmem:s2] =	stream.indirect.scatter.add.f32 [tilespmem:s17], [sflag:$0x4], $0x80, s28, s16, $0xb8;
	[tilespmem:$0x1C400] =	vst v63  }
0xac: {  	_ =	swait.ge [sflag:s23], $0x4000  }
0xad: {  	[sflag:s23] =	ssyncset.done $0x0  }
0xae: {  	[sflag:s23] =	ssyncadd.s32 $0xFFFFC000  }
0xaf: {  	[tilespmem:s17], [sflag:$0x2] =	stream.indirect.gather [hbm4b:s4+s16], $0x80, s29, s16, $0xb8;
	[tilespmem:$0x1C400] =	vst v63  }
0xb0: {  	_ =	swait.ge [sflag:s18], $0x4000  }
0xb1: {  	[sflag:s18] =	ssyncset.done $0x0  }
0xb2: {  	[sflag:s18] =	ssyncadd.s32 $0xFFFFC000  }
0xb3: {  	[spmem:s2] =	stream.indirect.scatter.add.f32 [tilespmem:s13], [sflag:$0x3], $0x80, s30, s16, $0xb8;
	[tilespmem:$0x1C400] =	vst v63  }
0xb4: {  	_ =	swait.ge [sflag:s19], $0x4000  }
0xb5: {  	[sflag:s19] =	ssyncset.done $0x0  }
0xb6: {  	[sflag:s19] =	ssyncadd.s32 $0xFFFFC000  }
0xb7: {  	[tilespmem:s13], [sflag:$0x1] =	stream.indirect.gather [hbm4b:s4+s16], $0x80, s31, s16, $0xb8;
	[tilespmem:$0x1C400] =	vst v63  }
0xb8: {  	_ =	swait.ge [sflag:s21], $0x4000  }
0xb9: {  	[sflag:s21] =	ssyncset.done $0x0  }
0xba: {  	[sflag:s21] =	ssyncadd.s32 $0xFFFFC000  }
0xbb: {  	[spmem:s2] =	stream.indirect.scatter.add.f32 [tilespmem:s17], [sflag:$0x4], $0x80, s0, s16, $0xb8;
	[tilespmem:$0x1C400] =	vst v63  }
0xbc: {  	_ =	swait.ge [sflag:s23], $0x4000  }
0xbd: {  	[sflag:s23] =	ssyncset.done $0x0  }
0xbe: {  	[sflag:s23] =	ssyncadd.s32 $0xFFFFC000  }
0xbf: {  	[tilespmem:s17], [sflag:$0x2] =	stream.indirect.gather [hbm4b:s4+s16], $0x80, s1, s16, $0xb8;
	[tilespmem:$0x1C400] =	vst v63  }
0xc0: {  	_ =	swait.ge [sflag:s18], $0x4000  }
0xc1: {  	[sflag:s18] =	ssyncset.done $0x0  }
0xc2: {  	[sflag:s18] =	ssyncadd.s32 $0xFFFFC000  }
0xc3: {  	[spmem:s2] =	stream.indirect.scatter.add.f32 [tilespmem:s13], [sflag:$0x3], $0x80, s6, s16, $0xb8;
	[tilespmem:$0x1C400] =	vst v63  }
0xc4: {  	_ =	swait.ge [sflag:s21], $0x4000  }
0xc5: {  	[sflag:s21] =	ssyncset.done $0x0  }
0xc6: {  	[sflag:s21] =	ssyncadd.s32 $0xFFFFC000  }
0xc7: {  	[spmem:s2] =	stream.indirect.scatter.add.f32 [tilespmem:s17], [sflag:$0x4], $0x80, s7, s16, $0xb8;
	[tilespmem:$0x1C400] =	vst v63  }
.Ltmp1:
0xc8: {  	_ =	swait.ge [sflag:s19], $0x4000;
	(pc) =	sbr.rel @p0 .LBB2_4-.Ltmp1, $4  }
0xc9: {  	[sflag:s19] =	ssyncset.done $0x0  }
0xca: {  	[sflag:s19] =	ssyncadd.s32 $0xFFFFC000  }
0xcb: {  	_ =	swait.ge [sflag:s23], $0x4000  }
0xcc: {  	s9 =	smov.u32 s8;
	s10 =	smov.u32 s11;
	[sflag:s23] =	ssyncset.done $0x0  }
0xcd: {  	s5 =	sadd.s32 s9, s12;
	[sflag:s23] =	ssyncadd.s32 $0xFFFFC000  }
0xce: {  	[tilespmem:s3], [sflag:$0x5] =	stream.linear.gather [hbm4b:s5+s3], $0x400, $0x38;
	[tilespmem:$0x1C400] =	vst v63  }
0xcf: {  	_ =	swait.ge [sflag:s14], $0x400  }
0xd0: {  	s8 =	rddreg [dreg:$0x3];
	[sflag:s14] =	ssyncset.done $0x0  }
0xd1: {  	[sflag:s14] =	ssyncadd.s32 $0xFFFFFC00;
	s5 =	sadd.s32 s9, s8  }
0xd2: {  	[tilespmem:s15], [sflag:$0x5] =	stream.linear.gather [hbm4b:s5+s3], $0x400, $0x38;
	[tilespmem:$0x1C400] =	vst v63  }
0xd3: {  	_ =	swait.ge [sflag:s14], $0x400  }
0xd4: {  	[sflag:s14] =	ssyncset.done $0x0  }
0xd5: {  	[sflag:s14] =	ssyncadd.s32 $0xFFFFFC00  }
0xd6: {  	[tilespmem:s13], [sflag:$0x1] =	stream.indirect.gather [hbm4b:s4+s16], $0x80, s3, s16, $0xb8;
	[tilespmem:$0x1C400] =	vst v63  }
0xd7: {  	_ = 	snop  }
0xd8: {  	[tilespmem:s17], [sflag:$0x2] =	stream.indirect.gather [hbm4b:s4+s16], $0x80, s16, s16, $0xb8;
	[tilespmem:$0x1C400] =	vst v63  }
0xd9: {  	_ =	swait.ge [sflag:s18], $0x4000  }
0xda: {  	[sflag:s18] =	ssyncset.done $0x0  }
0xdb: {  	[sflag:s18] =	ssyncadd.s32 $0xFFFFC000  }
0xdc: {  	[spmem:s2] =	stream.indirect.scatter.add.f32 [tilespmem:s13], [sflag:$0x3], $0x80, s15, s16, $0xb8;
	[tilespmem:$0x1C400] =	vst v63  }
0xdd: {  	_ =	swait.ge [sflag:s19], $0x4000  }
0xde: {  	[sflag:s19] =	ssyncset.done $0x0  }
0xdf: {  	[sflag:s19] =	ssyncadd.s32 $0xFFFFC000  }
0xe0: {  	[tilespmem:s13], [sflag:$0x1] =	stream.indirect.gather [hbm4b:s4+s16], $0x80, s20, s16, $0xb8;
	[tilespmem:$0x1C400] =	vst v63  }
0xe1: {  	_ =	swait.ge [sflag:s21], $0x4000  }
0xe2: {  	[sflag:s21] =	ssyncset.done $0x0  }
0xe3: {  	[sflag:s21] =	ssyncadd.s32 $0xFFFFC000  }
0xe4: {  	[spmem:s2] =	stream.indirect.scatter.add.f32 [tilespmem:s17], [sflag:$0x4], $0x80, s22, s16, $0xb8;
	[tilespmem:$0x1C400] =	vst v63  }
0xe5: {  	_ =	swait.ge [sflag:s23], $0x4000  }
0xe6: {  	[sflag:s23] =	ssyncset.done $0x0  }
0xe7: {  	[sflag:s23] =	ssyncadd.s32 $0xFFFFC000  }
0xe8: {  	[tilespmem:s17], [sflag:$0x2] =	stream.indirect.gather [hbm4b:s4+s16], $0x80, s24, s16, $0xb8;
	[tilespmem:$0x1C400] =	vst v63  }
0xe9: {  	_ =	swait.ge [sflag:s18], $0x4000  }
0xea: {  	[sflag:s18] =	ssyncset.done $0x0  }
0xeb: {  	[sflag:s18] =	ssyncadd.s32 $0xFFFFC000  }
0xec: {  	[spmem:s2] =	stream.indirect.scatter.add.f32 [tilespmem:s13], [sflag:$0x3], $0x80, s25, s16, $0xb8;
	[tilespmem:$0x1C400] =	vst v63  }
0xed: {  	_ =	swait.ge [sflag:s19], $0x4000  }
0xee: {  	[sflag:s19] =	ssyncset.done $0x0  }
0xef: {  	[sflag:s19] =	ssyncadd.s32 $0xFFFFC000  }
0xf0: {  	[tilespmem:s13], [sflag:$0x1] =	stream.indirect.gather [hbm4b:s4+s16], $0x80, s26, s16, $0xb8;
	[tilespmem:$0x1C400] =	vst v63  }
0xf1: {  	_ =	swait.ge [sflag:s21], $0x4000  }
0xf2: {  	[sflag:s21] =	ssyncset.done $0x0  }
0xf3: {  	[sflag:s21] =	ssyncadd.s32 $0xFFFFC000  }
0xf4: {  	[spmem:s2] =	stream.indirect.scatter.add.f32 [tilespmem:s17], [sflag:$0x4], $0x80, s28, s16, $0xb8;
	[tilespmem:$0x1C400] =	vst v63  }
0xf5: {  	_ =	swait.ge [sflag:s23], $0x4000  }
0xf6: {  	[sflag:s23] =	ssyncset.done $0x0  }
0xf7: {  	[sflag:s23] =	ssyncadd.s32 $0xFFFFC000  }
0xf8: {  	[tilespmem:s17], [sflag:$0x2] =	stream.indirect.gather [hbm4b:s4+s16], $0x80, s29, s16, $0xb8;
	[tilespmem:$0x1C400] =	vst v63  }
0xf9: {  	_ =	swait.ge [sflag:s18], $0x4000  }
0xfa: {  	[sflag:s18] =	ssyncset.done $0x0  }
0xfb: {  	[sflag:s18] =	ssyncadd.s32 $0xFFFFC000  }
0xfc: {  	[spmem:s2] =	stream.indirect.scatter.add.f32 [tilespmem:s13], [sflag:$0x3], $0x80, s30, s16, $0xb8;
	[tilespmem:$0x1C400] =	vst v63  }
0xfd: {  	_ =	swait.ge [sflag:s19], $0x4000  }
0xfe: {  	[sflag:s19] =	ssyncset.done $0x0  }
0xff: {  	[sflag:s19] =	ssyncadd.s32 $0xFFFFC000  }
0x100: {  	[tilespmem:s13], [sflag:$0x1] =	stream.indirect.gather [hbm4b:s4+s16], $0x80, s31, s16, $0xb8;
	[tilespmem:$0x1C400] =	vst v63  }
0x101: {  	_ =	swait.ge [sflag:s21], $0x4000  }
0x102: {  	[sflag:s21] =	ssyncset.done $0x0  }
0x103: {  	[sflag:s21] =	ssyncadd.s32 $0xFFFFC000  }
0x104: {  	[spmem:s2] =	stream.indirect.scatter.add.f32 [tilespmem:s17], [sflag:$0x4], $0x80, s0, s16, $0xb8;
	[tilespmem:$0x1C400] =	vst v63  }
0x105: {  	_ =	swait.ge [sflag:s23], $0x4000  }
0x106: {  	[sflag:s23] =	ssyncset.done $0x0  }
0x107: {  	[sflag:s23] =	ssyncadd.s32 $0xFFFFC000  }
0x108: {  	[tilespmem:s17], [sflag:$0x2] =	stream.indirect.gather [hbm4b:s4+s16], $0x80, s1, s16, $0xb8;
	[tilespmem:$0x1C400] =	vst v63  }
0x109: {  	_ =	swait.ge [sflag:s18], $0x4000  }
0x10a: {  	[sflag:s18] =	ssyncset.done $0x0  }
0x10b: {  	[sflag:s18] =	ssyncadd.s32 $0xFFFFC000  }
0x10c: {  	[spmem:s2] =	stream.indirect.scatter.add.f32 [tilespmem:s13], [sflag:$0x3], $0x80, s6, s16, $0xb8;
	[tilespmem:$0x1C400] =	vst v63  }
0x10d: {  	_ =	swait.ge [sflag:s21], $0x4000  }
0x10e: {  	[sflag:s21] =	ssyncset.done $0x0  }
0x10f: {  	[sflag:s21] =	ssyncadd.s32 $0xFFFFC000  }
0x110: {  	[spmem:s2] =	stream.indirect.scatter.add.f32 [tilespmem:s17], [sflag:$0x4], $0x80, s7, s16, $0xb8;
	[tilespmem:$0x1C400] =	vst v63  }
0x111: {  	_ =	swait.ge [sflag:s19], $0x4000  }
0x112: {  	[sflag:s19] =	ssyncset.done $0x0  }
0x113: {  	[sflag:s19] =	ssyncadd.s32 $0xFFFFC000  }
0x114: {  	_ =	swait.ge [sflag:s23], $0x4000  }
0x115: {  	[sflag:s23] =	ssyncset.done $0x0  }
0x116: {  	[sflag:s23] =	ssyncadd.s32 $0xFFFFC000  }
0x117: {  	s9 =	stileid.u32;
	[bflag:$0x0] =	sbarrier.arrive $0xFFFF  }
0x118: {  	s5 =	sshll.u32 s9, $0x6;
	s11 =	rddreg [dreg:$0x4]  }
0x119: {  	s5 =	sor.u32 $0x1C05, s5;
	s10 =	rddreg [dreg:$0x9];
	s8 =	sshrl.u32 s11, $0x3  }
0x11a: {  	[hbm:s10], [sflag:s5] =	dma.local [spmem:s8], $0x2780  }
0x11b: {  	_ =	swait.ge [sflag:s14], $0x2780  }
0x11c: {  	s9 =	rddreg [dreg:$0xb]  }
0x11d: {  	s10 =	rddreg [dreg:$0xa];
	s8 =	sadd.s32 $0x1, s9  }
0x11e: {  	p0 =	sne.s32 s8, s10  }
.Ltmp2:
0x11f: {  	_ = 	snop;
	(pc) =	sbr.rel @p0 .LBB2_1-.Ltmp2, $3  }
0x120: {  	_ =	sdelay $0x1  }
0x121: {  	[sflag:s14] =	ssyncset.done $0x0  }
0x122: {  	[sflag:s14] =	ssyncadd.s32 $0xFFFFD880  }
0x123: {  	_ =	sfence.sel $0x180000  }
0x124: {  	[bflag:$0x0] =	sbarrier.arrive $0xFFFF  }
0x125: {  	_ =	strace $0x90000050  }
0x126: {  	s0 =	stileid.u32;
	[bflag:$0x2] =	sbarrier.arrive $0xFFFF  }
0x127: {  	p0 =	sne.s32 s0, $0x0;
	s0 =	rddreg [dreg:$0x2]  }
0x128: {  	s0 =	sadd.s32 @!p0 $0x100000, s0  }
0x129: {  	[sflag:s0] =	ssyncadd.tile.s32 @!p0 $0x1;
	_ =	shalt  }
.Lfunc_end2:
_tile_overlayer_lowered:
.L_overlay_start_2:
0x12a: {  	(tag) =	ssettag $0x2  }
0x12b: {  	s0 =	rddreg [dreg:$0x0];
	s2 =	stileid.u32  }
0x12c: {  	s1 =	rddreg [dreg:$0x1];
	p0 =	sne.s32 s2, $0x0  }
0x12d: {  	s3 =	rddreg [dreg:$0x2];
	[bflag:$0x3] =	sbarrier.arrive $0xFFFF;
	s2 =	simm.s32 @!p0 $0x1C05  }
0x12e: {  	[timem:s3], [sflag:s2] =	dma.local @!p0 [hbm:s0], s1  }
0x12f: {  	s0 =	simm.s32 @!p0 $0x5  }
0x130: {  	_ =	swait.ge @!p0 [sflag:s0], s1  }
0x131: {  	s1 =	ssub.s32 @!p0 $0x0, s1;
	[sflag:s0] =	ssyncset.done @!p0 $0x0  }
0x132: {  	[sflag:s0] =	ssyncadd.s32 @!p0 s1  }
0x133: {  	[bflag:$0x3] =	sbarrier.arrive $0xFFFF  }
0x134: {  	_ =	shalt  }

</sc_bundles>
